<compile_context>
chip_gen: v7x
topology: tpu7x:2x2x1
jax: 0.10.2.dev20260603
libtpu: 0.0.44.dev20260713+nightly
codegen_flags: <defaults>
</compile_context>

<pallas_src>
import functools

import jax
import jax.numpy as jnp
from jax import lax
from jax.experimental import pallas as pl
from jax.experimental.pallas import tpu as pltpu
from jax.experimental.pallas import tpu_sc as plsc

NC = 2
NS = 16
NW = NC * NS
G = 64
ECH = 128


def _round_up(a, m):
    return (a + m - 1) // m * m


FAST = 0
EMB_CH = 80
EMB_NF = 6
EMB_NS = 2


def _emb_gather(emb, idx, n_pad, d):
    mesh = plsc.VectorSubcoreMesh(core_axis_name="c", subcore_axis_name="s",
                                  num_cores=NC, num_subcores=NS)

    @functools.partial(
        pl.kernel,
        out_type=jax.ShapeDtypeStruct((n_pad, d), jnp.float32),
        mesh=mesh,
        scratch_types=[
            pltpu.VMEM((EMB_CH,), jnp.int32),
            pltpu.VMEM((EMB_CH, d), jnp.float32),
        ],
    )
    def k(emb_hbm, idx_hbm, h_hbm, idxv, rows):
        cid = lax.axis_index("c")
        sid = lax.axis_index("s")

        def run(base, nch):
            for c in range(nch):
                off = base + c * EMB_CH
                pltpu.sync_copy(idx_hbm.at[pl.ds(off, EMB_CH)], idxv)
                pltpu.sync_copy(emb_hbm.at[idxv], rows)
                pltpu.sync_copy(rows, h_hbm.at[pl.ds(off, EMB_CH)])

        @pl.when(cid == FAST)
        def _():
            run(sid * (EMB_NF * EMB_CH), EMB_NF)

        @pl.when(cid != FAST)
        def _():
            run(NS * EMB_NF * EMB_CH + sid * (EMB_NS * EMB_CH), EMB_NS)

    return k(emb, idx)


def _edge_agg(h_pad, edges_packed, n_pad, d):
    nch_total = edges_packed.shape[0]
    nchs = 8
    nchf = nch_total // NS - nchs
    rps = n_pad // NS
    mesh = plsc.VectorSubcoreMesh(core_axis_name="c", subcore_axis_name="s",
                                  num_cores=NC, num_subcores=NS)

    qmax = 60

    @functools.partial(
        pl.kernel,
        out_type=jax.ShapeDtypeStruct((NC, n_pad, d), jnp.float32),
        mesh=mesh,
        scratch_types=[
            pltpu.VMEM((qmax, 2, ECH), jnp.int32),
            pltpu.VMEM((ECH, d), jnp.float32),
            pltpu.VMEM((ECH, d), jnp.float32),
            pltpu.VMEM_SHARED((n_pad, d), jnp.float32),
            pltpu.SemaphoreType.DMA,
            pltpu.SemaphoreType.DMA,
        ],
    )
    def k(h_hbm, ei_hbm, out_hbm, iall, ra, rb, aggsh, sa, sb):
        cid = lax.axis_index("c")
        sid = lax.axis_index("s")

        def pipe_q(qoff, qn):
            pltpu.sync_copy(ei_hbm.at[pl.ds(qoff, qn)],
                            iall.at[pl.ds(0, qn)])
            pltpu.async_copy(h_hbm.at[iall.at[0, 0]], ra, sa)

            @pl.loop(0, (qn - 2) // 2)
            def _(j):
                a = 2 * j
                pltpu.async_copy(h_hbm.at[iall.at[a + 1, 0]], rb, sb)
                pltpu.make_async_copy(h_hbm.at[iall.at[a, 0]], ra, sa).wait()
                pltpu.sync_copy(ra, aggsh.at[iall.at[a, 1]], add=True)
                pltpu.async_copy(h_hbm.at[iall.at[a + 2, 0]], ra, sa)
                pltpu.make_async_copy(h_hbm.at[iall.at[a + 1, 0]], rb, sb).wait()
                pltpu.sync_copy(rb, aggsh.at[iall.at[a + 1, 1]], add=True)

            pltpu.async_copy(h_hbm.at[iall.at[qn - 1, 0]], rb, sb)
            pltpu.make_async_copy(h_hbm.at[iall.at[qn - 2, 0]], ra, sa).wait()
            pltpu.sync_copy(ra, aggsh.at[iall.at[qn - 2, 1]], add=True)
            pltpu.make_async_copy(h_hbm.at[iall.at[qn - 1, 0]], rb, sb).wait()
            pltpu.sync_copy(rb, aggsh.at[iall.at[qn - 1, 1]], add=True)

        def pipe(base, nchw):
            done = 0
            while done < nchw:
                qn = min(qmax, nchw - done)
                pipe_q(base + done, qn)
                done += qn

        zv = jnp.zeros((16,), jnp.float32)

        @pl.loop(0, ECH)
        def _(i):
            for j in range(d // 16):
                ra[i, pl.ds(j * 16, 16)] = zv

        for r in range(rps // ECH):
            pltpu.sync_copy(ra, aggsh.at[pl.ds(sid * rps + r * ECH, ECH)])
        plsc.subcore_barrier()

        @pl.when(cid == FAST)
        def _():
            pipe(sid * nchf, nchf)

        @pl.when(cid != FAST)
        def _():
            pipe(NS * nchf + sid * nchs, nchs)

        plsc.subcore_barrier()
        pltpu.sync_copy(aggsh.at[pl.ds(sid * rps, rps)],
                        out_hbm.at[cid, pl.ds(sid * rps, rps)])

    return k(h_pad, edges_packed)


def _mlp_body(h_ref, a_ref, w1_ref, b1_ref, w2_ref, b2_ref, sc_ref, o_ref):
    s = sc_ref[0, 0]
    z = h_ref[...] * s + a_ref[0] + a_ref[1]
    z = jnp.maximum(
        jnp.dot(z, w1_ref[...], preferred_element_type=jnp.float32)
        + b1_ref[...], 0.0)
    z = jnp.maximum(
        jnp.dot(z, w2_ref[...], preferred_element_type=jnp.float32)
        + b2_ref[...], 0.0)
    o_ref[...] = z


def _mlp(h_pad, agg2, w1, b1, w2, b2, scale, n_pad, d, blk):
    nb = n_pad // blk
    return pl.pallas_call(
        _mlp_body,
        grid=(nb,),
        in_specs=[
            pl.BlockSpec((blk, d), lambda i: (i, 0)),
            pl.BlockSpec((NC, blk, d), lambda i: (0, i, 0)),
            pl.BlockSpec((d, d), lambda i: (0, 0)),
            pl.BlockSpec((1, d), lambda i: (0, 0)),
            pl.BlockSpec((d, d), lambda i: (0, 0)),
            pl.BlockSpec((1, d), lambda i: (0, 0)),
            pl.BlockSpec(memory_space=pltpu.SMEM),
        ],
        out_specs=pl.BlockSpec((blk, d), lambda i: (i, 0)),
        out_shape=jax.ShapeDtypeStruct((n_pad, d), jnp.float32),
    )(h_pad, agg2, w1, b1, w2, b2, scale)


def _mlp_pool_cls(h_pad, agg2, w1, b1, w2, b2, scale, batch3, wc1, bc1,
                  wc2, bc2, n_pad, d, blk):
    nb = n_pad // blk

    def body(h_ref, a_ref, w1_ref, b1_ref, w2_ref, b2_ref, sc_ref, bt_ref,
             wc1_ref, bc1_ref, wc2_ref, bc2_ref, s_ref, hg_ref):
        i = pl.program_id(0)
        s = sc_ref[0, 0]
        z = h_ref[...] * s + a_ref[0] + a_ref[1]
        z = jnp.maximum(
            jnp.dot(z, w1_ref[...], preferred_element_type=jnp.float32)
            + b1_ref[...], 0.0)
        z = jnp.maximum(
            jnp.dot(z, w2_ref[...], preferred_element_type=jnp.float32)
            + b2_ref[...], 0.0)
        bt = bt_ref[0, 0, :]
        oh = (bt[:, None] == lax.broadcasted_iota(jnp.int32, (blk, G), 1))
        oh = oh.astype(jnp.float32)
        contrib = lax.dot_general(
            oh, z, (((0,), (0,)), ((), ())),
            preferred_element_type=jnp.float32)

        @pl.when(i == 0)
        def _():
            hg_ref[...] = jnp.zeros_like(hg_ref)

        hg_ref[...] += contrib

        @pl.when(i == nb - 1)
        def _():
            hg = hg_ref[...]
            hid = jnp.maximum(
                jnp.dot(hg, wc1_ref[...], preferred_element_type=jnp.float32)
                + bc1_ref[...], 0.0)
            logit = jnp.dot(hid, wc2_ref[...],
                            preferred_element_type=jnp.float32) + bc2_ref[0, 0]
            s_ref[...] = jax.nn.sigmoid(logit)

    return pl.pallas_call(
        body,
        grid=(nb,),
        in_specs=[
            pl.BlockSpec((blk, d), lambda i: (i, 0)),
            pl.BlockSpec((NC, blk, d), lambda i: (0, i, 0)),
            pl.BlockSpec((d, d), lambda i: (0, 0)),
            pl.BlockSpec((1, d), lambda i: (0, 0)),
            pl.BlockSpec((d, d), lambda i: (0, 0)),
            pl.BlockSpec((1, d), lambda i: (0, 0)),
            pl.BlockSpec(memory_space=pltpu.SMEM),
            pl.BlockSpec((1, 1, blk), lambda i: (i, 0, 0)),
            pl.BlockSpec((d, d), lambda i: (0, 0)),
            pl.BlockSpec((1, d), lambda i: (0, 0)),
            pl.BlockSpec((d, 1), lambda i: (0, 0)),
            pl.BlockSpec(memory_space=pltpu.SMEM),
        ],
        out_specs=pl.BlockSpec((G, 1), lambda i: (0, 0)),
        out_shape=jax.ShapeDtypeStruct((G, 1), jnp.float32),
        scratch_shapes=[pltpu.VMEM((G, d), jnp.float32)],
    )(h_pad, agg2, w1, b1, w2, b2, scale, batch3, wc1, bc1, wc2, bc2)


def kernel(x, edge_index, batch, emb, W1, b1, W2, b2, eps, Wc1, bc1, Wc2, bc2):
    n = x.shape[0]
    d = emb.shape[1]
    e = edge_index.shape[1]
    n_layers = W1.shape[0]
    blk = 1024

    n_pad = _round_up(n + 1, NW * 80)
    e_pad = _round_up(e, NS * ECH * 2)

    idx = jnp.concatenate(
        [x[:, 0], jnp.zeros((n_pad - n,), jnp.int32)])
    ei_pad = jnp.concatenate(
        [edge_index, jnp.full((2, e_pad - e), n, jnp.int32)], axis=1)
    edges_packed = ei_pad.reshape(2, e_pad // ECH, ECH).transpose(1, 0, 2)
    batch3 = jnp.concatenate(
        [batch, jnp.full((n_pad - n,), G, jnp.int32)]).reshape(
            n_pad // blk, 1, blk)

    h = _emb_gather(emb, idx, n_pad, d)
    for l in range(n_layers):
        agg2 = _edge_agg(h, edges_packed, n_pad, d)
        scale = (1.0 + eps[l]).reshape(1, 1)
        b1l = b1[l].reshape(1, d)
        b2l = b2[l].reshape(1, d)
        if l < n_layers - 1:
            h = _mlp(h, agg2, W1[l], b1l, W2[l], b2l, scale, n_pad, d, blk)
        else:
            score = _mlp_pool_cls(
                h, agg2, W1[l], b1l, W2[l], b2l, scale, batch3,
                Wc1, bc1.reshape(1, d), Wc2, bc2.reshape(1, 1),
                n_pad, d, blk)
    return score.reshape(-1)

# --- scband reference (transcript-rebuilt; emitter-appended) ---
"""Pipeline reference for scband-gincode-model-90202903150610 (READ-ONLY COPY).

The authoritative reference and input builder live on the scoring server;
editing this copy changes nothing except your own understanding.
"""

import jax, jax.numpy as jnp
import numpy as np

VOCAB = 50000
D = 128
N = 10000
E = 320000
L = 3
G = 64


def setup_inputs(seed: int = 0) -> dict:
    key = jax.random.key(seed)
    ks = jax.random.split(key, 12)
    x = jax.random.randint(ks[0], (N, 1), 0, VOCAB)
    edge_index = jax.random.randint(ks[1], (2, E), 0, N)
    batch = jnp.sort(jax.random.randint(ks[2], (N,), 0, G))
    emb = jax.random.normal(ks[3], (VOCAB, D), dtype=jnp.float32) * 0.02
    s = 1.0 / np.sqrt(D)
    W1 = jax.random.normal(ks[4], (L, D, D), dtype=jnp.float32) * s
    b1 = jnp.zeros((L, D), dtype=jnp.float32)
    W2 = jax.random.normal(ks[5], (L, D, D), dtype=jnp.float32) * s
    b2 = jnp.zeros((L, D), dtype=jnp.float32)
    eps = jnp.zeros((L,), dtype=jnp.float32)
    Wc1 = jax.random.normal(ks[6], (D, D), dtype=jnp.float32) * s
    bc1 = jnp.zeros((D,), dtype=jnp.float32)
    Wc2 = jax.random.normal(ks[7], (D, 1), dtype=jnp.float32) * s
    bc2 = jnp.zeros((1,), dtype=jnp.float32)
    return {"x": x, "edge_index": edge_index, "batch": batch, "emb": emb,
            "W1": W1, "b1": b1, "W2": W2, "b2": b2, "eps": eps,
            "Wc1": Wc1, "bc1": bc1, "Wc2": Wc2, "bc2": bc2}


def reference(x, edge_index, batch, emb, W1, b1, W2, b2, eps, Wc1, bc1, Wc2, bc2):
    # Embedding lookup: h = embedding(x.squeeze(-1))
    h = jnp.take(emb, x.squeeze(-1), axis=0)
    src = edge_index[0]
    dst = edge_index[1]
    for l in range(L):
        # GINConv: aggregate neighbor sum at dst, then (1+eps)*x_i + aggr, then MLP
        agg = jax.ops.segment_sum(jnp.take(h, src, axis=0), dst, num_segments=N)
        z = (1.0 + eps[l]) * h + agg
        z = jnp.maximum(z @ W1[l] + b1[l], 0.0)
        h = z @ W2[l] + b2[l]
        h = jnp.maximum(h, 0.0)  # F.relu after conv
    # global_add_pool over graphs
    hg = jax.ops.segment_sum(h, batch, num_segments=G)
    hidden = jnp.maximum(hg @ Wc1 + bc1, 0.0)
    score = jax.nn.sigmoid(hidden @ Wc2 + bc2)
    return score.reshape(-1)

if __name__ == "__main__":
    import jax
    _d = setup_inputs()
    print(jax.jit(kernel)(*tuple(_d.values())))

</pallas_src>

<mosaic_0001>
#map = affine_map<(d0, d1) -> (0, 0)>
#map1 = affine_map<(d0, d1) -> (0, 0, 0)>
module attributes {stable_mosaic.version = 14 : i64} {
  func.func @k(%arg0: i32, %arg1: i32, %arg2: memref<10240x128xf32, #tpu.memory_space<hbm>>, %arg3: memref<2528x2x128xi32, #tpu.memory_space<hbm>>, %arg4: memref<2x10240x128xf32, #tpu.memory_space<hbm>>, %arg5: memref<60x2x128xi32, #tpu.memory_space<vmem>>, %arg6: memref<128x128xf32, #tpu.memory_space<vmem>>, %arg7: memref<128x128xf32, #tpu.memory_space<vmem>>, %arg8: memref<10240x128xf32, #tpu.memory_space<vmem_shared>>, %arg9: memref<!tpu.dma_semaphore, #tpu.memory_space<semaphore_mem>>, %arg10: memref<!tpu.dma_semaphore, #tpu.memory_space<semaphore_mem>>) attributes {dimension_semantics = [#tpu.dimension_semantics<core_parallel>, #tpu.dimension_semantics<subcore_parallel>], iteration_bounds = array<i64: 2, 16>, scalar_prefetch = 0 : i64, scratch_operands = 6 : i64, tpu.core_type = #tpu.core_type<sc_vector_subcore>, window_params = [{transform_indices = #map}, {transform_indices = #map1}, {transform_indices = #map1}]} {
    %broadcast_in_dim3A = arith.constant 0.000000e+00 : f32
    %broadcast_in_dim3A_0 = vector.broadcast %broadcast_in_dim3A : f32 to vector<16xf32>
    %scan3A = arith.constant 0 : i32
    %scan3A_1 = arith.constant 128 : i32
    %scan3A_2 = arith.addi %scan3A, %scan3A_1 : i32
    %scan3A_3 = arith.constant 1 : i32
    scf.for %scan3A_34 = %scan3A to %scan3A_2 step %scan3A_3  : i32 {
      %mul3A_35 = arith.constant 1 : i32
      %mul3A_36 = arith.muli %scan3A_34, %mul3A_35 : i32
      %add3A_37 = arith.constant 0 : i32
      %add3A_38 = arith.addi %add3A_37, %mul3A_36 : i32
      %swap3A = arith.index_cast %add3A_38 : i32 to index
      %swap3A_39 = arith.constant 0 : index
      %swap3A_40 = tpu.vector_load %arg6[%swap3A, %swap3A_39] {strides = array<i32>} : memref<128x128xf32, #tpu.memory_space<vmem>>, vector<1x16xf32>,
      %swap3A_41 = vector.shape_cast %swap3A_40 : vector<1x16xf32> to vector<16xf32>
      %swap3A_42 = vector.shape_cast %broadcast_in_dim3A_0 : vector<16xf32> to vector<1x16xf32>
      tpu.vector_store %arg6[%swap3A, %swap3A_39], %swap3A_42 {strides = array<i32>} : memref<128x128xf32, #tpu.memory_space<vmem>>, vector<1x16xf32>,
      %swap3A_43 = arith.index_cast %add3A_38 : i32 to index
      %swap3A_44 = arith.constant 16 : index
      %swap3A_45 = tpu.vector_load %arg6[%swap3A_43, %swap3A_44] {strides = array<i32>} : memref<128x128xf32, #tpu.memory_space<vmem>>, vector<1x16xf32>,
      %swap3A_46 = vector.shape_cast %swap3A_45 : vector<1x16xf32> to vector<16xf32>
      %swap3A_47 = vector.shape_cast %broadcast_in_dim3A_0 : vector<16xf32> to vector<1x16xf32>
      tpu.vector_store %arg6[%swap3A_43, %swap3A_44], %swap3A_47 {strides = array<i32>} : memref<128x128xf32, #tpu.memory_space<vmem>>, vector<1x16xf32>,
      %swap3A_48 = arith.index_cast %add3A_38 : i32 to index
      %swap3A_49 = arith.constant 32 : index
      %swap3A_50 = tpu.vector_load %arg6[%swap3A_48, %swap3A_49] {strides = array<i32>} : memref<128x128xf32, #tpu.memory_space<vmem>>, vector<1x16xf32>,
      %swap3A_51 = vector.shape_cast %swap3A_50 : vector<1x16xf32> to vector<16xf32>
      %swap3A_52 = vector.shape_cast %broadcast_in_dim3A_0 : vector<16xf32> to vector<1x16xf32>
      tpu.vector_store %arg6[%swap3A_48, %swap3A_49], %swap3A_52 {strides = array<i32>} : memref<128x128xf32, #tpu.memory_space<vmem>>, vector<1x16xf32>,
      %swap3A_53 = arith.index_cast %add3A_38 : i32 to index
      %swap3A_54 = arith.constant 48 : index
      %swap3A_55 = tpu.vector_load %arg6[%swap3A_53, %swap3A_54] {strides = array<i32>} : memref<128x128xf32, #tpu.memory_space<vmem>>, vector<1x16xf32>,
      %swap3A_56 = vector.shape_cast %swap3A_55 : vector<1x16xf32> to vector<16xf32>
      %swap3A_57 = vector.shape_cast %broadcast_in_dim3A_0 : vector<16xf32> to vector<1x16xf32>
      tpu.vector_store %arg6[%swap3A_53, %swap3A_54], %swap3A_57 {strides = array<i32>} : memref<128x128xf32, #tpu.memory_space<vmem>>, vector<1x16xf32>,
      %swap3A_58 = arith.index_cast %add3A_38 : i32 to index
      %swap3A_59 = arith.constant 64 : index
      %swap3A_60 = tpu.vector_load %arg6[%swap3A_58, %swap3A_59] {strides = array<i32>} : memref<128x128xf32, #tpu.memory_space<vmem>>, vector<1x16xf32>,
      %swap3A_61 = vector.shape_cast %swap3A_60 : vector<1x16xf32> to vector<16xf32>
      %swap3A_62 = vector.shape_cast %broadcast_in_dim3A_0 : vector<16xf32> to vector<1x16xf32>
      tpu.vector_store %arg6[%swap3A_58, %swap3A_59], %swap3A_62 {strides = array<i32>} : memref<128x128xf32, #tpu.memory_space<vmem>>, vector<1x16xf32>,
      %swap3A_63 = arith.index_cast %add3A_38 : i32 to index
      %swap3A_64 = arith.constant 80 : index
      %swap3A_65 = tpu.vector_load %arg6[%swap3A_63, %swap3A_64] {strides = array<i32>} : memref<128x128xf32, #tpu.memory_space<vmem>>, vector<1x16xf32>,
      %swap3A_66 = vector.shape_cast %swap3A_65 : vector<1x16xf32> to vector<16xf32>
      %swap3A_67 = vector.shape_cast %broadcast_in_dim3A_0 : vector<16xf32> to vector<1x16xf32>
      tpu.vector_store %arg6[%swap3A_63, %swap3A_64], %swap3A_67 {strides = array<i32>} : memref<128x128xf32, #tpu.memory_space<vmem>>, vector<1x16xf32>,
      %swap3A_68 = arith.index_cast %add3A_38 : i32 to index
      %swap3A_69 = arith.constant 96 : index
      %swap3A_70 = tpu.vector_load %arg6[%swap3A_68, %swap3A_69] {strides = array<i32>} : memref<128x128xf32, #tpu.memory_space<vmem>>, vector<1x16xf32>,
      %swap3A_71 = vector.shape_cast %swap3A_70 : vector<1x16xf32> to vector<16xf32>
      %swap3A_72 = vector.shape_cast %broadcast_in_dim3A_0 : vector<16xf32> to vector<1x16xf32>
      tpu.vector_store %arg6[%swap3A_68, %swap3A_69], %swap3A_72 {strides = array<i32>} : memref<128x128xf32, #tpu.memory_space<vmem>>, vector<1x16xf32>,
      %swap3A_73 = arith.index_cast %add3A_38 : i32 to index
      %swap3A_74 = arith.constant 112 : index
      %swap3A_75 = tpu.vector_load %arg6[%swap3A_73, %swap3A_74] {strides = array<i32>} : memref<128x128xf32, #tpu.memory_space<vmem>>, vector<1x16xf32>,
      %swap3A_76 = vector.shape_cast %swap3A_75 : vector<1x16xf32> to vector<16xf32>
      %swap3A_77 = vector.shape_cast %broadcast_in_dim3A_0 : vector<16xf32> to vector<1x16xf32>
      tpu.vector_store %arg6[%swap3A_73, %swap3A_74], %swap3A_77 {strides = array<i32>} : memref<128x128xf32, #tpu.memory_space<vmem>>, vector<1x16xf32>,
    }
    %scan3A_4 = arith.constant 128 : i32
    %mul3A = arith.constant 640 : i32
    %mul3A_5 = arith.muli %arg1, %mul3A : i32
    %add3A = arith.constant 0 : i32
    %add3A_6 = arith.addi %mul3A_5, %add3A : i32
    "tpu.region"() ({
      %run_scoped3A = tpu.sem_alloc : memref<!tpu.dma_semaphore, #tpu.memory_space<semaphore_mem>>
      %dma_start3A = arith.constant 0 : i32
      %dma_start3A_34 = tpu.memref_slice %arg8[%add3A_6, %dma_start3A] : memref<10240x128xf32, #tpu.memory_space<vmem_shared>> -> memref<128x128xf32, #tpu.memory_space<vmem_shared>>
      %dma_start3A_35 = arith.constant 0 : i32
      %dma_start3A_36 = tpu.memref_slice %arg8[%add3A_6, %dma_start3A_35] : memref<10240x128xf32, #tpu.memory_space<vmem_shared>> -> memref<128x128xf32, #tpu.memory_space<vmem_shared>>
      tpu.enqueue_dma source(%arg6 : memref<128x128xf32, #tpu.memory_space<vmem>>) target(%dma_start3A_36 : memref<128x128xf32, #tpu.memory_space<vmem_shared>>) target_semaphore(%run_scoped3A : memref<!tpu.dma_semaphore, #tpu.memory_space<semaphore_mem>>)
      %dma_wait3A = arith.constant 0 : i32
      %dma_wait3A_37 = tpu.memref_slice %arg8[%add3A_6, %dma_wait3A] : memref<10240x128xf32, #tpu.memory_space<vmem_shared>> -> memref<128x128xf32, #tpu.memory_space<vmem_shared>>
      %dma_wait3A_38 = arith.constant 0 : i32
      %dma_wait3A_39 = tpu.memref_slice %arg8[%add3A_6, %dma_wait3A_38] : memref<10240x128xf32, #tpu.memory_space<vmem_shared>> -> memref<128x128xf32, #tpu.memory_space<vmem_shared>>
      tpu.wait_dma2 semaphore(%run_scoped3A : memref<!tpu.dma_semaphore, #tpu.memory_space<semaphore_mem>>) src(%arg6 : memref<128x128xf32, #tpu.memory_space<vmem>>) dst(%dma_wait3A_39 : memref<128x128xf32, #tpu.memory_space<vmem_shared>>)
      tpu.yield
    }) : () -> ()
    %mul3A_7 = arith.constant 640 : i32
    %mul3A_8 = arith.muli %arg1, %mul3A_7 : i32
    %add3A_9 = arith.constant 128 : i32
    %add3A_10 = arith.addi %mul3A_8, %add3A_9 : i32
    "tpu.region"() ({
      %run_scoped3A = tpu.sem_alloc : memref<!tpu.dma_semaphore, #tpu.memory_space<semaphore_mem>>
      %dma_start3A = arith.constant 0 : i32
      %dma_start3A_34 = tpu.memref_slice %arg8[%add3A_10, %dma_start3A] : memref<10240x128xf32, #tpu.memory_space<vmem_shared>> -> memref<128x128xf32, #tpu.memory_space<vmem_shared>>
      %dma_start3A_35 = arith.constant 0 : i32
      %dma_start3A_36 = tpu.memref_slice %arg8[%add3A_10, %dma_start3A_35] : memref<10240x128xf32, #tpu.memory_space<vmem_shared>> -> memref<128x128xf32, #tpu.memory_space<vmem_shared>>
      tpu.enqueue_dma source(%arg6 : memref<128x128xf32, #tpu.memory_space<vmem>>) target(%dma_start3A_36 : memref<128x128xf32, #tpu.memory_space<vmem_shared>>) target_semaphore(%run_scoped3A : memref<!tpu.dma_semaphore, #tpu.memory_space<semaphore_mem>>)
      %dma_wait3A = arith.constant 0 : i32
      %dma_wait3A_37 = tpu.memref_slice %arg8[%add3A_10, %dma_wait3A] : memref<10240x128xf32, #tpu.memory_space<vmem_shared>> -> memref<128x128xf32, #tpu.memory_space<vmem_shared>>
      %dma_wait3A_38 = arith.constant 0 : i32
      %dma_wait3A_39 = tpu.memref_slice %arg8[%add3A_10, %dma_wait3A_38] : memref<10240x128xf32, #tpu.memory_space<vmem_shared>> -> memref<128x128xf32, #tpu.memory_space<vmem_shared>>
      tpu.wait_dma2 semaphore(%run_scoped3A : memref<!tpu.dma_semaphore, #tpu.memory_space<semaphore_mem>>) src(%arg6 : memref<128x128xf32, #tpu.memory_space<vmem>>) dst(%dma_wait3A_39 : memref<128x128xf32, #tpu.memory_space<vmem_shared>>)
      tpu.yield
    }) : () -> ()
    %mul3A_11 = arith.constant 640 : i32
    %mul3A_12 = arith.muli %arg1, %mul3A_11 : i32
    %add3A_13 = arith.constant 256 : i32
    %add3A_14 = arith.addi %mul3A_12, %add3A_13 : i32
    "tpu.region"() ({
      %run_scoped3A = tpu.sem_alloc : memref<!tpu.dma_semaphore, #tpu.memory_space<semaphore_mem>>
      %dma_start3A = arith.constant 0 : i32
      %dma_start3A_34 = tpu.memref_slice %arg8[%add3A_14, %dma_start3A] : memref<10240x128xf32, #tpu.memory_space<vmem_shared>> -> memref<128x128xf32, #tpu.memory_space<vmem_shared>>
      %dma_start3A_35 = arith.constant 0 : i32
      %dma_start3A_36 = tpu.memref_slice %arg8[%add3A_14, %dma_start3A_35] : memref<10240x128xf32, #tpu.memory_space<vmem_shared>> -> memref<128x128xf32, #tpu.memory_space<vmem_shared>>
      tpu.enqueue_dma source(%arg6 : memref<128x128xf32, #tpu.memory_space<vmem>>) target(%dma_start3A_36 : memref<128x128xf32, #tpu.memory_space<vmem_shared>>) target_semaphore(%run_scoped3A : memref<!tpu.dma_semaphore, #tpu.memory_space<semaphore_mem>>)
      %dma_wait3A = arith.constant 0 : i32
      %dma_wait3A_37 = tpu.memref_slice %arg8[%add3A_14, %dma_wait3A] : memref<10240x128xf32, #tpu.memory_space<vmem_shared>> -> memref<128x128xf32, #tpu.memory_space<vmem_shared>>
      %dma_wait3A_38 = arith.constant 0 : i32
      %dma_wait3A_39 = tpu.memref_slice %arg8[%add3A_14, %dma_wait3A_38] : memref<10240x128xf32, #tpu.memory_space<vmem_shared>> -> memref<128x128xf32, #tpu.memory_space<vmem_shared>>
      tpu.wait_dma2 semaphore(%run_scoped3A : memref<!tpu.dma_semaphore, #tpu.memory_space<semaphore_mem>>) src(%arg6 : memref<128x128xf32, #tpu.memory_space<vmem>>) dst(%dma_wait3A_39 : memref<128x128xf32, #tpu.memory_space<vmem_shared>>)
      tpu.yield
    }) : () -> ()
    %mul3A_15 = arith.constant 640 : i32
    %mul3A_16 = arith.muli %arg1, %mul3A_15 : i32
    %add3A_17 = arith.constant 384 : i32
    %add3A_18 = arith.addi %mul3A_16, %add3A_17 : i32
    "tpu.region"() ({
      %run_scoped3A = tpu.sem_alloc : memref<!tpu.dma_semaphore, #tpu.memory_space<semaphore_mem>>
      %dma_start3A = arith.constant 0 : i32
      %dma_start3A_34 = tpu.memref_slice %arg8[%add3A_18, %dma_start3A] : memref<10240x128xf32, #tpu.memory_space<vmem_shared>> -> memref<128x128xf32, #tpu.memory_space<vmem_shared>>
      %dma_start3A_35 = arith.constant 0 : i32
      %dma_start3A_36 = tpu.memref_slice %arg8[%add3A_18, %dma_start3A_35] : memref<10240x128xf32, #tpu.memory_space<vmem_shared>> -> memref<128x128xf32, #tpu.memory_space<vmem_shared>>
      tpu.enqueue_dma source(%arg6 : memref<128x128xf32, #tpu.memory_space<vmem>>) target(%dma_start3A_36 : memref<128x128xf32, #tpu.memory_space<vmem_shared>>) target_semaphore(%run_scoped3A : memref<!tpu.dma_semaphore, #tpu.memory_space<semaphore_mem>>)
      %dma_wait3A = arith.constant 0 : i32
      %dma_wait3A_37 = tpu.memref_slice %arg8[%add3A_18, %dma_wait3A] : memref<10240x128xf32, #tpu.memory_space<vmem_shared>> -> memref<128x128xf32, #tpu.memory_space<vmem_shared>>
      %dma_wait3A_38 = arith.constant 0 : i32
      %dma_wait3A_39 = tpu.memref_slice %arg8[%add3A_18, %dma_wait3A_38] : memref<10240x128xf32, #tpu.memory_space<vmem_shared>> -> memref<128x128xf32, #tpu.memory_space<vmem_shared>>
      tpu.wait_dma2 semaphore(%run_scoped3A : memref<!tpu.dma_semaphore, #tpu.memory_space<semaphore_mem>>) src(%arg6 : memref<128x128xf32, #tpu.memory_space<vmem>>) dst(%dma_wait3A_39 : memref<128x128xf32, #tpu.memory_space<vmem_shared>>)
      tpu.yield
    }) : () -> ()
    %mul3A_19 = arith.constant 640 : i32
    %mul3A_20 = arith.muli %arg1, %mul3A_19 : i32
    %add3A_21 = arith.constant 512 : i32
    %add3A_22 = arith.addi %mul3A_20, %add3A_21 : i32
    "tpu.region"() ({
      %run_scoped3A = tpu.sem_alloc : memref<!tpu.dma_semaphore, #tpu.memory_space<semaphore_mem>>
      %dma_start3A = arith.constant 0 : i32
      %dma_start3A_34 = tpu.memref_slice %arg8[%add3A_22, %dma_start3A] : memref<10240x128xf32, #tpu.memory_space<vmem_shared>> -> memref<128x128xf32, #tpu.memory_space<vmem_shared>>
      %dma_start3A_35 = arith.constant 0 : i32
      %dma_start3A_36 = tpu.memref_slice %arg8[%add3A_22, %dma_start3A_35] : memref<10240x128xf32, #tpu.memory_space<vmem_shared>> -> memref<128x128xf32, #tpu.memory_space<vmem_shared>>
      tpu.enqueue_dma source(%arg6 : memref<128x128xf32, #tpu.memory_space<vmem>>) target(%dma_start3A_36 : memref<128x128xf32, #tpu.memory_space<vmem_shared>>) target_semaphore(%run_scoped3A : memref<!tpu.dma_semaphore, #tpu.memory_space<semaphore_mem>>)
      %dma_wait3A = arith.constant 0 : i32
      %dma_wait3A_37 = tpu.memref_slice %arg8[%add3A_22, %dma_wait3A] : memref<10240x128xf32, #tpu.memory_space<vmem_shared>> -> memref<128x128xf32, #tpu.memory_space<vmem_shared>>
      %dma_wait3A_38 = arith.constant 0 : i32
      %dma_wait3A_39 = tpu.memref_slice %arg8[%add3A_22, %dma_wait3A_38] : memref<10240x128xf32, #tpu.memory_space<vmem_shared>> -> memref<128x128xf32, #tpu.memory_space<vmem_shared>>
      tpu.wait_dma2 semaphore(%run_scoped3A : memref<!tpu.dma_semaphore, #tpu.memory_space<semaphore_mem>>) src(%arg6 : memref<128x128xf32, #tpu.memory_space<vmem>>) dst(%dma_wait3A_39 : memref<128x128xf32, #tpu.memory_space<vmem_shared>>)
      tpu.yield
    }) : () -> ()
    %barrier3A = arith.constant 0 : index
    tpu.barrier barrier_id(%barrier3A)
    %eq3A = arith.constant 0 : i32
    %eq3A_23 = arith.cmpi eq, %arg0, %eq3A : i32
    %convert_element_type3A = arith.extui %eq3A_23 : i1 to i32
    %cond3A = arith.constant 0 : i32
    %cond3A_24 = arith.cmpi ne, %convert_element_type3A, %cond3A : i32
    scf.if %cond3A_24 {
      %mul3A_34 = arith.constant 150 : i32
      %mul3A_35 = arith.muli %arg1, %mul3A_34 : i32
      %add3A_36 = arith.constant 0 : i32
      %add3A_37 = arith.addi %mul3A_35, %add3A_36 : i32
      "tpu.region"() ({
        %run_scoped3A_162 = tpu.sem_alloc : memref<!tpu.dma_semaphore, #tpu.memory_space<semaphore_mem>>
        %dma_start3A_163 = arith.constant 0 : i32
        %dma_start3A_164 = arith.constant 0 : i32
        %dma_start3A_165 = arith.constant 0 : i32
        %dma_start3A_166 = tpu.memref_slice %arg5[%dma_start3A_163, %dma_start3A_164, %dma_start3A_165] : memref<60x2x128xi32, #tpu.memory_space<vmem>> -> memref<60x2x128xi32, #tpu.memory_space<vmem>>
        %dma_start3A_167 = arith.constant 0 : i32
        %dma_start3A_168 = arith.constant 0 : i32
        %dma_start3A_169 = tpu.memref_slice %arg3[%add3A_37, %dma_start3A_167, %dma_start3A_168] : memref<2528x2x128xi32, #tpu.memory_space<hbm>> -> memref<60x2x128xi32, #tpu.memory_space<hbm>>
        %dma_start3A_170 = arith.constant 0 : i32
        %dma_start3A_171 = arith.constant 0 : i32
        %dma_start3A_172 = arith.constant 0 : i32
        %dma_start3A_173 = tpu.memref_slice %arg5[%dma_start3A_170, %dma_start3A_171, %dma_start3A_172] : memref<60x2x128xi32, #tpu.memory_space<vmem>> -> memref<60x2x128xi32, #tpu.memory_space<vmem>>
        %dma_start3A_174 = arith.constant 0 : i32
        %dma_start3A_175 = arith.constant 0 : i32
        %dma_start3A_176 = tpu.memref_slice %arg3[%add3A_37, %dma_start3A_174, %dma_start3A_175] : memref<2528x2x128xi32, #tpu.memory_space<hbm>> -> memref<60x2x128xi32, #tpu.memory_space<hbm>>
        tpu.enqueue_dma source(%dma_start3A_176 : memref<60x2x128xi32, #tpu.memory_space<hbm>>) target(%dma_start3A_173 : memref<60x2x128xi32, #tpu.memory_space<vmem>>) target_semaphore(%run_scoped3A_162 : memref<!tpu.dma_semaphore, #tpu.memory_space<semaphore_mem>>)
        %dma_wait3A_177 = arith.constant 0 : i32
        %dma_wait3A_178 = arith.constant 0 : i32
        %dma_wait3A_179 = arith.constant 0 : i32
        %dma_wait3A_180 = tpu.memref_slice %arg5[%dma_wait3A_177, %dma_wait3A_178, %dma_wait3A_179] : memref<60x2x128xi32, #tpu.memory_space<vmem>> -> memref<60x2x128xi32, #tpu.memory_space<vmem>>
        %dma_wait3A_181 = arith.constant 0 : i32
        %dma_wait3A_182 = arith.constant 0 : i32
        %dma_wait3A_183 = tpu.memref_slice %arg3[%add3A_37, %dma_wait3A_181, %dma_wait3A_182] : memref<2528x2x128xi32, #tpu.memory_space<hbm>> -> memref<60x2x128xi32, #tpu.memory_space<hbm>>
        %dma_wait3A_184 = arith.constant 0 : i32
        %dma_wait3A_185 = arith.constant 0 : i32
        %dma_wait3A_186 = arith.constant 0 : i32
        %dma_wait3A_187 = tpu.memref_slice %arg5[%dma_wait3A_184, %dma_wait3A_185, %dma_wait3A_186] : memref<60x2x128xi32, #tpu.memory_space<vmem>> -> memref<60x2x128xi32, #tpu.memory_space<vmem>>
        %dma_wait3A_188 = arith.constant 0 : i32
        %dma_wait3A_189 = arith.constant 0 : i32
        %dma_wait3A_190 = tpu.memref_slice %arg3[%add3A_37, %dma_wait3A_188, %dma_wait3A_189] : memref<2528x2x128xi32, #tpu.memory_space<hbm>> -> memref<60x2x128xi32, #tpu.memory_space<hbm>>
        tpu.wait_dma2 semaphore(%run_scoped3A_162 : memref<!tpu.dma_semaphore, #tpu.memory_space<semaphore_mem>>) src(%dma_wait3A_190 : memref<60x2x128xi32, #tpu.memory_space<hbm>>) dst(%dma_wait3A_187 : memref<60x2x128xi32, #tpu.memory_space<vmem>>)
        tpu.yield
      }) : () -> ()
      %dma_start3A = arith.constant 0 : i32
      %dma_start3A_38 = arith.constant 0 : i32
      %dma_start3A_39 = arith.constant 0 : i32
      %dma_start3A_40 = tpu.memref_slice %arg5[%dma_start3A, %dma_start3A_38, %dma_start3A_39] : memref<60x2x128xi32, #tpu.memory_space<vmem>> -> memref<1x1x128xi32, #tpu.memory_space<vmem>>
      %dma_start3A_41 = tpu.memref_squeeze %dma_start3A_40 : memref<1x1x128xi32, #tpu.memory_space<vmem>> -> memref<128xi32, #tpu.memory_space<vmem>>
      %dma_start3A_42 = arith.constant 0 : i32
      %dma_start3A_43 = arith.constant 0 : i32
      %dma_start3A_44 = tpu.memref_slice %arg2[%dma_start3A_42, %dma_start3A_43] : memref<10240x128xf32, #tpu.memory_space<hbm>> -> memref<10240x128xf32, #tpu.memory_space<hbm>>
      tpu.enqueue_indirect_dma source(%dma_start3A_44 : memref<10240x128xf32, #tpu.memory_space<hbm>>) target(%arg6 : memref<128x128xf32, #tpu.memory_space<vmem>>) offsets(%dma_start3A_41 : memref<128xi32, #tpu.memory_space<vmem>>) semaphore(%arg9 : memref<!tpu.dma_semaphore, #tpu.memory_space<semaphore_mem>>)
      %scan3A_45 = arith.constant 0 : i32
      %scan3A_46 = arith.constant 29 : i32
      %scan3A_47 = arith.addi %scan3A_45, %scan3A_46 : i32
      %scan3A_48 = arith.constant 1 : i32
      scf.for %scan3A_162 = %scan3A_45 to %scan3A_47 step %scan3A_48  : i32 {
        %mul3A_163 = arith.constant 1 : i32
        %mul3A_164 = arith.muli %scan3A_162, %mul3A_163 : i32
        %add3A_165 = arith.constant 0 : i32
        %add3A_166 = arith.addi %add3A_165, %mul3A_164 : i32
        %mul3A_167 = arith.constant 2 : i32
        %mul3A_168 = arith.muli %mul3A_167, %add3A_166 : i32
        %add3A_169 = arith.constant 1 : i32
        %add3A_170 = arith.addi %mul3A_168, %add3A_169 : i32
        %dma_start3A_171 = arith.constant 0 : i32
        %dma_start3A_172 = arith.constant 0 : i32
        %dma_start3A_173 = tpu.memref_slice %arg5[%add3A_170, %dma_start3A_171, %dma_start3A_172] : memref<60x2x128xi32, #tpu.memory_space<vmem>> -> memref<1x1x128xi32, #tpu.memory_space<vmem>>
        %dma_start3A_174 = tpu.memref_squeeze %dma_start3A_173 : memref<1x1x128xi32, #tpu.memory_space<vmem>> -> memref<128xi32, #tpu.memory_space<vmem>>
        %dma_start3A_175 = arith.constant 0 : i32
        %dma_start3A_176 = arith.constant 0 : i32
        %dma_start3A_177 = tpu.memref_slice %arg2[%dma_start3A_175, %dma_start3A_176] : memref<10240x128xf32, #tpu.memory_space<hbm>> -> memref<10240x128xf32, #tpu.memory_space<hbm>>
        tpu.enqueue_indirect_dma source(%dma_start3A_177 : memref<10240x128xf32, #tpu.memory_space<hbm>>) target(%arg7 : memref<128x128xf32, #tpu.memory_space<vmem>>) offsets(%dma_start3A_174 : memref<128xi32, #tpu.memory_space<vmem>>) semaphore(%arg10 : memref<!tpu.dma_semaphore, #tpu.memory_space<semaphore_mem>>)
        %dma_wait3A_178 = arith.constant 0 : i32
        %dma_wait3A_179 = arith.constant 0 : i32
        %dma_wait3A_180 = tpu.memref_slice %arg5[%mul3A_168, %dma_wait3A_178, %dma_wait3A_179] : memref<60x2x128xi32, #tpu.memory_space<vmem>> -> memref<1x1x128xi32, #tpu.memory_space<vmem>>
        %dma_wait3A_181 = tpu.memref_squeeze %dma_wait3A_180 : memref<1x1x128xi32, #tpu.memory_space<vmem>> -> memref<128xi32, #tpu.memory_space<vmem>>
        %dma_wait3A_182 = arith.constant 0 : i32
        %dma_wait3A_183 = arith.constant 0 : i32
        %dma_wait3A_184 = tpu.memref_slice %arg2[%dma_wait3A_182, %dma_wait3A_183] : memref<10240x128xf32, #tpu.memory_space<hbm>> -> memref<10240x128xf32, #tpu.memory_space<hbm>>
        tpu.wait_indirect_dma semaphore(%arg9 : memref<!tpu.dma_semaphore, #tpu.memory_space<semaphore_mem>>) src(%dma_wait3A_184 : memref<10240x128xf32, #tpu.memory_space<hbm>>) dst(%arg6 : memref<128x128xf32, #tpu.memory_space<vmem>>)
        %run_scoped3A_185 = arith.constant 1 : i32
        "tpu.region"() ({
          %run_scoped3A_207 = tpu.sem_alloc : memref<!tpu.dma_semaphore, #tpu.memory_space<semaphore_mem>>
          %dma_start3A_208 = arith.constant 0 : i32
          %dma_start3A_209 = tpu.memref_slice %arg5[%mul3A_168, %run_scoped3A_185, %dma_start3A_208] : memref<60x2x128xi32, #tpu.memory_space<vmem>> -> memref<1x1x128xi32, #tpu.memory_space<vmem>>
          %dma_start3A_210 = tpu.memref_squeeze %dma_start3A_209 : memref<1x1x128xi32, #tpu.memory_space<vmem>> -> memref<128xi32, #tpu.memory_space<vmem>>
          %dma_start3A_211 = arith.constant 0 : i32
          %dma_start3A_212 = arith.constant 0 : i32
          %dma_start3A_213 = tpu.memref_slice %arg8[%dma_start3A_211, %dma_start3A_212] : memref<10240x128xf32, #tpu.memory_space<vmem_shared>> -> memref<10240x128xf32, #tpu.memory_space<vmem_shared>>
          tpu.enqueue_indirect_dma source(%arg6 : memref<128x128xf32, #tpu.memory_space<vmem>>) target(%dma_start3A_213 : memref<10240x128xf32, #tpu.memory_space<vmem_shared>>) offsets(%dma_start3A_210 : memref<128xi32, #tpu.memory_space<vmem>>) semaphore(%run_scoped3A_207 : memref<!tpu.dma_semaphore, #tpu.memory_space<semaphore_mem>>) {add = true}
          %dma_wait3A_214 = arith.constant 0 : i32
          %dma_wait3A_215 = tpu.memref_slice %arg5[%mul3A_168, %run_scoped3A_185, %dma_wait3A_214] : memref<60x2x128xi32, #tpu.memory_space<vmem>> -> memref<1x1x128xi32, #tpu.memory_space<vmem>>
          %dma_wait3A_216 = tpu.memref_squeeze %dma_wait3A_215 : memref<1x1x128xi32, #tpu.memory_space<vmem>> -> memref<128xi32, #tpu.memory_space<vmem>>
          %dma_wait3A_217 = arith.constant 0 : i32
          %dma_wait3A_218 = arith.constant 0 : i32
          %dma_wait3A_219 = tpu.memref_slice %arg8[%dma_wait3A_217, %dma_wait3A_218] : memref<10240x128xf32, #tpu.memory_space<vmem_shared>> -> memref<10240x128xf32, #tpu.memory_space<vmem_shared>>
          tpu.wait_indirect_dma semaphore(%run_scoped3A_207 : memref<!tpu.dma_semaphore, #tpu.memory_space<semaphore_mem>>) src(%arg6 : memref<128x128xf32, #tpu.memory_space<vmem>>) dst(%dma_wait3A_219 : memref<10240x128xf32, #tpu.memory_space<vmem_shared>>)
          tpu.yield
        }) : () -> ()
        %add3A_186 = arith.constant 2 : i32
        %add3A_187 = arith.addi %mul3A_168, %add3A_186 : i32
        %dma_start3A_188 = arith.constant 0 : i32
        %dma_start3A_189 = arith.constant 0 : i32
        %dma_start3A_190 = tpu.memref_slice %arg5[%add3A_187, %dma_start3A_188, %dma_start3A_189] : memref<60x2x128xi32, #tpu.memory_space<vmem>> -> memref<1x1x128xi32, #tpu.memory_space<vmem>>
        %dma_start3A_191 = tpu.memref_squeeze %dma_start3A_190 : memref<1x1x128xi32, #tpu.memory_space<vmem>> -> memref<128xi32, #tpu.memory_space<vmem>>
        %dma_start3A_192 = arith.constant 0 : i32
        %dma_start3A_193 = arith.constant 0 : i32
        %dma_start3A_194 = tpu.memref_slice %arg2[%dma_start3A_192, %dma_start3A_193] : memref<10240x128xf32, #tpu.memory_space<hbm>> -> memref<10240x128xf32, #tpu.memory_space<hbm>>
        tpu.enqueue_indirect_dma source(%dma_start3A_194 : memref<10240x128xf32, #tpu.memory_space<hbm>>) target(%arg6 : memref<128x128xf32, #tpu.memory_space<vmem>>) offsets(%dma_start3A_191 : memref<128xi32, #tpu.memory_space<vmem>>) semaphore(%arg9 : memref<!tpu.dma_semaphore, #tpu.memory_space<semaphore_mem>>)
        %add3A_195 = arith.constant 1 : i32
        %add3A_196 = arith.addi %mul3A_168, %add3A_195 : i32
        %dma_wait3A_197 = arith.constant 0 : i32
        %dma_wait3A_198 = arith.constant 0 : i32
        %dma_wait3A_199 = tpu.memref_slice %arg5[%add3A_196, %dma_wait3A_197, %dma_wait3A_198] : memref<60x2x128xi32, #tpu.memory_space<vmem>> -> memref<1x1x128xi32, #tpu.memory_space<vmem>>
        %dma_wait3A_200 = tpu.memref_squeeze %dma_wait3A_199 : memref<1x1x128xi32, #tpu.memory_space<vmem>> -> memref<128xi32, #tpu.memory_space<vmem>>
        %dma_wait3A_201 = arith.constant 0 : i32
        %dma_wait3A_202 = arith.constant 0 : i32
        %dma_wait3A_203 = tpu.memref_slice %arg2[%dma_wait3A_201, %dma_wait3A_202] : memref<10240x128xf32, #tpu.memory_space<hbm>> -> memref<10240x128xf32, #tpu.memory_space<hbm>>
        tpu.wait_indirect_dma semaphore(%arg10 : memref<!tpu.dma_semaphore, #tpu.memory_space<semaphore_mem>>) src(%dma_wait3A_203 : memref<10240x128xf32, #tpu.memory_space<hbm>>) dst(%arg7 : memref<128x128xf32, #tpu.memory_space<vmem>>)
        %add3A_204 = arith.constant 1 : i32
        %add3A_205 = arith.addi %mul3A_168, %add3A_204 : i32
        %run_scoped3A_206 = arith.constant 1 : i32
        "tpu.region"() ({
          %run_scoped3A_207 = tpu.sem_alloc : memref<!tpu.dma_semaphore, #tpu.memory_space<semaphore_mem>>
          %dma_start3A_208 = arith.constant 0 : i32
          %dma_start3A_209 = tpu.memref_slice %arg5[%add3A_205, %run_scoped3A_206, %dma_start3A_208] : memref<60x2x128xi32, #tpu.memory_space<vmem>> -> memref<1x1x128xi32, #tpu.memory_space<vmem>>
          %dma_start3A_210 = tpu.memref_squeeze %dma_start3A_209 : memref<1x1x128xi32, #tpu.memory_space<vmem>> -> memref<128xi32, #tpu.memory_space<vmem>>
          %dma_start3A_211 = arith.constant 0 : i32
          %dma_start3A_212 = arith.constant 0 : i32
          %dma_start3A_213 = tpu.memref_slice %arg8[%dma_start3A_211, %dma_start3A_212] : memref<10240x128xf32, #tpu.memory_space<vmem_shared>> -> memref<10240x128xf32, #tpu.memory_space<vmem_shared>>
          tpu.enqueue_indirect_dma source(%arg7 : memref<128x128xf32, #tpu.memory_space<vmem>>) target(%dma_start3A_213 : memref<10240x128xf32, #tpu.memory_space<vmem_shared>>) offsets(%dma_start3A_210 : memref<128xi32, #tpu.memory_space<vmem>>) semaphore(%run_scoped3A_207 : memref<!tpu.dma_semaphore, #tpu.memory_space<semaphore_mem>>) {add = true}
          %dma_wait3A_214 = arith.constant 0 : i32
          %dma_wait3A_215 = tpu.memref_slice %arg5[%add3A_205, %run_scoped3A_206, %dma_wait3A_214] : memref<60x2x128xi32, #tpu.memory_space<vmem>> -> memref<1x1x128xi32, #tpu.memory_space<vmem>>
          %dma_wait3A_216 = tpu.memref_squeeze %dma_wait3A_215 : memref<1x1x128xi32, #tpu.memory_space<vmem>> -> memref<128xi32, #tpu.memory_space<vmem>>
          %dma_wait3A_217 = arith.constant 0 : i32
          %dma_wait3A_218 = arith.constant 0 : i32
          %dma_wait3A_219 = tpu.memref_slice %arg8[%dma_wait3A_217, %dma_wait3A_218] : memref<10240x128xf32, #tpu.memory_space<vmem_shared>> -> memref<10240x128xf32, #tpu.memory_space<vmem_shared>>
          tpu.wait_indirect_dma semaphore(%run_scoped3A_207 : memref<!tpu.dma_semaphore, #tpu.memory_space<semaphore_mem>>) src(%arg7 : memref<128x128xf32, #tpu.memory_space<vmem>>) dst(%dma_wait3A_219 : memref<10240x128xf32, #tpu.memory_space<vmem_shared>>)
          tpu.yield
        }) : () -> ()
      }
      %scan3A_49 = arith.constant 29 : i32
      %dma_start3A_50 = arith.constant 59 : i32
      %dma_start3A_51 = arith.constant 0 : i32
      %dma_start3A_52 = arith.constant 0 : i32
      %dma_start3A_53 = tpu.memref_slice %arg5[%dma_start3A_50, %dma_start3A_51, %dma_start3A_52] : memref<60x2x128xi32, #tpu.memory_space<vmem>> -> memref<1x1x128xi32, #tpu.memory_space<vmem>>
      %dma_start3A_54 = tpu.memref_squeeze %dma_start3A_53 : memref<1x1x128xi32, #tpu.memory_space<vmem>> -> memref<128xi32, #tpu.memory_space<vmem>>
      %dma_start3A_55 = arith.constant 0 : i32
      %dma_start3A_56 = arith.constant 0 : i32
      %dma_start3A_57 = tpu.memref_slice %arg2[%dma_start3A_55, %dma_start3A_56] : memref<10240x128xf32, #tpu.memory_space<hbm>> -> memref<10240x128xf32, #tpu.memory_space<hbm>>
      tpu.enqueue_indirect_dma source(%dma_start3A_57 : memref<10240x128xf32, #tpu.memory_space<hbm>>) target(%arg7 : memref<128x128xf32, #tpu.memory_space<vmem>>) offsets(%dma_start3A_54 : memref<128xi32, #tpu.memory_space<vmem>>) semaphore(%arg10 : memref<!tpu.dma_semaphore, #tpu.memory_space<semaphore_mem>>)
      %dma_wait3A = arith.constant 58 : i32
      %dma_wait3A_58 = arith.constant 0 : i32
      %dma_wait3A_59 = arith.constant 0 : i32
      %dma_wait3A_60 = tpu.memref_slice %arg5[%dma_wait3A, %dma_wait3A_58, %dma_wait3A_59] : memref<60x2x128xi32, #tpu.memory_space<vmem>> -> memref<1x1x128xi32, #tpu.memory_space<vmem>>
      %dma_wait3A_61 = tpu.memref_squeeze %dma_wait3A_60 : memref<1x1x128xi32, #tpu.memory_space<vmem>> -> memref<128xi32, #tpu.memory_space<vmem>>
      %dma_wait3A_62 = arith.constant 0 : i32
      %dma_wait3A_63 = arith.constant 0 : i32
      %dma_wait3A_64 = tpu.memref_slice %arg2[%dma_wait3A_62, %dma_wait3A_63] : memref<10240x128xf32, #tpu.memory_space<hbm>> -> memref<10240x128xf32, #tpu.memory_space<hbm>>
      tpu.wait_indirect_dma semaphore(%arg9 : memref<!tpu.dma_semaphore, #tpu.memory_space<semaphore_mem>>) src(%dma_wait3A_64 : memref<10240x128xf32, #tpu.memory_space<hbm>>) dst(%arg6 : memref<128x128xf32, #tpu.memory_space<vmem>>)
      %run_scoped3A = arith.constant 58 : i32
      %run_scoped3A_65 = arith.constant 1 : i32
      "tpu.region"() ({
        %run_scoped3A_162 = tpu.sem_alloc : memref<!tpu.dma_semaphore, #tpu.memory_space<semaphore_mem>>
        %dma_start3A_163 = arith.constant 0 : i32
        %dma_start3A_164 = tpu.memref_slice %arg5[%run_scoped3A, %run_scoped3A_65, %dma_start3A_163] : memref<60x2x128xi32, #tpu.memory_space<vmem>> -> memref<1x1x128xi32, #tpu.memory_space<vmem>>
        %dma_start3A_165 = tpu.memref_squeeze %dma_start3A_164 : memref<1x1x128xi32, #tpu.memory_space<vmem>> -> memref<128xi32, #tpu.memory_space<vmem>>
        %dma_start3A_166 = arith.constant 0 : i32
        %dma_start3A_167 = arith.constant 0 : i32
        %dma_start3A_168 = tpu.memref_slice %arg8[%dma_start3A_166, %dma_start3A_167] : memref<10240x128xf32, #tpu.memory_space<vmem_shared>> -> memref<10240x128xf32, #tpu.memory_space<vmem_shared>>
        tpu.enqueue_indirect_dma source(%arg6 : memref<128x128xf32, #tpu.memory_space<vmem>>) target(%dma_start3A_168 : memref<10240x128xf32, #tpu.memory_space<vmem_shared>>) offsets(%dma_start3A_165 : memref<128xi32, #tpu.memory_space<vmem>>) semaphore(%run_scoped3A_162 : memref<!tpu.dma_semaphore, #tpu.memory_space<semaphore_mem>>) {add = true}
        %dma_wait3A_169 = arith.constant 0 : i32
        %dma_wait3A_170 = tpu.memref_slice %arg5[%run_scoped3A, %run_scoped3A_65, %dma_wait3A_169] : memref<60x2x128xi32, #tpu.memory_space<vmem>> -> memref<1x1x128xi32, #tpu.memory_space<vmem>>
        %dma_wait3A_171 = tpu.memref_squeeze %dma_wait3A_170 : memref<1x1x128xi32, #tpu.memory_space<vmem>> -> memref<128xi32, #tpu.memory_space<vmem>>
        %dma_wait3A_172 = arith.constant 0 : i32
        %dma_wait3A_173 = arith.constant 0 : i32
        %dma_wait3A_174 = tpu.memref_slice %arg8[%dma_wait3A_172, %dma_wait3A_173] : memref<10240x128xf32, #tpu.memory_space<vmem_shared>> -> memref<10240x128xf32, #tpu.memory_space<vmem_shared>>
        tpu.wait_indirect_dma semaphore(%run_scoped3A_162 : memref<!tpu.dma_semaphore, #tpu.memory_space<semaphore_mem>>) src(%arg6 : memref<128x128xf32, #tpu.memory_space<vmem>>) dst(%dma_wait3A_174 : memref<10240x128xf32, #tpu.memory_space<vmem_shared>>)
        tpu.yield
      }) : () -> ()
      %dma_wait3A_66 = arith.constant 59 : i32
      %dma_wait3A_67 = arith.constant 0 : i32
      %dma_wait3A_68 = arith.constant 0 : i32
      %dma_wait3A_69 = tpu.memref_slice %arg5[%dma_wait3A_66, %dma_wait3A_67, %dma_wait3A_68] : memref<60x2x128xi32, #tpu.memory_space<vmem>> -> memref<1x1x128xi32, #tpu.memory_space<vmem>>
      %dma_wait3A_70 = tpu.memref_squeeze %dma_wait3A_69 : memref<1x1x128xi32, #tpu.memory_space<vmem>> -> memref<128xi32, #tpu.memory_space<vmem>>
      %dma_wait3A_71 = arith.constant 0 : i32
      %dma_wait3A_72 = arith.constant 0 : i32
      %dma_wait3A_73 = tpu.memref_slice %arg2[%dma_wait3A_71, %dma_wait3A_72] : memref<10240x128xf32, #tpu.memory_space<hbm>> -> memref<10240x128xf32, #tpu.memory_space<hbm>>
      tpu.wait_indirect_dma semaphore(%arg10 : memref<!tpu.dma_semaphore, #tpu.memory_space<semaphore_mem>>) src(%dma_wait3A_73 : memref<10240x128xf32, #tpu.memory_space<hbm>>) dst(%arg7 : memref<128x128xf32, #tpu.memory_space<vmem>>)
      %run_scoped3A_74 = arith.constant 59 : i32
      %run_scoped3A_75 = arith.constant 1 : i32
      "tpu.region"() ({
        %run_scoped3A_162 = tpu.sem_alloc : memref<!tpu.dma_semaphore, #tpu.memory_space<semaphore_mem>>
        %dma_start3A_163 = arith.constant 0 : i32
        %dma_start3A_164 = tpu.memref_slice %arg5[%run_scoped3A_74, %run_scoped3A_75, %dma_start3A_163] : memref<60x2x128xi32, #tpu.memory_space<vmem>> -> memref<1x1x128xi32, #tpu.memory_space<vmem>>
        %dma_start3A_165 = tpu.memref_squeeze %dma_start3A_164 : memref<1x1x128xi32, #tpu.memory_space<vmem>> -> memref<128xi32, #tpu.memory_space<vmem>>
        %dma_start3A_166 = arith.constant 0 : i32
        %dma_start3A_167 = arith.constant 0 : i32
        %dma_start3A_168 = tpu.memref_slice %arg8[%dma_start3A_166, %dma_start3A_167] : memref<10240x128xf32, #tpu.memory_space<vmem_shared>> -> memref<10240x128xf32, #tpu.memory_space<vmem_shared>>
        tpu.enqueue_indirect_dma source(%arg7 : memref<128x128xf32, #tpu.memory_space<vmem>>) target(%dma_start3A_168 : memref<10240x128xf32, #tpu.memory_space<vmem_shared>>) offsets(%dma_start3A_165 : memref<128xi32, #tpu.memory_space<vmem>>) semaphore(%run_scoped3A_162 : memref<!tpu.dma_semaphore, #tpu.memory_space<semaphore_mem>>) {add = true}
        %dma_wait3A_169 = arith.constant 0 : i32
        %dma_wait3A_170 = tpu.memref_slice %arg5[%run_scoped3A_74, %run_scoped3A_75, %dma_wait3A_169] : memref<60x2x128xi32, #tpu.memory_space<vmem>> -> memref<1x1x128xi32, #tpu.memory_space<vmem>>
        %dma_wait3A_171 = tpu.memref_squeeze %dma_wait3A_170 : memref<1x1x128xi32, #tpu.memory_space<vmem>> -> memref<128xi32, #tpu.memory_space<vmem>>
        %dma_wait3A_172 = arith.constant 0 : i32
        %dma_wait3A_173 = arith.constant 0 : i32
        %dma_wait3A_174 = tpu.memref_slice %arg8[%dma_wait3A_172, %dma_wait3A_173] : memref<10240x128xf32, #tpu.memory_space<vmem_shared>> -> memref<10240x128xf32, #tpu.memory_space<vmem_shared>>
        tpu.wait_indirect_dma semaphore(%run_scoped3A_162 : memref<!tpu.dma_semaphore, #tpu.memory_space<semaphore_mem>>) src(%arg7 : memref<128x128xf32, #tpu.memory_space<vmem>>) dst(%dma_wait3A_174 : memref<10240x128xf32, #tpu.memory_space<vmem_shared>>)
        tpu.yield
      }) : () -> ()
      %add3A_76 = arith.constant 60 : i32
      %add3A_77 = arith.addi %mul3A_35, %add3A_76 : i32
      "tpu.region"() ({
        %run_scoped3A_162 = tpu.sem_alloc : memref<!tpu.dma_semaphore, #tpu.memory_space<semaphore_mem>>
        %dma_start3A_163 = arith.constant 0 : i32
        %dma_start3A_164 = arith.constant 0 : i32
        %dma_start3A_165 = arith.constant 0 : i32
        %dma_start3A_166 = tpu.memref_slice %arg5[%dma_start3A_163, %dma_start3A_164, %dma_start3A_165] : memref<60x2x128xi32, #tpu.memory_space<vmem>> -> memref<60x2x128xi32, #tpu.memory_space<vmem>>
        %dma_start3A_167 = arith.constant 0 : i32
        %dma_start3A_168 = arith.constant 0 : i32
        %dma_start3A_169 = tpu.memref_slice %arg3[%add3A_77, %dma_start3A_167, %dma_start3A_168] : memref<2528x2x128xi32, #tpu.memory_space<hbm>> -> memref<60x2x128xi32, #tpu.memory_space<hbm>>
        %dma_start3A_170 = arith.constant 0 : i32
        %dma_start3A_171 = arith.constant 0 : i32
        %dma_start3A_172 = arith.constant 0 : i32
        %dma_start3A_173 = tpu.memref_slice %arg5[%dma_start3A_170, %dma_start3A_171, %dma_start3A_172] : memref<60x2x128xi32, #tpu.memory_space<vmem>> -> memref<60x2x128xi32, #tpu.memory_space<vmem>>
        %dma_start3A_174 = arith.constant 0 : i32
        %dma_start3A_175 = arith.constant 0 : i32
        %dma_start3A_176 = tpu.memref_slice %arg3[%add3A_77, %dma_start3A_174, %dma_start3A_175] : memref<2528x2x128xi32, #tpu.memory_space<hbm>> -> memref<60x2x128xi32, #tpu.memory_space<hbm>>
        tpu.enqueue_dma source(%dma_start3A_176 : memref<60x2x128xi32, #tpu.memory_space<hbm>>) target(%dma_start3A_173 : memref<60x2x128xi32, #tpu.memory_space<vmem>>) target_semaphore(%run_scoped3A_162 : memref<!tpu.dma_semaphore, #tpu.memory_space<semaphore_mem>>)
        %dma_wait3A_177 = arith.constant 0 : i32
        %dma_wait3A_178 = arith.constant 0 : i32
        %dma_wait3A_179 = arith.constant 0 : i32
        %dma_wait3A_180 = tpu.memref_slice %arg5[%dma_wait3A_177, %dma_wait3A_178, %dma_wait3A_179] : memref<60x2x128xi32, #tpu.memory_space<vmem>> -> memref<60x2x128xi32, #tpu.memory_space<vmem>>
        %dma_wait3A_181 = arith.constant 0 : i32
        %dma_wait3A_182 = arith.constant 0 : i32
        %dma_wait3A_183 = tpu.memref_slice %arg3[%add3A_77, %dma_wait3A_181, %dma_wait3A_182] : memref<2528x2x128xi32, #tpu.memory_space<hbm>> -> memref<60x2x128xi32, #tpu.memory_space<hbm>>
        %dma_wait3A_184 = arith.constant 0 : i32
        %dma_wait3A_185 = arith.constant 0 : i32
        %dma_wait3A_186 = arith.constant 0 : i32
        %dma_wait3A_187 = tpu.memref_slice %arg5[%dma_wait3A_184, %dma_wait3A_185, %dma_wait3A_186] : memref<60x2x128xi32, #tpu.memory_space<vmem>> -> memref<60x2x128xi32, #tpu.memory_space<vmem>>
        %dma_wait3A_188 = arith.constant 0 : i32
        %dma_wait3A_189 = arith.constant 0 : i32
        %dma_wait3A_190 = tpu.memref_slice %arg3[%add3A_77, %dma_wait3A_188, %dma_wait3A_189] : memref<2528x2x128xi32, #tpu.memory_space<hbm>> -> memref<60x2x128xi32, #tpu.memory_space<hbm>>
        tpu.wait_dma2 semaphore(%run_scoped3A_162 : memref<!tpu.dma_semaphore, #tpu.memory_space<semaphore_mem>>) src(%dma_wait3A_190 : memref<60x2x128xi32, #tpu.memory_space<hbm>>) dst(%dma_wait3A_187 : memref<60x2x128xi32, #tpu.memory_space<vmem>>)
        tpu.yield
      }) : () -> ()
      %dma_start3A_78 = arith.constant 0 : i32
      %dma_start3A_79 = arith.constant 0 : i32
      %dma_start3A_80 = arith.constant 0 : i32
      %dma_start3A_81 = tpu.memref_slice %arg5[%dma_start3A_78, %dma_start3A_79, %dma_start3A_80] : memref<60x2x128xi32, #tpu.memory_space<vmem>> -> memref<1x1x128xi32, #tpu.memory_space<vmem>>
      %dma_start3A_82 = tpu.memref_squeeze %dma_start3A_81 : memref<1x1x128xi32, #tpu.memory_space<vmem>> -> memref<128xi32, #tpu.memory_space<vmem>>
      %dma_start3A_83 = arith.constant 0 : i32
      %dma_start3A_84 = arith.constant 0 : i32
      %dma_start3A_85 = tpu.memref_slice %arg2[%dma_start3A_83, %dma_start3A_84] : memref<10240x128xf32, #tpu.memory_space<hbm>> -> memref<10240x128xf32, #tpu.memory_space<hbm>>
      tpu.enqueue_indirect_dma source(%dma_start3A_85 : memref<10240x128xf32, #tpu.memory_space<hbm>>) target(%arg6 : memref<128x128xf32, #tpu.memory_space<vmem>>) offsets(%dma_start3A_82 : memref<128xi32, #tpu.memory_space<vmem>>) semaphore(%arg9 : memref<!tpu.dma_semaphore, #tpu.memory_space<semaphore_mem>>)
      %scan3A_86 = arith.constant 0 : i32
      %scan3A_87 = arith.constant 29 : i32
      %scan3A_88 = arith.addi %scan3A_86, %scan3A_87 : i32
      %scan3A_89 = arith.constant 1 : i32
      scf.for %scan3A_162 = %scan3A_86 to %scan3A_88 step %scan3A_89  : i32 {
        %mul3A_163 = arith.constant 1 : i32
        %mul3A_164 = arith.muli %scan3A_162, %mul3A_163 : i32
        %add3A_165 = arith.constant 0 : i32
        %add3A_166 = arith.addi %add3A_165, %mul3A_164 : i32
        %mul3A_167 = arith.constant 2 : i32
        %mul3A_168 = arith.muli %mul3A_167, %add3A_166 : i32
        %add3A_169 = arith.constant 1 : i32
        %add3A_170 = arith.addi %mul3A_168, %add3A_169 : i32
        %dma_start3A_171 = arith.constant 0 : i32
        %dma_start3A_172 = arith.constant 0 : i32
        %dma_start3A_173 = tpu.memref_slice %arg5[%add3A_170, %dma_start3A_171, %dma_start3A_172] : memref<60x2x128xi32, #tpu.memory_space<vmem>> -> memref<1x1x128xi32, #tpu.memory_space<vmem>>
        %dma_start3A_174 = tpu.memref_squeeze %dma_start3A_173 : memref<1x1x128xi32, #tpu.memory_space<vmem>> -> memref<128xi32, #tpu.memory_space<vmem>>
        %dma_start3A_175 = arith.constant 0 : i32
        %dma_start3A_176 = arith.constant 0 : i32
        %dma_start3A_177 = tpu.memref_slice %arg2[%dma_start3A_175, %dma_start3A_176] : memref<10240x128xf32, #tpu.memory_space<hbm>> -> memref<10240x128xf32, #tpu.memory_space<hbm>>
        tpu.enqueue_indirect_dma source(%dma_start3A_177 : memref<10240x128xf32, #tpu.memory_space<hbm>>) target(%arg7 : memref<128x128xf32, #tpu.memory_space<vmem>>) offsets(%dma_start3A_174 : memref<128xi32, #tpu.memory_space<vmem>>) semaphore(%arg10 : memref<!tpu.dma_semaphore, #tpu.memory_space<semaphore_mem>>)
        %dma_wait3A_178 = arith.constant 0 : i32
        %dma_wait3A_179 = arith.constant 0 : i32
        %dma_wait3A_180 = tpu.memref_slice %arg5[%mul3A_168, %dma_wait3A_178, %dma_wait3A_179] : memref<60x2x128xi32, #tpu.memory_space<vmem>> -> memref<1x1x128xi32, #tpu.memory_space<vmem>>
        %dma_wait3A_181 = tpu.memref_squeeze %dma_wait3A_180 : memref<1x1x128xi32, #tpu.memory_space<vmem>> -> memref<128xi32, #tpu.memory_space<vmem>>
        %dma_wait3A_182 = arith.constant 0 : i32
        %dma_wait3A_183 = arith.constant 0 : i32
        %dma_wait3A_184 = tpu.memref_slice %arg2[%dma_wait3A_182, %dma_wait3A_183] : memref<10240x128xf32, #tpu.memory_space<hbm>> -> memref<10240x128xf32, #tpu.memory_space<hbm>>
        tpu.wait_indirect_dma semaphore(%arg9 : memref<!tpu.dma_semaphore, #tpu.memory_space<semaphore_mem>>) src(%dma_wait3A_184 : memref<10240x128xf32, #tpu.memory_space<hbm>>) dst(%arg6 : memref<128x128xf32, #tpu.memory_space<vmem>>)
        %run_scoped3A_185 = arith.constant 1 : i32
        "tpu.region"() ({
          %run_scoped3A_207 = tpu.sem_alloc : memref<!tpu.dma_semaphore, #tpu.memory_space<semaphore_mem>>
          %dma_start3A_208 = arith.constant 0 : i32
          %dma_start3A_209 = tpu.memref_slice %arg5[%mul3A_168, %run_scoped3A_185, %dma_start3A_208] : memref<60x2x128xi32, #tpu.memory_space<vmem>> -> memref<1x1x128xi32, #tpu.memory_space<vmem>>
          %dma_start3A_210 = tpu.memref_squeeze %dma_start3A_209 : memref<1x1x128xi32, #tpu.memory_space<vmem>> -> memref<128xi32, #tpu.memory_space<vmem>>
          %dma_start3A_211 = arith.constant 0 : i32
          %dma_start3A_212 = arith.constant 0 : i32
          %dma_start3A_213 = tpu.memref_slice %arg8[%dma_start3A_211, %dma_start3A_212] : memref<10240x128xf32, #tpu.memory_space<vmem_shared>> -> memref<10240x128xf32, #tpu.memory_space<vmem_shared>>
          tpu.enqueue_indirect_dma source(%arg6 : memref<128x128xf32, #tpu.memory_space<vmem>>) target(%dma_start3A_213 : memref<10240x128xf32, #tpu.memory_space<vmem_shared>>) offsets(%dma_start3A_210 : memref<128xi32, #tpu.memory_space<vmem>>) semaphore(%run_scoped3A_207 : memref<!tpu.dma_semaphore, #tpu.memory_space<semaphore_mem>>) {add = true}
          %dma_wait3A_214 = arith.constant 0 : i32
          %dma_wait3A_215 = tpu.memref_slice %arg5[%mul3A_168, %run_scoped3A_185, %dma_wait3A_214] : memref<60x2x128xi32, #tpu.memory_space<vmem>> -> memref<1x1x128xi32, #tpu.memory_space<vmem>>
          %dma_wait3A_216 = tpu.memref_squeeze %dma_wait3A_215 : memref<1x1x128xi32, #tpu.memory_space<vmem>> -> memref<128xi32, #tpu.memory_space<vmem>>
          %dma_wait3A_217 = arith.constant 0 : i32
          %dma_wait3A_218 = arith.constant 0 : i32
          %dma_wait3A_219 = tpu.memref_slice %arg8[%dma_wait3A_217, %dma_wait3A_218] : memref<10240x128xf32, #tpu.memory_space<vmem_shared>> -> memref<10240x128xf32, #tpu.memory_space<vmem_shared>>
          tpu.wait_indirect_dma semaphore(%run_scoped3A_207 : memref<!tpu.dma_semaphore, #tpu.memory_space<semaphore_mem>>) src(%arg6 : memref<128x128xf32, #tpu.memory_space<vmem>>) dst(%dma_wait3A_219 : memref<10240x128xf32, #tpu.memory_space<vmem_shared>>)
          tpu.yield
        }) : () -> ()
        %add3A_186 = arith.constant 2 : i32
        %add3A_187 = arith.addi %mul3A_168, %add3A_186 : i32
        %dma_start3A_188 = arith.constant 0 : i32
        %dma_start3A_189 = arith.constant 0 : i32
        %dma_start3A_190 = tpu.memref_slice %arg5[%add3A_187, %dma_start3A_188, %dma_start3A_189] : memref<60x2x128xi32, #tpu.memory_space<vmem>> -> memref<1x1x128xi32, #tpu.memory_space<vmem>>
        %dma_start3A_191 = tpu.memref_squeeze %dma_start3A_190 : memref<1x1x128xi32, #tpu.memory_space<vmem>> -> memref<128xi32, #tpu.memory_space<vmem>>
        %dma_start3A_192 = arith.constant 0 : i32
        %dma_start3A_193 = arith.constant 0 : i32
        %dma_start3A_194 = tpu.memref_slice %arg2[%dma_start3A_192, %dma_start3A_193] : memref<10240x128xf32, #tpu.memory_space<hbm>> -> memref<10240x128xf32, #tpu.memory_space<hbm>>
        tpu.enqueue_indirect_dma source(%dma_start3A_194 : memref<10240x128xf32, #tpu.memory_space<hbm>>) target(%arg6 : memref<128x128xf32, #tpu.memory_space<vmem>>) offsets(%dma_start3A_191 : memref<128xi32, #tpu.memory_space<vmem>>) semaphore(%arg9 : memref<!tpu.dma_semaphore, #tpu.memory_space<semaphore_mem>>)
        %add3A_195 = arith.constant 1 : i32
        %add3A_196 = arith.addi %mul3A_168, %add3A_195 : i32
        %dma_wait3A_197 = arith.constant 0 : i32
        %dma_wait3A_198 = arith.constant 0 : i32
        %dma_wait3A_199 = tpu.memref_slice %arg5[%add3A_196, %dma_wait3A_197, %dma_wait3A_198] : memref<60x2x128xi32, #tpu.memory_space<vmem>> -> memref<1x1x128xi32, #tpu.memory_space<vmem>>
        %dma_wait3A_200 = tpu.memref_squeeze %dma_wait3A_199 : memref<1x1x128xi32, #tpu.memory_space<vmem>> -> memref<128xi32, #tpu.memory_space<vmem>>
        %dma_wait3A_201 = arith.constant 0 : i32
        %dma_wait3A_202 = arith.constant 0 : i32
        %dma_wait3A_203 = tpu.memref_slice %arg2[%dma_wait3A_201, %dma_wait3A_202] : memref<10240x128xf32, #tpu.memory_space<hbm>> -> memref<10240x128xf32, #tpu.memory_space<hbm>>
        tpu.wait_indirect_dma semaphore(%arg10 : memref<!tpu.dma_semaphore, #tpu.memory_space<semaphore_mem>>) src(%dma_wait3A_203 : memref<10240x128xf32, #tpu.memory_space<hbm>>) dst(%arg7 : memref<128x128xf32, #tpu.memory_space<vmem>>)
        %add3A_204 = arith.constant 1 : i32
        %add3A_205 = arith.addi %mul3A_168, %add3A_204 : i32
        %run_scoped3A_206 = arith.constant 1 : i32
        "tpu.region"() ({
          %run_scoped3A_207 = tpu.sem_alloc : memref<!tpu.dma_semaphore, #tpu.memory_space<semaphore_mem>>
          %dma_start3A_208 = arith.constant 0 : i32
          %dma_start3A_209 = tpu.memref_slice %arg5[%add3A_205, %run_scoped3A_206, %dma_start3A_208] : memref<60x2x128xi32, #tpu.memory_space<vmem>> -> memref<1x1x128xi32, #tpu.memory_space<vmem>>
          %dma_start3A_210 = tpu.memref_squeeze %dma_start3A_209 : memref<1x1x128xi32, #tpu.memory_space<vmem>> -> memref<128xi32, #tpu.memory_space<vmem>>
          %dma_start3A_211 = arith.constant 0 : i32
          %dma_start3A_212 = arith.constant 0 : i32
          %dma_start3A_213 = tpu.memref_slice %arg8[%dma_start3A_211, %dma_start3A_212] : memref<10240x128xf32, #tpu.memory_space<vmem_shared>> -> memref<10240x128xf32, #tpu.memory_space<vmem_shared>>
          tpu.enqueue_indirect_dma source(%arg7 : memref<128x128xf32, #tpu.memory_space<vmem>>) target(%dma_start3A_213 : memref<10240x128xf32, #tpu.memory_space<vmem_shared>>) offsets(%dma_start3A_210 : memref<128xi32, #tpu.memory_space<vmem>>) semaphore(%run_scoped3A_207 : memref<!tpu.dma_semaphore, #tpu.memory_space<semaphore_mem>>) {add = true}
          %dma_wait3A_214 = arith.constant 0 : i32
          %dma_wait3A_215 = tpu.memref_slice %arg5[%add3A_205, %run_scoped3A_206, %dma_wait3A_214] : memref<60x2x128xi32, #tpu.memory_space<vmem>> -> memref<1x1x128xi32, #tpu.memory_space<vmem>>
          %dma_wait3A_216 = tpu.memref_squeeze %dma_wait3A_215 : memref<1x1x128xi32, #tpu.memory_space<vmem>> -> memref<128xi32, #tpu.memory_space<vmem>>
          %dma_wait3A_217 = arith.constant 0 : i32
          %dma_wait3A_218 = arith.constant 0 : i32
          %dma_wait3A_219 = tpu.memref_slice %arg8[%dma_wait3A_217, %dma_wait3A_218] : memref<10240x128xf32, #tpu.memory_space<vmem_shared>> -> memref<10240x128xf32, #tpu.memory_space<vmem_shared>>
          tpu.wait_indirect_dma semaphore(%run_scoped3A_207 : memref<!tpu.dma_semaphore, #tpu.memory_space<semaphore_mem>>) src(%arg7 : memref<128x128xf32, #tpu.memory_space<vmem>>) dst(%dma_wait3A_219 : memref<10240x128xf32, #tpu.memory_space<vmem_shared>>)
          tpu.yield
        }) : () -> ()
      }
      %scan3A_90 = arith.constant 29 : i32
      %dma_start3A_91 = arith.constant 59 : i32
      %dma_start3A_92 = arith.constant 0 : i32
      %dma_start3A_93 = arith.constant 0 : i32
      %dma_start3A_94 = tpu.memref_slice %arg5[%dma_start3A_91, %dma_start3A_92, %dma_start3A_93] : memref<60x2x128xi32, #tpu.memory_space<vmem>> -> memref<1x1x128xi32, #tpu.memory_space<vmem>>
      %dma_start3A_95 = tpu.memref_squeeze %dma_start3A_94 : memref<1x1x128xi32, #tpu.memory_space<vmem>> -> memref<128xi32, #tpu.memory_space<vmem>>
      %dma_start3A_96 = arith.constant 0 : i32
      %dma_start3A_97 = arith.constant 0 : i32
      %dma_start3A_98 = tpu.memref_slice %arg2[%dma_start3A_96, %dma_start3A_97] : memref<10240x128xf32, #tpu.memory_space<hbm>> -> memref<10240x128xf32, #tpu.memory_space<hbm>>
      tpu.enqueue_indirect_dma source(%dma_start3A_98 : memref<10240x128xf32, #tpu.memory_space<hbm>>) target(%arg7 : memref<128x128xf32, #tpu.memory_space<vmem>>) offsets(%dma_start3A_95 : memref<128xi32, #tpu.memory_space<vmem>>) semaphore(%arg10 : memref<!tpu.dma_semaphore, #tpu.memory_space<semaphore_mem>>)
      %dma_wait3A_99 = arith.constant 58 : i32
      %dma_wait3A_100 = arith.constant 0 : i32
      %dma_wait3A_101 = arith.constant 0 : i32
      %dma_wait3A_102 = tpu.memref_slice %arg5[%dma_wait3A_99, %dma_wait3A_100, %dma_wait3A_101] : memref<60x2x128xi32, #tpu.memory_space<vmem>> -> memref<1x1x128xi32, #tpu.memory_space<vmem>>
      %dma_wait3A_103 = tpu.memref_squeeze %dma_wait3A_102 : memref<1x1x128xi32, #tpu.memory_space<vmem>> -> memref<128xi32, #tpu.memory_space<vmem>>
      %dma_wait3A_104 = arith.constant 0 : i32
      %dma_wait3A_105 = arith.constant 0 : i32
      %dma_wait3A_106 = tpu.memref_slice %arg2[%dma_wait3A_104, %dma_wait3A_105] : memref<10240x128xf32, #tpu.memory_space<hbm>> -> memref<10240x128xf32, #tpu.memory_space<hbm>>
      tpu.wait_indirect_dma semaphore(%arg9 : memref<!tpu.dma_semaphore, #tpu.memory_space<semaphore_mem>>) src(%dma_wait3A_106 : memref<10240x128xf32, #tpu.memory_space<hbm>>) dst(%arg6 : memref<128x128xf32, #tpu.memory_space<vmem>>)
      %run_scoped3A_107 = arith.constant 58 : i32
      %run_scoped3A_108 = arith.constant 1 : i32
      "tpu.region"() ({
        %run_scoped3A_162 = tpu.sem_alloc : memref<!tpu.dma_semaphore, #tpu.memory_space<semaphore_mem>>
        %dma_start3A_163 = arith.constant 0 : i32
        %dma_start3A_164 = tpu.memref_slice %arg5[%run_scoped3A_107, %run_scoped3A_108, %dma_start3A_163] : memref<60x2x128xi32, #tpu.memory_space<vmem>> -> memref<1x1x128xi32, #tpu.memory_space<vmem>>
        %dma_start3A_165 = tpu.memref_squeeze %dma_start3A_164 : memref<1x1x128xi32, #tpu.memory_space<vmem>> -> memref<128xi32, #tpu.memory_space<vmem>>
        %dma_start3A_166 = arith.constant 0 : i32
        %dma_start3A_167 = arith.constant 0 : i32
        %dma_start3A_168 = tpu.memref_slice %arg8[%dma_start3A_166, %dma_start3A_167] : memref<10240x128xf32, #tpu.memory_space<vmem_shared>> -> memref<10240x128xf32, #tpu.memory_space<vmem_shared>>
        tpu.enqueue_indirect_dma source(%arg6 : memref<128x128xf32, #tpu.memory_space<vmem>>) target(%dma_start3A_168 : memref<10240x128xf32, #tpu.memory_space<vmem_shared>>) offsets(%dma_start3A_165 : memref<128xi32, #tpu.memory_space<vmem>>) semaphore(%run_scoped3A_162 : memref<!tpu.dma_semaphore, #tpu.memory_space<semaphore_mem>>) {add = true}
        %dma_wait3A_169 = arith.constant 0 : i32
        %dma_wait3A_170 = tpu.memref_slice %arg5[%run_scoped3A_107, %run_scoped3A_108, %dma_wait3A_169] : memref<60x2x128xi32, #tpu.memory_space<vmem>> -> memref<1x1x128xi32, #tpu.memory_space<vmem>>
        %dma_wait3A_171 = tpu.memref_squeeze %dma_wait3A_170 : memref<1x1x128xi32, #tpu.memory_space<vmem>> -> memref<128xi32, #tpu.memory_space<vmem>>
        %dma_wait3A_172 = arith.constant 0 : i32
        %dma_wait3A_173 = arith.constant 0 : i32
        %dma_wait3A_174 = tpu.memref_slice %arg8[%dma_wait3A_172, %dma_wait3A_173] : memref<10240x128xf32, #tpu.memory_space<vmem_shared>> -> memref<10240x128xf32, #tpu.memory_space<vmem_shared>>
        tpu.wait_indirect_dma semaphore(%run_scoped3A_162 : memref<!tpu.dma_semaphore, #tpu.memory_space<semaphore_mem>>) src(%arg6 : memref<128x128xf32, #tpu.memory_space<vmem>>) dst(%dma_wait3A_174 : memref<10240x128xf32, #tpu.memory_space<vmem_shared>>)
        tpu.yield
      }) : () -> ()
      %dma_wait3A_109 = arith.constant 59 : i32
      %dma_wait3A_110 = arith.constant 0 : i32
      %dma_wait3A_111 = arith.constant 0 : i32
      %dma_wait3A_112 = tpu.memref_slice %arg5[%dma_wait3A_109, %dma_wait3A_110, %dma_wait3A_111] : memref<60x2x128xi32, #tpu.memory_space<vmem>> -> memref<1x1x128xi32, #tpu.memory_space<vmem>>
      %dma_wait3A_113 = tpu.memref_squeeze %dma_wait3A_112 : memref<1x1x128xi32, #tpu.memory_space<vmem>> -> memref<128xi32, #tpu.memory_space<vmem>>
      %dma_wait3A_114 = arith.constant 0 : i32
      %dma_wait3A_115 = arith.constant 0 : i32
      %dma_wait3A_116 = tpu.memref_slice %arg2[%dma_wait3A_114, %dma_wait3A_115] : memref<10240x128xf32, #tpu.memory_space<hbm>> -> memref<10240x128xf32, #tpu.memory_space<hbm>>
      tpu.wait_indirect_dma semaphore(%arg10 : memref<!tpu.dma_semaphore, #tpu.memory_space<semaphore_mem>>) src(%dma_wait3A_116 : memref<10240x128xf32, #tpu.memory_space<hbm>>) dst(%arg7 : memref<128x128xf32, #tpu.memory_space<vmem>>)
      %run_scoped3A_117 = arith.constant 59 : i32
      %run_scoped3A_118 = arith.constant 1 : i32
      "tpu.region"() ({
        %run_scoped3A_162 = tpu.sem_alloc : memref<!tpu.dma_semaphore, #tpu.memory_space<semaphore_mem>>
        %dma_start3A_163 = arith.constant 0 : i32
        %dma_start3A_164 = tpu.memref_slice %arg5[%run_scoped3A_117, %run_scoped3A_118, %dma_start3A_163] : memref<60x2x128xi32, #tpu.memory_space<vmem>> -> memref<1x1x128xi32, #tpu.memory_space<vmem>>
        %dma_start3A_165 = tpu.memref_squeeze %dma_start3A_164 : memref<1x1x128xi32, #tpu.memory_space<vmem>> -> memref<128xi32, #tpu.memory_space<vmem>>
        %dma_start3A_166 = arith.constant 0 : i32
        %dma_start3A_167 = arith.constant 0 : i32
        %dma_start3A_168 = tpu.memref_slice %arg8[%dma_start3A_166, %dma_start3A_167] : memref<10240x128xf32, #tpu.memory_space<vmem_shared>> -> memref<10240x128xf32, #tpu.memory_space<vmem_shared>>
        tpu.enqueue_indirect_dma source(%arg7 : memref<128x128xf32, #tpu.memory_space<vmem>>) target(%dma_start3A_168 : memref<10240x128xf32, #tpu.memory_space<vmem_shared>>) offsets(%dma_start3A_165 : memref<128xi32, #tpu.memory_space<vmem>>) semaphore(%run_scoped3A_162 : memref<!tpu.dma_semaphore, #tpu.memory_space<semaphore_mem>>) {add = true}
        %dma_wait3A_169 = arith.constant 0 : i32
        %dma_wait3A_170 = tpu.memref_slice %arg5[%run_scoped3A_117, %run_scoped3A_118, %dma_wait3A_169] : memref<60x2x128xi32, #tpu.memory_space<vmem>> -> memref<1x1x128xi32, #tpu.memory_space<vmem>>
        %dma_wait3A_171 = tpu.memref_squeeze %dma_wait3A_170 : memref<1x1x128xi32, #tpu.memory_space<vmem>> -> memref<128xi32, #tpu.memory_space<vmem>>
        %dma_wait3A_172 = arith.constant 0 : i32
        %dma_wait3A_173 = arith.constant 0 : i32
        %dma_wait3A_174 = tpu.memref_slice %arg8[%dma_wait3A_172, %dma_wait3A_173] : memref<10240x128xf32, #tpu.memory_space<vmem_shared>> -> memref<10240x128xf32, #tpu.memory_space<vmem_shared>>
        tpu.wait_indirect_dma semaphore(%run_scoped3A_162 : memref<!tpu.dma_semaphore, #tpu.memory_space<semaphore_mem>>) src(%arg7 : memref<128x128xf32, #tpu.memory_space<vmem>>) dst(%dma_wait3A_174 : memref<10240x128xf32, #tpu.memory_space<vmem_shared>>)
        tpu.yield
      }) : () -> ()
      %add3A_119 = arith.constant 120 : i32
      %add3A_120 = arith.addi %mul3A_35, %add3A_119 : i32
      "tpu.region"() ({
        %run_scoped3A_162 = tpu.sem_alloc : memref<!tpu.dma_semaphore, #tpu.memory_space<semaphore_mem>>
        %dma_start3A_163 = arith.constant 0 : i32
        %dma_start3A_164 = arith.constant 0 : i32
        %dma_start3A_165 = arith.constant 0 : i32
        %dma_start3A_166 = tpu.memref_slice %arg5[%dma_start3A_163, %dma_start3A_164, %dma_start3A_165] : memref<60x2x128xi32, #tpu.memory_space<vmem>> -> memref<30x2x128xi32, #tpu.memory_space<vmem>>
        %dma_start3A_167 = arith.constant 0 : i32
        %dma_start3A_168 = arith.constant 0 : i32
        %dma_start3A_169 = tpu.memref_slice %arg3[%add3A_120, %dma_start3A_167, %dma_start3A_168] : memref<2528x2x128xi32, #tpu.memory_space<hbm>> -> memref<30x2x128xi32, #tpu.memory_space<hbm>>
        %dma_start3A_170 = arith.constant 0 : i32
        %dma_start3A_171 = arith.constant 0 : i32
        %dma_start3A_172 = arith.constant 0 : i32
        %dma_start3A_173 = tpu.memref_slice %arg5[%dma_start3A_170, %dma_start3A_171, %dma_start3A_172] : memref<60x2x128xi32, #tpu.memory_space<vmem>> -> memref<30x2x128xi32, #tpu.memory_space<vmem>>
        %dma_start3A_174 = arith.constant 0 : i32
        %dma_start3A_175 = arith.constant 0 : i32
        %dma_start3A_176 = tpu.memref_slice %arg3[%add3A_120, %dma_start3A_174, %dma_start3A_175] : memref<2528x2x128xi32, #tpu.memory_space<hbm>> -> memref<30x2x128xi32, #tpu.memory_space<hbm>>
        tpu.enqueue_dma source(%dma_start3A_176 : memref<30x2x128xi32, #tpu.memory_space<hbm>>) target(%dma_start3A_173 : memref<30x2x128xi32, #tpu.memory_space<vmem>>) target_semaphore(%run_scoped3A_162 : memref<!tpu.dma_semaphore, #tpu.memory_space<semaphore_mem>>)
        %dma_wait3A_177 = arith.constant 0 : i32
        %dma_wait3A_178 = arith.constant 0 : i32
        %dma_wait3A_179 = arith.constant 0 : i32
        %dma_wait3A_180 = tpu.memref_slice %arg5[%dma_wait3A_177, %dma_wait3A_178, %dma_wait3A_179] : memref<60x2x128xi32, #tpu.memory_space<vmem>> -> memref<30x2x128xi32, #tpu.memory_space<vmem>>
        %dma_wait3A_181 = arith.constant 0 : i32
        %dma_wait3A_182 = arith.constant 0 : i32
        %dma_wait3A_183 = tpu.memref_slice %arg3[%add3A_120, %dma_wait3A_181, %dma_wait3A_182] : memref<2528x2x128xi32, #tpu.memory_space<hbm>> -> memref<30x2x128xi32, #tpu.memory_space<hbm>>
        %dma_wait3A_184 = arith.constant 0 : i32
        %dma_wait3A_185 = arith.constant 0 : i32
        %dma_wait3A_186 = arith.constant 0 : i32
        %dma_wait3A_187 = tpu.memref_slice %arg5[%dma_wait3A_184, %dma_wait3A_185, %dma_wait3A_186] : memref<60x2x128xi32, #tpu.memory_space<vmem>> -> memref<30x2x128xi32, #tpu.memory_space<vmem>>
        %dma_wait3A_188 = arith.constant 0 : i32
        %dma_wait3A_189 = arith.constant 0 : i32
        %dma_wait3A_190 = tpu.memref_slice %arg3[%add3A_120, %dma_wait3A_188, %dma_wait3A_189] : memref<2528x2x128xi32, #tpu.memory_space<hbm>> -> memref<30x2x128xi32, #tpu.memory_space<hbm>>
        tpu.wait_dma2 semaphore(%run_scoped3A_162 : memref<!tpu.dma_semaphore, #tpu.memory_space<semaphore_mem>>) src(%dma_wait3A_190 : memref<30x2x128xi32, #tpu.memory_space<hbm>>) dst(%dma_wait3A_187 : memref<30x2x128xi32, #tpu.memory_space<vmem>>)
        tpu.yield
      }) : () -> ()
      %dma_start3A_121 = arith.constant 0 : i32
      %dma_start3A_122 = arith.constant 0 : i32
      %dma_start3A_123 = arith.constant 0 : i32
      %dma_start3A_124 = tpu.memref_slice %arg5[%dma_start3A_121, %dma_start3A_122, %dma_start3A_123] : memref<60x2x128xi32, #tpu.memory_space<vmem>> -> memref<1x1x128xi32, #tpu.memory_space<vmem>>
      %dma_start3A_125 = tpu.memref_squeeze %dma_start3A_124 : memref<1x1x128xi32, #tpu.memory_space<vmem>> -> memref<128xi32, #tpu.memory_space<vmem>>
      %dma_start3A_126 = arith.constant 0 : i32
      %dma_start3A_127 = arith.constant 0 : i32
      %dma_start3A_128 = tpu.memref_slice %arg2[%dma_start3A_126, %dma_start3A_127] : memref<10240x128xf32, #tpu.memory_space<hbm>> -> memref<10240x128xf32, #tpu.memory_space<hbm>>
      tpu.enqueue_indirect_dma source(%dma_start3A_128 : memref<10240x128xf32, #tpu.memory_space<hbm>>) target(%arg6 : memref<128x128xf32, #tpu.memory_space<vmem>>) offsets(%dma_start3A_125 : memref<128xi32, #tpu.memory_space<vmem>>) semaphore(%arg9 : memref<!tpu.dma_semaphore, #tpu.memory_space<semaphore_mem>>)
      %scan3A_129 = arith.constant 0 : i32
      %scan3A_130 = arith.constant 14 : i32
      %scan3A_131 = arith.addi %scan3A_129, %scan3A_130 : i32
      %scan3A_132 = arith.constant 1 : i32
      scf.for %scan3A_162 = %scan3A_129 to %scan3A_131 step %scan3A_132  : i32 {
        %mul3A_163 = arith.constant 1 : i32
        %mul3A_164 = arith.muli %scan3A_162, %mul3A_163 : i32
        %add3A_165 = arith.constant 0 : i32
        %add3A_166 = arith.addi %add3A_165, %mul3A_164 : i32
        %mul3A_167 = arith.constant 2 : i32
        %mul3A_168 = arith.muli %mul3A_167, %add3A_166 : i32
        %add3A_169 = arith.constant 1 : i32
        %add3A_170 = arith.addi %mul3A_168, %add3A_169 : i32
        %dma_start3A_171 = arith.constant 0 : i32
        %dma_start3A_172 = arith.constant 0 : i32
        %dma_start3A_173 = tpu.memref_slice %arg5[%add3A_170, %dma_start3A_171, %dma_start3A_172] : memref<60x2x128xi32, #tpu.memory_space<vmem>> -> memref<1x1x128xi32, #tpu.memory_space<vmem>>
        %dma_start3A_174 = tpu.memref_squeeze %dma_start3A_173 : memref<1x1x128xi32, #tpu.memory_space<vmem>> -> memref<128xi32, #tpu.memory_space<vmem>>
        %dma_start3A_175 = arith.constant 0 : i32
        %dma_start3A_176 = arith.constant 0 : i32
        %dma_start3A_177 = tpu.memref_slice %arg2[%dma_start3A_175, %dma_start3A_176] : memref<10240x128xf32, #tpu.memory_space<hbm>> -> memref<10240x128xf32, #tpu.memory_space<hbm>>
        tpu.enqueue_indirect_dma source(%dma_start3A_177 : memref<10240x128xf32, #tpu.memory_space<hbm>>) target(%arg7 : memref<128x128xf32, #tpu.memory_space<vmem>>) offsets(%dma_start3A_174 : memref<128xi32, #tpu.memory_space<vmem>>) semaphore(%arg10 : memref<!tpu.dma_semaphore, #tpu.memory_space<semaphore_mem>>)
        %dma_wait3A_178 = arith.constant 0 : i32
        %dma_wait3A_179 = arith.constant 0 : i32
        %dma_wait3A_180 = tpu.memref_slice %arg5[%mul3A_168, %dma_wait3A_178, %dma_wait3A_179] : memref<60x2x128xi32, #tpu.memory_space<vmem>> -> memref<1x1x128xi32, #tpu.memory_space<vmem>>
        %dma_wait3A_181 = tpu.memref_squeeze %dma_wait3A_180 : memref<1x1x128xi32, #tpu.memory_space<vmem>> -> memref<128xi32, #tpu.memory_space<vmem>>
        %dma_wait3A_182 = arith.constant 0 : i32
        %dma_wait3A_183 = arith.constant 0 : i32
        %dma_wait3A_184 = tpu.memref_slice %arg2[%dma_wait3A_182, %dma_wait3A_183] : memref<10240x128xf32, #tpu.memory_space<hbm>> -> memref<10240x128xf32, #tpu.memory_space<hbm>>
        tpu.wait_indirect_dma semaphore(%arg9 : memref<!tpu.dma_semaphore, #tpu.memory_space<semaphore_mem>>) src(%dma_wait3A_184 : memref<10240x128xf32, #tpu.memory_space<hbm>>) dst(%arg6 : memref<128x128xf32, #tpu.memory_space<vmem>>)
        %run_scoped3A_185 = arith.constant 1 : i32
        "tpu.region"() ({
          %run_scoped3A_207 = tpu.sem_alloc : memref<!tpu.dma_semaphore, #tpu.memory_space<semaphore_mem>>
          %dma_start3A_208 = arith.constant 0 : i32
          %dma_start3A_209 = tpu.memref_slice %arg5[%mul3A_168, %run_scoped3A_185, %dma_start3A_208] : memref<60x2x128xi32, #tpu.memory_space<vmem>> -> memref<1x1x128xi32, #tpu.memory_space<vmem>>
          %dma_start3A_210 = tpu.memref_squeeze %dma_start3A_209 : memref<1x1x128xi32, #tpu.memory_space<vmem>> -> memref<128xi32, #tpu.memory_space<vmem>>
          %dma_start3A_211 = arith.constant 0 : i32
          %dma_start3A_212 = arith.constant 0 : i32
          %dma_start3A_213 = tpu.memref_slice %arg8[%dma_start3A_211, %dma_start3A_212] : memref<10240x128xf32, #tpu.memory_space<vmem_shared>> -> memref<10240x128xf32, #tpu.memory_space<vmem_shared>>
          tpu.enqueue_indirect_dma source(%arg6 : memref<128x128xf32, #tpu.memory_space<vmem>>) target(%dma_start3A_213 : memref<10240x128xf32, #tpu.memory_space<vmem_shared>>) offsets(%dma_start3A_210 : memref<128xi32, #tpu.memory_space<vmem>>) semaphore(%run_scoped3A_207 : memref<!tpu.dma_semaphore, #tpu.memory_space<semaphore_mem>>) {add = true}
          %dma_wait3A_214 = arith.constant 0 : i32
          %dma_wait3A_215 = tpu.memref_slice %arg5[%mul3A_168, %run_scoped3A_185, %dma_wait3A_214] : memref<60x2x128xi32, #tpu.memory_space<vmem>> -> memref<1x1x128xi32, #tpu.memory_space<vmem>>
          %dma_wait3A_216 = tpu.memref_squeeze %dma_wait3A_215 : memref<1x1x128xi32, #tpu.memory_space<vmem>> -> memref<128xi32, #tpu.memory_space<vmem>>
          %dma_wait3A_217 = arith.constant 0 : i32
          %dma_wait3A_218 = arith.constant 0 : i32
          %dma_wait3A_219 = tpu.memref_slice %arg8[%dma_wait3A_217, %dma_wait3A_218] : memref<10240x128xf32, #tpu.memory_space<vmem_shared>> -> memref<10240x128xf32, #tpu.memory_space<vmem_shared>>
          tpu.wait_indirect_dma semaphore(%run_scoped3A_207 : memref<!tpu.dma_semaphore, #tpu.memory_space<semaphore_mem>>) src(%arg6 : memref<128x128xf32, #tpu.memory_space<vmem>>) dst(%dma_wait3A_219 : memref<10240x128xf32, #tpu.memory_space<vmem_shared>>)
          tpu.yield
        }) : () -> ()
        %add3A_186 = arith.constant 2 : i32
        %add3A_187 = arith.addi %mul3A_168, %add3A_186 : i32
        %dma_start3A_188 = arith.constant 0 : i32
        %dma_start3A_189 = arith.constant 0 : i32
        %dma_start3A_190 = tpu.memref_slice %arg5[%add3A_187, %dma_start3A_188, %dma_start3A_189] : memref<60x2x128xi32, #tpu.memory_space<vmem>> -> memref<1x1x128xi32, #tpu.memory_space<vmem>>
        %dma_start3A_191 = tpu.memref_squeeze %dma_start3A_190 : memref<1x1x128xi32, #tpu.memory_space<vmem>> -> memref<128xi32, #tpu.memory_space<vmem>>
        %dma_start3A_192 = arith.constant 0 : i32
        %dma_start3A_193 = arith.constant 0 : i32
        %dma_start3A_194 = tpu.memref_slice %arg2[%dma_start3A_192, %dma_start3A_193] : memref<10240x128xf32, #tpu.memory_space<hbm>> -> memref<10240x128xf32, #tpu.memory_space<hbm>>
        tpu.enqueue_indirect_dma source(%dma_start3A_194 : memref<10240x128xf32, #tpu.memory_space<hbm>>) target(%arg6 : memref<128x128xf32, #tpu.memory_space<vmem>>) offsets(%dma_start3A_191 : memref<128xi32, #tpu.memory_space<vmem>>) semaphore(%arg9 : memref<!tpu.dma_semaphore, #tpu.memory_space<semaphore_mem>>)
        %add3A_195 = arith.constant 1 : i32
        %add3A_196 = arith.addi %mul3A_168, %add3A_195 : i32
        %dma_wait3A_197 = arith.constant 0 : i32
        %dma_wait3A_198 = arith.constant 0 : i32
        %dma_wait3A_199 = tpu.memref_slice %arg5[%add3A_196, %dma_wait3A_197, %dma_wait3A_198] : memref<60x2x128xi32, #tpu.memory_space<vmem>> -> memref<1x1x128xi32, #tpu.memory_space<vmem>>
        %dma_wait3A_200 = tpu.memref_squeeze %dma_wait3A_199 : memref<1x1x128xi32, #tpu.memory_space<vmem>> -> memref<128xi32, #tpu.memory_space<vmem>>
        %dma_wait3A_201 = arith.constant 0 : i32
        %dma_wait3A_202 = arith.constant 0 : i32
        %dma_wait3A_203 = tpu.memref_slice %arg2[%dma_wait3A_201, %dma_wait3A_202] : memref<10240x128xf32, #tpu.memory_space<hbm>> -> memref<10240x128xf32, #tpu.memory_space<hbm>>
        tpu.wait_indirect_dma semaphore(%arg10 : memref<!tpu.dma_semaphore, #tpu.memory_space<semaphore_mem>>) src(%dma_wait3A_203 : memref<10240x128xf32, #tpu.memory_space<hbm>>) dst(%arg7 : memref<128x128xf32, #tpu.memory_space<vmem>>)
        %add3A_204 = arith.constant 1 : i32
        %add3A_205 = arith.addi %mul3A_168, %add3A_204 : i32
        %run_scoped3A_206 = arith.constant 1 : i32
        "tpu.region"() ({
          %run_scoped3A_207 = tpu.sem_alloc : memref<!tpu.dma_semaphore, #tpu.memory_space<semaphore_mem>>
          %dma_start3A_208 = arith.constant 0 : i32
          %dma_start3A_209 = tpu.memref_slice %arg5[%add3A_205, %run_scoped3A_206, %dma_start3A_208] : memref<60x2x128xi32, #tpu.memory_space<vmem>> -> memref<1x1x128xi32, #tpu.memory_space<vmem>>
          %dma_start3A_210 = tpu.memref_squeeze %dma_start3A_209 : memref<1x1x128xi32, #tpu.memory_space<vmem>> -> memref<128xi32, #tpu.memory_space<vmem>>
          %dma_start3A_211 = arith.constant 0 : i32
          %dma_start3A_212 = arith.constant 0 : i32
          %dma_start3A_213 = tpu.memref_slice %arg8[%dma_start3A_211, %dma_start3A_212] : memref<10240x128xf32, #tpu.memory_space<vmem_shared>> -> memref<10240x128xf32, #tpu.memory_space<vmem_shared>>
          tpu.enqueue_indirect_dma source(%arg7 : memref<128x128xf32, #tpu.memory_space<vmem>>) target(%dma_start3A_213 : memref<10240x128xf32, #tpu.memory_space<vmem_shared>>) offsets(%dma_start3A_210 : memref<128xi32, #tpu.memory_space<vmem>>) semaphore(%run_scoped3A_207 : memref<!tpu.dma_semaphore, #tpu.memory_space<semaphore_mem>>) {add = true}
          %dma_wait3A_214 = arith.constant 0 : i32
          %dma_wait3A_215 = tpu.memref_slice %arg5[%add3A_205, %run_scoped3A_206, %dma_wait3A_214] : memref<60x2x128xi32, #tpu.memory_space<vmem>> -> memref<1x1x128xi32, #tpu.memory_space<vmem>>
          %dma_wait3A_216 = tpu.memref_squeeze %dma_wait3A_215 : memref<1x1x128xi32, #tpu.memory_space<vmem>> -> memref<128xi32, #tpu.memory_space<vmem>>
          %dma_wait3A_217 = arith.constant 0 : i32
          %dma_wait3A_218 = arith.constant 0 : i32
          %dma_wait3A_219 = tpu.memref_slice %arg8[%dma_wait3A_217, %dma_wait3A_218] : memref<10240x128xf32, #tpu.memory_space<vmem_shared>> -> memref<10240x128xf32, #tpu.memory_space<vmem_shared>>
          tpu.wait_indirect_dma semaphore(%run_scoped3A_207 : memref<!tpu.dma_semaphore, #tpu.memory_space<semaphore_mem>>) src(%arg7 : memref<128x128xf32, #tpu.memory_space<vmem>>) dst(%dma_wait3A_219 : memref<10240x128xf32, #tpu.memory_space<vmem_shared>>)
          tpu.yield
        }) : () -> ()
      }
      %scan3A_133 = arith.constant 14 : i32
      %dma_start3A_134 = arith.constant 29 : i32
      %dma_start3A_135 = arith.constant 0 : i32
      %dma_start3A_136 = arith.constant 0 : i32
      %dma_start3A_137 = tpu.memref_slice %arg5[%dma_start3A_134, %dma_start3A_135, %dma_start3A_136] : memref<60x2x128xi32, #tpu.memory_space<vmem>> -> memref<1x1x128xi32, #tpu.memory_space<vmem>>
      %dma_start3A_138 = tpu.memref_squeeze %dma_start3A_137 : memref<1x1x128xi32, #tpu.memory_space<vmem>> -> memref<128xi32, #tpu.memory_space<vmem>>
      %dma_start3A_139 = arith.constant 0 : i32
      %dma_start3A_140 = arith.constant 0 : i32
      %dma_start3A_141 = tpu.memref_slice %arg2[%dma_start3A_139, %dma_start3A_140] : memref<10240x128xf32, #tpu.memory_space<hbm>> -> memref<10240x128xf32, #tpu.memory_space<hbm>>
      tpu.enqueue_indirect_dma source(%dma_start3A_141 : memref<10240x128xf32, #tpu.memory_space<hbm>>) target(%arg7 : memref<128x128xf32, #tpu.memory_space<vmem>>) offsets(%dma_start3A_138 : memref<128xi32, #tpu.memory_space<vmem>>) semaphore(%arg10 : memref<!tpu.dma_semaphore, #tpu.memory_space<semaphore_mem>>)
      %dma_wait3A_142 = arith.constant 28 : i32
      %dma_wait3A_143 = arith.constant 0 : i32
      %dma_wait3A_144 = arith.constant 0 : i32
      %dma_wait3A_145 = tpu.memref_slice %arg5[%dma_wait3A_142, %dma_wait3A_143, %dma_wait3A_144] : memref<60x2x128xi32, #tpu.memory_space<vmem>> -> memref<1x1x128xi32, #tpu.memory_space<vmem>>
      %dma_wait3A_146 = tpu.memref_squeeze %dma_wait3A_145 : memref<1x1x128xi32, #tpu.memory_space<vmem>> -> memref<128xi32, #tpu.memory_space<vmem>>
      %dma_wait3A_147 = arith.constant 0 : i32
      %dma_wait3A_148 = arith.constant 0 : i32
      %dma_wait3A_149 = tpu.memref_slice %arg2[%dma_wait3A_147, %dma_wait3A_148] : memref<10240x128xf32, #tpu.memory_space<hbm>> -> memref<10240x128xf32, #tpu.memory_space<hbm>>
      tpu.wait_indirect_dma semaphore(%arg9 : memref<!tpu.dma_semaphore, #tpu.memory_space<semaphore_mem>>) src(%dma_wait3A_149 : memref<10240x128xf32, #tpu.memory_space<hbm>>) dst(%arg6 : memref<128x128xf32, #tpu.memory_space<vmem>>)
      %run_scoped3A_150 = arith.constant 28 : i32
      %run_scoped3A_151 = arith.constant 1 : i32
      "tpu.region"() ({
        %run_scoped3A_162 = tpu.sem_alloc : memref<!tpu.dma_semaphore, #tpu.memory_space<semaphore_mem>>
        %dma_start3A_163 = arith.constant 0 : i32
        %dma_start3A_164 = tpu.memref_slice %arg5[%run_scoped3A_150, %run_scoped3A_151, %dma_start3A_163] : memref<60x2x128xi32, #tpu.memory_space<vmem>> -> memref<1x1x128xi32, #tpu.memory_space<vmem>>
        %dma_start3A_165 = tpu.memref_squeeze %dma_start3A_164 : memref<1x1x128xi32, #tpu.memory_space<vmem>> -> memref<128xi32, #tpu.memory_space<vmem>>
        %dma_start3A_166 = arith.constant 0 : i32
        %dma_start3A_167 = arith.constant 0 : i32
        %dma_start3A_168 = tpu.memref_slice %arg8[%dma_start3A_166, %dma_start3A_167] : memref<10240x128xf32, #tpu.memory_space<vmem_shared>> -> memref<10240x128xf32, #tpu.memory_space<vmem_shared>>
        tpu.enqueue_indirect_dma source(%arg6 : memref<128x128xf32, #tpu.memory_space<vmem>>) target(%dma_start3A_168 : memref<10240x128xf32, #tpu.memory_space<vmem_shared>>) offsets(%dma_start3A_165 : memref<128xi32, #tpu.memory_space<vmem>>) semaphore(%run_scoped3A_162 : memref<!tpu.dma_semaphore, #tpu.memory_space<semaphore_mem>>) {add = true}
        %dma_wait3A_169 = arith.constant 0 : i32
        %dma_wait3A_170 = tpu.memref_slice %arg5[%run_scoped3A_150, %run_scoped3A_151, %dma_wait3A_169] : memref<60x2x128xi32, #tpu.memory_space<vmem>> -> memref<1x1x128xi32, #tpu.memory_space<vmem>>
        %dma_wait3A_171 = tpu.memref_squeeze %dma_wait3A_170 : memref<1x1x128xi32, #tpu.memory_space<vmem>> -> memref<128xi32, #tpu.memory_space<vmem>>
        %dma_wait3A_172 = arith.constant 0 : i32
        %dma_wait3A_173 = arith.constant 0 : i32
        %dma_wait3A_174 = tpu.memref_slice %arg8[%dma_wait3A_172, %dma_wait3A_173] : memref<10240x128xf32, #tpu.memory_space<vmem_shared>> -> memref<10240x128xf32, #tpu.memory_space<vmem_shared>>
        tpu.wait_indirect_dma semaphore(%run_scoped3A_162 : memref<!tpu.dma_semaphore, #tpu.memory_space<semaphore_mem>>) src(%arg6 : memref<128x128xf32, #tpu.memory_space<vmem>>) dst(%dma_wait3A_174 : memref<10240x128xf32, #tpu.memory_space<vmem_shared>>)
        tpu.yield
      }) : () -> ()
      %dma_wait3A_152 = arith.constant 29 : i32
      %dma_wait3A_153 = arith.constant 0 : i32
      %dma_wait3A_154 = arith.constant 0 : i32
      %dma_wait3A_155 = tpu.memref_slice %arg5[%dma_wait3A_152, %dma_wait3A_153, %dma_wait3A_154] : memref<60x2x128xi32, #tpu.memory_space<vmem>> -> memref<1x1x128xi32, #tpu.memory_space<vmem>>
      %dma_wait3A_156 = tpu.memref_squeeze %dma_wait3A_155 : memref<1x1x128xi32, #tpu.memory_space<vmem>> -> memref<128xi32, #tpu.memory_space<vmem>>
      %dma_wait3A_157 = arith.constant 0 : i32
      %dma_wait3A_158 = arith.constant 0 : i32
      %dma_wait3A_159 = tpu.memref_slice %arg2[%dma_wait3A_157, %dma_wait3A_158] : memref<10240x128xf32, #tpu.memory_space<hbm>> -> memref<10240x128xf32, #tpu.memory_space<hbm>>
      tpu.wait_indirect_dma semaphore(%arg10 : memref<!tpu.dma_semaphore, #tpu.memory_space<semaphore_mem>>) src(%dma_wait3A_159 : memref<10240x128xf32, #tpu.memory_space<hbm>>) dst(%arg7 : memref<128x128xf32, #tpu.memory_space<vmem>>)
      %run_scoped3A_160 = arith.constant 29 : i32
      %run_scoped3A_161 = arith.constant 1 : i32
      "tpu.region"() ({
        %run_scoped3A_162 = tpu.sem_alloc : memref<!tpu.dma_semaphore, #tpu.memory_space<semaphore_mem>>
        %dma_start3A_163 = arith.constant 0 : i32
        %dma_start3A_164 = tpu.memref_slice %arg5[%run_scoped3A_160, %run_scoped3A_161, %dma_start3A_163] : memref<60x2x128xi32, #tpu.memory_space<vmem>> -> memref<1x1x128xi32, #tpu.memory_space<vmem>>
        %dma_start3A_165 = tpu.memref_squeeze %dma_start3A_164 : memref<1x1x128xi32, #tpu.memory_space<vmem>> -> memref<128xi32, #tpu.memory_space<vmem>>
        %dma_start3A_166 = arith.constant 0 : i32
        %dma_start3A_167 = arith.constant 0 : i32
        %dma_start3A_168 = tpu.memref_slice %arg8[%dma_start3A_166, %dma_start3A_167] : memref<10240x128xf32, #tpu.memory_space<vmem_shared>> -> memref<10240x128xf32, #tpu.memory_space<vmem_shared>>
        tpu.enqueue_indirect_dma source(%arg7 : memref<128x128xf32, #tpu.memory_space<vmem>>) target(%dma_start3A_168 : memref<10240x128xf32, #tpu.memory_space<vmem_shared>>) offsets(%dma_start3A_165 : memref<128xi32, #tpu.memory_space<vmem>>) semaphore(%run_scoped3A_162 : memref<!tpu.dma_semaphore, #tpu.memory_space<semaphore_mem>>) {add = true}
        %dma_wait3A_169 = arith.constant 0 : i32
        %dma_wait3A_170 = tpu.memref_slice %arg5[%run_scoped3A_160, %run_scoped3A_161, %dma_wait3A_169] : memref<60x2x128xi32, #tpu.memory_space<vmem>> -> memref<1x1x128xi32, #tpu.memory_space<vmem>>
        %dma_wait3A_171 = tpu.memref_squeeze %dma_wait3A_170 : memref<1x1x128xi32, #tpu.memory_space<vmem>> -> memref<128xi32, #tpu.memory_space<vmem>>
        %dma_wait3A_172 = arith.constant 0 : i32
        %dma_wait3A_173 = arith.constant 0 : i32
        %dma_wait3A_174 = tpu.memref_slice %arg8[%dma_wait3A_172, %dma_wait3A_173] : memref<10240x128xf32, #tpu.memory_space<vmem_shared>> -> memref<10240x128xf32, #tpu.memory_space<vmem_shared>>
        tpu.wait_indirect_dma semaphore(%run_scoped3A_162 : memref<!tpu.dma_semaphore, #tpu.memory_space<semaphore_mem>>) src(%arg7 : memref<128x128xf32, #tpu.memory_space<vmem>>) dst(%dma_wait3A_174 : memref<10240x128xf32, #tpu.memory_space<vmem_shared>>)
        tpu.yield
      }) : () -> ()
    } else {
    }
    %ne3A = arith.constant 0 : i32
    %ne3A_25 = arith.cmpi ne, %arg0, %ne3A : i32
    %convert_element_type3A_26 = arith.extui %ne3A_25 : i1 to i32
    %cond3A_27 = arith.constant 0 : i32
    %cond3A_28 = arith.cmpi ne, %convert_element_type3A_26, %cond3A_27 : i32
    scf.if %cond3A_28 {
      %mul3A_34 = arith.constant 8 : i32
      %mul3A_35 = arith.muli %arg1, %mul3A_34 : i32
      %add3A_36 = arith.constant 2400 : i32
      %add3A_37 = arith.addi %add3A_36, %mul3A_35 : i32
      %add3A_38 = arith.constant 0 : i32
      %add3A_39 = arith.addi %add3A_37, %add3A_38 : i32
      "tpu.region"() ({
        %run_scoped3A_78 = tpu.sem_alloc : memref<!tpu.dma_semaphore, #tpu.memory_space<semaphore_mem>>
        %dma_start3A_79 = arith.constant 0 : i32
        %dma_start3A_80 = arith.constant 0 : i32
        %dma_start3A_81 = arith.constant 0 : i32
        %dma_start3A_82 = tpu.memref_slice %arg5[%dma_start3A_79, %dma_start3A_80, %dma_start3A_81] : memref<60x2x128xi32, #tpu.memory_space<vmem>> -> memref<8x2x128xi32, #tpu.memory_space<vmem>>
        %dma_start3A_83 = arith.constant 0 : i32
        %dma_start3A_84 = arith.constant 0 : i32
        %dma_start3A_85 = tpu.memref_slice %arg3[%add3A_39, %dma_start3A_83, %dma_start3A_84] : memref<2528x2x128xi32, #tpu.memory_space<hbm>> -> memref<8x2x128xi32, #tpu.memory_space<hbm>>
        %dma_start3A_86 = arith.constant 0 : i32
        %dma_start3A_87 = arith.constant 0 : i32
        %dma_start3A_88 = arith.constant 0 : i32
        %dma_start3A_89 = tpu.memref_slice %arg5[%dma_start3A_86, %dma_start3A_87, %dma_start3A_88] : memref<60x2x128xi32, #tpu.memory_space<vmem>> -> memref<8x2x128xi32, #tpu.memory_space<vmem>>
        %dma_start3A_90 = arith.constant 0 : i32
        %dma_start3A_91 = arith.constant 0 : i32
        %dma_start3A_92 = tpu.memref_slice %arg3[%add3A_39, %dma_start3A_90, %dma_start3A_91] : memref<2528x2x128xi32, #tpu.memory_space<hbm>> -> memref<8x2x128xi32, #tpu.memory_space<hbm>>
        tpu.enqueue_dma source(%dma_start3A_92 : memref<8x2x128xi32, #tpu.memory_space<hbm>>) target(%dma_start3A_89 : memref<8x2x128xi32, #tpu.memory_space<vmem>>) target_semaphore(%run_scoped3A_78 : memref<!tpu.dma_semaphore, #tpu.memory_space<semaphore_mem>>)
        %dma_wait3A_93 = arith.constant 0 : i32
        %dma_wait3A_94 = arith.constant 0 : i32
        %dma_wait3A_95 = arith.constant 0 : i32
        %dma_wait3A_96 = tpu.memref_slice %arg5[%dma_wait3A_93, %dma_wait3A_94, %dma_wait3A_95] : memref<60x2x128xi32, #tpu.memory_space<vmem>> -> memref<8x2x128xi32, #tpu.memory_space<vmem>>
        %dma_wait3A_97 = arith.constant 0 : i32
        %dma_wait3A_98 = arith.constant 0 : i32
        %dma_wait3A_99 = tpu.memref_slice %arg3[%add3A_39, %dma_wait3A_97, %dma_wait3A_98] : memref<2528x2x128xi32, #tpu.memory_space<hbm>> -> memref<8x2x128xi32, #tpu.memory_space<hbm>>
        %dma_wait3A_100 = arith.constant 0 : i32
        %dma_wait3A_101 = arith.constant 0 : i32
        %dma_wait3A_102 = arith.constant 0 : i32
        %dma_wait3A_103 = tpu.memref_slice %arg5[%dma_wait3A_100, %dma_wait3A_101, %dma_wait3A_102] : memref<60x2x128xi32, #tpu.memory_space<vmem>> -> memref<8x2x128xi32, #tpu.memory_space<vmem>>
        %dma_wait3A_104 = arith.constant 0 : i32
        %dma_wait3A_105 = arith.constant 0 : i32
        %dma_wait3A_106 = tpu.memref_slice %arg3[%add3A_39, %dma_wait3A_104, %dma_wait3A_105] : memref<2528x2x128xi32, #tpu.memory_space<hbm>> -> memref<8x2x128xi32, #tpu.memory_space<hbm>>
        tpu.wait_dma2 semaphore(%run_scoped3A_78 : memref<!tpu.dma_semaphore, #tpu.memory_space<semaphore_mem>>) src(%dma_wait3A_106 : memref<8x2x128xi32, #tpu.memory_space<hbm>>) dst(%dma_wait3A_103 : memref<8x2x128xi32, #tpu.memory_space<vmem>>)
        tpu.yield
      }) : () -> ()
      %dma_start3A = arith.constant 0 : i32
      %dma_start3A_40 = arith.constant 0 : i32
      %dma_start3A_41 = arith.constant 0 : i32
      %dma_start3A_42 = tpu.memref_slice %arg5[%dma_start3A, %dma_start3A_40, %dma_start3A_41] : memref<60x2x128xi32, #tpu.memory_space<vmem>> -> memref<1x1x128xi32, #tpu.memory_space<vmem>>
      %dma_start3A_43 = tpu.memref_squeeze %dma_start3A_42 : memref<1x1x128xi32, #tpu.memory_space<vmem>> -> memref<128xi32, #tpu.memory_space<vmem>>
      %dma_start3A_44 = arith.constant 0 : i32
      %dma_start3A_45 = arith.constant 0 : i32
      %dma_start3A_46 = tpu.memref_slice %arg2[%dma_start3A_44, %dma_start3A_45] : memref<10240x128xf32, #tpu.memory_space<hbm>> -> memref<10240x128xf32, #tpu.memory_space<hbm>>
      tpu.enqueue_indirect_dma source(%dma_start3A_46 : memref<10240x128xf32, #tpu.memory_space<hbm>>) target(%arg6 : memref<128x128xf32, #tpu.memory_space<vmem>>) offsets(%dma_start3A_43 : memref<128xi32, #tpu.memory_space<vmem>>) semaphore(%arg9 : memref<!tpu.dma_semaphore, #tpu.memory_space<semaphore_mem>>)
      %scan3A_47 = arith.constant 0 : i32
      %scan3A_48 = arith.constant 3 : i32
      %scan3A_49 = arith.addi %scan3A_47, %scan3A_48 : i32
      %scan3A_50 = arith.constant 1 : i32
      scf.for %scan3A_78 = %scan3A_47 to %scan3A_49 step %scan3A_50  : i32 {
        %mul3A_79 = arith.constant 1 : i32
        %mul3A_80 = arith.muli %scan3A_78, %mul3A_79 : i32
        %add3A_81 = arith.constant 0 : i32
        %add3A_82 = arith.addi %add3A_81, %mul3A_80 : i32
        %mul3A_83 = arith.constant 2 : i32
        %mul3A_84 = arith.muli %mul3A_83, %add3A_82 : i32
        %add3A_85 = arith.constant 1 : i32
        %add3A_86 = arith.addi %mul3A_84, %add3A_85 : i32
        %dma_start3A_87 = arith.constant 0 : i32
        %dma_start3A_88 = arith.constant 0 : i32
        %dma_start3A_89 = tpu.memref_slice %arg5[%add3A_86, %dma_start3A_87, %dma_start3A_88] : memref<60x2x128xi32, #tpu.memory_space<vmem>> -> memref<1x1x128xi32, #tpu.memory_space<vmem>>
        %dma_start3A_90 = tpu.memref_squeeze %dma_start3A_89 : memref<1x1x128xi32, #tpu.memory_space<vmem>> -> memref<128xi32, #tpu.memory_space<vmem>>
        %dma_start3A_91 = arith.constant 0 : i32
        %dma_start3A_92 = arith.constant 0 : i32
        %dma_start3A_93 = tpu.memref_slice %arg2[%dma_start3A_91, %dma_start3A_92] : memref<10240x128xf32, #tpu.memory_space<hbm>> -> memref<10240x128xf32, #tpu.memory_space<hbm>>
        tpu.enqueue_indirect_dma source(%dma_start3A_93 : memref<10240x128xf32, #tpu.memory_space<hbm>>) target(%arg7 : memref<128x128xf32, #tpu.memory_space<vmem>>) offsets(%dma_start3A_90 : memref<128xi32, #tpu.memory_space<vmem>>) semaphore(%arg10 : memref<!tpu.dma_semaphore, #tpu.memory_space<semaphore_mem>>)
        %dma_wait3A_94 = arith.constant 0 : i32
        %dma_wait3A_95 = arith.constant 0 : i32
        %dma_wait3A_96 = tpu.memref_slice %arg5[%mul3A_84, %dma_wait3A_94, %dma_wait3A_95] : memref<60x2x128xi32, #tpu.memory_space<vmem>> -> memref<1x1x128xi32, #tpu.memory_space<vmem>>
        %dma_wait3A_97 = tpu.memref_squeeze %dma_wait3A_96 : memref<1x1x128xi32, #tpu.memory_space<vmem>> -> memref<128xi32, #tpu.memory_space<vmem>>
        %dma_wait3A_98 = arith.constant 0 : i32
        %dma_wait3A_99 = arith.constant 0 : i32
        %dma_wait3A_100 = tpu.memref_slice %arg2[%dma_wait3A_98, %dma_wait3A_99] : memref<10240x128xf32, #tpu.memory_space<hbm>> -> memref<10240x128xf32, #tpu.memory_space<hbm>>
        tpu.wait_indirect_dma semaphore(%arg9 : memref<!tpu.dma_semaphore, #tpu.memory_space<semaphore_mem>>) src(%dma_wait3A_100 : memref<10240x128xf32, #tpu.memory_space<hbm>>) dst(%arg6 : memref<128x128xf32, #tpu.memory_space<vmem>>)
        %run_scoped3A_101 = arith.constant 1 : i32
        "tpu.region"() ({
          %run_scoped3A_123 = tpu.sem_alloc : memref<!tpu.dma_semaphore, #tpu.memory_space<semaphore_mem>>
          %dma_start3A_124 = arith.constant 0 : i32
          %dma_start3A_125 = tpu.memref_slice %arg5[%mul3A_84, %run_scoped3A_101, %dma_start3A_124] : memref<60x2x128xi32, #tpu.memory_space<vmem>> -> memref<1x1x128xi32, #tpu.memory_space<vmem>>
          %dma_start3A_126 = tpu.memref_squeeze %dma_start3A_125 : memref<1x1x128xi32, #tpu.memory_space<vmem>> -> memref<128xi32, #tpu.memory_space<vmem>>
          %dma_start3A_127 = arith.constant 0 : i32
          %dma_start3A_128 = arith.constant 0 : i32
          %dma_start3A_129 = tpu.memref_slice %arg8[%dma_start3A_127, %dma_start3A_128] : memref<10240x128xf32, #tpu.memory_space<vmem_shared>> -> memref<10240x128xf32, #tpu.memory_space<vmem_shared>>
          tpu.enqueue_indirect_dma source(%arg6 : memref<128x128xf32, #tpu.memory_space<vmem>>) target(%dma_start3A_129 : memref<10240x128xf32, #tpu.memory_space<vmem_shared>>) offsets(%dma_start3A_126 : memref<128xi32, #tpu.memory_space<vmem>>) semaphore(%run_scoped3A_123 : memref<!tpu.dma_semaphore, #tpu.memory_space<semaphore_mem>>) {add = true}
          %dma_wait3A_130 = arith.constant 0 : i32
          %dma_wait3A_131 = tpu.memref_slice %arg5[%mul3A_84, %run_scoped3A_101, %dma_wait3A_130] : memref<60x2x128xi32, #tpu.memory_space<vmem>> -> memref<1x1x128xi32, #tpu.memory_space<vmem>>
          %dma_wait3A_132 = tpu.memref_squeeze %dma_wait3A_131 : memref<1x1x128xi32, #tpu.memory_space<vmem>> -> memref<128xi32, #tpu.memory_space<vmem>>
          %dma_wait3A_133 = arith.constant 0 : i32
          %dma_wait3A_134 = arith.constant 0 : i32
          %dma_wait3A_135 = tpu.memref_slice %arg8[%dma_wait3A_133, %dma_wait3A_134] : memref<10240x128xf32, #tpu.memory_space<vmem_shared>> -> memref<10240x128xf32, #tpu.memory_space<vmem_shared>>
          tpu.wait_indirect_dma semaphore(%run_scoped3A_123 : memref<!tpu.dma_semaphore, #tpu.memory_space<semaphore_mem>>) src(%arg6 : memref<128x128xf32, #tpu.memory_space<vmem>>) dst(%dma_wait3A_135 : memref<10240x128xf32, #tpu.memory_space<vmem_shared>>)
          tpu.yield
        }) : () -> ()
        %add3A_102 = arith.constant 2 : i32
        %add3A_103 = arith.addi %mul3A_84, %add3A_102 : i32
        %dma_start3A_104 = arith.constant 0 : i32
        %dma_start3A_105 = arith.constant 0 : i32
        %dma_start3A_106 = tpu.memref_slice %arg5[%add3A_103, %dma_start3A_104, %dma_start3A_105] : memref<60x2x128xi32, #tpu.memory_space<vmem>> -> memref<1x1x128xi32, #tpu.memory_space<vmem>>
        %dma_start3A_107 = tpu.memref_squeeze %dma_start3A_106 : memref<1x1x128xi32, #tpu.memory_space<vmem>> -> memref<128xi32, #tpu.memory_space<vmem>>
        %dma_start3A_108 = arith.constant 0 : i32
        %dma_start3A_109 = arith.constant 0 : i32
        %dma_start3A_110 = tpu.memref_slice %arg2[%dma_start3A_108, %dma_start3A_109] : memref<10240x128xf32, #tpu.memory_space<hbm>> -> memref<10240x128xf32, #tpu.memory_space<hbm>>
        tpu.enqueue_indirect_dma source(%dma_start3A_110 : memref<10240x128xf32, #tpu.memory_space<hbm>>) target(%arg6 : memref<128x128xf32, #tpu.memory_space<vmem>>) offsets(%dma_start3A_107 : memref<128xi32, #tpu.memory_space<vmem>>) semaphore(%arg9 : memref<!tpu.dma_semaphore, #tpu.memory_space<semaphore_mem>>)
        %add3A_111 = arith.constant 1 : i32
        %add3A_112 = arith.addi %mul3A_84, %add3A_111 : i32
        %dma_wait3A_113 = arith.constant 0 : i32
        %dma_wait3A_114 = arith.constant 0 : i32
        %dma_wait3A_115 = tpu.memref_slice %arg5[%add3A_112, %dma_wait3A_113, %dma_wait3A_114] : memref<60x2x128xi32, #tpu.memory_space<vmem>> -> memref<1x1x128xi32, #tpu.memory_space<vmem>>
        %dma_wait3A_116 = tpu.memref_squeeze %dma_wait3A_115 : memref<1x1x128xi32, #tpu.memory_space<vmem>> -> memref<128xi32, #tpu.memory_space<vmem>>
        %dma_wait3A_117 = arith.constant 0 : i32
        %dma_wait3A_118 = arith.constant 0 : i32
        %dma_wait3A_119 = tpu.memref_slice %arg2[%dma_wait3A_117, %dma_wait3A_118] : memref<10240x128xf32, #tpu.memory_space<hbm>> -> memref<10240x128xf32, #tpu.memory_space<hbm>>
        tpu.wait_indirect_dma semaphore(%arg10 : memref<!tpu.dma_semaphore, #tpu.memory_space<semaphore_mem>>) src(%dma_wait3A_119 : memref<10240x128xf32, #tpu.memory_space<hbm>>) dst(%arg7 : memref<128x128xf32, #tpu.memory_space<vmem>>)
        %add3A_120 = arith.constant 1 : i32
        %add3A_121 = arith.addi %mul3A_84, %add3A_120 : i32
        %run_scoped3A_122 = arith.constant 1 : i32
        "tpu.region"() ({
          %run_scoped3A_123 = tpu.sem_alloc : memref<!tpu.dma_semaphore, #tpu.memory_space<semaphore_mem>>
          %dma_start3A_124 = arith.constant 0 : i32
          %dma_start3A_125 = tpu.memref_slice %arg5[%add3A_121, %run_scoped3A_122, %dma_start3A_124] : memref<60x2x128xi32, #tpu.memory_space<vmem>> -> memref<1x1x128xi32, #tpu.memory_space<vmem>>
          %dma_start3A_126 = tpu.memref_squeeze %dma_start3A_125 : memref<1x1x128xi32, #tpu.memory_space<vmem>> -> memref<128xi32, #tpu.memory_space<vmem>>
          %dma_start3A_127 = arith.constant 0 : i32
          %dma_start3A_128 = arith.constant 0 : i32
          %dma_start3A_129 = tpu.memref_slice %arg8[%dma_start3A_127, %dma_start3A_128] : memref<10240x128xf32, #tpu.memory_space<vmem_shared>> -> memref<10240x128xf32, #tpu.memory_space<vmem_shared>>
          tpu.enqueue_indirect_dma source(%arg7 : memref<128x128xf32, #tpu.memory_space<vmem>>) target(%dma_start3A_129 : memref<10240x128xf32, #tpu.memory_space<vmem_shared>>) offsets(%dma_start3A_126 : memref<128xi32, #tpu.memory_space<vmem>>) semaphore(%run_scoped3A_123 : memref<!tpu.dma_semaphore, #tpu.memory_space<semaphore_mem>>) {add = true}
          %dma_wait3A_130 = arith.constant 0 : i32
          %dma_wait3A_131 = tpu.memref_slice %arg5[%add3A_121, %run_scoped3A_122, %dma_wait3A_130] : memref<60x2x128xi32, #tpu.memory_space<vmem>> -> memref<1x1x128xi32, #tpu.memory_space<vmem>>
          %dma_wait3A_132 = tpu.memref_squeeze %dma_wait3A_131 : memref<1x1x128xi32, #tpu.memory_space<vmem>> -> memref<128xi32, #tpu.memory_space<vmem>>
          %dma_wait3A_133 = arith.constant 0 : i32
          %dma_wait3A_134 = arith.constant 0 : i32
          %dma_wait3A_135 = tpu.memref_slice %arg8[%dma_wait3A_133, %dma_wait3A_134] : memref<10240x128xf32, #tpu.memory_space<vmem_shared>> -> memref<10240x128xf32, #tpu.memory_space<vmem_shared>>
          tpu.wait_indirect_dma semaphore(%run_scoped3A_123 : memref<!tpu.dma_semaphore, #tpu.memory_space<semaphore_mem>>) src(%arg7 : memref<128x128xf32, #tpu.memory_space<vmem>>) dst(%dma_wait3A_135 : memref<10240x128xf32, #tpu.memory_space<vmem_shared>>)
          tpu.yield
        }) : () -> ()
      }
      %scan3A_51 = arith.constant 3 : i32
      %dma_start3A_52 = arith.constant 7 : i32
      %dma_start3A_53 = arith.constant 0 : i32
      %dma_start3A_54 = arith.constant 0 : i32
      %dma_start3A_55 = tpu.memref_slice %arg5[%dma_start3A_52, %dma_start3A_53, %dma_start3A_54] : memref<60x2x128xi32, #tpu.memory_space<vmem>> -> memref<1x1x128xi32, #tpu.memory_space<vmem>>
      %dma_start3A_56 = tpu.memref_squeeze %dma_start3A_55 : memref<1x1x128xi32, #tpu.memory_space<vmem>> -> memref<128xi32, #tpu.memory_space<vmem>>
      %dma_start3A_57 = arith.constant 0 : i32
      %dma_start3A_58 = arith.constant 0 : i32
      %dma_start3A_59 = tpu.memref_slice %arg2[%dma_start3A_57, %dma_start3A_58] : memref<10240x128xf32, #tpu.memory_space<hbm>> -> memref<10240x128xf32, #tpu.memory_space<hbm>>
      tpu.enqueue_indirect_dma source(%dma_start3A_59 : memref<10240x128xf32, #tpu.memory_space<hbm>>) target(%arg7 : memref<128x128xf32, #tpu.memory_space<vmem>>) offsets(%dma_start3A_56 : memref<128xi32, #tpu.memory_space<vmem>>) semaphore(%arg10 : memref<!tpu.dma_semaphore, #tpu.memory_space<semaphore_mem>>)
      %dma_wait3A = arith.constant 6 : i32
      %dma_wait3A_60 = arith.constant 0 : i32
      %dma_wait3A_61 = arith.constant 0 : i32
      %dma_wait3A_62 = tpu.memref_slice %arg5[%dma_wait3A, %dma_wait3A_60, %dma_wait3A_61] : memref<60x2x128xi32, #tpu.memory_space<vmem>> -> memref<1x1x128xi32, #tpu.memory_space<vmem>>
      %dma_wait3A_63 = tpu.memref_squeeze %dma_wait3A_62 : memref<1x1x128xi32, #tpu.memory_space<vmem>> -> memref<128xi32, #tpu.memory_space<vmem>>
      %dma_wait3A_64 = arith.constant 0 : i32
      %dma_wait3A_65 = arith.constant 0 : i32
      %dma_wait3A_66 = tpu.memref_slice %arg2[%dma_wait3A_64, %dma_wait3A_65] : memref<10240x128xf32, #tpu.memory_space<hbm>> -> memref<10240x128xf32, #tpu.memory_space<hbm>>
      tpu.wait_indirect_dma semaphore(%arg9 : memref<!tpu.dma_semaphore, #tpu.memory_space<semaphore_mem>>) src(%dma_wait3A_66 : memref<10240x128xf32, #tpu.memory_space<hbm>>) dst(%arg6 : memref<128x128xf32, #tpu.memory_space<vmem>>)
      %run_scoped3A = arith.constant 6 : i32
      %run_scoped3A_67 = arith.constant 1 : i32
      "tpu.region"() ({
        %run_scoped3A_78 = tpu.sem_alloc : memref<!tpu.dma_semaphore, #tpu.memory_space<semaphore_mem>>
        %dma_start3A_79 = arith.constant 0 : i32
        %dma_start3A_80 = tpu.memref_slice %arg5[%run_scoped3A, %run_scoped3A_67, %dma_start3A_79] : memref<60x2x128xi32, #tpu.memory_space<vmem>> -> memref<1x1x128xi32, #tpu.memory_space<vmem>>
        %dma_start3A_81 = tpu.memref_squeeze %dma_start3A_80 : memref<1x1x128xi32, #tpu.memory_space<vmem>> -> memref<128xi32, #tpu.memory_space<vmem>>
        %dma_start3A_82 = arith.constant 0 : i32
        %dma_start3A_83 = arith.constant 0 : i32
        %dma_start3A_84 = tpu.memref_slice %arg8[%dma_start3A_82, %dma_start3A_83] : memref<10240x128xf32, #tpu.memory_space<vmem_shared>> -> memref<10240x128xf32, #tpu.memory_space<vmem_shared>>
        tpu.enqueue_indirect_dma source(%arg6 : memref<128x128xf32, #tpu.memory_space<vmem>>) target(%dma_start3A_84 : memref<10240x128xf32, #tpu.memory_space<vmem_shared>>) offsets(%dma_start3A_81 : memref<128xi32, #tpu.memory_space<vmem>>) semaphore(%run_scoped3A_78 : memref<!tpu.dma_semaphore, #tpu.memory_space<semaphore_mem>>) {add = true}
        %dma_wait3A_85 = arith.constant 0 : i32
        %dma_wait3A_86 = tpu.memref_slice %arg5[%run_scoped3A, %run_scoped3A_67, %dma_wait3A_85] : memref<60x2x128xi32, #tpu.memory_space<vmem>> -> memref<1x1x128xi32, #tpu.memory_space<vmem>>
        %dma_wait3A_87 = tpu.memref_squeeze %dma_wait3A_86 : memref<1x1x128xi32, #tpu.memory_space<vmem>> -> memref<128xi32, #tpu.memory_space<vmem>>
        %dma_wait3A_88 = arith.constant 0 : i32
        %dma_wait3A_89 = arith.constant 0 : i32
        %dma_wait3A_90 = tpu.memref_slice %arg8[%dma_wait3A_88, %dma_wait3A_89] : memref<10240x128xf32, #tpu.memory_space<vmem_shared>> -> memref<10240x128xf32, #tpu.memory_space<vmem_shared>>
        tpu.wait_indirect_dma semaphore(%run_scoped3A_78 : memref<!tpu.dma_semaphore, #tpu.memory_space<semaphore_mem>>) src(%arg6 : memref<128x128xf32, #tpu.memory_space<vmem>>) dst(%dma_wait3A_90 : memref<10240x128xf32, #tpu.memory_space<vmem_shared>>)
        tpu.yield
      }) : () -> ()
      %dma_wait3A_68 = arith.constant 7 : i32
      %dma_wait3A_69 = arith.constant 0 : i32
      %dma_wait3A_70 = arith.constant 0 : i32
      %dma_wait3A_71 = tpu.memref_slice %arg5[%dma_wait3A_68, %dma_wait3A_69, %dma_wait3A_70] : memref<60x2x128xi32, #tpu.memory_space<vmem>> -> memref<1x1x128xi32, #tpu.memory_space<vmem>>
      %dma_wait3A_72 = tpu.memref_squeeze %dma_wait3A_71 : memref<1x1x128xi32, #tpu.memory_space<vmem>> -> memref<128xi32, #tpu.memory_space<vmem>>
      %dma_wait3A_73 = arith.constant 0 : i32
      %dma_wait3A_74 = arith.constant 0 : i32
      %dma_wait3A_75 = tpu.memref_slice %arg2[%dma_wait3A_73, %dma_wait3A_74] : memref<10240x128xf32, #tpu.memory_space<hbm>> -> memref<10240x128xf32, #tpu.memory_space<hbm>>
      tpu.wait_indirect_dma semaphore(%arg10 : memref<!tpu.dma_semaphore, #tpu.memory_space<semaphore_mem>>) src(%dma_wait3A_75 : memref<10240x128xf32, #tpu.memory_space<hbm>>) dst(%arg7 : memref<128x128xf32, #tpu.memory_space<vmem>>)
      %run_scoped3A_76 = arith.constant 7 : i32
      %run_scoped3A_77 = arith.constant 1 : i32
      "tpu.region"() ({
        %run_scoped3A_78 = tpu.sem_alloc : memref<!tpu.dma_semaphore, #tpu.memory_space<semaphore_mem>>
        %dma_start3A_79 = arith.constant 0 : i32
        %dma_start3A_80 = tpu.memref_slice %arg5[%run_scoped3A_76, %run_scoped3A_77, %dma_start3A_79] : memref<60x2x128xi32, #tpu.memory_space<vmem>> -> memref<1x1x128xi32, #tpu.memory_space<vmem>>
        %dma_start3A_81 = tpu.memref_squeeze %dma_start3A_80 : memref<1x1x128xi32, #tpu.memory_space<vmem>> -> memref<128xi32, #tpu.memory_space<vmem>>
        %dma_start3A_82 = arith.constant 0 : i32
        %dma_start3A_83 = arith.constant 0 : i32
        %dma_start3A_84 = tpu.memref_slice %arg8[%dma_start3A_82, %dma_start3A_83] : memref<10240x128xf32, #tpu.memory_space<vmem_shared>> -> memref<10240x128xf32, #tpu.memory_space<vmem_shared>>
        tpu.enqueue_indirect_dma source(%arg7 : memref<128x128xf32, #tpu.memory_space<vmem>>) target(%dma_start3A_84 : memref<10240x128xf32, #tpu.memory_space<vmem_shared>>) offsets(%dma_start3A_81 : memref<128xi32, #tpu.memory_space<vmem>>) semaphore(%run_scoped3A_78 : memref<!tpu.dma_semaphore, #tpu.memory_space<semaphore_mem>>) {add = true}
        %dma_wait3A_85 = arith.constant 0 : i32
        %dma_wait3A_86 = tpu.memref_slice %arg5[%run_scoped3A_76, %run_scoped3A_77, %dma_wait3A_85] : memref<60x2x128xi32, #tpu.memory_space<vmem>> -> memref<1x1x128xi32, #tpu.memory_space<vmem>>
        %dma_wait3A_87 = tpu.memref_squeeze %dma_wait3A_86 : memref<1x1x128xi32, #tpu.memory_space<vmem>> -> memref<128xi32, #tpu.memory_space<vmem>>
        %dma_wait3A_88 = arith.constant 0 : i32
        %dma_wait3A_89 = arith.constant 0 : i32
        %dma_wait3A_90 = tpu.memref_slice %arg8[%dma_wait3A_88, %dma_wait3A_89] : memref<10240x128xf32, #tpu.memory_space<vmem_shared>> -> memref<10240x128xf32, #tpu.memory_space<vmem_shared>>
        tpu.wait_indirect_dma semaphore(%run_scoped3A_78 : memref<!tpu.dma_semaphore, #tpu.memory_space<semaphore_mem>>) src(%arg7 : memref<128x128xf32, #tpu.memory_space<vmem>>) dst(%dma_wait3A_90 : memref<10240x128xf32, #tpu.memory_space<vmem_shared>>)
        tpu.yield
      }) : () -> ()
    } else {
    }
    %barrier3A_29 = arith.constant 0 : index
    tpu.barrier barrier_id(%barrier3A_29)
    %mul3A_30 = arith.constant 640 : i32
    %mul3A_31 = arith.muli %arg1, %mul3A_30 : i32
    %mul3A_32 = arith.constant 640 : i32
    %mul3A_33 = arith.muli %arg1, %mul3A_32 : i32
    "tpu.region"() ({
      %run_scoped3A = tpu.sem_alloc : memref<!tpu.dma_semaphore, #tpu.memory_space<semaphore_mem>>
      %dma_start3A = arith.constant 0 : i32
      %dma_start3A_34 = tpu.memref_slice %arg4[%arg0, %mul3A_33, %dma_start3A] : memref<2x10240x128xf32, #tpu.memory_space<hbm>> -> memref<1x640x128xf32, #tpu.memory_space<hbm>>
      %dma_start3A_35 = tpu.memref_squeeze %dma_start3A_34 : memref<1x640x128xf32, #tpu.memory_space<hbm>> -> memref<640x128xf32, #tpu.memory_space<hbm>>
      %dma_start3A_36 = arith.constant 0 : i32
      %dma_start3A_37 = tpu.memref_slice %arg8[%mul3A_31, %dma_start3A_36] : memref<10240x128xf32, #tpu.memory_space<vmem_shared>> -> memref<640x128xf32, #tpu.memory_space<vmem_shared>>
      tpu.enqueue_dma source(%dma_start3A_37 : memref<640x128xf32, #tpu.memory_space<vmem_shared>>) target(%dma_start3A_35 : memref<640x128xf32, #tpu.memory_space<hbm>>) target_semaphore(%run_scoped3A : memref<!tpu.dma_semaphore, #tpu.memory_space<semaphore_mem>>)
      %dma_wait3A = arith.constant 0 : i32
      %dma_wait3A_38 = tpu.memref_slice %arg4[%arg0, %mul3A_33, %dma_wait3A] : memref<2x10240x128xf32, #tpu.memory_space<hbm>> -> memref<1x640x128xf32, #tpu.memory_space<hbm>>
      %dma_wait3A_39 = tpu.memref_squeeze %dma_wait3A_38 : memref<1x640x128xf32, #tpu.memory_space<hbm>> -> memref<640x128xf32, #tpu.memory_space<hbm>>
      %dma_wait3A_40 = arith.constant 0 : i32
      %dma_wait3A_41 = tpu.memref_slice %arg8[%mul3A_31, %dma_wait3A_40] : memref<10240x128xf32, #tpu.memory_space<vmem_shared>> -> memref<640x128xf32, #tpu.memory_space<vmem_shared>>
      tpu.wait_dma2 semaphore(%run_scoped3A : memref<!tpu.dma_semaphore, #tpu.memory_space<semaphore_mem>>) src(%dma_wait3A_41 : memref<640x128xf32, #tpu.memory_space<vmem_shared>>) dst(%dma_wait3A_39 : memref<640x128xf32, #tpu.memory_space<hbm>>)
      tpu.yield
    }) : () -> ()
    return
  }
}

#map = affine_map<(d0, d1) -> (0, 0)>
#map1 = affine_map<(d0, d1) -> (0, 0, 0)>
module attributes {stable_mosaic.version = 14 : i64} {
  func.func @k(%arg0: i32, %arg1: i32, %arg2: memref<10240x128xf32, #tpu.memory_space<hbm>>, %arg3: memref<2528x2x128xi32, #tpu.memory_space<hbm>>, %arg4: memref<2x10240x128xf32, #tpu.memory_space<hbm>>, %arg5: memref<60x2x128xi32, #tpu.memory_space<vmem>>, %arg6: memref<128x128xf32, #tpu.memory_space<vmem>>, %arg7: memref<128x128xf32, #tpu.memory_space<vmem>>, %arg8: memref<10240x128xf32, #tpu.memory_space<vmem_shared>>, %arg9: memref<!tpu.dma_semaphore, #tpu.memory_space<semaphore_mem>>, %arg10: memref<!tpu.dma_semaphore, #tpu.memory_space<semaphore_mem>>) attributes {dimension_semantics = [#tpu.dimension_semantics<core_parallel>, #tpu.dimension_semantics<subcore_parallel>], iteration_bounds = array<i64: 2, 16>, scalar_prefetch = 0 : i64, scratch_operands = 6 : i64, tpu.core_type = #tpu.core_type<sc_vector_subcore>, window_params = [{transform_indices = #map}, {transform_indices = #map1}, {transform_indices = #map1}]} {
    %broadcast_in_dim3A = arith.constant 0.000000e+00 : f32
    %broadcast_in_dim3A_0 = vector.broadcast %broadcast_in_dim3A : f32 to vector<16xf32>
    %scan3A = arith.constant 0 : i32
    %scan3A_1 = arith.constant 128 : i32
    %scan3A_2 = arith.addi %scan3A, %scan3A_1 : i32
    %scan3A_3 = arith.constant 1 : i32
    scf.for %scan3A_34 = %scan3A to %scan3A_2 step %scan3A_3  : i32 {
      %mul3A_35 = arith.constant 1 : i32
      %mul3A_36 = arith.muli %scan3A_34, %mul3A_35 : i32
      %add3A_37 = arith.constant 0 : i32
      %add3A_38 = arith.addi %add3A_37, %mul3A_36 : i32
      %swap3A = arith.index_cast %add3A_38 : i32 to index
      %swap3A_39 = arith.constant 0 : index
      %swap3A_40 = tpu.vector_load %arg6[%swap3A, %swap3A_39] {strides = array<i32>} : memref<128x128xf32, #tpu.memory_space<vmem>>, vector<1x16xf32>,
      %swap3A_41 = vector.shape_cast %swap3A_40 : vector<1x16xf32> to vector<16xf32>
      %swap3A_42 = vector.shape_cast %broadcast_in_dim3A_0 : vector<16xf32> to vector<1x16xf32>
      tpu.vector_store %arg6[%swap3A, %swap3A_39], %swap3A_42 {strides = array<i32>} : memref<128x128xf32, #tpu.memory_space<vmem>>, vector<1x16xf32>,
      %swap3A_43 = arith.index_cast %add3A_38 : i32 to index
      %swap3A_44 = arith.constant 16 : index
      %swap3A_45 = tpu.vector_load %arg6[%swap3A_43, %swap3A_44] {strides = array<i32>} : memref<128x128xf32, #tpu.memory_space<vmem>>, vector<1x16xf32>,
      %swap3A_46 = vector.shape_cast %swap3A_45 : vector<1x16xf32> to vector<16xf32>
      %swap3A_47 = vector.shape_cast %broadcast_in_dim3A_0 : vector<16xf32> to vector<1x16xf32>
      tpu.vector_store %arg6[%swap3A_43, %swap3A_44], %swap3A_47 {strides = array<i32>} : memref<128x128xf32, #tpu.memory_space<vmem>>, vector<1x16xf32>,
      %swap3A_48 = arith.index_cast %add3A_38 : i32 to index
      %swap3A_49 = arith.constant 32 : index
      %swap3A_50 = tpu.vector_load %arg6[%swap3A_48, %swap3A_49] {strides = array<i32>} : memref<128x128xf32, #tpu.memory_space<vmem>>, vector<1x16xf32>,
      %swap3A_51 = vector.shape_cast %swap3A_50 : vector<1x16xf32> to vector<16xf32>
      %swap3A_52 = vector.shape_cast %broadcast_in_dim3A_0 : vector<16xf32> to vector<1x16xf32>
      tpu.vector_store %arg6[%swap3A_48, %swap3A_49], %swap3A_52 {strides = array<i32>} : memref<128x128xf32, #tpu.memory_space<vmem>>, vector<1x16xf32>,
      %swap3A_53 = arith.index_cast %add3A_38 : i32 to index
      %swap3A_54 = arith.constant 48 : index
      %swap3A_55 = tpu.vector_load %arg6[%swap3A_53, %swap3A_54] {strides = array<i32>} : memref<128x128xf32, #tpu.memory_space<vmem>>, vector<1x16xf32>,
      %swap3A_56 = vector.shape_cast %swap3A_55 : vector<1x16xf32> to vector<16xf32>
      %swap3A_57 = vector.shape_cast %broadcast_in_dim3A_0 : vector<16xf32> to vector<1x16xf32>
      tpu.vector_store %arg6[%swap3A_53, %swap3A_54], %swap3A_57 {strides = array<i32>} : memref<128x128xf32, #tpu.memory_space<vmem>>, vector<1x16xf32>,
      %swap3A_58 = arith.index_cast %add3A_38 : i32 to index
      %swap3A_59 = arith.constant 64 : index
      %swap3A_60 = tpu.vector_load %arg6[%swap3A_58, %swap3A_59] {strides = array<i32>} : memref<128x128xf32, #tpu.memory_space<vmem>>, vector<1x16xf32>,
      %swap3A_61 = vector.shape_cast %swap3A_60 : vector<1x16xf32> to vector<16xf32>
      %swap3A_62 = vector.shape_cast %broadcast_in_dim3A_0 : vector<16xf32> to vector<1x16xf32>
      tpu.vector_store %arg6[%swap3A_58, %swap3A_59], %swap3A_62 {strides = array<i32>} : memref<128x128xf32, #tpu.memory_space<vmem>>, vector<1x16xf32>,
      %swap3A_63 = arith.index_cast %add3A_38 : i32 to index
      %swap3A_64 = arith.constant 80 : index
      %swap3A_65 = tpu.vector_load %arg6[%swap3A_63, %swap3A_64] {strides = array<i32>} : memref<128x128xf32, #tpu.memory_space<vmem>>, vector<1x16xf32>,
      %swap3A_66 = vector.shape_cast %swap3A_65 : vector<1x16xf32> to vector<16xf32>
      %swap3A_67 = vector.shape_cast %broadcast_in_dim3A_0 : vector<16xf32> to vector<1x16xf32>
      tpu.vector_store %arg6[%swap3A_63, %swap3A_64], %swap3A_67 {strides = array<i32>} : memref<128x128xf32, #tpu.memory_space<vmem>>, vector<1x16xf32>,
      %swap3A_68 = arith.index_cast %add3A_38 : i32 to index
      %swap3A_69 = arith.constant 96 : index
      %swap3A_70 = tpu.vector_load %arg6[%swap3A_68, %swap3A_69] {strides = array<i32>} : memref<128x128xf32, #tpu.memory_space<vmem>>, vector<1x16xf32>,
      %swap3A_71 = vector.shape_cast %swap3A_70 : vector<1x16xf32> to vector<16xf32>
      %swap3A_72 = vector.shape_cast %broadcast_in_dim3A_0 : vector<16xf32> to vector<1x16xf32>
      tpu.vector_store %arg6[%swap3A_68, %swap3A_69], %swap3A_72 {strides = array<i32>} : memref<128x128xf32, #tpu.memory_space<vmem>>, vector<1x16xf32>,
      %swap3A_73 = arith.index_cast %add3A_38 : i32 to index
      %swap3A_74 = arith.constant 112 : index
      %swap3A_75 = tpu.vector_load %arg6[%swap3A_73, %swap3A_74] {strides = array<i32>} : memref<128x128xf32, #tpu.memory_space<vmem>>, vector<1x16xf32>,
      %swap3A_76 = vector.shape_cast %swap3A_75 : vector<1x16xf32> to vector<16xf32>
      %swap3A_77 = vector.shape_cast %broadcast_in_dim3A_0 : vector<16xf32> to vector<1x16xf32>
      tpu.vector_store %arg6[%swap3A_73, %swap3A_74], %swap3A_77 {strides = array<i32>} : memref<128x128xf32, #tpu.memory_space<vmem>>, vector<1x16xf32>,
    }
    %scan3A_4 = arith.constant 128 : i32
    %mul3A = arith.constant 640 : i32
    %mul3A_5 = arith.muli %arg1, %mul3A : i32
    %add3A = arith.constant 0 : i32
    %add3A_6 = arith.addi %mul3A_5, %add3A : i32
    "tpu.region"() ({
      %run_scoped3A = tpu.sem_alloc : memref<!tpu.dma_semaphore, #tpu.memory_space<semaphore_mem>>
      %dma_start3A = arith.constant 0 : i32
      %dma_start3A_34 = tpu.memref_slice %arg8[%add3A_6, %dma_start3A] : memref<10240x128xf32, #tpu.memory_space<vmem_shared>> -> memref<128x128xf32, #tpu.memory_space<vmem_shared>>
      %dma_start3A_35 = arith.constant 0 : i32
      %dma_start3A_36 = tpu.memref_slice %arg8[%add3A_6, %dma_start3A_35] : memref<10240x128xf32, #tpu.memory_space<vmem_shared>> -> memref<128x128xf32, #tpu.memory_space<vmem_shared>>
      tpu.enqueue_dma source(%arg6 : memref<128x128xf32, #tpu.memory_space<vmem>>) target(%dma_start3A_36 : memref<128x128xf32, #tpu.memory_space<vmem_shared>>) target_semaphore(%run_scoped3A : memref<!tpu.dma_semaphore, #tpu.memory_space<semaphore_mem>>)
      %dma_wait3A = arith.constant 0 : i32
      %dma_wait3A_37 = tpu.memref_slice %arg8[%add3A_6, %dma_wait3A] : memref<10240x128xf32, #tpu.memory_space<vmem_shared>> -> memref<128x128xf32, #tpu.memory_space<vmem_shared>>
      %dma_wait3A_38 = arith.constant 0 : i32
      %dma_wait3A_39 = tpu.memref_slice %arg8[%add3A_6, %dma_wait3A_38] : memref<10240x128xf32, #tpu.memory_space<vmem_shared>> -> memref<128x128xf32, #tpu.memory_space<vmem_shared>>
      tpu.wait_dma2 semaphore(%run_scoped3A : memref<!tpu.dma_semaphore, #tpu.memory_space<semaphore_mem>>) src(%arg6 : memref<128x128xf32, #tpu.memory_space<vmem>>) dst(%dma_wait3A_39 : memref<128x128xf32, #tpu.memory_space<vmem_shared>>)
      tpu.yield
    }) : () -> ()
    %mul3A_7 = arith.constant 640 : i32
    %mul3A_8 = arith.muli %arg1, %mul3A_7 : i32
    %add3A_9 = arith.constant 128 : i32
    %add3A_10 = arith.addi %mul3A_8, %add3A_9 : i32
    "tpu.region"() ({
      %run_scoped3A = tpu.sem_alloc : memref<!tpu.dma_semaphore, #tpu.memory_space<semaphore_mem>>
      %dma_start3A = arith.constant 0 : i32
      %dma_start3A_34 = tpu.memref_slice %arg8[%add3A_10, %dma_start3A] : memref<10240x128xf32, #tpu.memory_space<vmem_shared>> -> memref<128x128xf32, #tpu.memory_space<vmem_shared>>
      %dma_start3A_35 = arith.constant 0 : i32
      %dma_start3A_36 = tpu.memref_slice %arg8[%add3A_10, %dma_start3A_35] : memref<10240x128xf32, #tpu.memory_space<vmem_shared>> -> memref<128x128xf32, #tpu.memory_space<vmem_shared>>
      tpu.enqueue_dma source(%arg6 : memref<128x128xf32, #tpu.memory_space<vmem>>) target(%dma_start3A_36 : memref<128x128xf32, #tpu.memory_space<vmem_shared>>) target_semaphore(%run_scoped3A : memref<!tpu.dma_semaphore, #tpu.memory_space<semaphore_mem>>)
      %dma_wait3A = arith.constant 0 : i32
      %dma_wait3A_37 = tpu.memref_slice %arg8[%add3A_10, %dma_wait3A] : memref<10240x128xf32, #tpu.memory_space<vmem_shared>> -> memref<128x128xf32, #tpu.memory_space<vmem_shared>>
      %dma_wait3A_38 = arith.constant 0 : i32
      %dma_wait3A_39 = tpu.memref_slice %arg8[%add3A_10, %dma_wait3A_38] : memref<10240x128xf32, #tpu.memory_space<vmem_shared>> -> memref<128x128xf32, #tpu.memory_space<vmem_shared>>
      tpu.wait_dma2 semaphore(%run_scoped3A : memref<!tpu.dma_semaphore, #tpu.memory_space<semaphore_mem>>) src(%arg6 : memref<128x128xf32, #tpu.memory_space<vmem>>) dst(%dma_wait3A_39 : memref<128x128xf32, #tpu.memory_space<vmem_shared>>)
      tpu.yield
    }) : () -> ()
    %mul3A_11 = arith.constant 640 : i32
    %mul3A_12 = arith.muli %arg1, %mul3A_11 : i32
    %add3A_13 = arith.constant 256 : i32
    %add3A_14 = arith.addi %mul3A_12, %add3A_13 : i32
    "tpu.region"() ({
      %run_scoped3A = tpu.sem_alloc : memref<!tpu.dma_semaphore, #tpu.memory_space<semaphore_mem>>
      %dma_start3A = arith.constant 0 : i32
      %dma_start3A_34 = tpu.memref_slice %arg8[%add3A_14, %dma_start3A] : memref<10240x128xf32, #tpu.memory_space<vmem_shared>> -> memref<128x128xf32, #tpu.memory_space<vmem_shared>>
      %dma_start3A_35 = arith.constant 0 : i32
      %dma_start3A_36 = tpu.memref_slice %arg8[%add3A_14, %dma_start3A_35] : memref<10240x128xf32, #tpu.memory_space<vmem_shared>> -> memref<128x128xf32, #tpu.memory_space<vmem_shared>>
      tpu.enqueue_dma source(%arg6 : memref<128x128xf32, #tpu.memory_space<vmem>>) target(%dma_start3A_36 : memref<128x128xf32, #tpu.memory_space<vmem_shared>>) target_semaphore(%run_scoped3A : memref<!tpu.dma_semaphore, #tpu.memory_space<semaphore_mem>>)
      %dma_wait3A = arith.constant 0 : i32
      %dma_wait3A_37 = tpu.memref_slice %arg8[%add3A_14, %dma_wait3A] : memref<10240x128xf32, #tpu.memory_space<vmem_shared>> -> memref<128x128xf32, #tpu.memory_space<vmem_shared>>
      %dma_wait3A_38 = arith.constant 0 : i32
      %dma_wait3A_39 = tpu.memref_slice %arg8[%add3A_14, %dma_wait3A_38] : memref<10240x128xf32, #tpu.memory_space<vmem_shared>> -> memref<128x128xf32, #tpu.memory_space<vmem_shared>>
      tpu.wait_dma2 semaphore(%run_scoped3A : memref<!tpu.dma_semaphore, #tpu.memory_space<semaphore_mem>>) src(%arg6 : memref<128x128xf32, #tpu.memory_space<vmem>>) dst(%dma_wait3A_39 : memref<128x128xf32, #tpu.memory_space<vmem_shared>>)
      tpu.yield
    }) : () -> ()
    %mul3A_15 = arith.constant 640 : i32
    %mul3A_16 = arith.muli %arg1, %mul3A_15 : i32
    %add3A_17 = arith.constant 384 : i32
    %add3A_18 = arith.addi %mul3A_16, %add3A_17 : i32
    "tpu.region"() ({
      %run_scoped3A = tpu.sem_alloc : memref<!tpu.dma_semaphore, #tpu.memory_space<semaphore_mem>>
      %dma_start3A = arith.constant 0 : i32
      %dma_start3A_34 = tpu.memref_slice %arg8[%add3A_18, %dma_start3A] : memref<10240x128xf32, #tpu.memory_space<vmem_shared>> -> memref<128x128xf32, #tpu.memory_space<vmem_shared>>
      %dma_start3A_35 = arith.constant 0 : i32
      %dma_start3A_36 = tpu.memref_slice %arg8[%add3A_18, %dma_start3A_35] : memref<10240x128xf32, #tpu.memory_space<vmem_shared>> -> memref<128x128xf32, #tpu.memory_space<vmem_shared>>
      tpu.enqueue_dma source(%arg6 : memref<128x128xf32, #tpu.memory_space<vmem>>) target(%dma_start3A_36 : memref<128x128xf32, #tpu.memory_space<vmem_shared>>) target_semaphore(%run_scoped3A : memref<!tpu.dma_semaphore, #tpu.memory_space<semaphore_mem>>)
      %dma_wait3A = arith.constant 0 : i32
      %dma_wait3A_37 = tpu.memref_slice %arg8[%add3A_18, %dma_wait3A] : memref<10240x128xf32, #tpu.memory_space<vmem_shared>> -> memref<128x128xf32, #tpu.memory_space<vmem_shared>>
      %dma_wait3A_38 = arith.constant 0 : i32
      %dma_wait3A_39 = tpu.memref_slice %arg8[%add3A_18, %dma_wait3A_38] : memref<10240x128xf32, #tpu.memory_space<vmem_shared>> -> memref<128x128xf32, #tpu.memory_space<vmem_shared>>
      tpu.wait_dma2 semaphore(%run_scoped3A : memref<!tpu.dma_semaphore, #tpu.memory_space<semaphore_mem>>) src(%arg6 : memref<128x128xf32, #tpu.memory_space<vmem>>) dst(%dma_wait3A_39 : memref<128x128xf32, #tpu.memory_space<vmem_shared>>)
      tpu.yield
    }) : () -> ()
    %mul3A_19 = arith.constant 640 : i32
    %mul3A_20 = arith.muli %arg1, %mul3A_19 : i32
    %add3A_21 = arith.constant 512 : i32
    %add3A_22 = arith.addi %mul3A_20, %add3A_21 : i32
    "tpu.region"() ({
      %run_scoped3A = tpu.sem_alloc : memref<!tpu.dma_semaphore, #tpu.memory_space<semaphore_mem>>
      %dma_start3A = arith.constant 0 : i32
      %dma_start3A_34 = tpu.memref_slice %arg8[%add3A_22, %dma_start3A] : memref<10240x128xf32, #tpu.memory_space<vmem_shared>> -> memref<128x128xf32, #tpu.memory_space<vmem_shared>>
      %dma_start3A_35 = arith.constant 0 : i32
      %dma_start3A_36 = tpu.memref_slice %arg8[%add3A_22, %dma_start3A_35] : memref<10240x128xf32, #tpu.memory_space<vmem_shared>> -> memref<128x128xf32, #tpu.memory_space<vmem_shared>>
      tpu.enqueue_dma source(%arg6 : memref<128x128xf32, #tpu.memory_space<vmem>>) target(%dma_start3A_36 : memref<128x128xf32, #tpu.memory_space<vmem_shared>>) target_semaphore(%run_scoped3A : memref<!tpu.dma_semaphore, #tpu.memory_space<semaphore_mem>>)
      %dma_wait3A = arith.constant 0 : i32
      %dma_wait3A_37 = tpu.memref_slice %arg8[%add3A_22, %dma_wait3A] : memref<10240x128xf32, #tpu.memory_space<vmem_shared>> -> memref<128x128xf32, #tpu.memory_space<vmem_shared>>
      %dma_wait3A_38 = arith.constant 0 : i32
      %dma_wait3A_39 = tpu.memref_slice %arg8[%add3A_22, %dma_wait3A_38] : memref<10240x128xf32, #tpu.memory_space<vmem_shared>> -> memref<128x128xf32, #tpu.memory_space<vmem_shared>>
      tpu.wait_dma2 semaphore(%run_scoped3A : memref<!tpu.dma_semaphore, #tpu.memory_space<semaphore_mem>>) src(%arg6 : memref<128x128xf32, #tpu.memory_space<vmem>>) dst(%dma_wait3A_39 : memref<128x128xf32, #tpu.memory_space<vmem_shared>>)
      tpu.yield
    }) : () -> ()
    %barrier3A = arith.constant 0 : index
    tpu.barrier barrier_id(%barrier3A)
    %eq3A = arith.constant 0 : i32
    %eq3A_23 = arith.cmpi eq, %arg0, %eq3A : i32
    %convert_element_type3A = arith.extui %eq3A_23 : i1 to i32
    %cond3A = arith.constant 0 : i32
    %cond3A_24 = arith.cmpi ne, %convert_element_type3A, %cond3A : i32
    scf.if %cond3A_24 {
      %mul3A_34 = arith.constant 150 : i32
      %mul3A_35 = arith.muli %arg1, %mul3A_34 : i32
      %add3A_36 = arith.constant 0 : i32
      %add3A_37 = arith.addi %mul3A_35, %add3A_36 : i32
      "tpu.region"() ({
        %run_scoped3A_162 = tpu.sem_alloc : memref<!tpu.dma_semaphore, #tpu.memory_space<semaphore_mem>>
        %dma_start3A_163 = arith.constant 0 : i32
        %dma_start3A_164 = arith.constant 0 : i32
        %dma_start3A_165 = arith.constant 0 : i32
        %dma_start3A_166 = tpu.memref_slice %arg5[%dma_start3A_163, %dma_start3A_164, %dma_start3A_165] : memref<60x2x128xi32, #tpu.memory_space<vmem>> -> memref<60x2x128xi32, #tpu.memory_space<vmem>>
        %dma_start3A_167 = arith.constant 0 : i32
        %dma_start3A_168 = arith.constant 0 : i32
        %dma_start3A_169 = tpu.memref_slice %arg3[%add3A_37, %dma_start3A_167, %dma_start3A_168] : memref<2528x2x128xi32, #tpu.memory_space<hbm>> -> memref<60x2x128xi32, #tpu.memory_space<hbm>>
        %dma_start3A_170 = arith.constant 0 : i32
        %dma_start3A_171 = arith.constant 0 : i32
        %dma_start3A_172 = arith.constant 0 : i32
        %dma_start3A_173 = tpu.memref_slice %arg5[%dma_start3A_170, %dma_start3A_171, %dma_start3A_172] : memref<60x2x128xi32, #tpu.memory_space<vmem>> -> memref<60x2x128xi32, #tpu.memory_space<vmem>>
        %dma_start3A_174 = arith.constant 0 : i32
        %dma_start3A_175 = arith.constant 0 : i32
        %dma_start3A_176 = tpu.memref_slice %arg3[%add3A_37, %dma_start3A_174, %dma_start3A_175] : memref<2528x2x128xi32, #tpu.memory_space<hbm>> -> memref<60x2x128xi32, #tpu.memory_space<hbm>>
        tpu.enqueue_dma source(%dma_start3A_176 : memref<60x2x128xi32, #tpu.memory_space<hbm>>) target(%dma_start3A_173 : memref<60x2x128xi32, #tpu.memory_space<vmem>>) target_semaphore(%run_scoped3A_162 : memref<!tpu.dma_semaphore, #tpu.memory_space<semaphore_mem>>)
        %dma_wait3A_177 = arith.constant 0 : i32
        %dma_wait3A_178 = arith.constant 0 : i32
        %dma_wait3A_179 = arith.constant 0 : i32
        %dma_wait3A_180 = tpu.memref_slice %arg5[%dma_wait3A_177, %dma_wait3A_178, %dma_wait3A_179] : memref<60x2x128xi32, #tpu.memory_space<vmem>> -> memref<60x2x128xi32, #tpu.memory_space<vmem>>
        %dma_wait3A_181 = arith.constant 0 : i32
        %dma_wait3A_182 = arith.constant 0 : i32
        %dma_wait3A_183 = tpu.memref_slice %arg3[%add3A_37, %dma_wait3A_181, %dma_wait3A_182] : memref<2528x2x128xi32, #tpu.memory_space<hbm>> -> memref<60x2x128xi32, #tpu.memory_space<hbm>>
        %dma_wait3A_184 = arith.constant 0 : i32
        %dma_wait3A_185 = arith.constant 0 : i32
        %dma_wait3A_186 = arith.constant 0 : i32
        %dma_wait3A_187 = tpu.memref_slice %arg5[%dma_wait3A_184, %dma_wait3A_185, %dma_wait3A_186] : memref<60x2x128xi32, #tpu.memory_space<vmem>> -> memref<60x2x128xi32, #tpu.memory_space<vmem>>
        %dma_wait3A_188 = arith.constant 0 : i32
        %dma_wait3A_189 = arith.constant 0 : i32
        %dma_wait3A_190 = tpu.memref_slice %arg3[%add3A_37, %dma_wait3A_188, %dma_wait3A_189] : memref<2528x2x128xi32, #tpu.memory_space<hbm>> -> memref<60x2x128xi32, #tpu.memory_space<hbm>>
        tpu.wait_dma2 semaphore(%run_scoped3A_162 : memref<!tpu.dma_semaphore, #tpu.memory_space<semaphore_mem>>) src(%dma_wait3A_190 : memref<60x2x128xi32, #tpu.memory_space<hbm>>) dst(%dma_wait3A_187 : memref<60x2x128xi32, #tpu.memory_space<vmem>>)
        tpu.yield
      }) : () -> ()
      %dma_start3A = arith.constant 0 : i32
      %dma_start3A_38 = arith.constant 0 : i32
      %dma_start3A_39 = arith.constant 0 : i32
      %dma_start3A_40 = tpu.memref_slice %arg5[%dma_start3A, %dma_start3A_38, %dma_start3A_39] : memref<60x2x128xi32, #tpu.memory_space<vmem>> -> memref<1x1x128xi32, #tpu.memory_space<vmem>>
      %dma_start3A_41 = tpu.memref_squeeze %dma_start3A_40 : memref<1x1x128xi32, #tpu.memory_space<vmem>> -> memref<128xi32, #tpu.memory_space<vmem>>
      %dma_start3A_42 = arith.constant 0 : i32
      %dma_start3A_43 = arith.constant 0 : i32
      %dma_start3A_44 = tpu.memref_slice %arg2[%dma_start3A_42, %dma_start3A_43] : memref<10240x128xf32, #tpu.memory_space<hbm>> -> memref<10240x128xf32, #tpu.memory_space<hbm>>
      tpu.enqueue_indirect_dma source(%dma_start3A_44 : memref<10240x128xf32, #tpu.memory_space<hbm>>) target(%arg6 : memref<128x128xf32, #tpu.memory_space<vmem>>) offsets(%dma_start3A_41 : memref<128xi32, #tpu.memory_space<vmem>>) semaphore(%arg9 : memref<!tpu.dma_semaphore, #tpu.memory_space<semaphore_mem>>)
      %scan3A_45 = arith.constant 0 : i32
      %scan3A_46 = arith.constant 29 : i32
      %scan3A_47 = arith.addi %scan3A_45, %scan3A_46 : i32
      %scan3A_48 = arith.constant 1 : i32
      scf.for %scan3A_162 = %scan3A_45 to %scan3A_47 step %scan3A_48  : i32 {
        %mul3A_163 = arith.constant 1 : i32
        %mul3A_164 = arith.muli %scan3A_162, %mul3A_163 : i32
        %add3A_165 = arith.constant 0 : i32
        %add3A_166 = arith.addi %add3A_165, %mul3A_164 : i32
        %mul3A_167 = arith.constant 2 : i32
        %mul3A_168 = arith.muli %mul3A_167, %add3A_166 : i32
        %add3A_169 = arith.constant 1 : i32
        %add3A_170 = arith.addi %mul3A_168, %add3A_169 : i32
        %dma_start3A_171 = arith.constant 0 : i32
        %dma_start3A_172 = arith.constant 0 : i32
        %dma_start3A_173 = tpu.memref_slice %arg5[%add3A_170, %dma_start3A_171, %dma_start3A_172] : memref<60x2x128xi32, #tpu.memory_space<vmem>> -> memref<1x1x128xi32, #tpu.memory_space<vmem>>
        %dma_start3A_174 = tpu.memref_squeeze %dma_start3A_173 : memref<1x1x128xi32, #tpu.memory_space<vmem>> -> memref<128xi32, #tpu.memory_space<vmem>>
        %dma_start3A_175 = arith.constant 0 : i32
        %dma_start3A_176 = arith.constant 0 : i32
        %dma_start3A_177 = tpu.memref_slice %arg2[%dma_start3A_175, %dma_start3A_176] : memref<10240x128xf32, #tpu.memory_space<hbm>> -> memref<10240x128xf32, #tpu.memory_space<hbm>>
        tpu.enqueue_indirect_dma source(%dma_start3A_177 : memref<10240x128xf32, #tpu.memory_space<hbm>>) target(%arg7 : memref<128x128xf32, #tpu.memory_space<vmem>>) offsets(%dma_start3A_174 : memref<128xi32, #tpu.memory_space<vmem>>) semaphore(%arg10 : memref<!tpu.dma_semaphore, #tpu.memory_space<semaphore_mem>>)
        %dma_wait3A_178 = arith.constant 0 : i32
        %dma_wait3A_179 = arith.constant 0 : i32
        %dma_wait3A_180 = tpu.memref_slice %arg5[%mul3A_168, %dma_wait3A_178, %dma_wait3A_179] : memref<60x2x128xi32, #tpu.memory_space<vmem>> -> memref<1x1x128xi32, #tpu.memory_space<vmem>>
        %dma_wait3A_181 = tpu.memref_squeeze %dma_wait3A_180 : memref<1x1x128xi32, #tpu.memory_space<vmem>> -> memref<128xi32, #tpu.memory_space<vmem>>
        %dma_wait3A_182 = arith.constant 0 : i32
        %dma_wait3A_183 = arith.constant 0 : i32
        %dma_wait3A_184 = tpu.memref_slice %arg2[%dma_wait3A_182, %dma_wait3A_183] : memref<10240x128xf32, #tpu.memory_space<hbm>> -> memref<10240x128xf32, #tpu.memory_space<hbm>>
        tpu.wait_indirect_dma semaphore(%arg9 : memref<!tpu.dma_semaphore, #tpu.memory_space<semaphore_mem>>) src(%dma_wait3A_184 : memref<10240x128xf32, #tpu.memory_space<hbm>>) dst(%arg6 : memref<128x128xf32, #tpu.memory_space<vmem>>)
        %run_scoped3A_185 = arith.constant 1 : i32
        "tpu.region"() ({
          %run_scoped3A_207 = tpu.sem_alloc : memref<!tpu.dma_semaphore, #tpu.memory_space<semaphore_mem>>
          %dma_start3A_208 = arith.constant 0 : i32
          %dma_start3A_209 = tpu.memref_slice %arg5[%mul3A_168, %run_scoped3A_185, %dma_start3A_208] : memref<60x2x128xi32, #tpu.memory_space<vmem>> -> memref<1x1x128xi32, #tpu.memory_space<vmem>>
          %dma_start3A_210 = tpu.memref_squeeze %dma_start3A_209 : memref<1x1x128xi32, #tpu.memory_space<vmem>> -> memref<128xi32, #tpu.memory_space<vmem>>
          %dma_start3A_211 = arith.constant 0 : i32
          %dma_start3A_212 = arith.constant 0 : i32
          %dma_start3A_213 = tpu.memref_slice %arg8[%dma_start3A_211, %dma_start3A_212] : memref<10240x128xf32, #tpu.memory_space<vmem_shared>> -> memref<10240x128xf32, #tpu.memory_space<vmem_shared>>
          tpu.enqueue_indirect_dma source(%arg6 : memref<128x128xf32, #tpu.memory_space<vmem>>) target(%dma_start3A_213 : memref<10240x128xf32, #tpu.memory_space<vmem_shared>>) offsets(%dma_start3A_210 : memref<128xi32, #tpu.memory_space<vmem>>) semaphore(%run_scoped3A_207 : memref<!tpu.dma_semaphore, #tpu.memory_space<semaphore_mem>>) {add = true}
          %dma_wait3A_214 = arith.constant 0 : i32
          %dma_wait3A_215 = tpu.memref_slice %arg5[%mul3A_168, %run_scoped3A_185, %dma_wait3A_214] : memref<60x2x128xi32, #tpu.memory_space<vmem>> -> memref<1x1x128xi32, #tpu.memory_space<vmem>>
          %dma_wait3A_216 = tpu.memref_squeeze %dma_wait3A_215 : memref<1x1x128xi32, #tpu.memory_space<vmem>> -> memref<128xi32, #tpu.memory_space<vmem>>
          %dma_wait3A_217 = arith.constant 0 : i32
          %dma_wait3A_218 = arith.constant 0 : i32
          %dma_wait3A_219 = tpu.memref_slice %arg8[%dma_wait3A_217, %dma_wait3A_218] : memref<10240x128xf32, #tpu.memory_space<vmem_shared>> -> memref<10240x128xf32, #tpu.memory_space<vmem_shared>>
          tpu.wait_indirect_dma semaphore(%run_scoped3A_207 : memref<!tpu.dma_semaphore, #tpu.memory_space<semaphore_mem>>) src(%arg6 : memref<128x128xf32, #tpu.memory_space<vmem>>) dst(%dma_wait3A_219 : memref<10240x128xf32, #tpu.memory_space<vmem_shared>>)
          tpu.yield
        }) : () -> ()
        %add3A_186 = arith.constant 2 : i32
        %add3A_187 = arith.addi %mul3A_168, %add3A_186 : i32
        %dma_start3A_188 = arith.constant 0 : i32
        %dma_start3A_189 = arith.constant 0 : i32
        %dma_start3A_190 = tpu.memref_slice %arg5[%add3A_187, %dma_start3A_188, %dma_start3A_189] : memref<60x2x128xi32, #tpu.memory_space<vmem>> -> memref<1x1x128xi32, #tpu.memory_space<vmem>>
        %dma_start3A_191 = tpu.memref_squeeze %dma_start3A_190 : memref<1x1x128xi32, #tpu.memory_space<vmem>> -> memref<128xi32, #tpu.memory_space<vmem>>
        %dma_start3A_192 = arith.constant 0 : i32
        %dma_start3A_193 = arith.constant 0 : i32
        %dma_start3A_194 = tpu.memref_slice %arg2[%dma_start3A_192, %dma_start3A_193] : memref<10240x128xf32, #tpu.memory_space<hbm>> -> memref<10240x128xf32, #tpu.memory_space<hbm>>
        tpu.enqueue_indirect_dma source(%dma_start3A_194 : memref<10240x128xf32, #tpu.memory_space<hbm>>) target(%arg6 : memref<128x128xf32, #tpu.memory_space<vmem>>) offsets(%dma_start3A_191 : memref<128xi32, #tpu.memory_space<vmem>>) semaphore(%arg9 : memref<!tpu.dma_semaphore, #tpu.memory_space<semaphore_mem>>)
        %add3A_195 = arith.constant 1 : i32
        %add3A_196 = arith.addi %mul3A_168, %add3A_195 : i32
        %dma_wait3A_197 = arith.constant 0 : i32
        %dma_wait3A_198 = arith.constant 0 : i32
        %dma_wait3A_199 = tpu.memref_slice %arg5[%add3A_196, %dma_wait3A_197, %dma_wait3A_198] : memref<60x2x128xi32, #tpu.memory_space<vmem>> -> memref<1x1x128xi32, #tpu.memory_space<vmem>>
        %dma_wait3A_200 = tpu.memref_squeeze %dma_wait3A_199 : memref<1x1x128xi32, #tpu.memory_space<vmem>> -> memref<128xi32, #tpu.memory_space<vmem>>
        %dma_wait3A_201 = arith.constant 0 : i32
        %dma_wait3A_202 = arith.constant 0 : i32
        %dma_wait3A_203 = tpu.memref_slice %arg2[%dma_wait3A_201, %dma_wait3A_202] : memref<10240x128xf32, #tpu.memory_space<hbm>> -> memref<10240x128xf32, #tpu.memory_space<hbm>>
        tpu.wait_indirect_dma semaphore(%arg10 : memref<!tpu.dma_semaphore, #tpu.memory_space<semaphore_mem>>) src(%dma_wait3A_203 : memref<10240x128xf32, #tpu.memory_space<hbm>>) dst(%arg7 : memref<128x128xf32, #tpu.memory_space<vmem>>)
        %add3A_204 = arith.constant 1 : i32
        %add3A_205 = arith.addi %mul3A_168, %add3A_204 : i32
        %run_scoped3A_206 = arith.constant 1 : i32
        "tpu.region"() ({
          %run_scoped3A_207 = tpu.sem_alloc : memref<!tpu.dma_semaphore, #tpu.memory_space<semaphore_mem>>
          %dma_start3A_208 = arith.constant 0 : i32
          %dma_start3A_209 = tpu.memref_slice %arg5[%add3A_205, %run_scoped3A_206, %dma_start3A_208] : memref<60x2x128xi32, #tpu.memory_space<vmem>> -> memref<1x1x128xi32, #tpu.memory_space<vmem>>
          %dma_start3A_210 = tpu.memref_squeeze %dma_start3A_209 : memref<1x1x128xi32, #tpu.memory_space<vmem>> -> memref<128xi32, #tpu.memory_space<vmem>>
          %dma_start3A_211 = arith.constant 0 : i32
          %dma_start3A_212 = arith.constant 0 : i32
          %dma_start3A_213 = tpu.memref_slice %arg8[%dma_start3A_211, %dma_start3A_212] : memref<10240x128xf32, #tpu.memory_space<vmem_shared>> -> memref<10240x128xf32, #tpu.memory_space<vmem_shared>>
          tpu.enqueue_indirect_dma source(%arg7 : memref<128x128xf32, #tpu.memory_space<vmem>>) target(%dma_start3A_213 : memref<10240x128xf32, #tpu.memory_space<vmem_shared>>) offsets(%dma_start3A_210 : memref<128xi32, #tpu.memory_space<vmem>>) semaphore(%run_scoped3A_207 : memref<!tpu.dma_semaphore, #tpu.memory_space<semaphore_mem>>) {add = true}
          %dma_wait3A_214 = arith.constant 0 : i32
          %dma_wait3A_215 = tpu.memref_slice %arg5[%add3A_205, %run_scoped3A_206, %dma_wait3A_214] : memref<60x2x128xi32, #tpu.memory_space<vmem>> -> memref<1x1x128xi32, #tpu.memory_space<vmem>>
          %dma_wait3A_216 = tpu.memref_squeeze %dma_wait3A_215 : memref<1x1x128xi32, #tpu.memory_space<vmem>> -> memref<128xi32, #tpu.memory_space<vmem>>
          %dma_wait3A_217 = arith.constant 0 : i32
          %dma_wait3A_218 = arith.constant 0 : i32
          %dma_wait3A_219 = tpu.memref_slice %arg8[%dma_wait3A_217, %dma_wait3A_218] : memref<10240x128xf32, #tpu.memory_space<vmem_shared>> -> memref<10240x128xf32, #tpu.memory_space<vmem_shared>>
          tpu.wait_indirect_dma semaphore(%run_scoped3A_207 : memref<!tpu.dma_semaphore, #tpu.memory_space<semaphore_mem>>) src(%arg7 : memref<128x128xf32, #tpu.memory_space<vmem>>) dst(%dma_wait3A_219 : memref<10240x128xf32, #tpu.memory_space<vmem_shared>>)
          tpu.yield
        }) : () -> ()
      }
      %scan3A_49 = arith.constant 29 : i32
      %dma_start3A_50 = arith.constant 59 : i32
      %dma_start3A_51 = arith.constant 0 : i32
      %dma_start3A_52 = arith.constant 0 : i32
      %dma_start3A_53 = tpu.memref_slice %arg5[%dma_start3A_50, %dma_start3A_51, %dma_start3A_52] : memref<60x2x128xi32, #tpu.memory_space<vmem>> -> memref<1x1x128xi32, #tpu.memory_space<vmem>>
      %dma_start3A_54 = tpu.memref_squeeze %dma_start3A_53 : memref<1x1x128xi32, #tpu.memory_space<vmem>> -> memref<128xi32, #tpu.memory_space<vmem>>
      %dma_start3A_55 = arith.constant 0 : i32
      %dma_start3A_56 = arith.constant 0 : i32
      %dma_start3A_57 = tpu.memref_slice %arg2[%dma_start3A_55, %dma_start3A_56] : memref<10240x128xf32, #tpu.memory_space<hbm>> -> memref<10240x128xf32, #tpu.memory_space<hbm>>
      tpu.enqueue_indirect_dma source(%dma_start3A_57 : memref<10240x128xf32, #tpu.memory_space<hbm>>) target(%arg7 : memref<128x128xf32, #tpu.memory_space<vmem>>) offsets(%dma_start3A_54 : memref<128xi32, #tpu.memory_space<vmem>>) semaphore(%arg10 : memref<!tpu.dma_semaphore, #tpu.memory_space<semaphore_mem>>)
      %dma_wait3A = arith.constant 58 : i32
      %dma_wait3A_58 = arith.constant 0 : i32
      %dma_wait3A_59 = arith.constant 0 : i32
      %dma_wait3A_60 = tpu.memref_slice %arg5[%dma_wait3A, %dma_wait3A_58, %dma_wait3A_59] : memref<60x2x128xi32, #tpu.memory_space<vmem>> -> memref<1x1x128xi32, #tpu.memory_space<vmem>>
      %dma_wait3A_61 = tpu.memref_squeeze %dma_wait3A_60 : memref<1x1x128xi32, #tpu.memory_space<vmem>> -> memref<128xi32, #tpu.memory_space<vmem>>
      %dma_wait3A_62 = arith.constant 0 : i32
      %dma_wait3A_63 = arith.constant 0 : i32
      %dma_wait3A_64 = tpu.memref_slice %arg2[%dma_wait3A_62, %dma_wait3A_63] : memref<10240x128xf32, #tpu.memory_space<hbm>> -> memref<10240x128xf32, #tpu.memory_space<hbm>>
      tpu.wait_indirect_dma semaphore(%arg9 : memref<!tpu.dma_semaphore, #tpu.memory_space<semaphore_mem>>) src(%dma_wait3A_64 : memref<10240x128xf32, #tpu.memory_space<hbm>>) dst(%arg6 : memref<128x128xf32, #tpu.memory_space<vmem>>)
      %run_scoped3A = arith.constant 58 : i32
      %run_scoped3A_65 = arith.constant 1 : i32
      "tpu.region"() ({
        %run_scoped3A_162 = tpu.sem_alloc : memref<!tpu.dma_semaphore, #tpu.memory_space<semaphore_mem>>
        %dma_start3A_163 = arith.constant 0 : i32
        %dma_start3A_164 = tpu.memref_slice %arg5[%run_scoped3A, %run_scoped3A_65, %dma_start3A_163] : memref<60x2x128xi32, #tpu.memory_space<vmem>> -> memref<1x1x128xi32, #tpu.memory_space<vmem>>
        %dma_start3A_165 = tpu.memref_squeeze %dma_start3A_164 : memref<1x1x128xi32, #tpu.memory_space<vmem>> -> memref<128xi32, #tpu.memory_space<vmem>>
        %dma_start3A_166 = arith.constant 0 : i32
        %dma_start3A_167 = arith.constant 0 : i32
        %dma_start3A_168 = tpu.memref_slice %arg8[%dma_start3A_166, %dma_start3A_167] : memref<10240x128xf32, #tpu.memory_space<vmem_shared>> -> memref<10240x128xf32, #tpu.memory_space<vmem_shared>>
        tpu.enqueue_indirect_dma source(%arg6 : memref<128x128xf32, #tpu.memory_space<vmem>>) target(%dma_start3A_168 : memref<10240x128xf32, #tpu.memory_space<vmem_shared>>) offsets(%dma_start3A_165 : memref<128xi32, #tpu.memory_space<vmem>>) semaphore(%run_scoped3A_162 : memref<!tpu.dma_semaphore, #tpu.memory_space<semaphore_mem>>) {add = true}
        %dma_wait3A_169 = arith.constant 0 : i32
        %dma_wait3A_170 = tpu.memref_slice %arg5[%run_scoped3A, %run_scoped3A_65, %dma_wait3A_169] : memref<60x2x128xi32, #tpu.memory_space<vmem>> -> memref<1x1x128xi32, #tpu.memory_space<vmem>>
        %dma_wait3A_171 = tpu.memref_squeeze %dma_wait3A_170 : memref<1x1x128xi32, #tpu.memory_space<vmem>> -> memref<128xi32, #tpu.memory_space<vmem>>
        %dma_wait3A_172 = arith.constant 0 : i32
        %dma_wait3A_173 = arith.constant 0 : i32
        %dma_wait3A_174 = tpu.memref_slice %arg8[%dma_wait3A_172, %dma_wait3A_173] : memref<10240x128xf32, #tpu.memory_space<vmem_shared>> -> memref<10240x128xf32, #tpu.memory_space<vmem_shared>>
        tpu.wait_indirect_dma semaphore(%run_scoped3A_162 : memref<!tpu.dma_semaphore, #tpu.memory_space<semaphore_mem>>) src(%arg6 : memref<128x128xf32, #tpu.memory_space<vmem>>) dst(%dma_wait3A_174 : memref<10240x128xf32, #tpu.memory_space<vmem_shared>>)
        tpu.yield
      }) : () -> ()
      %dma_wait3A_66 = arith.constant 59 : i32
      %dma_wait3A_67 = arith.constant 0 : i32
      %dma_wait3A_68 = arith.constant 0 : i32
      %dma_wait3A_69 = tpu.memref_slice %arg5[%dma_wait3A_66, %dma_wait3A_67, %dma_wait3A_68] : memref<60x2x128xi32, #tpu.memory_space<vmem>> -> memref<1x1x128xi32, #tpu.memory_space<vmem>>
      %dma_wait3A_70 = tpu.memref_squeeze %dma_wait3A_69 : memref<1x1x128xi32, #tpu.memory_space<vmem>> -> memref<128xi32, #tpu.memory_space<vmem>>
      %dma_wait3A_71 = arith.constant 0 : i32
      %dma_wait3A_72 = arith.constant 0 : i32
      %dma_wait3A_73 = tpu.memref_slice %arg2[%dma_wait3A_71, %dma_wait3A_72] : memref<10240x128xf32, #tpu.memory_space<hbm>> -> memref<10240x128xf32, #tpu.memory_space<hbm>>
      tpu.wait_indirect_dma semaphore(%arg10 : memref<!tpu.dma_semaphore, #tpu.memory_space<semaphore_mem>>) src(%dma_wait3A_73 : memref<10240x128xf32, #tpu.memory_space<hbm>>) dst(%arg7 : memref<128x128xf32, #tpu.memory_space<vmem>>)
      %run_scoped3A_74 = arith.constant 59 : i32
      %run_scoped3A_75 = arith.constant 1 : i32
      "tpu.region"() ({
        %run_scoped3A_162 = tpu.sem_alloc : memref<!tpu.dma_semaphore, #tpu.memory_space<semaphore_mem>>
        %dma_start3A_163 = arith.constant 0 : i32
        %dma_start3A_164 = tpu.memref_slice %arg5[%run_scoped3A_74, %run_scoped3A_75, %dma_start3A_163] : memref<60x2x128xi32, #tpu.memory_space<vmem>> -> memref<1x1x128xi32, #tpu.memory_space<vmem>>
        %dma_start3A_165 = tpu.memref_squeeze %dma_start3A_164 : memref<1x1x128xi32, #tpu.memory_space<vmem>> -> memref<128xi32, #tpu.memory_space<vmem>>
        %dma_start3A_166 = arith.constant 0 : i32
        %dma_start3A_167 = arith.constant 0 : i32
        %dma_start3A_168 = tpu.memref_slice %arg8[%dma_start3A_166, %dma_start3A_167] : memref<10240x128xf32, #tpu.memory_space<vmem_shared>> -> memref<10240x128xf32, #tpu.memory_space<vmem_shared>>
        tpu.enqueue_indirect_dma source(%arg7 : memref<128x128xf32, #tpu.memory_space<vmem>>) target(%dma_start3A_168 : memref<10240x128xf32, #tpu.memory_space<vmem_shared>>) offsets(%dma_start3A_165 : memref<128xi32, #tpu.memory_space<vmem>>) semaphore(%run_scoped3A_162 : memref<!tpu.dma_semaphore, #tpu.memory_space<semaphore_mem>>) {add = true}
        %dma_wait3A_169 = arith.constant 0 : i32
        %dma_wait3A_170 = tpu.memref_slice %arg5[%run_scoped3A_74, %run_scoped3A_75, %dma_wait3A_169] : memref<60x2x128xi32, #tpu.memory_space<vmem>> -> memref<1x1x128xi32, #tpu.memory_space<vmem>>
        %dma_wait3A_171 = tpu.memref_squeeze %dma_wait3A_170 : memref<1x1x128xi32, #tpu.memory_space<vmem>> -> memref<128xi32, #tpu.memory_space<vmem>>
        %dma_wait3A_172 = arith.constant 0 : i32
        %dma_wait3A_173 = arith.constant 0 : i32
        %dma_wait3A_174 = tpu.memref_slice %arg8[%dma_wait3A_172, %dma_wait3A_173] : memref<10240x128xf32, #tpu.memory_space<vmem_shared>> -> memref<10240x128xf32, #tpu.memory_space<vmem_shared>>
        tpu.wait_indirect_dma semaphore(%run_scoped3A_162 : memref<!tpu.dma_semaphore, #tpu.memory_space<semaphore_mem>>) src(%arg7 : memref<128x128xf32, #tpu.memory_space<vmem>>) dst(%dma_wait3A_174 : memref<10240x128xf32, #tpu.memory_space<vmem_shared>>)
        tpu.yield
      }) : () -> ()
      %add3A_76 = arith.constant 60 : i32
      %add3A_77 = arith.addi %mul3A_35, %add3A_76 : i32
      "tpu.region"() ({
        %run_scoped3A_162 = tpu.sem_alloc : memref<!tpu.dma_semaphore, #tpu.memory_space<semaphore_mem>>
        %dma_start3A_163 = arith.constant 0 : i32
        %dma_start3A_164 = arith.constant 0 : i32
        %dma_start3A_165 = arith.constant 0 : i32
        %dma_start3A_166 = tpu.memref_slice %arg5[%dma_start3A_163, %dma_start3A_164, %dma_start3A_165] : memref<60x2x128xi32, #tpu.memory_space<vmem>> -> memref<60x2x128xi32, #tpu.memory_space<vmem>>
        %dma_start3A_167 = arith.constant 0 : i32
        %dma_start3A_168 = arith.constant 0 : i32
        %dma_start3A_169 = tpu.memref_slice %arg3[%add3A_77, %dma_start3A_167, %dma_start3A_168] : memref<2528x2x128xi32, #tpu.memory_space<hbm>> -> memref<60x2x128xi32, #tpu.memory_space<hbm>>
        %dma_start3A_170 = arith.constant 0 : i32
        %dma_start3A_171 = arith.constant 0 : i32
        %dma_start3A_172 = arith.constant 0 : i32
        %dma_start3A_173 = tpu.memref_slice %arg5[%dma_start3A_170, %dma_start3A_171, %dma_start3A_172] : memref<60x2x128xi32, #tpu.memory_space<vmem>> -> memref<60x2x128xi32, #tpu.memory_space<vmem>>
        %dma_start3A_174 = arith.constant 0 : i32
        %dma_start3A_175 = arith.constant 0 : i32
        %dma_start3A_176 = tpu.memref_slice %arg3[%add3A_77, %dma_start3A_174, %dma_start3A_175] : memref<2528x2x128xi32, #tpu.memory_space<hbm>> -> memref<60x2x128xi32, #tpu.memory_space<hbm>>
        tpu.enqueue_dma source(%dma_start3A_176 : memref<60x2x128xi32, #tpu.memory_space<hbm>>) target(%dma_start3A_173 : memref<60x2x128xi32, #tpu.memory_space<vmem>>) target_semaphore(%run_scoped3A_162 : memref<!tpu.dma_semaphore, #tpu.memory_space<semaphore_mem>>)
        %dma_wait3A_177 = arith.constant 0 : i32
        %dma_wait3A_178 = arith.constant 0 : i32
        %dma_wait3A_179 = arith.constant 0 : i32
        %dma_wait3A_180 = tpu.memref_slice %arg5[%dma_wait3A_177, %dma_wait3A_178, %dma_wait3A_179] : memref<60x2x128xi32, #tpu.memory_space<vmem>> -> memref<60x2x128xi32, #tpu.memory_space<vmem>>
        %dma_wait3A_181 = arith.constant 0 : i32
        %dma_wait3A_182 = arith.constant 0 : i32
        %dma_wait3A_183 = tpu.memref_slice %arg3[%add3A_77, %dma_wait3A_181, %dma_wait3A_182] : memref<2528x2x128xi32, #tpu.memory_space<hbm>> -> memref<60x2x128xi32, #tpu.memory_space<hbm>>
        %dma_wait3A_184 = arith.constant 0 : i32
        %dma_wait3A_185 = arith.constant 0 : i32
        %dma_wait3A_186 = arith.constant 0 : i32
        %dma_wait3A_187 = tpu.memref_slice %arg5[%dma_wait3A_184, %dma_wait3A_185, %dma_wait3A_186] : memref<60x2x128xi32, #tpu.memory_space<vmem>> -> memref<60x2x128xi32, #tpu.memory_space<vmem>>
        %dma_wait3A_188 = arith.constant 0 : i32
        %dma_wait3A_189 = arith.constant 0 : i32
        %dma_wait3A_190 = tpu.memref_slice %arg3[%add3A_77, %dma_wait3A_188, %dma_wait3A_189] : memref<2528x2x128xi32, #tpu.memory_space<hbm>> -> memref<60x2x128xi32, #tpu.memory_space<hbm>>
        tpu.wait_dma2 semaphore(%run_scoped3A_162 : memref<!tpu.dma_semaphore, #tpu.memory_space<semaphore_mem>>) src(%dma_wait3A_190 : memref<60x2x128xi32, #tpu.memory_space<hbm>>) dst(%dma_wait3A_187 : memref<60x2x128xi32, #tpu.memory_space<vmem>>)
        tpu.yield
      }) : () -> ()
      %dma_start3A_78 = arith.constant 0 : i32
      %dma_start3A_79 = arith.constant 0 : i32
      %dma_start3A_80 = arith.constant 0 : i32
      %dma_start3A_81 = tpu.memref_slice %arg5[%dma_start3A_78, %dma_start3A_79, %dma_start3A_80] : memref<60x2x128xi32, #tpu.memory_space<vmem>> -> memref<1x1x128xi32, #tpu.memory_space<vmem>>
      %dma_start3A_82 = tpu.memref_squeeze %dma_start3A_81 : memref<1x1x128xi32, #tpu.memory_space<vmem>> -> memref<128xi32, #tpu.memory_space<vmem>>
      %dma_start3A_83 = arith.constant 0 : i32
      %dma_start3A_84 = arith.constant 0 : i32
      %dma_start3A_85 = tpu.memref_slice %arg2[%dma_start3A_83, %dma_start3A_84] : memref<10240x128xf32, #tpu.memory_space<hbm>> -> memref<10240x128xf32, #tpu.memory_space<hbm>>
      tpu.enqueue_indirect_dma source(%dma_start3A_85 : memref<10240x128xf32, #tpu.memory_space<hbm>>) target(%arg6 : memref<128x128xf32, #tpu.memory_space<vmem>>) offsets(%dma_start3A_82 : memref<128xi32, #tpu.memory_space<vmem>>) semaphore(%arg9 : memref<!tpu.dma_semaphore, #tpu.memory_space<semaphore_mem>>)
      %scan3A_86 = arith.constant 0 : i32
      %scan3A_87 = arith.constant 29 : i32
      %scan3A_88 = arith.addi %scan3A_86, %scan3A_87 : i32
      %scan3A_89 = arith.constant 1 : i32
      scf.for %scan3A_162 = %scan3A_86 to %scan3A_88 step %scan3A_89  : i32 {
        %mul3A_163 = arith.constant 1 : i32
        %mul3A_164 = arith.muli %scan3A_162, %mul3A_163 : i32
        %add3A_165 = arith.constant 0 : i32
        %add3A_166 = arith.addi %add3A_165, %mul3A_164 : i32
        %mul3A_167 = arith.constant 2 : i32
        %mul3A_168 = arith.muli %mul3A_167, %add3A_166 : i32
        %add3A_169 = arith.constant 1 : i32
        %add3A_170 = arith.addi %mul3A_168, %add3A_169 : i32
        %dma_start3A_171 = arith.constant 0 : i32
        %dma_start3A_172 = arith.constant 0 : i32
        %dma_start3A_173 = tpu.memref_slice %arg5[%add3A_170, %dma_start3A_171, %dma_start3A_172] : memref<60x2x128xi32, #tpu.memory_space<vmem>> -> memref<1x1x128xi32, #tpu.memory_space<vmem>>
        %dma_start3A_174 = tpu.memref_squeeze %dma_start3A_173 : memref<1x1x128xi32, #tpu.memory_space<vmem>> -> memref<128xi32, #tpu.memory_space<vmem>>
        %dma_start3A_175 = arith.constant 0 : i32
        %dma_start3A_176 = arith.constant 0 : i32
        %dma_start3A_177 = tpu.memref_slice %arg2[%dma_start3A_175, %dma_start3A_176] : memref<10240x128xf32, #tpu.memory_space<hbm>> -> memref<10240x128xf32, #tpu.memory_space<hbm>>
        tpu.enqueue_indirect_dma source(%dma_start3A_177 : memref<10240x128xf32, #tpu.memory_space<hbm>>) target(%arg7 : memref<128x128xf32, #tpu.memory_space<vmem>>) offsets(%dma_start3A_174 : memref<128xi32, #tpu.memory_space<vmem>>) semaphore(%arg10 : memref<!tpu.dma_semaphore, #tpu.memory_space<semaphore_mem>>)
        %dma_wait3A_178 = arith.constant 0 : i32
        %dma_wait3A_179 = arith.constant 0 : i32
        %dma_wait3A_180 = tpu.memref_slice %arg5[%mul3A_168, %dma_wait3A_178, %dma_wait3A_179] : memref<60x2x128xi32, #tpu.memory_space<vmem>> -> memref<1x1x128xi32, #tpu.memory_space<vmem>>
        %dma_wait3A_181 = tpu.memref_squeeze %dma_wait3A_180 : memref<1x1x128xi32, #tpu.memory_space<vmem>> -> memref<128xi32, #tpu.memory_space<vmem>>
        %dma_wait3A_182 = arith.constant 0 : i32
        %dma_wait3A_183 = arith.constant 0 : i32
        %dma_wait3A_184 = tpu.memref_slice %arg2[%dma_wait3A_182, %dma_wait3A_183] : memref<10240x128xf32, #tpu.memory_space<hbm>> -> memref<10240x128xf32, #tpu.memory_space<hbm>>
        tpu.wait_indirect_dma semaphore(%arg9 : memref<!tpu.dma_semaphore, #tpu.memory_space<semaphore_mem>>) src(%dma_wait3A_184 : memref<10240x128xf32, #tpu.memory_space<hbm>>) dst(%arg6 : memref<128x128xf32, #tpu.memory_space<vmem>>)
        %run_scoped3A_185 = arith.constant 1 : i32
        "tpu.region"() ({
          %run_scoped3A_207 = tpu.sem_alloc : memref<!tpu.dma_semaphore, #tpu.memory_space<semaphore_mem>>
          %dma_start3A_208 = arith.constant 0 : i32
          %dma_start3A_209 = tpu.memref_slice %arg5[%mul3A_168, %run_scoped3A_185, %dma_start3A_208] : memref<60x2x128xi32, #tpu.memory_space<vmem>> -> memref<1x1x128xi32, #tpu.memory_space<vmem>>
          %dma_start3A_210 = tpu.memref_squeeze %dma_start3A_209 : memref<1x1x128xi32, #tpu.memory_space<vmem>> -> memref<128xi32, #tpu.memory_space<vmem>>
          %dma_start3A_211 = arith.constant 0 : i32
          %dma_start3A_212 = arith.constant 0 : i32
          %dma_start3A_213 = tpu.memref_slice %arg8[%dma_start3A_211, %dma_start3A_212] : memref<10240x128xf32, #tpu.memory_space<vmem_shared>> -> memref<10240x128xf32, #tpu.memory_space<vmem_shared>>
          tpu.enqueue_indirect_dma source(%arg6 : memref<128x128xf32, #tpu.memory_space<vmem>>) target(%dma_start3A_213 : memref<10240x128xf32, #tpu.memory_space<vmem_shared>>) offsets(%dma_start3A_210 : memref<128xi32, #tpu.memory_space<vmem>>) semaphore(%run_scoped3A_207 : memref<!tpu.dma_semaphore, #tpu.memory_space<semaphore_mem>>) {add = true}
          %dma_wait3A_214 = arith.constant 0 : i32
          %dma_wait3A_215 = tpu.memref_slice %arg5[%mul3A_168, %run_scoped3A_185, %dma_wait3A_214] : memref<60x2x128xi32, #tpu.memory_space<vmem>> -> memref<1x1x128xi32, #tpu.memory_space<vmem>>
          %dma_wait3A_216 = tpu.memref_squeeze %dma_wait3A_215 : memref<1x1x128xi32, #tpu.memory_space<vmem>> -> memref<128xi32, #tpu.memory_space<vmem>>
          %dma_wait3A_217 = arith.constant 0 : i32
          %dma_wait3A_218 = arith.constant 0 : i32
          %dma_wait3A_219 = tpu.memref_slice %arg8[%dma_wait3A_217, %dma_wait3A_218] : memref<10240x128xf32, #tpu.memory_space<vmem_shared>> -> memref<10240x128xf32, #tpu.memory_space<vmem_shared>>
          tpu.wait_indirect_dma semaphore(%run_scoped3A_207 : memref<!tpu.dma_semaphore, #tpu.memory_space<semaphore_mem>>) src(%arg6 : memref<128x128xf32, #tpu.memory_space<vmem>>) dst(%dma_wait3A_219 : memref<10240x128xf32, #tpu.memory_space<vmem_shared>>)
          tpu.yield
        }) : () -> ()
        %add3A_186 = arith.constant 2 : i32
        %add3A_187 = arith.addi %mul3A_168, %add3A_186 : i32
        %dma_start3A_188 = arith.constant 0 : i32
        %dma_start3A_189 = arith.constant 0 : i32
        %dma_start3A_190 = tpu.memref_slice %arg5[%add3A_187, %dma_start3A_188, %dma_start3A_189] : memref<60x2x128xi32, #tpu.memory_space<vmem>> -> memref<1x1x128xi32, #tpu.memory_space<vmem>>
        %dma_start3A_191 = tpu.memref_squeeze %dma_start3A_190 : memref<1x1x128xi32, #tpu.memory_space<vmem>> -> memref<128xi32, #tpu.memory_space<vmem>>
        %dma_start3A_192 = arith.constant 0 : i32
        %dma_start3A_193 = arith.constant 0 : i32
        %dma_start3A_194 = tpu.memref_slice %arg2[%dma_start3A_192, %dma_start3A_193] : memref<10240x128xf32, #tpu.memory_space<hbm>> -> memref<10240x128xf32, #tpu.memory_space<hbm>>
        tpu.enqueue_indirect_dma source(%dma_start3A_194 : memref<10240x128xf32, #tpu.memory_space<hbm>>) target(%arg6 : memref<128x128xf32, #tpu.memory_space<vmem>>) offsets(%dma_start3A_191 : memref<128xi32, #tpu.memory_space<vmem>>) semaphore(%arg9 : memref<!tpu.dma_semaphore, #tpu.memory_space<semaphore_mem>>)
        %add3A_195 = arith.constant 1 : i32
        %add3A_196 = arith.addi %mul3A_168, %add3A_195 : i32
        %dma_wait3A_197 = arith.constant 0 : i32
        %dma_wait3A_198 = arith.constant 0 : i32
        %dma_wait3A_199 = tpu.memref_slice %arg5[%add3A_196, %dma_wait3A_197, %dma_wait3A_198] : memref<60x2x128xi32, #tpu.memory_space<vmem>> -> memref<1x1x128xi32, #tpu.memory_space<vmem>>
        %dma_wait3A_200 = tpu.memref_squeeze %dma_wait3A_199 : memref<1x1x128xi32, #tpu.memory_space<vmem>> -> memref<128xi32, #tpu.memory_space<vmem>>
        %dma_wait3A_201 = arith.constant 0 : i32
        %dma_wait3A_202 = arith.constant 0 : i32
        %dma_wait3A_203 = tpu.memref_slice %arg2[%dma_wait3A_201, %dma_wait3A_202] : memref<10240x128xf32, #tpu.memory_space<hbm>> -> memref<10240x128xf32, #tpu.memory_space<hbm>>
        tpu.wait_indirect_dma semaphore(%arg10 : memref<!tpu.dma_semaphore, #tpu.memory_space<semaphore_mem>>) src(%dma_wait3A_203 : memref<10240x128xf32, #tpu.memory_space<hbm>>) dst(%arg7 : memref<128x128xf32, #tpu.memory_space<vmem>>)
        %add3A_204 = arith.constant 1 : i32
        %add3A_205 = arith.addi %mul3A_168, %add3A_204 : i32
        %run_scoped3A_206 = arith.constant 1 : i32
        "tpu.region"() ({
          %run_scoped3A_207 = tpu.sem_alloc : memref<!tpu.dma_semaphore, #tpu.memory_space<semaphore_mem>>
          %dma_start3A_208 = arith.constant 0 : i32
          %dma_start3A_209 = tpu.memref_slice %arg5[%add3A_205, %run_scoped3A_206, %dma_start3A_208] : memref<60x2x128xi32, #tpu.memory_space<vmem>> -> memref<1x1x128xi32, #tpu.memory_space<vmem>>
          %dma_start3A_210 = tpu.memref_squeeze %dma_start3A_209 : memref<1x1x128xi32, #tpu.memory_space<vmem>> -> memref<128xi32, #tpu.memory_space<vmem>>
          %dma_start3A_211 = arith.constant 0 : i32
          %dma_start3A_212 = arith.constant 0 : i32
          %dma_start3A_213 = tpu.memref_slice %arg8[%dma_start3A_211, %dma_start3A_212] : memref<10240x128xf32, #tpu.memory_space<vmem_shared>> -> memref<10240x128xf32, #tpu.memory_space<vmem_shared>>
          tpu.enqueue_indirect_dma source(%arg7 : memref<128x128xf32, #tpu.memory_space<vmem>>) target(%dma_start3A_213 : memref<10240x128xf32, #tpu.memory_space<vmem_shared>>) offsets(%dma_start3A_210 : memref<128xi32, #tpu.memory_space<vmem>>) semaphore(%run_scoped3A_207 : memref<!tpu.dma_semaphore, #tpu.memory_space<semaphore_mem>>) {add = true}
          %dma_wait3A_214 = arith.constant 0 : i32
          %dma_wait3A_215 = tpu.memref_slice %arg5[%add3A_205, %run_scoped3A_206, %dma_wait3A_214] : memref<60x2x128xi32, #tpu.memory_space<vmem>> -> memref<1x1x128xi32, #tpu.memory_space<vmem>>
          %dma_wait3A_216 = tpu.memref_squeeze %dma_wait3A_215 : memref<1x1x128xi32, #tpu.memory_space<vmem>> -> memref<128xi32, #tpu.memory_space<vmem>>
          %dma_wait3A_217 = arith.constant 0 : i32
          %dma_wait3A_218 = arith.constant 0 : i32
          %dma_wait3A_219 = tpu.memref_slice %arg8[%dma_wait3A_217, %dma_wait3A_218] : memref<10240x128xf32, #tpu.memory_space<vmem_shared>> -> memref<10240x128xf32, #tpu.memory_space<vmem_shared>>
          tpu.wait_indirect_dma semaphore(%run_scoped3A_207 : memref<!tpu.dma_semaphore, #tpu.memory_space<semaphore_mem>>) src(%arg7 : memref<128x128xf32, #tpu.memory_space<vmem>>) dst(%dma_wait3A_219 : memref<10240x128xf32, #tpu.memory_space<vmem_shared>>)
          tpu.yield
        }) : () -> ()
      }
      %scan3A_90 = arith.constant 29 : i32
      %dma_start3A_91 = arith.constant 59 : i32
      %dma_start3A_92 = arith.constant 0 : i32
      %dma_start3A_93 = arith.constant 0 : i32
      %dma_start3A_94 = tpu.memref_slice %arg5[%dma_start3A_91, %dma_start3A_92, %dma_start3A_93] : memref<60x2x128xi32, #tpu.memory_space<vmem>> -> memref<1x1x128xi32, #tpu.memory_space<vmem>>
      %dma_start3A_95 = tpu.memref_squeeze %dma_start3A_94 : memref<1x1x128xi32, #tpu.memory_space<vmem>> -> memref<128xi32, #tpu.memory_space<vmem>>
      %dma_start3A_96 = arith.constant 0 : i32
      %dma_start3A_97 = arith.constant 0 : i32
      %dma_start3A_98 = tpu.memref_slice %arg2[%dma_start3A_96, %dma_start3A_97] : memref<10240x128xf32, #tpu.memory_space<hbm>> -> memref<10240x128xf32, #tpu.memory_space<hbm>>
      tpu.enqueue_indirect_dma source(%dma_start3A_98 : memref<10240x128xf32, #tpu.memory_space<hbm>>) target(%arg7 : memref<128x128xf32, #tpu.memory_space<vmem>>) offsets(%dma_start3A_95 : memref<128xi32, #tpu.memory_space<vmem>>) semaphore(%arg10 : memref<!tpu.dma_semaphore, #tpu.memory_space<semaphore_mem>>)
      %dma_wait3A_99 = arith.constant 58 : i32
      %dma_wait3A_100 = arith.constant 0 : i32
      %dma_wait3A_101 = arith.constant 0 : i32
      %dma_wait3A_102 = tpu.memref_slice %arg5[%dma_wait3A_99, %dma_wait3A_100, %dma_wait3A_101] : memref<60x2x128xi32, #tpu.memory_space<vmem>> -> memref<1x1x128xi32, #tpu.memory_space<vmem>>
      %dma_wait3A_103 = tpu.memref_squeeze %dma_wait3A_102 : memref<1x1x128xi32, #tpu.memory_space<vmem>> -> memref<128xi32, #tpu.memory_space<vmem>>
      %dma_wait3A_104 = arith.constant 0 : i32
      %dma_wait3A_105 = arith.constant 0 : i32
      %dma_wait3A_106 = tpu.memref_slice %arg2[%dma_wait3A_104, %dma_wait3A_105] : memref<10240x128xf32, #tpu.memory_space<hbm>> -> memref<10240x128xf32, #tpu.memory_space<hbm>>
      tpu.wait_indirect_dma semaphore(%arg9 : memref<!tpu.dma_semaphore, #tpu.memory_space<semaphore_mem>>) src(%dma_wait3A_106 : memref<10240x128xf32, #tpu.memory_space<hbm>>) dst(%arg6 : memref<128x128xf32, #tpu.memory_space<vmem>>)
      %run_scoped3A_107 = arith.constant 58 : i32
      %run_scoped3A_108 = arith.constant 1 : i32
      "tpu.region"() ({
        %run_scoped3A_162 = tpu.sem_alloc : memref<!tpu.dma_semaphore, #tpu.memory_space<semaphore_mem>>
        %dma_start3A_163 = arith.constant 0 : i32
        %dma_start3A_164 = tpu.memref_slice %arg5[%run_scoped3A_107, %run_scoped3A_108, %dma_start3A_163] : memref<60x2x128xi32, #tpu.memory_space<vmem>> -> memref<1x1x128xi32, #tpu.memory_space<vmem>>
        %dma_start3A_165 = tpu.memref_squeeze %dma_start3A_164 : memref<1x1x128xi32, #tpu.memory_space<vmem>> -> memref<128xi32, #tpu.memory_space<vmem>>
        %dma_start3A_166 = arith.constant 0 : i32
        %dma_start3A_167 = arith.constant 0 : i32
        %dma_start3A_168 = tpu.memref_slice %arg8[%dma_start3A_166, %dma_start3A_167] : memref<10240x128xf32, #tpu.memory_space<vmem_shared>> -> memref<10240x128xf32, #tpu.memory_space<vmem_shared>>
        tpu.enqueue_indirect_dma source(%arg6 : memref<128x128xf32, #tpu.memory_space<vmem>>) target(%dma_start3A_168 : memref<10240x128xf32, #tpu.memory_space<vmem_shared>>) offsets(%dma_start3A_165 : memref<128xi32, #tpu.memory_space<vmem>>) semaphore(%run_scoped3A_162 : memref<!tpu.dma_semaphore, #tpu.memory_space<semaphore_mem>>) {add = true}
        %dma_wait3A_169 = arith.constant 0 : i32
        %dma_wait3A_170 = tpu.memref_slice %arg5[%run_scoped3A_107, %run_scoped3A_108, %dma_wait3A_169] : memref<60x2x128xi32, #tpu.memory_space<vmem>> -> memref<1x1x128xi32, #tpu.memory_space<vmem>>
        %dma_wait3A_171 = tpu.memref_squeeze %dma_wait3A_170 : memref<1x1x128xi32, #tpu.memory_space<vmem>> -> memref<128xi32, #tpu.memory_space<vmem>>
        %dma_wait3A_172 = arith.constant 0 : i32
        %dma_wait3A_173 = arith.constant 0 : i32
        %dma_wait3A_174 = tpu.memref_slice %arg8[%dma_wait3A_172, %dma_wait3A_173] : memref<10240x128xf32, #tpu.memory_space<vmem_shared>> -> memref<10240x128xf32, #tpu.memory_space<vmem_shared>>
        tpu.wait_indirect_dma semaphore(%run_scoped3A_162 : memref<!tpu.dma_semaphore, #tpu.memory_space<semaphore_mem>>) src(%arg6 : memref<128x128xf32, #tpu.memory_space<vmem>>) dst(%dma_wait3A_174 : memref<10240x128xf32, #tpu.memory_space<vmem_shared>>)
        tpu.yield
      }) : () -> ()
      %dma_wait3A_109 = arith.constant 59 : i32
      %dma_wait3A_110 = arith.constant 0 : i32
      %dma_wait3A_111 = arith.constant 0 : i32
      %dma_wait3A_112 = tpu.memref_slice %arg5[%dma_wait3A_109, %dma_wait3A_110, %dma_wait3A_111] : memref<60x2x128xi32, #tpu.memory_space<vmem>> -> memref<1x1x128xi32, #tpu.memory_space<vmem>>
      %dma_wait3A_113 = tpu.memref_squeeze %dma_wait3A_112 : memref<1x1x128xi32, #tpu.memory_space<vmem>> -> memref<128xi32, #tpu.memory_space<vmem>>
      %dma_wait3A_114 = arith.constant 0 : i32
      %dma_wait3A_115 = arith.constant 0 : i32
      %dma_wait3A_116 = tpu.memref_slice %arg2[%dma_wait3A_114, %dma_wait3A_115] : memref<10240x128xf32, #tpu.memory_space<hbm>> -> memref<10240x128xf32, #tpu.memory_space<hbm>>
      tpu.wait_indirect_dma semaphore(%arg10 : memref<!tpu.dma_semaphore, #tpu.memory_space<semaphore_mem>>) src(%dma_wait3A_116 : memref<10240x128xf32, #tpu.memory_space<hbm>>) dst(%arg7 : memref<128x128xf32, #tpu.memory_space<vmem>>)
      %run_scoped3A_117 = arith.constant 59 : i32
      %run_scoped3A_118 = arith.constant 1 : i32
      "tpu.region"() ({
        %run_scoped3A_162 = tpu.sem_alloc : memref<!tpu.dma_semaphore, #tpu.memory_space<semaphore_mem>>
        %dma_start3A_163 = arith.constant 0 : i32
        %dma_start3A_164 = tpu.memref_slice %arg5[%run_scoped3A_117, %run_scoped3A_118, %dma_start3A_163] : memref<60x2x128xi32, #tpu.memory_space<vmem>> -> memref<1x1x128xi32, #tpu.memory_space<vmem>>
        %dma_start3A_165 = tpu.memref_squeeze %dma_start3A_164 : memref<1x1x128xi32, #tpu.memory_space<vmem>> -> memref<128xi32, #tpu.memory_space<vmem>>
        %dma_start3A_166 = arith.constant 0 : i32
        %dma_start3A_167 = arith.constant 0 : i32
        %dma_start3A_168 = tpu.memref_slice %arg8[%dma_start3A_166, %dma_start3A_167] : memref<10240x128xf32, #tpu.memory_space<vmem_shared>> -> memref<10240x128xf32, #tpu.memory_space<vmem_shared>>
        tpu.enqueue_indirect_dma source(%arg7 : memref<128x128xf32, #tpu.memory_space<vmem>>) target(%dma_start3A_168 : memref<10240x128xf32, #tpu.memory_space<vmem_shared>>) offsets(%dma_start3A_165 : memref<128xi32, #tpu.memory_space<vmem>>) semaphore(%run_scoped3A_162 : memref<!tpu.dma_semaphore, #tpu.memory_space<semaphore_mem>>) {add = true}
        %dma_wait3A_169 = arith.constant 0 : i32
        %dma_wait3A_170 = tpu.memref_slice %arg5[%run_scoped3A_117, %run_scoped3A_118, %dma_wait3A_169] : memref<60x2x128xi32, #tpu.memory_space<vmem>> -> memref<1x1x128xi32, #tpu.memory_space<vmem>>
        %dma_wait3A_171 = tpu.memref_squeeze %dma_wait3A_170 : memref<1x1x128xi32, #tpu.memory_space<vmem>> -> memref<128xi32, #tpu.memory_space<vmem>>
        %dma_wait3A_172 = arith.constant 0 : i32
        %dma_wait3A_173 = arith.constant 0 : i32
        %dma_wait3A_174 = tpu.memref_slice %arg8[%dma_wait3A_172, %dma_wait3A_173] : memref<10240x128xf32, #tpu.memory_space<vmem_shared>> -> memref<10240x128xf32, #tpu.memory_space<vmem_shared>>
        tpu.wait_indirect_dma semaphore(%run_scoped3A_162 : memref<!tpu.dma_semaphore, #tpu.memory_space<semaphore_mem>>) src(%arg7 : memref<128x128xf32, #tpu.memory_space<vmem>>) dst(%dma_wait3A_174 : memref<10240x128xf32, #tpu.memory_space<vmem_shared>>)
        tpu.yield
      }) : () -> ()
      %add3A_119 = arith.constant 120 : i32
      %add3A_120 = arith.addi %mul3A_35, %add3A_119 : i32
      "tpu.region"() ({
        %run_scoped3A_162 = tpu.sem_alloc : memref<!tpu.dma_semaphore, #tpu.memory_space<semaphore_mem>>
        %dma_start3A_163 = arith.constant 0 : i32
        %dma_start3A_164 = arith.constant 0 : i32
        %dma_start3A_165 = arith.constant 0 : i32
        %dma_start3A_166 = tpu.memref_slice %arg5[%dma_start3A_163, %dma_start3A_164, %dma_start3A_165] : memref<60x2x128xi32, #tpu.memory_space<vmem>> -> memref<30x2x128xi32, #tpu.memory_space<vmem>>
        %dma_start3A_167 = arith.constant 0 : i32
        %dma_start3A_168 = arith.constant 0 : i32
        %dma_start3A_169 = tpu.memref_slice %arg3[%add3A_120, %dma_start3A_167, %dma_start3A_168] : memref<2528x2x128xi32, #tpu.memory_space<hbm>> -> memref<30x2x128xi32, #tpu.memory_space<hbm>>
        %dma_start3A_170 = arith.constant 0 : i32
        %dma_start3A_171 = arith.constant 0 : i32
        %dma_start3A_172 = arith.constant 0 : i32
        %dma_start3A_173 = tpu.memref_slice %arg5[%dma_start3A_170, %dma_start3A_171, %dma_start3A_172] : memref<60x2x128xi32, #tpu.memory_space<vmem>> -> memref<30x2x128xi32, #tpu.memory_space<vmem>>
        %dma_start3A_174 = arith.constant 0 : i32
        %dma_start3A_175 = arith.constant 0 : i32
        %dma_start3A_176 = tpu.memref_slice %arg3[%add3A_120, %dma_start3A_174, %dma_start3A_175] : memref<2528x2x128xi32, #tpu.memory_space<hbm>> -> memref<30x2x128xi32, #tpu.memory_space<hbm>>
        tpu.enqueue_dma source(%dma_start3A_176 : memref<30x2x128xi32, #tpu.memory_space<hbm>>) target(%dma_start3A_173 : memref<30x2x128xi32, #tpu.memory_space<vmem>>) target_semaphore(%run_scoped3A_162 : memref<!tpu.dma_semaphore, #tpu.memory_space<semaphore_mem>>)
        %dma_wait3A_177 = arith.constant 0 : i32
        %dma_wait3A_178 = arith.constant 0 : i32
        %dma_wait3A_179 = arith.constant 0 : i32
        %dma_wait3A_180 = tpu.memref_slice %arg5[%dma_wait3A_177, %dma_wait3A_178, %dma_wait3A_179] : memref<60x2x128xi32, #tpu.memory_space<vmem>> -> memref<30x2x128xi32, #tpu.memory_space<vmem>>
        %dma_wait3A_181 = arith.constant 0 : i32
        %dma_wait3A_182 = arith.constant 0 : i32
        %dma_wait3A_183 = tpu.memref_slice %arg3[%add3A_120, %dma_wait3A_181, %dma_wait3A_182] : memref<2528x2x128xi32, #tpu.memory_space<hbm>> -> memref<30x2x128xi32, #tpu.memory_space<hbm>>
        %dma_wait3A_184 = arith.constant 0 : i32
        %dma_wait3A_185 = arith.constant 0 : i32
        %dma_wait3A_186 = arith.constant 0 : i32
        %dma_wait3A_187 = tpu.memref_slice %arg5[%dma_wait3A_184, %dma_wait3A_185, %dma_wait3A_186] : memref<60x2x128xi32, #tpu.memory_space<vmem>> -> memref<30x2x128xi32, #tpu.memory_space<vmem>>
        %dma_wait3A_188 = arith.constant 0 : i32
        %dma_wait3A_189 = arith.constant 0 : i32
        %dma_wait3A_190 = tpu.memref_slice %arg3[%add3A_120, %dma_wait3A_188, %dma_wait3A_189] : memref<2528x2x128xi32, #tpu.memory_space<hbm>> -> memref<30x2x128xi32, #tpu.memory_space<hbm>>
        tpu.wait_dma2 semaphore(%run_scoped3A_162 : memref<!tpu.dma_semaphore, #tpu.memory_space<semaphore_mem>>) src(%dma_wait3A_190 : memref<30x2x128xi32, #tpu.memory_space<hbm>>) dst(%dma_wait3A_187 : memref<30x2x128xi32, #tpu.memory_space<vmem>>)
        tpu.yield
      }) : () -> ()
      %dma_start3A_121 = arith.constant 0 : i32
      %dma_start3A_122 = arith.constant 0 : i32
      %dma_start3A_123 = arith.constant 0 : i32
      %dma_start3A_124 = tpu.memref_slice %arg5[%dma_start3A_121, %dma_start3A_122, %dma_start3A_123] : memref<60x2x128xi32, #tpu.memory_space<vmem>> -> memref<1x1x128xi32, #tpu.memory_space<vmem>>
      %dma_start3A_125 = tpu.memref_squeeze %dma_start3A_124 : memref<1x1x128xi32, #tpu.memory_space<vmem>> -> memref<128xi32, #tpu.memory_space<vmem>>
      %dma_start3A_126 = arith.constant 0 : i32
      %dma_start3A_127 = arith.constant 0 : i32
      %dma_start3A_128 = tpu.memref_slice %arg2[%dma_start3A_126, %dma_start3A_127] : memref<10240x128xf32, #tpu.memory_space<hbm>> -> memref<10240x128xf32, #tpu.memory_space<hbm>>
      tpu.enqueue_indirect_dma source(%dma_start3A_128 : memref<10240x128xf32, #tpu.memory_space<hbm>>) target(%arg6 : memref<128x128xf32, #tpu.memory_space<vmem>>) offsets(%dma_start3A_125 : memref<128xi32, #tpu.memory_space<vmem>>) semaphore(%arg9 : memref<!tpu.dma_semaphore, #tpu.memory_space<semaphore_mem>>)
      %scan3A_129 = arith.constant 0 : i32
      %scan3A_130 = arith.constant 14 : i32
      %scan3A_131 = arith.addi %scan3A_129, %scan3A_130 : i32
      %scan3A_132 = arith.constant 1 : i32
      scf.for %scan3A_162 = %scan3A_129 to %scan3A_131 step %scan3A_132  : i32 {
        %mul3A_163 = arith.constant 1 : i32
        %mul3A_164 = arith.muli %scan3A_162, %mul3A_163 : i32
        %add3A_165 = arith.constant 0 : i32
        %add3A_166 = arith.addi %add3A_165, %mul3A_164 : i32
        %mul3A_167 = arith.constant 2 : i32
        %mul3A_168 = arith.muli %mul3A_167, %add3A_166 : i32
        %add3A_169 = arith.constant 1 : i32
        %add3A_170 = arith.addi %mul3A_168, %add3A_169 : i32
        %dma_start3A_171 = arith.constant 0 : i32
        %dma_start3A_172 = arith.constant 0 : i32
        %dma_start3A_173 = tpu.memref_slice %arg5[%add3A_170, %dma_start3A_171, %dma_start3A_172] : memref<60x2x128xi32, #tpu.memory_space<vmem>> -> memref<1x1x128xi32, #tpu.memory_space<vmem>>
        %dma_start3A_174 = tpu.memref_squeeze %dma_start3A_173 : memref<1x1x128xi32, #tpu.memory_space<vmem>> -> memref<128xi32, #tpu.memory_space<vmem>>
        %dma_start3A_175 = arith.constant 0 : i32
        %dma_start3A_176 = arith.constant 0 : i32
        %dma_start3A_177 = tpu.memref_slice %arg2[%dma_start3A_175, %dma_start3A_176] : memref<10240x128xf32, #tpu.memory_space<hbm>> -> memref<10240x128xf32, #tpu.memory_space<hbm>>
        tpu.enqueue_indirect_dma source(%dma_start3A_177 : memref<10240x128xf32, #tpu.memory_space<hbm>>) target(%arg7 : memref<128x128xf32, #tpu.memory_space<vmem>>) offsets(%dma_start3A_174 : memref<128xi32, #tpu.memory_space<vmem>>) semaphore(%arg10 : memref<!tpu.dma_semaphore, #tpu.memory_space<semaphore_mem>>)
        %dma_wait3A_178 = arith.constant 0 : i32
        %dma_wait3A_179 = arith.constant 0 : i32
        %dma_wait3A_180 = tpu.memref_slice %arg5[%mul3A_168, %dma_wait3A_178, %dma_wait3A_179] : memref<60x2x128xi32, #tpu.memory_space<vmem>> -> memref<1x1x128xi32, #tpu.memory_space<vmem>>
        %dma_wait3A_181 = tpu.memref_squeeze %dma_wait3A_180 : memref<1x1x128xi32, #tpu.memory_space<vmem>> -> memref<128xi32, #tpu.memory_space<vmem>>
        %dma_wait3A_182 = arith.constant 0 : i32
        %dma_wait3A_183 = arith.constant 0 : i32
        %dma_wait3A_184 = tpu.memref_slice %arg2[%dma_wait3A_182, %dma_wait3A_183] : memref<10240x128xf32, #tpu.memory_space<hbm>> -> memref<10240x128xf32, #tpu.memory_space<hbm>>
        tpu.wait_indirect_dma semaphore(%arg9 : memref<!tpu.dma_semaphore, #tpu.memory_space<semaphore_mem>>) src(%dma_wait3A_184 : memref<10240x128xf32, #tpu.memory_space<hbm>>) dst(%arg6 : memref<128x128xf32, #tpu.memory_space<vmem>>)
        %run_scoped3A_185 = arith.constant 1 : i32
        "tpu.region"() ({
          %run_scoped3A_207 = tpu.sem_alloc : memref<!tpu.dma_semaphore, #tpu.memory_space<semaphore_mem>>
          %dma_start3A_208 = arith.constant 0 : i32
          %dma_start3A_209 = tpu.memref_slice %arg5[%mul3A_168, %run_scoped3A_185, %dma_start3A_208] : memref<60x2x128xi32, #tpu.memory_space<vmem>> -> memref<1x1x128xi32, #tpu.memory_space<vmem>>
          %dma_start3A_210 = tpu.memref_squeeze %dma_start3A_209 : memref<1x1x128xi32, #tpu.memory_space<vmem>> -> memref<128xi32, #tpu.memory_space<vmem>>
          %dma_start3A_211 = arith.constant 0 : i32
          %dma_start3A_212 = arith.constant 0 : i32
          %dma_start3A_213 = tpu.memref_slice %arg8[%dma_start3A_211, %dma_start3A_212] : memref<10240x128xf32, #tpu.memory_space<vmem_shared>> -> memref<10240x128xf32, #tpu.memory_space<vmem_shared>>
          tpu.enqueue_indirect_dma source(%arg6 : memref<128x128xf32, #tpu.memory_space<vmem>>) target(%dma_start3A_213 : memref<10240x128xf32, #tpu.memory_space<vmem_shared>>) offsets(%dma_start3A_210 : memref<128xi32, #tpu.memory_space<vmem>>) semaphore(%run_scoped3A_207 : memref<!tpu.dma_semaphore, #tpu.memory_space<semaphore_mem>>) {add = true}
          %dma_wait3A_214 = arith.constant 0 : i32
          %dma_wait3A_215 = tpu.memref_slice %arg5[%mul3A_168, %run_scoped3A_185, %dma_wait3A_214] : memref<60x2x128xi32, #tpu.memory_space<vmem>> -> memref<1x1x128xi32, #tpu.memory_space<vmem>>
          %dma_wait3A_216 = tpu.memref_squeeze %dma_wait3A_215 : memref<1x1x128xi32, #tpu.memory_space<vmem>> -> memref<128xi32, #tpu.memory_space<vmem>>
          %dma_wait3A_217 = arith.constant 0 : i32
          %dma_wait3A_218 = arith.constant 0 : i32
          %dma_wait3A_219 = tpu.memref_slice %arg8[%dma_wait3A_217, %dma_wait3A_218] : memref<10240x128xf32, #tpu.memory_space<vmem_shared>> -> memref<10240x128xf32, #tpu.memory_space<vmem_shared>>
          tpu.wait_indirect_dma semaphore(%run_scoped3A_207 : memref<!tpu.dma_semaphore, #tpu.memory_space<semaphore_mem>>) src(%arg6 : memref<128x128xf32, #tpu.memory_space<vmem>>) dst(%dma_wait3A_219 : memref<10240x128xf32, #tpu.memory_space<vmem_shared>>)
          tpu.yield
        }) : () -> ()
        %add3A_186 = arith.constant 2 : i32
        %add3A_187 = arith.addi %mul3A_168, %add3A_186 : i32
        %dma_start3A_188 = arith.constant 0 : i32
        %dma_start3A_189 = arith.constant 0 : i32
        %dma_start3A_190 = tpu.memref_slice %arg5[%add3A_187, %dma_start3A_188, %dma_start3A_189] : memref<60x2x128xi32, #tpu.memory_space<vmem>> -> memref<1x1x128xi32, #tpu.memory_space<vmem>>
        %dma_start3A_191 = tpu.memref_squeeze %dma_start3A_190 : memref<1x1x128xi32, #tpu.memory_space<vmem>> -> memref<128xi32, #tpu.memory_space<vmem>>
        %dma_start3A_192 = arith.constant 0 : i32
        %dma_start3A_193 = arith.constant 0 : i32
        %dma_start3A_194 = tpu.memref_slice %arg2[%dma_start3A_192, %dma_start3A_193] : memref<10240x128xf32, #tpu.memory_space<hbm>> -> memref<10240x128xf32, #tpu.memory_space<hbm>>
        tpu.enqueue_indirect_dma source(%dma_start3A_194 : memref<10240x128xf32, #tpu.memory_space<hbm>>) target(%arg6 : memref<128x128xf32, #tpu.memory_space<vmem>>) offsets(%dma_start3A_191 : memref<128xi32, #tpu.memory_space<vmem>>) semaphore(%arg9 : memref<!tpu.dma_semaphore, #tpu.memory_space<semaphore_mem>>)
        %add3A_195 = arith.constant 1 : i32
        %add3A_196 = arith.addi %mul3A_168, %add3A_195 : i32
        %dma_wait3A_197 = arith.constant 0 : i32
        %dma_wait3A_198 = arith.constant 0 : i32
        %dma_wait3A_199 = tpu.memref_slice %arg5[%add3A_196, %dma_wait3A_197, %dma_wait3A_198] : memref<60x2x128xi32, #tpu.memory_space<vmem>> -> memref<1x1x128xi32, #tpu.memory_space<vmem>>
        %dma_wait3A_200 = tpu.memref_squeeze %dma_wait3A_199 : memref<1x1x128xi32, #tpu.memory_space<vmem>> -> memref<128xi32, #tpu.memory_space<vmem>>
        %dma_wait3A_201 = arith.constant 0 : i32
        %dma_wait3A_202 = arith.constant 0 : i32
        %dma_wait3A_203 = tpu.memref_slice %arg2[%dma_wait3A_201, %dma_wait3A_202] : memref<10240x128xf32, #tpu.memory_space<hbm>> -> memref<10240x128xf32, #tpu.memory_space<hbm>>
        tpu.wait_indirect_dma semaphore(%arg10 : memref<!tpu.dma_semaphore, #tpu.memory_space<semaphore_mem>>) src(%dma_wait3A_203 : memref<10240x128xf32, #tpu.memory_space<hbm>>) dst(%arg7 : memref<128x128xf32, #tpu.memory_space<vmem>>)
        %add3A_204 = arith.constant 1 : i32
        %add3A_205 = arith.addi %mul3A_168, %add3A_204 : i32
        %run_scoped3A_206 = arith.constant 1 : i32
        "tpu.region"() ({
          %run_scoped3A_207 = tpu.sem_alloc : memref<!tpu.dma_semaphore, #tpu.memory_space<semaphore_mem>>
          %dma_start3A_208 = arith.constant 0 : i32
          %dma_start3A_209 = tpu.memref_slice %arg5[%add3A_205, %run_scoped3A_206, %dma_start3A_208] : memref<60x2x128xi32, #tpu.memory_space<vmem>> -> memref<1x1x128xi32, #tpu.memory_space<vmem>>
          %dma_start3A_210 = tpu.memref_squeeze %dma_start3A_209 : memref<1x1x128xi32, #tpu.memory_space<vmem>> -> memref<128xi32, #tpu.memory_space<vmem>>
          %dma_start3A_211 = arith.constant 0 : i32
          %dma_start3A_212 = arith.constant 0 : i32
          %dma_start3A_213 = tpu.memref_slice %arg8[%dma_start3A_211, %dma_start3A_212] : memref<10240x128xf32, #tpu.memory_space<vmem_shared>> -> memref<10240x128xf32, #tpu.memory_space<vmem_shared>>
          tpu.enqueue_indirect_dma source(%arg7 : memref<128x128xf32, #tpu.memory_space<vmem>>) target(%dma_start3A_213 : memref<10240x128xf32, #tpu.memory_space<vmem_shared>>) offsets(%dma_start3A_210 : memref<128xi32, #tpu.memory_space<vmem>>) semaphore(%run_scoped3A_207 : memref<!tpu.dma_semaphore, #tpu.memory_space<semaphore_mem>>) {add = true}
          %dma_wait3A_214 = arith.constant 0 : i32
          %dma_wait3A_215 = tpu.memref_slice %arg5[%add3A_205, %run_scoped3A_206, %dma_wait3A_214] : memref<60x2x128xi32, #tpu.memory_space<vmem>> -> memref<1x1x128xi32, #tpu.memory_space<vmem>>
          %dma_wait3A_216 = tpu.memref_squeeze %dma_wait3A_215 : memref<1x1x128xi32, #tpu.memory_space<vmem>> -> memref<128xi32, #tpu.memory_space<vmem>>
          %dma_wait3A_217 = arith.constant 0 : i32
          %dma_wait3A_218 = arith.constant 0 : i32
          %dma_wait3A_219 = tpu.memref_slice %arg8[%dma_wait3A_217, %dma_wait3A_218] : memref<10240x128xf32, #tpu.memory_space<vmem_shared>> -> memref<10240x128xf32, #tpu.memory_space<vmem_shared>>
          tpu.wait_indirect_dma semaphore(%run_scoped3A_207 : memref<!tpu.dma_semaphore, #tpu.memory_space<semaphore_mem>>) src(%arg7 : memref<128x128xf32, #tpu.memory_space<vmem>>) dst(%dma_wait3A_219 : memref<10240x128xf32, #tpu.memory_space<vmem_shared>>)
          tpu.yield
        }) : () -> ()
      }
      %scan3A_133 = arith.constant 14 : i32
      %dma_start3A_134 = arith.constant 29 : i32
      %dma_start3A_135 = arith.constant 0 : i32
      %dma_start3A_136 = arith.constant 0 : i32
      %dma_start3A_137 = tpu.memref_slice %arg5[%dma_start3A_134, %dma_start3A_135, %dma_start3A_136] : memref<60x2x128xi32, #tpu.memory_space<vmem>> -> memref<1x1x128xi32, #tpu.memory_space<vmem>>
      %dma_start3A_138 = tpu.memref_squeeze %dma_start3A_137 : memref<1x1x128xi32, #tpu.memory_space<vmem>> -> memref<128xi32, #tpu.memory_space<vmem>>
      %dma_start3A_139 = arith.constant 0 : i32
      %dma_start3A_140 = arith.constant 0 : i32
      %dma_start3A_141 = tpu.memref_slice %arg2[%dma_start3A_139, %dma_start3A_140] : memref<10240x128xf32, #tpu.memory_space<hbm>> -> memref<10240x128xf32, #tpu.memory_space<hbm>>
      tpu.enqueue_indirect_dma source(%dma_start3A_141 : memref<10240x128xf32, #tpu.memory_space<hbm>>) target(%arg7 : memref<128x128xf32, #tpu.memory_space<vmem>>) offsets(%dma_start3A_138 : memref<128xi32, #tpu.memory_space<vmem>>) semaphore(%arg10 : memref<!tpu.dma_semaphore, #tpu.memory_space<semaphore_mem>>)
      %dma_wait3A_142 = arith.constant 28 : i32
      %dma_wait3A_143 = arith.constant 0 : i32
      %dma_wait3A_144 = arith.constant 0 : i32
      %dma_wait3A_145 = tpu.memref_slice %arg5[%dma_wait3A_142, %dma_wait3A_143, %dma_wait3A_144] : memref<60x2x128xi32, #tpu.memory_space<vmem>> -> memref<1x1x128xi32, #tpu.memory_space<vmem>>
      %dma_wait3A_146 = tpu.memref_squeeze %dma_wait3A_145 : memref<1x1x128xi32, #tpu.memory_space<vmem>> -> memref<128xi32, #tpu.memory_space<vmem>>
      %dma_wait3A_147 = arith.constant 0 : i32
      %dma_wait3A_148 = arith.constant 0 : i32
      %dma_wait3A_149 = tpu.memref_slice %arg2[%dma_wait3A_147, %dma_wait3A_148] : memref<10240x128xf32, #tpu.memory_space<hbm>> -> memref<10240x128xf32, #tpu.memory_space<hbm>>
      tpu.wait_indirect_dma semaphore(%arg9 : memref<!tpu.dma_semaphore, #tpu.memory_space<semaphore_mem>>) src(%dma_wait3A_149 : memref<10240x128xf32, #tpu.memory_space<hbm>>) dst(%arg6 : memref<128x128xf32, #tpu.memory_space<vmem>>)
      %run_scoped3A_150 = arith.constant 28 : i32
      %run_scoped3A_151 = arith.constant 1 : i32
      "tpu.region"() ({
        %run_scoped3A_162 = tpu.sem_alloc : memref<!tpu.dma_semaphore, #tpu.memory_space<semaphore_mem>>
        %dma_start3A_163 = arith.constant 0 : i32
        %dma_start3A_164 = tpu.memref_slice %arg5[%run_scoped3A_150, %run_scoped3A_151, %dma_start3A_163] : memref<60x2x128xi32, #tpu.memory_space<vmem>> -> memref<1x1x128xi32, #tpu.memory_space<vmem>>
        %dma_start3A_165 = tpu.memref_squeeze %dma_start3A_164 : memref<1x1x128xi32, #tpu.memory_space<vmem>> -> memref<128xi32, #tpu.memory_space<vmem>>
        %dma_start3A_166 = arith.constant 0 : i32
        %dma_start3A_167 = arith.constant 0 : i32
        %dma_start3A_168 = tpu.memref_slice %arg8[%dma_start3A_166, %dma_start3A_167] : memref<10240x128xf32, #tpu.memory_space<vmem_shared>> -> memref<10240x128xf32, #tpu.memory_space<vmem_shared>>
        tpu.enqueue_indirect_dma source(%arg6 : memref<128x128xf32, #tpu.memory_space<vmem>>) target(%dma_start3A_168 : memref<10240x128xf32, #tpu.memory_space<vmem_shared>>) offsets(%dma_start3A_165 : memref<128xi32, #tpu.memory_space<vmem>>) semaphore(%run_scoped3A_162 : memref<!tpu.dma_semaphore, #tpu.memory_space<semaphore_mem>>) {add = true}
        %dma_wait3A_169 = arith.constant 0 : i32
        %dma_wait3A_170 = tpu.memref_slice %arg5[%run_scoped3A_150, %run_scoped3A_151, %dma_wait3A_169] : memref<60x2x128xi32, #tpu.memory_space<vmem>> -> memref<1x1x128xi32, #tpu.memory_space<vmem>>
        %dma_wait3A_171 = tpu.memref_squeeze %dma_wait3A_170 : memref<1x1x128xi32, #tpu.memory_space<vmem>> -> memref<128xi32, #tpu.memory_space<vmem>>
        %dma_wait3A_172 = arith.constant 0 : i32
        %dma_wait3A_173 = arith.constant 0 : i32
        %dma_wait3A_174 = tpu.memref_slice %arg8[%dma_wait3A_172, %dma_wait3A_173] : memref<10240x128xf32, #tpu.memory_space<vmem_shared>> -> memref<10240x128xf32, #tpu.memory_space<vmem_shared>>
        tpu.wait_indirect_dma semaphore(%run_scoped3A_162 : memref<!tpu.dma_semaphore, #tpu.memory_space<semaphore_mem>>) src(%arg6 : memref<128x128xf32, #tpu.memory_space<vmem>>) dst(%dma_wait3A_174 : memref<10240x128xf32, #tpu.memory_space<vmem_shared>>)
        tpu.yield
      }) : () -> ()
      %dma_wait3A_152 = arith.constant 29 : i32
      %dma_wait3A_153 = arith.constant 0 : i32
      %dma_wait3A_154 = arith.constant 0 : i32
      %dma_wait3A_155 = tpu.memref_slice %arg5[%dma_wait3A_152, %dma_wait3A_153, %dma_wait3A_154] : memref<60x2x128xi32, #tpu.memory_space<vmem>> -> memref<1x1x128xi32, #tpu.memory_space<vmem>>
      %dma_wait3A_156 = tpu.memref_squeeze %dma_wait3A_155 : memref<1x1x128xi32, #tpu.memory_space<vmem>> -> memref<128xi32, #tpu.memory_space<vmem>>
      %dma_wait3A_157 = arith.constant 0 : i32
      %dma_wait3A_158 = arith.constant 0 : i32
      %dma_wait3A_159 = tpu.memref_slice %arg2[%dma_wait3A_157, %dma_wait3A_158] : memref<10240x128xf32, #tpu.memory_space<hbm>> -> memref<10240x128xf32, #tpu.memory_space<hbm>>
      tpu.wait_indirect_dma semaphore(%arg10 : memref<!tpu.dma_semaphore, #tpu.memory_space<semaphore_mem>>) src(%dma_wait3A_159 : memref<10240x128xf32, #tpu.memory_space<hbm>>) dst(%arg7 : memref<128x128xf32, #tpu.memory_space<vmem>>)
      %run_scoped3A_160 = arith.constant 29 : i32
      %run_scoped3A_161 = arith.constant 1 : i32
      "tpu.region"() ({
        %run_scoped3A_162 = tpu.sem_alloc : memref<!tpu.dma_semaphore, #tpu.memory_space<semaphore_mem>>
        %dma_start3A_163 = arith.constant 0 : i32
        %dma_start3A_164 = tpu.memref_slice %arg5[%run_scoped3A_160, %run_scoped3A_161, %dma_start3A_163] : memref<60x2x128xi32, #tpu.memory_space<vmem>> -> memref<1x1x128xi32, #tpu.memory_space<vmem>>
        %dma_start3A_165 = tpu.memref_squeeze %dma_start3A_164 : memref<1x1x128xi32, #tpu.memory_space<vmem>> -> memref<128xi32, #tpu.memory_space<vmem>>
        %dma_start3A_166 = arith.constant 0 : i32
        %dma_start3A_167 = arith.constant 0 : i32
        %dma_start3A_168 = tpu.memref_slice %arg8[%dma_start3A_166, %dma_start3A_167] : memref<10240x128xf32, #tpu.memory_space<vmem_shared>> -> memref<10240x128xf32, #tpu.memory_space<vmem_shared>>
        tpu.enqueue_indirect_dma source(%arg7 : memref<128x128xf32, #tpu.memory_space<vmem>>) target(%dma_start3A_168 : memref<10240x128xf32, #tpu.memory_space<vmem_shared>>) offsets(%dma_start3A_165 : memref<128xi32, #tpu.memory_space<vmem>>) semaphore(%run_scoped3A_162 : memref<!tpu.dma_semaphore, #tpu.memory_space<semaphore_mem>>) {add = true}
        %dma_wait3A_169 = arith.constant 0 : i32
        %dma_wait3A_170 = tpu.memref_slice %arg5[%run_scoped3A_160, %run_scoped3A_161, %dma_wait3A_169] : memref<60x2x128xi32, #tpu.memory_space<vmem>> -> memref<1x1x128xi32, #tpu.memory_space<vmem>>
        %dma_wait3A_171 = tpu.memref_squeeze %dma_wait3A_170 : memref<1x1x128xi32, #tpu.memory_space<vmem>> -> memref<128xi32, #tpu.memory_space<vmem>>
        %dma_wait3A_172 = arith.constant 0 : i32
        %dma_wait3A_173 = arith.constant 0 : i32
        %dma_wait3A_174 = tpu.memref_slice %arg8[%dma_wait3A_172, %dma_wait3A_173] : memref<10240x128xf32, #tpu.memory_space<vmem_shared>> -> memref<10240x128xf32, #tpu.memory_space<vmem_shared>>
        tpu.wait_indirect_dma semaphore(%run_scoped3A_162 : memref<!tpu.dma_semaphore, #tpu.memory_space<semaphore_mem>>) src(%arg7 : memref<128x128xf32, #tpu.memory_space<vmem>>) dst(%dma_wait3A_174 : memref<10240x128xf32, #tpu.memory_space<vmem_shared>>)
        tpu.yield
      }) : () -> ()
    } else {
    }
    %ne3A = arith.constant 0 : i32
    %ne3A_25 = arith.cmpi ne, %arg0, %ne3A : i32
    %convert_element_type3A_26 = arith.extui %ne3A_25 : i1 to i32
    %cond3A_27 = arith.constant 0 : i32
    %cond3A_28 = arith.cmpi ne, %convert_element_type3A_26, %cond3A_27 : i32
    scf.if %cond3A_28 {
      %mul3A_34 = arith.constant 8 : i32
      %mul3A_35 = arith.muli %arg1, %mul3A_34 : i32
      %add3A_36 = arith.constant 2400 : i32
      %add3A_37 = arith.addi %add3A_36, %mul3A_35 : i32
      %add3A_38 = arith.constant 0 : i32
      %add3A_39 = arith.addi %add3A_37, %add3A_38 : i32
      "tpu.region"() ({
        %run_scoped3A_78 = tpu.sem_alloc : memref<!tpu.dma_semaphore, #tpu.memory_space<semaphore_mem>>
        %dma_start3A_79 = arith.constant 0 : i32
        %dma_start3A_80 = arith.constant 0 : i32
        %dma_start3A_81 = arith.constant 0 : i32
        %dma_start3A_82 = tpu.memref_slice %arg5[%dma_start3A_79, %dma_start3A_80, %dma_start3A_81] : memref<60x2x128xi32, #tpu.memory_space<vmem>> -> memref<8x2x128xi32, #tpu.memory_space<vmem>>
        %dma_start3A_83 = arith.constant 0 : i32
        %dma_start3A_84 = arith.constant 0 : i32
        %dma_start3A_85 = tpu.memref_slice %arg3[%add3A_39, %dma_start3A_83, %dma_start3A_84] : memref<2528x2x128xi32, #tpu.memory_space<hbm>> -> memref<8x2x128xi32, #tpu.memory_space<hbm>>
        %dma_start3A_86 = arith.constant 0 : i32
        %dma_start3A_87 = arith.constant 0 : i32
        %dma_start3A_88 = arith.constant 0 : i32
        %dma_start3A_89 = tpu.memref_slice %arg5[%dma_start3A_86, %dma_start3A_87, %dma_start3A_88] : memref<60x2x128xi32, #tpu.memory_space<vmem>> -> memref<8x2x128xi32, #tpu.memory_space<vmem>>
        %dma_start3A_90 = arith.constant 0 : i32
        %dma_start3A_91 = arith.constant 0 : i32
        %dma_start3A_92 = tpu.memref_slice %arg3[%add3A_39, %dma_start3A_90, %dma_start3A_91] : memref<2528x2x128xi32, #tpu.memory_space<hbm>> -> memref<8x2x128xi32, #tpu.memory_space<hbm>>
        tpu.enqueue_dma source(%dma_start3A_92 : memref<8x2x128xi32, #tpu.memory_space<hbm>>) target(%dma_start3A_89 : memref<8x2x128xi32, #tpu.memory_space<vmem>>) target_semaphore(%run_scoped3A_78 : memref<!tpu.dma_semaphore, #tpu.memory_space<semaphore_mem>>)
        %dma_wait3A_93 = arith.constant 0 : i32
        %dma_wait3A_94 = arith.constant 0 : i32
        %dma_wait3A_95 = arith.constant 0 : i32
        %dma_wait3A_96 = tpu.memref_slice %arg5[%dma_wait3A_93, %dma_wait3A_94, %dma_wait3A_95] : memref<60x2x128xi32, #tpu.memory_space<vmem>> -> memref<8x2x128xi32, #tpu.memory_space<vmem>>
        %dma_wait3A_97 = arith.constant 0 : i32
        %dma_wait3A_98 = arith.constant 0 : i32
        %dma_wait3A_99 = tpu.memref_slice %arg3[%add3A_39, %dma_wait3A_97, %dma_wait3A_98] : memref<2528x2x128xi32, #tpu.memory_space<hbm>> -> memref<8x2x128xi32, #tpu.memory_space<hbm>>
        %dma_wait3A_100 = arith.constant 0 : i32
        %dma_wait3A_101 = arith.constant 0 : i32
        %dma_wait3A_102 = arith.constant 0 : i32
        %dma_wait3A_103 = tpu.memref_slice %arg5[%dma_wait3A_100, %dma_wait3A_101, %dma_wait3A_102] : memref<60x2x128xi32, #tpu.memory_space<vmem>> -> memref<8x2x128xi32, #tpu.memory_space<vmem>>
        %dma_wait3A_104 = arith.constant 0 : i32
        %dma_wait3A_105 = arith.constant 0 : i32
        %dma_wait3A_106 = tpu.memref_slice %arg3[%add3A_39, %dma_wait3A_104, %dma_wait3A_105] : memref<2528x2x128xi32, #tpu.memory_space<hbm>> -> memref<8x2x128xi32, #tpu.memory_space<hbm>>
        tpu.wait_dma2 semaphore(%run_scoped3A_78 : memref<!tpu.dma_semaphore, #tpu.memory_space<semaphore_mem>>) src(%dma_wait3A_106 : memref<8x2x128xi32, #tpu.memory_space<hbm>>) dst(%dma_wait3A_103 : memref<8x2x128xi32, #tpu.memory_space<vmem>>)
        tpu.yield
      }) : () -> ()
      %dma_start3A = arith.constant 0 : i32
      %dma_start3A_40 = arith.constant 0 : i32
      %dma_start3A_41 = arith.constant 0 : i32
      %dma_start3A_42 = tpu.memref_slice %arg5[%dma_start3A, %dma_start3A_40, %dma_start3A_41] : memref<60x2x128xi32, #tpu.memory_space<vmem>> -> memref<1x1x128xi32, #tpu.memory_space<vmem>>
      %dma_start3A_43 = tpu.memref_squeeze %dma_start3A_42 : memref<1x1x128xi32, #tpu.memory_space<vmem>> -> memref<128xi32, #tpu.memory_space<vmem>>
      %dma_start3A_44 = arith.constant 0 : i32
      %dma_start3A_45 = arith.constant 0 : i32
      %dma_start3A_46 = tpu.memref_slice %arg2[%dma_start3A_44, %dma_start3A_45] : memref<10240x128xf32, #tpu.memory_space<hbm>> -> memref<10240x128xf32, #tpu.memory_space<hbm>>
      tpu.enqueue_indirect_dma source(%dma_start3A_46 : memref<10240x128xf32, #tpu.memory_space<hbm>>) target(%arg6 : memref<128x128xf32, #tpu.memory_space<vmem>>) offsets(%dma_start3A_43 : memref<128xi32, #tpu.memory_space<vmem>>) semaphore(%arg9 : memref<!tpu.dma_semaphore, #tpu.memory_space<semaphore_mem>>)
      %scan3A_47 = arith.constant 0 : i32
      %scan3A_48 = arith.constant 3 : i32
      %scan3A_49 = arith.addi %scan3A_47, %scan3A_48 : i32
      %scan3A_50 = arith.constant 1 : i32
      scf.for %scan3A_78 = %scan3A_47 to %scan3A_49 step %scan3A_50  : i32 {
        %mul3A_79 = arith.constant 1 : i32
        %mul3A_80 = arith.muli %scan3A_78, %mul3A_79 : i32
        %add3A_81 = arith.constant 0 : i32
        %add3A_82 = arith.addi %add3A_81, %mul3A_80 : i32
        %mul3A_83 = arith.constant 2 : i32
        %mul3A_84 = arith.muli %mul3A_83, %add3A_82 : i32
        %add3A_85 = arith.constant 1 : i32
        %add3A_86 = arith.addi %mul3A_84, %add3A_85 : i32
        %dma_start3A_87 = arith.constant 0 : i32
        %dma_start3A_88 = arith.constant 0 : i32
        %dma_start3A_89 = tpu.memref_slice %arg5[%add3A_86, %dma_start3A_87, %dma_start3A_88] : memref<60x2x128xi32, #tpu.memory_space<vmem>> -> memref<1x1x128xi32, #tpu.memory_space<vmem>>
        %dma_start3A_90 = tpu.memref_squeeze %dma_start3A_89 : memref<1x1x128xi32, #tpu.memory_space<vmem>> -> memref<128xi32, #tpu.memory_space<vmem>>
        %dma_start3A_91 = arith.constant 0 : i32
        %dma_start3A_92 = arith.constant 0 : i32
        %dma_start3A_93 = tpu.memref_slice %arg2[%dma_start3A_91, %dma_start3A_92] : memref<10240x128xf32, #tpu.memory_space<hbm>> -> memref<10240x128xf32, #tpu.memory_space<hbm>>
        tpu.enqueue_indirect_dma source(%dma_start3A_93 : memref<10240x128xf32, #tpu.memory_space<hbm>>) target(%arg7 : memref<128x128xf32, #tpu.memory_space<vmem>>) offsets(%dma_start3A_90 : memref<128xi32, #tpu.memory_space<vmem>>) semaphore(%arg10 : memref<!tpu.dma_semaphore, #tpu.memory_space<semaphore_mem>>)
        %dma_wait3A_94 = arith.constant 0 : i32
        %dma_wait3A_95 = arith.constant 0 : i32
        %dma_wait3A_96 = tpu.memref_slice %arg5[%mul3A_84, %dma_wait3A_94, %dma_wait3A_95] : memref<60x2x128xi32, #tpu.memory_space<vmem>> -> memref<1x1x128xi32, #tpu.memory_space<vmem>>
        %dma_wait3A_97 = tpu.memref_squeeze %dma_wait3A_96 : memref<1x1x128xi32, #tpu.memory_space<vmem>> -> memref<128xi32, #tpu.memory_space<vmem>>
        %dma_wait3A_98 = arith.constant 0 : i32
        %dma_wait3A_99 = arith.constant 0 : i32
        %dma_wait3A_100 = tpu.memref_slice %arg2[%dma_wait3A_98, %dma_wait3A_99] : memref<10240x128xf32, #tpu.memory_space<hbm>> -> memref<10240x128xf32, #tpu.memory_space<hbm>>
        tpu.wait_indirect_dma semaphore(%arg9 : memref<!tpu.dma_semaphore, #tpu.memory_space<semaphore_mem>>) src(%dma_wait3A_100 : memref<10240x128xf32, #tpu.memory_space<hbm>>) dst(%arg6 : memref<128x128xf32, #tpu.memory_space<vmem>>)
        %run_scoped3A_101 = arith.constant 1 : i32
        "tpu.region"() ({
          %run_scoped3A_123 = tpu.sem_alloc : memref<!tpu.dma_semaphore, #tpu.memory_space<semaphore_mem>>
          %dma_start3A_124 = arith.constant 0 : i32
          %dma_start3A_125 = tpu.memref_slice %arg5[%mul3A_84, %run_scoped3A_101, %dma_start3A_124] : memref<60x2x128xi32, #tpu.memory_space<vmem>> -> memref<1x1x128xi32, #tpu.memory_space<vmem>>
          %dma_start3A_126 = tpu.memref_squeeze %dma_start3A_125 : memref<1x1x128xi32, #tpu.memory_space<vmem>> -> memref<128xi32, #tpu.memory_space<vmem>>
          %dma_start3A_127 = arith.constant 0 : i32
          %dma_start3A_128 = arith.constant 0 : i32
          %dma_start3A_129 = tpu.memref_slice %arg8[%dma_start3A_127, %dma_start3A_128] : memref<10240x128xf32, #tpu.memory_space<vmem_shared>> -> memref<10240x128xf32, #tpu.memory_space<vmem_shared>>
          tpu.enqueue_indirect_dma source(%arg6 : memref<128x128xf32, #tpu.memory_space<vmem>>) target(%dma_start3A_129 : memref<10240x128xf32, #tpu.memory_space<vmem_shared>>) offsets(%dma_start3A_126 : memref<128xi32, #tpu.memory_space<vmem>>) semaphore(%run_scoped3A_123 : memref<!tpu.dma_semaphore, #tpu.memory_space<semaphore_mem>>) {add = true}
          %dma_wait3A_130 = arith.constant 0 : i32
          %dma_wait3A_131 = tpu.memref_slice %arg5[%mul3A_84, %run_scoped3A_101, %dma_wait3A_130] : memref<60x2x128xi32, #tpu.memory_space<vmem>> -> memref<1x1x128xi32, #tpu.memory_space<vmem>>
          %dma_wait3A_132 = tpu.memref_squeeze %dma_wait3A_131 : memref<1x1x128xi32, #tpu.memory_space<vmem>> -> memref<128xi32, #tpu.memory_space<vmem>>
          %dma_wait3A_133 = arith.constant 0 : i32
          %dma_wait3A_134 = arith.constant 0 : i32
          %dma_wait3A_135 = tpu.memref_slice %arg8[%dma_wait3A_133, %dma_wait3A_134] : memref<10240x128xf32, #tpu.memory_space<vmem_shared>> -> memref<10240x128xf32, #tpu.memory_space<vmem_shared>>
          tpu.wait_indirect_dma semaphore(%run_scoped3A_123 : memref<!tpu.dma_semaphore, #tpu.memory_space<semaphore_mem>>) src(%arg6 : memref<128x128xf32, #tpu.memory_space<vmem>>) dst(%dma_wait3A_135 : memref<10240x128xf32, #tpu.memory_space<vmem_shared>>)
          tpu.yield
        }) : () -> ()
        %add3A_102 = arith.constant 2 : i32
        %add3A_103 = arith.addi %mul3A_84, %add3A_102 : i32
        %dma_start3A_104 = arith.constant 0 : i32
        %dma_start3A_105 = arith.constant 0 : i32
        %dma_start3A_106 = tpu.memref_slice %arg5[%add3A_103, %dma_start3A_104, %dma_start3A_105] : memref<60x2x128xi32, #tpu.memory_space<vmem>> -> memref<1x1x128xi32, #tpu.memory_space<vmem>>
        %dma_start3A_107 = tpu.memref_squeeze %dma_start3A_106 : memref<1x1x128xi32, #tpu.memory_space<vmem>> -> memref<128xi32, #tpu.memory_space<vmem>>
        %dma_start3A_108 = arith.constant 0 : i32
        %dma_start3A_109 = arith.constant 0 : i32
        %dma_start3A_110 = tpu.memref_slice %arg2[%dma_start3A_108, %dma_start3A_109] : memref<10240x128xf32, #tpu.memory_space<hbm>> -> memref<10240x128xf32, #tpu.memory_space<hbm>>
        tpu.enqueue_indirect_dma source(%dma_start3A_110 : memref<10240x128xf32, #tpu.memory_space<hbm>>) target(%arg6 : memref<128x128xf32, #tpu.memory_space<vmem>>) offsets(%dma_start3A_107 : memref<128xi32, #tpu.memory_space<vmem>>) semaphore(%arg9 : memref<!tpu.dma_semaphore, #tpu.memory_space<semaphore_mem>>)
        %add3A_111 = arith.constant 1 : i32
        %add3A_112 = arith.addi %mul3A_84, %add3A_111 : i32
        %dma_wait3A_113 = arith.constant 0 : i32
        %dma_wait3A_114 = arith.constant 0 : i32
        %dma_wait3A_115 = tpu.memref_slice %arg5[%add3A_112, %dma_wait3A_113, %dma_wait3A_114] : memref<60x2x128xi32, #tpu.memory_space<vmem>> -> memref<1x1x128xi32, #tpu.memory_space<vmem>>
        %dma_wait3A_116 = tpu.memref_squeeze %dma_wait3A_115 : memref<1x1x128xi32, #tpu.memory_space<vmem>> -> memref<128xi32, #tpu.memory_space<vmem>>
        %dma_wait3A_117 = arith.constant 0 : i32
        %dma_wait3A_118 = arith.constant 0 : i32
        %dma_wait3A_119 = tpu.memref_slice %arg2[%dma_wait3A_117, %dma_wait3A_118] : memref<10240x128xf32, #tpu.memory_space<hbm>> -> memref<10240x128xf32, #tpu.memory_space<hbm>>
        tpu.wait_indirect_dma semaphore(%arg10 : memref<!tpu.dma_semaphore, #tpu.memory_space<semaphore_mem>>) src(%dma_wait3A_119 : memref<10240x128xf32, #tpu.memory_space<hbm>>) dst(%arg7 : memref<128x128xf32, #tpu.memory_space<vmem>>)
        %add3A_120 = arith.constant 1 : i32
        %add3A_121 = arith.addi %mul3A_84, %add3A_120 : i32
        %run_scoped3A_122 = arith.constant 1 : i32
        "tpu.region"() ({
          %run_scoped3A_123 = tpu.sem_alloc : memref<!tpu.dma_semaphore, #tpu.memory_space<semaphore_mem>>
          %dma_start3A_124 = arith.constant 0 : i32
          %dma_start3A_125 = tpu.memref_slice %arg5[%add3A_121, %run_scoped3A_122, %dma_start3A_124] : memref<60x2x128xi32, #tpu.memory_space<vmem>> -> memref<1x1x128xi32, #tpu.memory_space<vmem>>
          %dma_start3A_126 = tpu.memref_squeeze %dma_start3A_125 : memref<1x1x128xi32, #tpu.memory_space<vmem>> -> memref<128xi32, #tpu.memory_space<vmem>>
          %dma_start3A_127 = arith.constant 0 : i32
          %dma_start3A_128 = arith.constant 0 : i32
          %dma_start3A_129 = tpu.memref_slice %arg8[%dma_start3A_127, %dma_start3A_128] : memref<10240x128xf32, #tpu.memory_space<vmem_shared>> -> memref<10240x128xf32, #tpu.memory_space<vmem_shared>>
          tpu.enqueue_indirect_dma source(%arg7 : memref<128x128xf32, #tpu.memory_space<vmem>>) target(%dma_start3A_129 : memref<10240x128xf32, #tpu.memory_space<vmem_shared>>) offsets(%dma_start3A_126 : memref<128xi32, #tpu.memory_space<vmem>>) semaphore(%run_scoped3A_123 : memref<!tpu.dma_semaphore, #tpu.memory_space<semaphore_mem>>) {add = true}
          %dma_wait3A_130 = arith.constant 0 : i32
          %dma_wait3A_131 = tpu.memref_slice %arg5[%add3A_121, %run_scoped3A_122, %dma_wait3A_130] : memref<60x2x128xi32, #tpu.memory_space<vmem>> -> memref<1x1x128xi32, #tpu.memory_space<vmem>>
          %dma_wait3A_132 = tpu.memref_squeeze %dma_wait3A_131 : memref<1x1x128xi32, #tpu.memory_space<vmem>> -> memref<128xi32, #tpu.memory_space<vmem>>
          %dma_wait3A_133 = arith.constant 0 : i32
          %dma_wait3A_134 = arith.constant 0 : i32
          %dma_wait3A_135 = tpu.memref_slice %arg8[%dma_wait3A_133, %dma_wait3A_134] : memref<10240x128xf32, #tpu.memory_space<vmem_shared>> -> memref<10240x128xf32, #tpu.memory_space<vmem_shared>>
          tpu.wait_indirect_dma semaphore(%run_scoped3A_123 : memref<!tpu.dma_semaphore, #tpu.memory_space<semaphore_mem>>) src(%arg7 : memref<128x128xf32, #tpu.memory_space<vmem>>) dst(%dma_wait3A_135 : memref<10240x128xf32, #tpu.memory_space<vmem_shared>>)
          tpu.yield
        }) : () -> ()
      }
      %scan3A_51 = arith.constant 3 : i32
      %dma_start3A_52 = arith.constant 7 : i32
      %dma_start3A_53 = arith.constant 0 : i32
      %dma_start3A_54 = arith.constant 0 : i32
      %dma_start3A_55 = tpu.memref_slice %arg5[%dma_start3A_52, %dma_start3A_53, %dma_start3A_54] : memref<60x2x128xi32, #tpu.memory_space<vmem>> -> memref<1x1x128xi32, #tpu.memory_space<vmem>>
      %dma_start3A_56 = tpu.memref_squeeze %dma_start3A_55 : memref<1x1x128xi32, #tpu.memory_space<vmem>> -> memref<128xi32, #tpu.memory_space<vmem>>
      %dma_start3A_57 = arith.constant 0 : i32
      %dma_start3A_58 = arith.constant 0 : i32
      %dma_start3A_59 = tpu.memref_slice %arg2[%dma_start3A_57, %dma_start3A_58] : memref<10240x128xf32, #tpu.memory_space<hbm>> -> memref<10240x128xf32, #tpu.memory_space<hbm>>
      tpu.enqueue_indirect_dma source(%dma_start3A_59 : memref<10240x128xf32, #tpu.memory_space<hbm>>) target(%arg7 : memref<128x128xf32, #tpu.memory_space<vmem>>) offsets(%dma_start3A_56 : memref<128xi32, #tpu.memory_space<vmem>>) semaphore(%arg10 : memref<!tpu.dma_semaphore, #tpu.memory_space<semaphore_mem>>)
      %dma_wait3A = arith.constant 6 : i32
      %dma_wait3A_60 = arith.constant 0 : i32
      %dma_wait3A_61 = arith.constant 0 : i32
      %dma_wait3A_62 = tpu.memref_slice %arg5[%dma_wait3A, %dma_wait3A_60, %dma_wait3A_61] : memref<60x2x128xi32, #tpu.memory_space<vmem>> -> memref<1x1x128xi32, #tpu.memory_space<vmem>>
      %dma_wait3A_63 = tpu.memref_squeeze %dma_wait3A_62 : memref<1x1x128xi32, #tpu.memory_space<vmem>> -> memref<128xi32, #tpu.memory_space<vmem>>
      %dma_wait3A_64 = arith.constant 0 : i32
      %dma_wait3A_65 = arith.constant 0 : i32
      %dma_wait3A_66 = tpu.memref_slice %arg2[%dma_wait3A_64, %dma_wait3A_65] : memref<10240x128xf32, #tpu.memory_space<hbm>> -> memref<10240x128xf32, #tpu.memory_space<hbm>>
      tpu.wait_indirect_dma semaphore(%arg9 : memref<!tpu.dma_semaphore, #tpu.memory_space<semaphore_mem>>) src(%dma_wait3A_66 : memref<10240x128xf32, #tpu.memory_space<hbm>>) dst(%arg6 : memref<128x128xf32, #tpu.memory_space<vmem>>)
      %run_scoped3A = arith.constant 6 : i32
      %run_scoped3A_67 = arith.constant 1 : i32
      "tpu.region"() ({
        %run_scoped3A_78 = tpu.sem_alloc : memref<!tpu.dma_semaphore, #tpu.memory_space<semaphore_mem>>
        %dma_start3A_79 = arith.constant 0 : i32
        %dma_start3A_80 = tpu.memref_slice %arg5[%run_scoped3A, %run_scoped3A_67, %dma_start3A_79] : memref<60x2x128xi32, #tpu.memory_space<vmem>> -> memref<1x1x128xi32, #tpu.memory_space<vmem>>
        %dma_start3A_81 = tpu.memref_squeeze %dma_start3A_80 : memref<1x1x128xi32, #tpu.memory_space<vmem>> -> memref<128xi32, #tpu.memory_space<vmem>>
        %dma_start3A_82 = arith.constant 0 : i32
        %dma_start3A_83 = arith.constant 0 : i32
        %dma_start3A_84 = tpu.memref_slice %arg8[%dma_start3A_82, %dma_start3A_83] : memref<10240x128xf32, #tpu.memory_space<vmem_shared>> -> memref<10240x128xf32, #tpu.memory_space<vmem_shared>>
        tpu.enqueue_indirect_dma source(%arg6 : memref<128x128xf32, #tpu.memory_space<vmem>>) target(%dma_start3A_84 : memref<10240x128xf32, #tpu.memory_space<vmem_shared>>) offsets(%dma_start3A_81 : memref<128xi32, #tpu.memory_space<vmem>>) semaphore(%run_scoped3A_78 : memref<!tpu.dma_semaphore, #tpu.memory_space<semaphore_mem>>) {add = true}
        %dma_wait3A_85 = arith.constant 0 : i32
        %dma_wait3A_86 = tpu.memref_slice %arg5[%run_scoped3A, %run_scoped3A_67, %dma_wait3A_85] : memref<60x2x128xi32, #tpu.memory_space<vmem>> -> memref<1x1x128xi32, #tpu.memory_space<vmem>>
        %dma_wait3A_87 = tpu.memref_squeeze %dma_wait3A_86 : memref<1x1x128xi32, #tpu.memory_space<vmem>> -> memref<128xi32, #tpu.memory_space<vmem>>
        %dma_wait3A_88 = arith.constant 0 : i32
        %dma_wait3A_89 = arith.constant 0 : i32
        %dma_wait3A_90 = tpu.memref_slice %arg8[%dma_wait3A_88, %dma_wait3A_89] : memref<10240x128xf32, #tpu.memory_space<vmem_shared>> -> memref<10240x128xf32, #tpu.memory_space<vmem_shared>>
        tpu.wait_indirect_dma semaphore(%run_scoped3A_78 : memref<!tpu.dma_semaphore, #tpu.memory_space<semaphore_mem>>) src(%arg6 : memref<128x128xf32, #tpu.memory_space<vmem>>) dst(%dma_wait3A_90 : memref<10240x128xf32, #tpu.memory_space<vmem_shared>>)
        tpu.yield
      }) : () -> ()
      %dma_wait3A_68 = arith.constant 7 : i32
      %dma_wait3A_69 = arith.constant 0 : i32
      %dma_wait3A_70 = arith.constant 0 : i32
      %dma_wait3A_71 = tpu.memref_slice %arg5[%dma_wait3A_68, %dma_wait3A_69, %dma_wait3A_70] : memref<60x2x128xi32, #tpu.memory_space<vmem>> -> memref<1x1x128xi32, #tpu.memory_space<vmem>>
      %dma_wait3A_72 = tpu.memref_squeeze %dma_wait3A_71 : memref<1x1x128xi32, #tpu.memory_space<vmem>> -> memref<128xi32, #tpu.memory_space<vmem>>
      %dma_wait3A_73 = arith.constant 0 : i32
      %dma_wait3A_74 = arith.constant 0 : i32
      %dma_wait3A_75 = tpu.memref_slice %arg2[%dma_wait3A_73, %dma_wait3A_74] : memref<10240x128xf32, #tpu.memory_space<hbm>> -> memref<10240x128xf32, #tpu.memory_space<hbm>>
      tpu.wait_indirect_dma semaphore(%arg10 : memref<!tpu.dma_semaphore, #tpu.memory_space<semaphore_mem>>) src(%dma_wait3A_75 : memref<10240x128xf32, #tpu.memory_space<hbm>>) dst(%arg7 : memref<128x128xf32, #tpu.memory_space<vmem>>)
      %run_scoped3A_76 = arith.constant 7 : i32
      %run_scoped3A_77 = arith.constant 1 : i32
      "tpu.region"() ({
        %run_scoped3A_78 = tpu.sem_alloc : memref<!tpu.dma_semaphore, #tpu.memory_space<semaphore_mem>>
        %dma_start3A_79 = arith.constant 0 : i32
        %dma_start3A_80 = tpu.memref_slice %arg5[%run_scoped3A_76, %run_scoped3A_77, %dma_start3A_79] : memref<60x2x128xi32, #tpu.memory_space<vmem>> -> memref<1x1x128xi32, #tpu.memory_space<vmem>>
        %dma_start3A_81 = tpu.memref_squeeze %dma_start3A_80 : memref<1x1x128xi32, #tpu.memory_space<vmem>> -> memref<128xi32, #tpu.memory_space<vmem>>
        %dma_start3A_82 = arith.constant 0 : i32
        %dma_start3A_83 = arith.constant 0 : i32
        %dma_start3A_84 = tpu.memref_slice %arg8[%dma_start3A_82, %dma_start3A_83] : memref<10240x128xf32, #tpu.memory_space<vmem_shared>> -> memref<10240x128xf32, #tpu.memory_space<vmem_shared>>
        tpu.enqueue_indirect_dma source(%arg7 : memref<128x128xf32, #tpu.memory_space<vmem>>) target(%dma_start3A_84 : memref<10240x128xf32, #tpu.memory_space<vmem_shared>>) offsets(%dma_start3A_81 : memref<128xi32, #tpu.memory_space<vmem>>) semaphore(%run_scoped3A_78 : memref<!tpu.dma_semaphore, #tpu.memory_space<semaphore_mem>>) {add = true}
        %dma_wait3A_85 = arith.constant 0 : i32
        %dma_wait3A_86 = tpu.memref_slice %arg5[%run_scoped3A_76, %run_scoped3A_77, %dma_wait3A_85] : memref<60x2x128xi32, #tpu.memory_space<vmem>> -> memref<1x1x128xi32, #tpu.memory_space<vmem>>
        %dma_wait3A_87 = tpu.memref_squeeze %dma_wait3A_86 : memref<1x1x128xi32, #tpu.memory_space<vmem>> -> memref<128xi32, #tpu.memory_space<vmem>>
        %dma_wait3A_88 = arith.constant 0 : i32
        %dma_wait3A_89 = arith.constant 0 : i32
        %dma_wait3A_90 = tpu.memref_slice %arg8[%dma_wait3A_88, %dma_wait3A_89] : memref<10240x128xf32, #tpu.memory_space<vmem_shared>> -> memref<10240x128xf32, #tpu.memory_space<vmem_shared>>
        tpu.wait_indirect_dma semaphore(%run_scoped3A_78 : memref<!tpu.dma_semaphore, #tpu.memory_space<semaphore_mem>>) src(%arg7 : memref<128x128xf32, #tpu.memory_space<vmem>>) dst(%dma_wait3A_90 : memref<10240x128xf32, #tpu.memory_space<vmem_shared>>)
        tpu.yield
      }) : () -> ()
    } else {
    }
    %barrier3A_29 = arith.constant 0 : index
    tpu.barrier barrier_id(%barrier3A_29)
    %mul3A_30 = arith.constant 640 : i32
    %mul3A_31 = arith.muli %arg1, %mul3A_30 : i32
    %mul3A_32 = arith.constant 640 : i32
    %mul3A_33 = arith.muli %arg1, %mul3A_32 : i32
    "tpu.region"() ({
      %run_scoped3A = tpu.sem_alloc : memref<!tpu.dma_semaphore, #tpu.memory_space<semaphore_mem>>
      %dma_start3A = arith.constant 0 : i32
      %dma_start3A_34 = tpu.memref_slice %arg4[%arg0, %mul3A_33, %dma_start3A] : memref<2x10240x128xf32, #tpu.memory_space<hbm>> -> memref<1x640x128xf32, #tpu.memory_space<hbm>>
      %dma_start3A_35 = tpu.memref_squeeze %dma_start3A_34 : memref<1x640x128xf32, #tpu.memory_space<hbm>> -> memref<640x128xf32, #tpu.memory_space<hbm>>
      %dma_start3A_36 = arith.constant 0 : i32
      %dma_start3A_37 = tpu.memref_slice %arg8[%mul3A_31, %dma_start3A_36] : memref<10240x128xf32, #tpu.memory_space<vmem_shared>> -> memref<640x128xf32, #tpu.memory_space<vmem_shared>>
      tpu.enqueue_dma source(%dma_start3A_37 : memref<640x128xf32, #tpu.memory_space<vmem_shared>>) target(%dma_start3A_35 : memref<640x128xf32, #tpu.memory_space<hbm>>) target_semaphore(%run_scoped3A : memref<!tpu.dma_semaphore, #tpu.memory_space<semaphore_mem>>)
      %dma_wait3A = arith.constant 0 : i32
      %dma_wait3A_38 = tpu.memref_slice %arg4[%arg0, %mul3A_33, %dma_wait3A] : memref<2x10240x128xf32, #tpu.memory_space<hbm>> -> memref<1x640x128xf32, #tpu.memory_space<hbm>>
      %dma_wait3A_39 = tpu.memref_squeeze %dma_wait3A_38 : memref<1x640x128xf32, #tpu.memory_space<hbm>> -> memref<640x128xf32, #tpu.memory_space<hbm>>
      %dma_wait3A_40 = arith.constant 0 : i32
      %dma_wait3A_41 = tpu.memref_slice %arg8[%mul3A_31, %dma_wait3A_40] : memref<10240x128xf32, #tpu.memory_space<vmem_shared>> -> memref<640x128xf32, #tpu.memory_space<vmem_shared>>
      tpu.wait_dma2 semaphore(%run_scoped3A : memref<!tpu.dma_semaphore, #tpu.memory_space<semaphore_mem>>) src(%dma_wait3A_41 : memref<640x128xf32, #tpu.memory_space<vmem_shared>>) dst(%dma_wait3A_39 : memref<640x128xf32, #tpu.memory_space<hbm>>)
      tpu.yield
    }) : () -> ()
    return
  }
}

#map = affine_map<(d0, d1) -> (0, 0)>
#map1 = affine_map<(d0, d1) -> (0)>
module attributes {stable_mosaic.version = 14 : i64} {
  func.func @k(%arg0: i32, %arg1: i32, %arg2: memref<50000x128xf32, #tpu.memory_space<hbm>>, %arg3: memref<10240xi32, #tpu.memory_space<hbm>>, %arg4: memref<10240x128xf32, #tpu.memory_space<hbm>>, %arg5: memref<80xi32, #tpu.memory_space<vmem>>, %arg6: memref<80x128xf32, #tpu.memory_space<vmem>>) attributes {dimension_semantics = [#tpu.dimension_semantics<core_parallel>, #tpu.dimension_semantics<subcore_parallel>], iteration_bounds = array<i64: 2, 16>, scalar_prefetch = 0 : i64, scratch_operands = 2 : i64, tpu.core_type = #tpu.core_type<sc_vector_subcore>, window_params = [{transform_indices = #map}, {transform_indices = #map1}, {transform_indices = #map}]} {
    %eq3A = arith.constant 0 : i32
    %eq3A_0 = arith.cmpi eq, %arg0, %eq3A : i32
    %convert_element_type3A = arith.extui %eq3A_0 : i1 to i32
    %cond3A = arith.constant 0 : i32
    %cond3A_1 = arith.cmpi ne, %convert_element_type3A, %cond3A : i32
    scf.if %cond3A_1 {
      %mul3A = arith.constant 480 : i32
      %mul3A_6 = arith.muli %arg1, %mul3A : i32
      %add3A = arith.constant 0 : i32
      %add3A_7 = arith.addi %mul3A_6, %add3A : i32
      "tpu.region"() ({
        %run_scoped3A = tpu.sem_alloc : memref<!tpu.dma_semaphore, #tpu.memory_space<semaphore_mem>>
        %dma_start3A = tpu.memref_slice %arg3[%add3A_7] : memref<10240xi32, #tpu.memory_space<hbm>> -> memref<80xi32, #tpu.memory_space<hbm>>
        %dma_start3A_18 = tpu.memref_slice %arg3[%add3A_7] : memref<10240xi32, #tpu.memory_space<hbm>> -> memref<80xi32, #tpu.memory_space<hbm>>
        tpu.enqueue_dma source(%dma_start3A_18 : memref<80xi32, #tpu.memory_space<hbm>>) target(%arg5 : memref<80xi32, #tpu.memory_space<vmem>>) target_semaphore(%run_scoped3A : memref<!tpu.dma_semaphore, #tpu.memory_space<semaphore_mem>>)
        %dma_wait3A = tpu.memref_slice %arg3[%add3A_7] : memref<10240xi32, #tpu.memory_space<hbm>> -> memref<80xi32, #tpu.memory_space<hbm>>
        %dma_wait3A_19 = tpu.memref_slice %arg3[%add3A_7] : memref<10240xi32, #tpu.memory_space<hbm>> -> memref<80xi32, #tpu.memory_space<hbm>>
        tpu.wait_dma2 semaphore(%run_scoped3A : memref<!tpu.dma_semaphore, #tpu.memory_space<semaphore_mem>>) src(%dma_wait3A_19 : memref<80xi32, #tpu.memory_space<hbm>>) dst(%arg5 : memref<80xi32, #tpu.memory_space<vmem>>)
        tpu.yield
      }) : () -> ()
      "tpu.region"() ({
        %run_scoped3A = tpu.sem_alloc : memref<!tpu.dma_semaphore, #tpu.memory_space<semaphore_mem>>
        %dma_start3A = arith.constant 0 : i32
        %dma_start3A_18 = arith.constant 0 : i32
        %dma_start3A_19 = tpu.memref_slice %arg2[%dma_start3A, %dma_start3A_18] : memref<50000x128xf32, #tpu.memory_space<hbm>> -> memref<50000x128xf32, #tpu.memory_space<hbm>>
        tpu.enqueue_indirect_dma source(%dma_start3A_19 : memref<50000x128xf32, #tpu.memory_space<hbm>>) target(%arg6 : memref<80x128xf32, #tpu.memory_space<vmem>>) offsets(%arg5 : memref<80xi32, #tpu.memory_space<vmem>>) semaphore(%run_scoped3A : memref<!tpu.dma_semaphore, #tpu.memory_space<semaphore_mem>>)
        %dma_wait3A = arith.constant 0 : i32
        %dma_wait3A_20 = arith.constant 0 : i32
        %dma_wait3A_21 = tpu.memref_slice %arg2[%dma_wait3A, %dma_wait3A_20] : memref<50000x128xf32, #tpu.memory_space<hbm>> -> memref<50000x128xf32, #tpu.memory_space<hbm>>
        tpu.wait_indirect_dma semaphore(%run_scoped3A : memref<!tpu.dma_semaphore, #tpu.memory_space<semaphore_mem>>) src(%dma_wait3A_21 : memref<50000x128xf32, #tpu.memory_space<hbm>>) dst(%arg6 : memref<80x128xf32, #tpu.memory_space<vmem>>)
        tpu.yield
      }) : () -> ()
      "tpu.region"() ({
        %run_scoped3A = tpu.sem_alloc : memref<!tpu.dma_semaphore, #tpu.memory_space<semaphore_mem>>
        %dma_start3A = arith.constant 0 : i32
        %dma_start3A_18 = tpu.memref_slice %arg4[%add3A_7, %dma_start3A] : memref<10240x128xf32, #tpu.memory_space<hbm>> -> memref<80x128xf32, #tpu.memory_space<hbm>>
        %dma_start3A_19 = arith.constant 0 : i32
        %dma_start3A_20 = tpu.memref_slice %arg4[%add3A_7, %dma_start3A_19] : memref<10240x128xf32, #tpu.memory_space<hbm>> -> memref<80x128xf32, #tpu.memory_space<hbm>>
        tpu.enqueue_dma source(%arg6 : memref<80x128xf32, #tpu.memory_space<vmem>>) target(%dma_start3A_20 : memref<80x128xf32, #tpu.memory_space<hbm>>) target_semaphore(%run_scoped3A : memref<!tpu.dma_semaphore, #tpu.memory_space<semaphore_mem>>)
        %dma_wait3A = arith.constant 0 : i32
        %dma_wait3A_21 = tpu.memref_slice %arg4[%add3A_7, %dma_wait3A] : memref<10240x128xf32, #tpu.memory_space<hbm>> -> memref<80x128xf32, #tpu.memory_space<hbm>>
        %dma_wait3A_22 = arith.constant 0 : i32
        %dma_wait3A_23 = tpu.memref_slice %arg4[%add3A_7, %dma_wait3A_22] : memref<10240x128xf32, #tpu.memory_space<hbm>> -> memref<80x128xf32, #tpu.memory_space<hbm>>
        tpu.wait_dma2 semaphore(%run_scoped3A : memref<!tpu.dma_semaphore, #tpu.memory_space<semaphore_mem>>) src(%arg6 : memref<80x128xf32, #tpu.memory_space<vmem>>) dst(%dma_wait3A_23 : memref<80x128xf32, #tpu.memory_space<hbm>>)
        tpu.yield
      }) : () -> ()
      %add3A_8 = arith.constant 80 : i32
      %add3A_9 = arith.addi %mul3A_6, %add3A_8 : i32
      "tpu.region"() ({
        %run_scoped3A = tpu.sem_alloc : memref<!tpu.dma_semaphore, #tpu.memory_space<semaphore_mem>>
        %dma_start3A = tpu.memref_slice %arg3[%add3A_9] : memref<10240xi32, #tpu.memory_space<hbm>> -> memref<80xi32, #tpu.memory_space<hbm>>
        %dma_start3A_18 = tpu.memref_slice %arg3[%add3A_9] : memref<10240xi32, #tpu.memory_space<hbm>> -> memref<80xi32, #tpu.memory_space<hbm>>
        tpu.enqueue_dma source(%dma_start3A_18 : memref<80xi32, #tpu.memory_space<hbm>>) target(%arg5 : memref<80xi32, #tpu.memory_space<vmem>>) target_semaphore(%run_scoped3A : memref<!tpu.dma_semaphore, #tpu.memory_space<semaphore_mem>>)
        %dma_wait3A = tpu.memref_slice %arg3[%add3A_9] : memref<10240xi32, #tpu.memory_space<hbm>> -> memref<80xi32, #tpu.memory_space<hbm>>
        %dma_wait3A_19 = tpu.memref_slice %arg3[%add3A_9] : memref<10240xi32, #tpu.memory_space<hbm>> -> memref<80xi32, #tpu.memory_space<hbm>>
        tpu.wait_dma2 semaphore(%run_scoped3A : memref<!tpu.dma_semaphore, #tpu.memory_space<semaphore_mem>>) src(%dma_wait3A_19 : memref<80xi32, #tpu.memory_space<hbm>>) dst(%arg5 : memref<80xi32, #tpu.memory_space<vmem>>)
        tpu.yield
      }) : () -> ()
      "tpu.region"() ({
        %run_scoped3A = tpu.sem_alloc : memref<!tpu.dma_semaphore, #tpu.memory_space<semaphore_mem>>
        %dma_start3A = arith.constant 0 : i32
        %dma_start3A_18 = arith.constant 0 : i32
        %dma_start3A_19 = tpu.memref_slice %arg2[%dma_start3A, %dma_start3A_18] : memref<50000x128xf32, #tpu.memory_space<hbm>> -> memref<50000x128xf32, #tpu.memory_space<hbm>>
        tpu.enqueue_indirect_dma source(%dma_start3A_19 : memref<50000x128xf32, #tpu.memory_space<hbm>>) target(%arg6 : memref<80x128xf32, #tpu.memory_space<vmem>>) offsets(%arg5 : memref<80xi32, #tpu.memory_space<vmem>>) semaphore(%run_scoped3A : memref<!tpu.dma_semaphore, #tpu.memory_space<semaphore_mem>>)
        %dma_wait3A = arith.constant 0 : i32
        %dma_wait3A_20 = arith.constant 0 : i32
        %dma_wait3A_21 = tpu.memref_slice %arg2[%dma_wait3A, %dma_wait3A_20] : memref<50000x128xf32, #tpu.memory_space<hbm>> -> memref<50000x128xf32, #tpu.memory_space<hbm>>
        tpu.wait_indirect_dma semaphore(%run_scoped3A : memref<!tpu.dma_semaphore, #tpu.memory_space<semaphore_mem>>) src(%dma_wait3A_21 : memref<50000x128xf32, #tpu.memory_space<hbm>>) dst(%arg6 : memref<80x128xf32, #tpu.memory_space<vmem>>)
        tpu.yield
      }) : () -> ()
      "tpu.region"() ({
        %run_scoped3A = tpu.sem_alloc : memref<!tpu.dma_semaphore, #tpu.memory_space<semaphore_mem>>
        %dma_start3A = arith.constant 0 : i32
        %dma_start3A_18 = tpu.memref_slice %arg4[%add3A_9, %dma_start3A] : memref<10240x128xf32, #tpu.memory_space<hbm>> -> memref<80x128xf32, #tpu.memory_space<hbm>>
        %dma_start3A_19 = arith.constant 0 : i32
        %dma_start3A_20 = tpu.memref_slice %arg4[%add3A_9, %dma_start3A_19] : memref<10240x128xf32, #tpu.memory_space<hbm>> -> memref<80x128xf32, #tpu.memory_space<hbm>>
        tpu.enqueue_dma source(%arg6 : memref<80x128xf32, #tpu.memory_space<vmem>>) target(%dma_start3A_20 : memref<80x128xf32, #tpu.memory_space<hbm>>) target_semaphore(%run_scoped3A : memref<!tpu.dma_semaphore, #tpu.memory_space<semaphore_mem>>)
        %dma_wait3A = arith.constant 0 : i32
        %dma_wait3A_21 = tpu.memref_slice %arg4[%add3A_9, %dma_wait3A] : memref<10240x128xf32, #tpu.memory_space<hbm>> -> memref<80x128xf32, #tpu.memory_space<hbm>>
        %dma_wait3A_22 = arith.constant 0 : i32
        %dma_wait3A_23 = tpu.memref_slice %arg4[%add3A_9, %dma_wait3A_22] : memref<10240x128xf32, #tpu.memory_space<hbm>> -> memref<80x128xf32, #tpu.memory_space<hbm>>
        tpu.wait_dma2 semaphore(%run_scoped3A : memref<!tpu.dma_semaphore, #tpu.memory_space<semaphore_mem>>) src(%arg6 : memref<80x128xf32, #tpu.memory_space<vmem>>) dst(%dma_wait3A_23 : memref<80x128xf32, #tpu.memory_space<hbm>>)
        tpu.yield
      }) : () -> ()
      %add3A_10 = arith.constant 160 : i32
      %add3A_11 = arith.addi %mul3A_6, %add3A_10 : i32
      "tpu.region"() ({
        %run_scoped3A = tpu.sem_alloc : memref<!tpu.dma_semaphore, #tpu.memory_space<semaphore_mem>>
        %dma_start3A = tpu.memref_slice %arg3[%add3A_11] : memref<10240xi32, #tpu.memory_space<hbm>> -> memref<80xi32, #tpu.memory_space<hbm>>
        %dma_start3A_18 = tpu.memref_slice %arg3[%add3A_11] : memref<10240xi32, #tpu.memory_space<hbm>> -> memref<80xi32, #tpu.memory_space<hbm>>
        tpu.enqueue_dma source(%dma_start3A_18 : memref<80xi32, #tpu.memory_space<hbm>>) target(%arg5 : memref<80xi32, #tpu.memory_space<vmem>>) target_semaphore(%run_scoped3A : memref<!tpu.dma_semaphore, #tpu.memory_space<semaphore_mem>>)
        %dma_wait3A = tpu.memref_slice %arg3[%add3A_11] : memref<10240xi32, #tpu.memory_space<hbm>> -> memref<80xi32, #tpu.memory_space<hbm>>
        %dma_wait3A_19 = tpu.memref_slice %arg3[%add3A_11] : memref<10240xi32, #tpu.memory_space<hbm>> -> memref<80xi32, #tpu.memory_space<hbm>>
        tpu.wait_dma2 semaphore(%run_scoped3A : memref<!tpu.dma_semaphore, #tpu.memory_space<semaphore_mem>>) src(%dma_wait3A_19 : memref<80xi32, #tpu.memory_space<hbm>>) dst(%arg5 : memref<80xi32, #tpu.memory_space<vmem>>)
        tpu.yield
      }) : () -> ()
      "tpu.region"() ({
        %run_scoped3A = tpu.sem_alloc : memref<!tpu.dma_semaphore, #tpu.memory_space<semaphore_mem>>
        %dma_start3A = arith.constant 0 : i32
        %dma_start3A_18 = arith.constant 0 : i32
        %dma_start3A_19 = tpu.memref_slice %arg2[%dma_start3A, %dma_start3A_18] : memref<50000x128xf32, #tpu.memory_space<hbm>> -> memref<50000x128xf32, #tpu.memory_space<hbm>>
        tpu.enqueue_indirect_dma source(%dma_start3A_19 : memref<50000x128xf32, #tpu.memory_space<hbm>>) target(%arg6 : memref<80x128xf32, #tpu.memory_space<vmem>>) offsets(%arg5 : memref<80xi32, #tpu.memory_space<vmem>>) semaphore(%run_scoped3A : memref<!tpu.dma_semaphore, #tpu.memory_space<semaphore_mem>>)
        %dma_wait3A = arith.constant 0 : i32
        %dma_wait3A_20 = arith.constant 0 : i32
        %dma_wait3A_21 = tpu.memref_slice %arg2[%dma_wait3A, %dma_wait3A_20] : memref<50000x128xf32, #tpu.memory_space<hbm>> -> memref<50000x128xf32, #tpu.memory_space<hbm>>
        tpu.wait_indirect_dma semaphore(%run_scoped3A : memref<!tpu.dma_semaphore, #tpu.memory_space<semaphore_mem>>) src(%dma_wait3A_21 : memref<50000x128xf32, #tpu.memory_space<hbm>>) dst(%arg6 : memref<80x128xf32, #tpu.memory_space<vmem>>)
        tpu.yield
      }) : () -> ()
      "tpu.region"() ({
        %run_scoped3A = tpu.sem_alloc : memref<!tpu.dma_semaphore, #tpu.memory_space<semaphore_mem>>
        %dma_start3A = arith.constant 0 : i32
        %dma_start3A_18 = tpu.memref_slice %arg4[%add3A_11, %dma_start3A] : memref<10240x128xf32, #tpu.memory_space<hbm>> -> memref<80x128xf32, #tpu.memory_space<hbm>>
        %dma_start3A_19 = arith.constant 0 : i32
        %dma_start3A_20 = tpu.memref_slice %arg4[%add3A_11, %dma_start3A_19] : memref<10240x128xf32, #tpu.memory_space<hbm>> -> memref<80x128xf32, #tpu.memory_space<hbm>>
        tpu.enqueue_dma source(%arg6 : memref<80x128xf32, #tpu.memory_space<vmem>>) target(%dma_start3A_20 : memref<80x128xf32, #tpu.memory_space<hbm>>) target_semaphore(%run_scoped3A : memref<!tpu.dma_semaphore, #tpu.memory_space<semaphore_mem>>)
        %dma_wait3A = arith.constant 0 : i32
        %dma_wait3A_21 = tpu.memref_slice %arg4[%add3A_11, %dma_wait3A] : memref<10240x128xf32, #tpu.memory_space<hbm>> -> memref<80x128xf32, #tpu.memory_space<hbm>>
        %dma_wait3A_22 = arith.constant 0 : i32
        %dma_wait3A_23 = tpu.memref_slice %arg4[%add3A_11, %dma_wait3A_22] : memref<10240x128xf32, #tpu.memory_space<hbm>> -> memref<80x128xf32, #tpu.memory_space<hbm>>
        tpu.wait_dma2 semaphore(%run_scoped3A : memref<!tpu.dma_semaphore, #tpu.memory_space<semaphore_mem>>) src(%arg6 : memref<80x128xf32, #tpu.memory_space<vmem>>) dst(%dma_wait3A_23 : memref<80x128xf32, #tpu.memory_space<hbm>>)
        tpu.yield
      }) : () -> ()
      %add3A_12 = arith.constant 240 : i32
      %add3A_13 = arith.addi %mul3A_6, %add3A_12 : i32
      "tpu.region"() ({
        %run_scoped3A = tpu.sem_alloc : memref<!tpu.dma_semaphore, #tpu.memory_space<semaphore_mem>>
        %dma_start3A = tpu.memref_slice %arg3[%add3A_13] : memref<10240xi32, #tpu.memory_space<hbm>> -> memref<80xi32, #tpu.memory_space<hbm>>
        %dma_start3A_18 = tpu.memref_slice %arg3[%add3A_13] : memref<10240xi32, #tpu.memory_space<hbm>> -> memref<80xi32, #tpu.memory_space<hbm>>
        tpu.enqueue_dma source(%dma_start3A_18 : memref<80xi32, #tpu.memory_space<hbm>>) target(%arg5 : memref<80xi32, #tpu.memory_space<vmem>>) target_semaphore(%run_scoped3A : memref<!tpu.dma_semaphore, #tpu.memory_space<semaphore_mem>>)
        %dma_wait3A = tpu.memref_slice %arg3[%add3A_13] : memref<10240xi32, #tpu.memory_space<hbm>> -> memref<80xi32, #tpu.memory_space<hbm>>
        %dma_wait3A_19 = tpu.memref_slice %arg3[%add3A_13] : memref<10240xi32, #tpu.memory_space<hbm>> -> memref<80xi32, #tpu.memory_space<hbm>>
        tpu.wait_dma2 semaphore(%run_scoped3A : memref<!tpu.dma_semaphore, #tpu.memory_space<semaphore_mem>>) src(%dma_wait3A_19 : memref<80xi32, #tpu.memory_space<hbm>>) dst(%arg5 : memref<80xi32, #tpu.memory_space<vmem>>)
        tpu.yield
      }) : () -> ()
      "tpu.region"() ({
        %run_scoped3A = tpu.sem_alloc : memref<!tpu.dma_semaphore, #tpu.memory_space<semaphore_mem>>
        %dma_start3A = arith.constant 0 : i32
        %dma_start3A_18 = arith.constant 0 : i32
        %dma_start3A_19 = tpu.memref_slice %arg2[%dma_start3A, %dma_start3A_18] : memref<50000x128xf32, #tpu.memory_space<hbm>> -> memref<50000x128xf32, #tpu.memory_space<hbm>>
        tpu.enqueue_indirect_dma source(%dma_start3A_19 : memref<50000x128xf32, #tpu.memory_space<hbm>>) target(%arg6 : memref<80x128xf32, #tpu.memory_space<vmem>>) offsets(%arg5 : memref<80xi32, #tpu.memory_space<vmem>>) semaphore(%run_scoped3A : memref<!tpu.dma_semaphore, #tpu.memory_space<semaphore_mem>>)
        %dma_wait3A = arith.constant 0 : i32
        %dma_wait3A_20 = arith.constant 0 : i32
        %dma_wait3A_21 = tpu.memref_slice %arg2[%dma_wait3A, %dma_wait3A_20] : memref<50000x128xf32, #tpu.memory_space<hbm>> -> memref<50000x128xf32, #tpu.memory_space<hbm>>
        tpu.wait_indirect_dma semaphore(%run_scoped3A : memref<!tpu.dma_semaphore, #tpu.memory_space<semaphore_mem>>) src(%dma_wait3A_21 : memref<50000x128xf32, #tpu.memory_space<hbm>>) dst(%arg6 : memref<80x128xf32, #tpu.memory_space<vmem>>)
        tpu.yield
      }) : () -> ()
      "tpu.region"() ({
        %run_scoped3A = tpu.sem_alloc : memref<!tpu.dma_semaphore, #tpu.memory_space<semaphore_mem>>
        %dma_start3A = arith.constant 0 : i32
        %dma_start3A_18 = tpu.memref_slice %arg4[%add3A_13, %dma_start3A] : memref<10240x128xf32, #tpu.memory_space<hbm>> -> memref<80x128xf32, #tpu.memory_space<hbm>>
        %dma_start3A_19 = arith.constant 0 : i32
        %dma_start3A_20 = tpu.memref_slice %arg4[%add3A_13, %dma_start3A_19] : memref<10240x128xf32, #tpu.memory_space<hbm>> -> memref<80x128xf32, #tpu.memory_space<hbm>>
        tpu.enqueue_dma source(%arg6 : memref<80x128xf32, #tpu.memory_space<vmem>>) target(%dma_start3A_20 : memref<80x128xf32, #tpu.memory_space<hbm>>) target_semaphore(%run_scoped3A : memref<!tpu.dma_semaphore, #tpu.memory_space<semaphore_mem>>)
        %dma_wait3A = arith.constant 0 : i32
        %dma_wait3A_21 = tpu.memref_slice %arg4[%add3A_13, %dma_wait3A] : memref<10240x128xf32, #tpu.memory_space<hbm>> -> memref<80x128xf32, #tpu.memory_space<hbm>>
        %dma_wait3A_22 = arith.constant 0 : i32
        %dma_wait3A_23 = tpu.memref_slice %arg4[%add3A_13, %dma_wait3A_22] : memref<10240x128xf32, #tpu.memory_space<hbm>> -> memref<80x128xf32, #tpu.memory_space<hbm>>
        tpu.wait_dma2 semaphore(%run_scoped3A : memref<!tpu.dma_semaphore, #tpu.memory_space<semaphore_mem>>) src(%arg6 : memref<80x128xf32, #tpu.memory_space<vmem>>) dst(%dma_wait3A_23 : memref<80x128xf32, #tpu.memory_space<hbm>>)
        tpu.yield
      }) : () -> ()
      %add3A_14 = arith.constant 320 : i32
      %add3A_15 = arith.addi %mul3A_6, %add3A_14 : i32
      "tpu.region"() ({
        %run_scoped3A = tpu.sem_alloc : memref<!tpu.dma_semaphore, #tpu.memory_space<semaphore_mem>>
        %dma_start3A = tpu.memref_slice %arg3[%add3A_15] : memref<10240xi32, #tpu.memory_space<hbm>> -> memref<80xi32, #tpu.memory_space<hbm>>
        %dma_start3A_18 = tpu.memref_slice %arg3[%add3A_15] : memref<10240xi32, #tpu.memory_space<hbm>> -> memref<80xi32, #tpu.memory_space<hbm>>
        tpu.enqueue_dma source(%dma_start3A_18 : memref<80xi32, #tpu.memory_space<hbm>>) target(%arg5 : memref<80xi32, #tpu.memory_space<vmem>>) target_semaphore(%run_scoped3A : memref<!tpu.dma_semaphore, #tpu.memory_space<semaphore_mem>>)
        %dma_wait3A = tpu.memref_slice %arg3[%add3A_15] : memref<10240xi32, #tpu.memory_space<hbm>> -> memref<80xi32, #tpu.memory_space<hbm>>
        %dma_wait3A_19 = tpu.memref_slice %arg3[%add3A_15] : memref<10240xi32, #tpu.memory_space<hbm>> -> memref<80xi32, #tpu.memory_space<hbm>>
        tpu.wait_dma2 semaphore(%run_scoped3A : memref<!tpu.dma_semaphore, #tpu.memory_space<semaphore_mem>>) src(%dma_wait3A_19 : memref<80xi32, #tpu.memory_space<hbm>>) dst(%arg5 : memref<80xi32, #tpu.memory_space<vmem>>)
        tpu.yield
      }) : () -> ()
      "tpu.region"() ({
        %run_scoped3A = tpu.sem_alloc : memref<!tpu.dma_semaphore, #tpu.memory_space<semaphore_mem>>
        %dma_start3A = arith.constant 0 : i32
        %dma_start3A_18 = arith.constant 0 : i32
        %dma_start3A_19 = tpu.memref_slice %arg2[%dma_start3A, %dma_start3A_18] : memref<50000x128xf32, #tpu.memory_space<hbm>> -> memref<50000x128xf32, #tpu.memory_space<hbm>>
        tpu.enqueue_indirect_dma source(%dma_start3A_19 : memref<50000x128xf32, #tpu.memory_space<hbm>>) target(%arg6 : memref<80x128xf32, #tpu.memory_space<vmem>>) offsets(%arg5 : memref<80xi32, #tpu.memory_space<vmem>>) semaphore(%run_scoped3A : memref<!tpu.dma_semaphore, #tpu.memory_space<semaphore_mem>>)
        %dma_wait3A = arith.constant 0 : i32
        %dma_wait3A_20 = arith.constant 0 : i32
        %dma_wait3A_21 = tpu.memref_slice %arg2[%dma_wait3A, %dma_wait3A_20] : memref<50000x128xf32, #tpu.memory_space<hbm>> -> memref<50000x128xf32, #tpu.memory_space<hbm>>
        tpu.wait_indirect_dma semaphore(%run_scoped3A : memref<!tpu.dma_semaphore, #tpu.memory_space<semaphore_mem>>) src(%dma_wait3A_21 : memref<50000x128xf32, #tpu.memory_space<hbm>>) dst(%arg6 : memref<80x128xf32, #tpu.memory_space<vmem>>)
        tpu.yield
      }) : () -> ()
      "tpu.region"() ({
        %run_scoped3A = tpu.sem_alloc : memref<!tpu.dma_semaphore, #tpu.memory_space<semaphore_mem>>
        %dma_start3A = arith.constant 0 : i32
        %dma_start3A_18 = tpu.memref_slice %arg4[%add3A_15, %dma_start3A] : memref<10240x128xf32, #tpu.memory_space<hbm>> -> memref<80x128xf32, #tpu.memory_space<hbm>>
        %dma_start3A_19 = arith.constant 0 : i32
        %dma_start3A_20 = tpu.memref_slice %arg4[%add3A_15, %dma_start3A_19] : memref<10240x128xf32, #tpu.memory_space<hbm>> -> memref<80x128xf32, #tpu.memory_space<hbm>>
        tpu.enqueue_dma source(%arg6 : memref<80x128xf32, #tpu.memory_space<vmem>>) target(%dma_start3A_20 : memref<80x128xf32, #tpu.memory_space<hbm>>) target_semaphore(%run_scoped3A : memref<!tpu.dma_semaphore, #tpu.memory_space<semaphore_mem>>)
        %dma_wait3A = arith.constant 0 : i32
        %dma_wait3A_21 = tpu.memref_slice %arg4[%add3A_15, %dma_wait3A] : memref<10240x128xf32, #tpu.memory_space<hbm>> -> memref<80x128xf32, #tpu.memory_space<hbm>>
        %dma_wait3A_22 = arith.constant 0 : i32
        %dma_wait3A_23 = tpu.memref_slice %arg4[%add3A_15, %dma_wait3A_22] : memref<10240x128xf32, #tpu.memory_space<hbm>> -> memref<80x128xf32, #tpu.memory_space<hbm>>
        tpu.wait_dma2 semaphore(%run_scoped3A : memref<!tpu.dma_semaphore, #tpu.memory_space<semaphore_mem>>) src(%arg6 : memref<80x128xf32, #tpu.memory_space<vmem>>) dst(%dma_wait3A_23 : memref<80x128xf32, #tpu.memory_space<hbm>>)
        tpu.yield
      }) : () -> ()
      %add3A_16 = arith.constant 400 : i32
      %add3A_17 = arith.addi %mul3A_6, %add3A_16 : i32
      "tpu.region"() ({
        %run_scoped3A = tpu.sem_alloc : memref<!tpu.dma_semaphore, #tpu.memory_space<semaphore_mem>>
        %dma_start3A = tpu.memref_slice %arg3[%add3A_17] : memref<10240xi32, #tpu.memory_space<hbm>> -> memref<80xi32, #tpu.memory_space<hbm>>
        %dma_start3A_18 = tpu.memref_slice %arg3[%add3A_17] : memref<10240xi32, #tpu.memory_space<hbm>> -> memref<80xi32, #tpu.memory_space<hbm>>
        tpu.enqueue_dma source(%dma_start3A_18 : memref<80xi32, #tpu.memory_space<hbm>>) target(%arg5 : memref<80xi32, #tpu.memory_space<vmem>>) target_semaphore(%run_scoped3A : memref<!tpu.dma_semaphore, #tpu.memory_space<semaphore_mem>>)
        %dma_wait3A = tpu.memref_slice %arg3[%add3A_17] : memref<10240xi32, #tpu.memory_space<hbm>> -> memref<80xi32, #tpu.memory_space<hbm>>
        %dma_wait3A_19 = tpu.memref_slice %arg3[%add3A_17] : memref<10240xi32, #tpu.memory_space<hbm>> -> memref<80xi32, #tpu.memory_space<hbm>>
        tpu.wait_dma2 semaphore(%run_scoped3A : memref<!tpu.dma_semaphore, #tpu.memory_space<semaphore_mem>>) src(%dma_wait3A_19 : memref<80xi32, #tpu.memory_space<hbm>>) dst(%arg5 : memref<80xi32, #tpu.memory_space<vmem>>)
        tpu.yield
      }) : () -> ()
      "tpu.region"() ({
        %run_scoped3A = tpu.sem_alloc : memref<!tpu.dma_semaphore, #tpu.memory_space<semaphore_mem>>
        %dma_start3A = arith.constant 0 : i32
        %dma_start3A_18 = arith.constant 0 : i32
        %dma_start3A_19 = tpu.memref_slice %arg2[%dma_start3A, %dma_start3A_18] : memref<50000x128xf32, #tpu.memory_space<hbm>> -> memref<50000x128xf32, #tpu.memory_space<hbm>>
        tpu.enqueue_indirect_dma source(%dma_start3A_19 : memref<50000x128xf32, #tpu.memory_space<hbm>>) target(%arg6 : memref<80x128xf32, #tpu.memory_space<vmem>>) offsets(%arg5 : memref<80xi32, #tpu.memory_space<vmem>>) semaphore(%run_scoped3A : memref<!tpu.dma_semaphore, #tpu.memory_space<semaphore_mem>>)
        %dma_wait3A = arith.constant 0 : i32
        %dma_wait3A_20 = arith.constant 0 : i32
        %dma_wait3A_21 = tpu.memref_slice %arg2[%dma_wait3A, %dma_wait3A_20] : memref<50000x128xf32, #tpu.memory_space<hbm>> -> memref<50000x128xf32, #tpu.memory_space<hbm>>
        tpu.wait_indirect_dma semaphore(%run_scoped3A : memref<!tpu.dma_semaphore, #tpu.memory_space<semaphore_mem>>) src(%dma_wait3A_21 : memref<50000x128xf32, #tpu.memory_space<hbm>>) dst(%arg6 : memref<80x128xf32, #tpu.memory_space<vmem>>)
        tpu.yield
      }) : () -> ()
      "tpu.region"() ({
        %run_scoped3A = tpu.sem_alloc : memref<!tpu.dma_semaphore, #tpu.memory_space<semaphore_mem>>
        %dma_start3A = arith.constant 0 : i32
        %dma_start3A_18 = tpu.memref_slice %arg4[%add3A_17, %dma_start3A] : memref<10240x128xf32, #tpu.memory_space<hbm>> -> memref<80x128xf32, #tpu.memory_space<hbm>>
        %dma_start3A_19 = arith.constant 0 : i32
        %dma_start3A_20 = tpu.memref_slice %arg4[%add3A_17, %dma_start3A_19] : memref<10240x128xf32, #tpu.memory_space<hbm>> -> memref<80x128xf32, #tpu.memory_space<hbm>>
        tpu.enqueue_dma source(%arg6 : memref<80x128xf32, #tpu.memory_space<vmem>>) target(%dma_start3A_20 : memref<80x128xf32, #tpu.memory_space<hbm>>) target_semaphore(%run_scoped3A : memref<!tpu.dma_semaphore, #tpu.memory_space<semaphore_mem>>)
        %dma_wait3A = arith.constant 0 : i32
        %dma_wait3A_21 = tpu.memref_slice %arg4[%add3A_17, %dma_wait3A] : memref<10240x128xf32, #tpu.memory_space<hbm>> -> memref<80x128xf32, #tpu.memory_space<hbm>>
        %dma_wait3A_22 = arith.constant 0 : i32
        %dma_wait3A_23 = tpu.memref_slice %arg4[%add3A_17, %dma_wait3A_22] : memref<10240x128xf32, #tpu.memory_space<hbm>> -> memref<80x128xf32, #tpu.memory_space<hbm>>
        tpu.wait_dma2 semaphore(%run_scoped3A : memref<!tpu.dma_semaphore, #tpu.memory_space<semaphore_mem>>) src(%arg6 : memref<80x128xf32, #tpu.memory_space<vmem>>) dst(%dma_wait3A_23 : memref<80x128xf32, #tpu.memory_space<hbm>>)
        tpu.yield
      }) : () -> ()
    } else {
    }
    %ne3A = arith.constant 0 : i32
    %ne3A_2 = arith.cmpi ne, %arg0, %ne3A : i32
    %convert_element_type3A_3 = arith.extui %ne3A_2 : i1 to i32
    %cond3A_4 = arith.constant 0 : i32
    %cond3A_5 = arith.cmpi ne, %convert_element_type3A_3, %cond3A_4 : i32
    scf.if %cond3A_5 {
      %mul3A = arith.constant 160 : i32
      %mul3A_6 = arith.muli %arg1, %mul3A : i32
      %add3A = arith.constant 7680 : i32
      %add3A_7 = arith.addi %add3A, %mul3A_6 : i32
      %add3A_8 = arith.constant 0 : i32
      %add3A_9 = arith.addi %add3A_7, %add3A_8 : i32
      "tpu.region"() ({
        %run_scoped3A = tpu.sem_alloc : memref<!tpu.dma_semaphore, #tpu.memory_space<semaphore_mem>>
        %dma_start3A = tpu.memref_slice %arg3[%add3A_9] : memref<10240xi32, #tpu.memory_space<hbm>> -> memref<80xi32, #tpu.memory_space<hbm>>
        %dma_start3A_12 = tpu.memref_slice %arg3[%add3A_9] : memref<10240xi32, #tpu.memory_space<hbm>> -> memref<80xi32, #tpu.memory_space<hbm>>
        tpu.enqueue_dma source(%dma_start3A_12 : memref<80xi32, #tpu.memory_space<hbm>>) target(%arg5 : memref<80xi32, #tpu.memory_space<vmem>>) target_semaphore(%run_scoped3A : memref<!tpu.dma_semaphore, #tpu.memory_space<semaphore_mem>>)
        %dma_wait3A = tpu.memref_slice %arg3[%add3A_9] : memref<10240xi32, #tpu.memory_space<hbm>> -> memref<80xi32, #tpu.memory_space<hbm>>
        %dma_wait3A_13 = tpu.memref_slice %arg3[%add3A_9] : memref<10240xi32, #tpu.memory_space<hbm>> -> memref<80xi32, #tpu.memory_space<hbm>>
        tpu.wait_dma2 semaphore(%run_scoped3A : memref<!tpu.dma_semaphore, #tpu.memory_space<semaphore_mem>>) src(%dma_wait3A_13 : memref<80xi32, #tpu.memory_space<hbm>>) dst(%arg5 : memref<80xi32, #tpu.memory_space<vmem>>)
        tpu.yield
      }) : () -> ()
      "tpu.region"() ({
        %run_scoped3A = tpu.sem_alloc : memref<!tpu.dma_semaphore, #tpu.memory_space<semaphore_mem>>
        %dma_start3A = arith.constant 0 : i32
        %dma_start3A_12 = arith.constant 0 : i32
        %dma_start3A_13 = tpu.memref_slice %arg2[%dma_start3A, %dma_start3A_12] : memref<50000x128xf32, #tpu.memory_space<hbm>> -> memref<50000x128xf32, #tpu.memory_space<hbm>>
        tpu.enqueue_indirect_dma source(%dma_start3A_13 : memref<50000x128xf32, #tpu.memory_space<hbm>>) target(%arg6 : memref<80x128xf32, #tpu.memory_space<vmem>>) offsets(%arg5 : memref<80xi32, #tpu.memory_space<vmem>>) semaphore(%run_scoped3A : memref<!tpu.dma_semaphore, #tpu.memory_space<semaphore_mem>>)
        %dma_wait3A = arith.constant 0 : i32
        %dma_wait3A_14 = arith.constant 0 : i32
        %dma_wait3A_15 = tpu.memref_slice %arg2[%dma_wait3A, %dma_wait3A_14] : memref<50000x128xf32, #tpu.memory_space<hbm>> -> memref<50000x128xf32, #tpu.memory_space<hbm>>
        tpu.wait_indirect_dma semaphore(%run_scoped3A : memref<!tpu.dma_semaphore, #tpu.memory_space<semaphore_mem>>) src(%dma_wait3A_15 : memref<50000x128xf32, #tpu.memory_space<hbm>>) dst(%arg6 : memref<80x128xf32, #tpu.memory_space<vmem>>)
        tpu.yield
      }) : () -> ()
      "tpu.region"() ({
        %run_scoped3A = tpu.sem_alloc : memref<!tpu.dma_semaphore, #tpu.memory_space<semaphore_mem>>
        %dma_start3A = arith.constant 0 : i32
        %dma_start3A_12 = tpu.memref_slice %arg4[%add3A_9, %dma_start3A] : memref<10240x128xf32, #tpu.memory_space<hbm>> -> memref<80x128xf32, #tpu.memory_space<hbm>>
        %dma_start3A_13 = arith.constant 0 : i32
        %dma_start3A_14 = tpu.memref_slice %arg4[%add3A_9, %dma_start3A_13] : memref<10240x128xf32, #tpu.memory_space<hbm>> -> memref<80x128xf32, #tpu.memory_space<hbm>>
        tpu.enqueue_dma source(%arg6 : memref<80x128xf32, #tpu.memory_space<vmem>>) target(%dma_start3A_14 : memref<80x128xf32, #tpu.memory_space<hbm>>) target_semaphore(%run_scoped3A : memref<!tpu.dma_semaphore, #tpu.memory_space<semaphore_mem>>)
        %dma_wait3A = arith.constant 0 : i32
        %dma_wait3A_15 = tpu.memref_slice %arg4[%add3A_9, %dma_wait3A] : memref<10240x128xf32, #tpu.memory_space<hbm>> -> memref<80x128xf32, #tpu.memory_space<hbm>>
        %dma_wait3A_16 = arith.constant 0 : i32
        %dma_wait3A_17 = tpu.memref_slice %arg4[%add3A_9, %dma_wait3A_16] : memref<10240x128xf32, #tpu.memory_space<hbm>> -> memref<80x128xf32, #tpu.memory_space<hbm>>
        tpu.wait_dma2 semaphore(%run_scoped3A : memref<!tpu.dma_semaphore, #tpu.memory_space<semaphore_mem>>) src(%arg6 : memref<80x128xf32, #tpu.memory_space<vmem>>) dst(%dma_wait3A_17 : memref<80x128xf32, #tpu.memory_space<hbm>>)
        tpu.yield
      }) : () -> ()
      %add3A_10 = arith.constant 80 : i32
      %add3A_11 = arith.addi %add3A_7, %add3A_10 : i32
      "tpu.region"() ({
        %run_scoped3A = tpu.sem_alloc : memref<!tpu.dma_semaphore, #tpu.memory_space<semaphore_mem>>
        %dma_start3A = tpu.memref_slice %arg3[%add3A_11] : memref<10240xi32, #tpu.memory_space<hbm>> -> memref<80xi32, #tpu.memory_space<hbm>>
        %dma_start3A_12 = tpu.memref_slice %arg3[%add3A_11] : memref<10240xi32, #tpu.memory_space<hbm>> -> memref<80xi32, #tpu.memory_space<hbm>>
        tpu.enqueue_dma source(%dma_start3A_12 : memref<80xi32, #tpu.memory_space<hbm>>) target(%arg5 : memref<80xi32, #tpu.memory_space<vmem>>) target_semaphore(%run_scoped3A : memref<!tpu.dma_semaphore, #tpu.memory_space<semaphore_mem>>)
        %dma_wait3A = tpu.memref_slice %arg3[%add3A_11] : memref<10240xi32, #tpu.memory_space<hbm>> -> memref<80xi32, #tpu.memory_space<hbm>>
        %dma_wait3A_13 = tpu.memref_slice %arg3[%add3A_11] : memref<10240xi32, #tpu.memory_space<hbm>> -> memref<80xi32, #tpu.memory_space<hbm>>
        tpu.wait_dma2 semaphore(%run_scoped3A : memref<!tpu.dma_semaphore, #tpu.memory_space<semaphore_mem>>) src(%dma_wait3A_13 : memref<80xi32, #tpu.memory_space<hbm>>) dst(%arg5 : memref<80xi32, #tpu.memory_space<vmem>>)
        tpu.yield
      }) : () -> ()
      "tpu.region"() ({
        %run_scoped3A = tpu.sem_alloc : memref<!tpu.dma_semaphore, #tpu.memory_space<semaphore_mem>>
        %dma_start3A = arith.constant 0 : i32
        %dma_start3A_12 = arith.constant 0 : i32
        %dma_start3A_13 = tpu.memref_slice %arg2[%dma_start3A, %dma_start3A_12] : memref<50000x128xf32, #tpu.memory_space<hbm>> -> memref<50000x128xf32, #tpu.memory_space<hbm>>
        tpu.enqueue_indirect_dma source(%dma_start3A_13 : memref<50000x128xf32, #tpu.memory_space<hbm>>) target(%arg6 : memref<80x128xf32, #tpu.memory_space<vmem>>) offsets(%arg5 : memref<80xi32, #tpu.memory_space<vmem>>) semaphore(%run_scoped3A : memref<!tpu.dma_semaphore, #tpu.memory_space<semaphore_mem>>)
        %dma_wait3A = arith.constant 0 : i32
        %dma_wait3A_14 = arith.constant 0 : i32
        %dma_wait3A_15 = tpu.memref_slice %arg2[%dma_wait3A, %dma_wait3A_14] : memref<50000x128xf32, #tpu.memory_space<hbm>> -> memref<50000x128xf32, #tpu.memory_space<hbm>>
        tpu.wait_indirect_dma semaphore(%run_scoped3A : memref<!tpu.dma_semaphore, #tpu.memory_space<semaphore_mem>>) src(%dma_wait3A_15 : memref<50000x128xf32, #tpu.memory_space<hbm>>) dst(%arg6 : memref<80x128xf32, #tpu.memory_space<vmem>>)
        tpu.yield
      }) : () -> ()
      "tpu.region"() ({
        %run_scoped3A = tpu.sem_alloc : memref<!tpu.dma_semaphore, #tpu.memory_space<semaphore_mem>>
        %dma_start3A = arith.constant 0 : i32
        %dma_start3A_12 = tpu.memref_slice %arg4[%add3A_11, %dma_start3A] : memref<10240x128xf32, #tpu.memory_space<hbm>> -> memref<80x128xf32, #tpu.memory_space<hbm>>
        %dma_start3A_13 = arith.constant 0 : i32
        %dma_start3A_14 = tpu.memref_slice %arg4[%add3A_11, %dma_start3A_13] : memref<10240x128xf32, #tpu.memory_space<hbm>> -> memref<80x128xf32, #tpu.memory_space<hbm>>
        tpu.enqueue_dma source(%arg6 : memref<80x128xf32, #tpu.memory_space<vmem>>) target(%dma_start3A_14 : memref<80x128xf32, #tpu.memory_space<hbm>>) target_semaphore(%run_scoped3A : memref<!tpu.dma_semaphore, #tpu.memory_space<semaphore_mem>>)
        %dma_wait3A = arith.constant 0 : i32
        %dma_wait3A_15 = tpu.memref_slice %arg4[%add3A_11, %dma_wait3A] : memref<10240x128xf32, #tpu.memory_space<hbm>> -> memref<80x128xf32, #tpu.memory_space<hbm>>
        %dma_wait3A_16 = arith.constant 0 : i32
        %dma_wait3A_17 = tpu.memref_slice %arg4[%add3A_11, %dma_wait3A_16] : memref<10240x128xf32, #tpu.memory_space<hbm>> -> memref<80x128xf32, #tpu.memory_space<hbm>>
        tpu.wait_dma2 semaphore(%run_scoped3A : memref<!tpu.dma_semaphore, #tpu.memory_space<semaphore_mem>>) src(%arg6 : memref<80x128xf32, #tpu.memory_space<vmem>>) dst(%dma_wait3A_17 : memref<80x128xf32, #tpu.memory_space<hbm>>)
        tpu.yield
      }) : () -> ()
    } else {
    }
    return
  }
}

#map = affine_map<(d0, d1) -> (0, 0)>
#map1 = affine_map<(d0, d1) -> (0, 0, 0)>
module attributes {stable_mosaic.version = 14 : i64} {
  func.func @k(%arg0: i32, %arg1: i32, %arg2: memref<10240x128xf32, #tpu.memory_space<hbm>>, %arg3: memref<2528x2x128xi32, #tpu.memory_space<hbm>>, %arg4: memref<2x10240x128xf32, #tpu.memory_space<hbm>>, %arg5: memref<60x2x128xi32, #tpu.memory_space<vmem>>, %arg6: memref<128x128xf32, #tpu.memory_space<vmem>>, %arg7: memref<128x128xf32, #tpu.memory_space<vmem>>, %arg8: memref<10240x128xf32, #tpu.memory_space<vmem_shared>>, %arg9: memref<!tpu.dma_semaphore, #tpu.memory_space<semaphore_mem>>, %arg10: memref<!tpu.dma_semaphore, #tpu.memory_space<semaphore_mem>>) attributes {dimension_semantics = [#tpu.dimension_semantics<core_parallel>, #tpu.dimension_semantics<subcore_parallel>], iteration_bounds = array<i64: 2, 16>, scalar_prefetch = 0 : i64, scratch_operands = 6 : i64, tpu.core_type = #tpu.core_type<sc_vector_subcore>, window_params = [{transform_indices = #map}, {transform_indices = #map1}, {transform_indices = #map1}]} {
    %broadcast_in_dim3A = arith.constant 0.000000e+00 : f32
    %broadcast_in_dim3A_0 = vector.broadcast %broadcast_in_dim3A : f32 to vector<16xf32>
    %scan3A = arith.constant 0 : i32
    %scan3A_1 = arith.constant 128 : i32
    %scan3A_2 = arith.addi %scan3A, %scan3A_1 : i32
    %scan3A_3 = arith.constant 1 : i32
    scf.for %scan3A_34 = %scan3A to %scan3A_2 step %scan3A_3  : i32 {
      %mul3A_35 = arith.constant 1 : i32
      %mul3A_36 = arith.muli %scan3A_34, %mul3A_35 : i32
      %add3A_37 = arith.constant 0 : i32
      %add3A_38 = arith.addi %add3A_37, %mul3A_36 : i32
      %swap3A = arith.index_cast %add3A_38 : i32 to index
      %swap3A_39 = arith.constant 0 : index
      %swap3A_40 = tpu.vector_load %arg6[%swap3A, %swap3A_39] {strides = array<i32>} : memref<128x128xf32, #tpu.memory_space<vmem>>, vector<1x16xf32>,
      %swap3A_41 = vector.shape_cast %swap3A_40 : vector<1x16xf32> to vector<16xf32>
      %swap3A_42 = vector.shape_cast %broadcast_in_dim3A_0 : vector<16xf32> to vector<1x16xf32>
      tpu.vector_store %arg6[%swap3A, %swap3A_39], %swap3A_42 {strides = array<i32>} : memref<128x128xf32, #tpu.memory_space<vmem>>, vector<1x16xf32>,
      %swap3A_43 = arith.index_cast %add3A_38 : i32 to index
      %swap3A_44 = arith.constant 16 : index
      %swap3A_45 = tpu.vector_load %arg6[%swap3A_43, %swap3A_44] {strides = array<i32>} : memref<128x128xf32, #tpu.memory_space<vmem>>, vector<1x16xf32>,
      %swap3A_46 = vector.shape_cast %swap3A_45 : vector<1x16xf32> to vector<16xf32>
      %swap3A_47 = vector.shape_cast %broadcast_in_dim3A_0 : vector<16xf32> to vector<1x16xf32>
      tpu.vector_store %arg6[%swap3A_43, %swap3A_44], %swap3A_47 {strides = array<i32>} : memref<128x128xf32, #tpu.memory_space<vmem>>, vector<1x16xf32>,
      %swap3A_48 = arith.index_cast %add3A_38 : i32 to index
      %swap3A_49 = arith.constant 32 : index
      %swap3A_50 = tpu.vector_load %arg6[%swap3A_48, %swap3A_49] {strides = array<i32>} : memref<128x128xf32, #tpu.memory_space<vmem>>, vector<1x16xf32>,
      %swap3A_51 = vector.shape_cast %swap3A_50 : vector<1x16xf32> to vector<16xf32>
      %swap3A_52 = vector.shape_cast %broadcast_in_dim3A_0 : vector<16xf32> to vector<1x16xf32>
      tpu.vector_store %arg6[%swap3A_48, %swap3A_49], %swap3A_52 {strides = array<i32>} : memref<128x128xf32, #tpu.memory_space<vmem>>, vector<1x16xf32>,
      %swap3A_53 = arith.index_cast %add3A_38 : i32 to index
      %swap3A_54 = arith.constant 48 : index
      %swap3A_55 = tpu.vector_load %arg6[%swap3A_53, %swap3A_54] {strides = array<i32>} : memref<128x128xf32, #tpu.memory_space<vmem>>, vector<1x16xf32>,
      %swap3A_56 = vector.shape_cast %swap3A_55 : vector<1x16xf32> to vector<16xf32>
      %swap3A_57 = vector.shape_cast %broadcast_in_dim3A_0 : vector<16xf32> to vector<1x16xf32>
      tpu.vector_store %arg6[%swap3A_53, %swap3A_54], %swap3A_57 {strides = array<i32>} : memref<128x128xf32, #tpu.memory_space<vmem>>, vector<1x16xf32>,
      %swap3A_58 = arith.index_cast %add3A_38 : i32 to index
      %swap3A_59 = arith.constant 64 : index
      %swap3A_60 = tpu.vector_load %arg6[%swap3A_58, %swap3A_59] {strides = array<i32>} : memref<128x128xf32, #tpu.memory_space<vmem>>, vector<1x16xf32>,
      %swap3A_61 = vector.shape_cast %swap3A_60 : vector<1x16xf32> to vector<16xf32>
      %swap3A_62 = vector.shape_cast %broadcast_in_dim3A_0 : vector<16xf32> to vector<1x16xf32>
      tpu.vector_store %arg6[%swap3A_58, %swap3A_59], %swap3A_62 {strides = array<i32>} : memref<128x128xf32, #tpu.memory_space<vmem>>, vector<1x16xf32>,
      %swap3A_63 = arith.index_cast %add3A_38 : i32 to index
      %swap3A_64 = arith.constant 80 : index
      %swap3A_65 = tpu.vector_load %arg6[%swap3A_63, %swap3A_64] {strides = array<i32>} : memref<128x128xf32, #tpu.memory_space<vmem>>, vector<1x16xf32>,
      %swap3A_66 = vector.shape_cast %swap3A_65 : vector<1x16xf32> to vector<16xf32>
      %swap3A_67 = vector.shape_cast %broadcast_in_dim3A_0 : vector<16xf32> to vector<1x16xf32>
      tpu.vector_store %arg6[%swap3A_63, %swap3A_64], %swap3A_67 {strides = array<i32>} : memref<128x128xf32, #tpu.memory_space<vmem>>, vector<1x16xf32>,
      %swap3A_68 = arith.index_cast %add3A_38 : i32 to index
      %swap3A_69 = arith.constant 96 : index
      %swap3A_70 = tpu.vector_load %arg6[%swap3A_68, %swap3A_69] {strides = array<i32>} : memref<128x128xf32, #tpu.memory_space<vmem>>, vector<1x16xf32>,
      %swap3A_71 = vector.shape_cast %swap3A_70 : vector<1x16xf32> to vector<16xf32>
      %swap3A_72 = vector.shape_cast %broadcast_in_dim3A_0 : vector<16xf32> to vector<1x16xf32>
      tpu.vector_store %arg6[%swap3A_68, %swap3A_69], %swap3A_72 {strides = array<i32>} : memref<128x128xf32, #tpu.memory_space<vmem>>, vector<1x16xf32>,
      %swap3A_73 = arith.index_cast %add3A_38 : i32 to index
      %swap3A_74 = arith.constant 112 : index
      %swap3A_75 = tpu.vector_load %arg6[%swap3A_73, %swap3A_74] {strides = array<i32>} : memref<128x128xf32, #tpu.memory_space<vmem>>, vector<1x16xf32>,
      %swap3A_76 = vector.shape_cast %swap3A_75 : vector<1x16xf32> to vector<16xf32>
      %swap3A_77 = vector.shape_cast %broadcast_in_dim3A_0 : vector<16xf32> to vector<1x16xf32>
      tpu.vector_store %arg6[%swap3A_73, %swap3A_74], %swap3A_77 {strides = array<i32>} : memref<128x128xf32, #tpu.memory_space<vmem>>, vector<1x16xf32>,
    }
    %scan3A_4 = arith.constant 128 : i32
    %mul3A = arith.constant 640 : i32
    %mul3A_5 = arith.muli %arg1, %mul3A : i32
    %add3A = arith.constant 0 : i32
    %add3A_6 = arith.addi %mul3A_5, %add3A : i32
    "tpu.region"() ({
      %run_scoped3A = tpu.sem_alloc : memref<!tpu.dma_semaphore, #tpu.memory_space<semaphore_mem>>
      %dma_start3A = arith.constant 0 : i32
      %dma_start3A_34 = tpu.memref_slice %arg8[%add3A_6, %dma_start3A] : memref<10240x128xf32, #tpu.memory_space<vmem_shared>> -> memref<128x128xf32, #tpu.memory_space<vmem_shared>>
      %dma_start3A_35 = arith.constant 0 : i32
      %dma_start3A_36 = tpu.memref_slice %arg8[%add3A_6, %dma_start3A_35] : memref<10240x128xf32, #tpu.memory_space<vmem_shared>> -> memref<128x128xf32, #tpu.memory_space<vmem_shared>>
      tpu.enqueue_dma source(%arg6 : memref<128x128xf32, #tpu.memory_space<vmem>>) target(%dma_start3A_36 : memref<128x128xf32, #tpu.memory_space<vmem_shared>>) target_semaphore(%run_scoped3A : memref<!tpu.dma_semaphore, #tpu.memory_space<semaphore_mem>>)
      %dma_wait3A = arith.constant 0 : i32
      %dma_wait3A_37 = tpu.memref_slice %arg8[%add3A_6, %dma_wait3A] : memref<10240x128xf32, #tpu.memory_space<vmem_shared>> -> memref<128x128xf32, #tpu.memory_space<vmem_shared>>
      %dma_wait3A_38 = arith.constant 0 : i32
      %dma_wait3A_39 = tpu.memref_slice %arg8[%add3A_6, %dma_wait3A_38] : memref<10240x128xf32, #tpu.memory_space<vmem_shared>> -> memref<128x128xf32, #tpu.memory_space<vmem_shared>>
      tpu.wait_dma2 semaphore(%run_scoped3A : memref<!tpu.dma_semaphore, #tpu.memory_space<semaphore_mem>>) src(%arg6 : memref<128x128xf32, #tpu.memory_space<vmem>>) dst(%dma_wait3A_39 : memref<128x128xf32, #tpu.memory_space<vmem_shared>>)
      tpu.yield
    }) : () -> ()
    %mul3A_7 = arith.constant 640 : i32
    %mul3A_8 = arith.muli %arg1, %mul3A_7 : i32
    %add3A_9 = arith.constant 128 : i32
    %add3A_10 = arith.addi %mul3A_8, %add3A_9 : i32
    "tpu.region"() ({
      %run_scoped3A = tpu.sem_alloc : memref<!tpu.dma_semaphore, #tpu.memory_space<semaphore_mem>>
      %dma_start3A = arith.constant 0 : i32
      %dma_start3A_34 = tpu.memref_slice %arg8[%add3A_10, %dma_start3A] : memref<10240x128xf32, #tpu.memory_space<vmem_shared>> -> memref<128x128xf32, #tpu.memory_space<vmem_shared>>
      %dma_start3A_35 = arith.constant 0 : i32
      %dma_start3A_36 = tpu.memref_slice %arg8[%add3A_10, %dma_start3A_35] : memref<10240x128xf32, #tpu.memory_space<vmem_shared>> -> memref<128x128xf32, #tpu.memory_space<vmem_shared>>
      tpu.enqueue_dma source(%arg6 : memref<128x128xf32, #tpu.memory_space<vmem>>) target(%dma_start3A_36 : memref<128x128xf32, #tpu.memory_space<vmem_shared>>) target_semaphore(%run_scoped3A : memref<!tpu.dma_semaphore, #tpu.memory_space<semaphore_mem>>)
      %dma_wait3A = arith.constant 0 : i32
      %dma_wait3A_37 = tpu.memref_slice %arg8[%add3A_10, %dma_wait3A] : memref<10240x128xf32, #tpu.memory_space<vmem_shared>> -> memref<128x128xf32, #tpu.memory_space<vmem_shared>>
      %dma_wait3A_38 = arith.constant 0 : i32
      %dma_wait3A_39 = tpu.memref_slice %arg8[%add3A_10, %dma_wait3A_38] : memref<10240x128xf32, #tpu.memory_space<vmem_shared>> -> memref<128x128xf32, #tpu.memory_space<vmem_shared>>
      tpu.wait_dma2 semaphore(%run_scoped3A : memref<!tpu.dma_semaphore, #tpu.memory_space<semaphore_mem>>) src(%arg6 : memref<128x128xf32, #tpu.memory_space<vmem>>) dst(%dma_wait3A_39 : memref<128x128xf32, #tpu.memory_space<vmem_shared>>)
      tpu.yield
    }) : () -> ()
    %mul3A_11 = arith.constant 640 : i32
    %mul3A_12 = arith.muli %arg1, %mul3A_11 : i32
    %add3A_13 = arith.constant 256 : i32
    %add3A_14 = arith.addi %mul3A_12, %add3A_13 : i32
    "tpu.region"() ({
      %run_scoped3A = tpu.sem_alloc : memref<!tpu.dma_semaphore, #tpu.memory_space<semaphore_mem>>
      %dma_start3A = arith.constant 0 : i32
      %dma_start3A_34 = tpu.memref_slice %arg8[%add3A_14, %dma_start3A] : memref<10240x128xf32, #tpu.memory_space<vmem_shared>> -> memref<128x128xf32, #tpu.memory_space<vmem_shared>>
      %dma_start3A_35 = arith.constant 0 : i32
      %dma_start3A_36 = tpu.memref_slice %arg8[%add3A_14, %dma_start3A_35] : memref<10240x128xf32, #tpu.memory_space<vmem_shared>> -> memref<128x128xf32, #tpu.memory_space<vmem_shared>>
      tpu.enqueue_dma source(%arg6 : memref<128x128xf32, #tpu.memory_space<vmem>>) target(%dma_start3A_36 : memref<128x128xf32, #tpu.memory_space<vmem_shared>>) target_semaphore(%run_scoped3A : memref<!tpu.dma_semaphore, #tpu.memory_space<semaphore_mem>>)
      %dma_wait3A = arith.constant 0 : i32
      %dma_wait3A_37 = tpu.memref_slice %arg8[%add3A_14, %dma_wait3A] : memref<10240x128xf32, #tpu.memory_space<vmem_shared>> -> memref<128x128xf32, #tpu.memory_space<vmem_shared>>
      %dma_wait3A_38 = arith.constant 0 : i32
      %dma_wait3A_39 = tpu.memref_slice %arg8[%add3A_14, %dma_wait3A_38] : memref<10240x128xf32, #tpu.memory_space<vmem_shared>> -> memref<128x128xf32, #tpu.memory_space<vmem_shared>>
      tpu.wait_dma2 semaphore(%run_scoped3A : memref<!tpu.dma_semaphore, #tpu.memory_space<semaphore_mem>>) src(%arg6 : memref<128x128xf32, #tpu.memory_space<vmem>>) dst(%dma_wait3A_39 : memref<128x128xf32, #tpu.memory_space<vmem_shared>>)
      tpu.yield
    }) : () -> ()
    %mul3A_15 = arith.constant 640 : i32
    %mul3A_16 = arith.muli %arg1, %mul3A_15 : i32
    %add3A_17 = arith.constant 384 : i32
    %add3A_18 = arith.addi %mul3A_16, %add3A_17 : i32
    "tpu.region"() ({
      %run_scoped3A = tpu.sem_alloc : memref<!tpu.dma_semaphore, #tpu.memory_space<semaphore_mem>>
      %dma_start3A = arith.constant 0 : i32
      %dma_start3A_34 = tpu.memref_slice %arg8[%add3A_18, %dma_start3A] : memref<10240x128xf32, #tpu.memory_space<vmem_shared>> -> memref<128x128xf32, #tpu.memory_space<vmem_shared>>
      %dma_start3A_35 = arith.constant 0 : i32
      %dma_start3A_36 = tpu.memref_slice %arg8[%add3A_18, %dma_start3A_35] : memref<10240x128xf32, #tpu.memory_space<vmem_shared>> -> memref<128x128xf32, #tpu.memory_space<vmem_shared>>
      tpu.enqueue_dma source(%arg6 : memref<128x128xf32, #tpu.memory_space<vmem>>) target(%dma_start3A_36 : memref<128x128xf32, #tpu.memory_space<vmem_shared>>) target_semaphore(%run_scoped3A : memref<!tpu.dma_semaphore, #tpu.memory_space<semaphore_mem>>)
      %dma_wait3A = arith.constant 0 : i32
      %dma_wait3A_37 = tpu.memref_slice %arg8[%add3A_18, %dma_wait3A] : memref<10240x128xf32, #tpu.memory_space<vmem_shared>> -> memref<128x128xf32, #tpu.memory_space<vmem_shared>>
      %dma_wait3A_38 = arith.constant 0 : i32
      %dma_wait3A_39 = tpu.memref_slice %arg8[%add3A_18, %dma_wait3A_38] : memref<10240x128xf32, #tpu.memory_space<vmem_shared>> -> memref<128x128xf32, #tpu.memory_space<vmem_shared>>
      tpu.wait_dma2 semaphore(%run_scoped3A : memref<!tpu.dma_semaphore, #tpu.memory_space<semaphore_mem>>) src(%arg6 : memref<128x128xf32, #tpu.memory_space<vmem>>) dst(%dma_wait3A_39 : memref<128x128xf32, #tpu.memory_space<vmem_shared>>)
      tpu.yield
    }) : () -> ()
    %mul3A_19 = arith.constant 640 : i32
    %mul3A_20 = arith.muli %arg1, %mul3A_19 : i32
    %add3A_21 = arith.constant 512 : i32
    %add3A_22 = arith.addi %mul3A_20, %add3A_21 : i32
    "tpu.region"() ({
      %run_scoped3A = tpu.sem_alloc : memref<!tpu.dma_semaphore, #tpu.memory_space<semaphore_mem>>
      %dma_start3A = arith.constant 0 : i32
      %dma_start3A_34 = tpu.memref_slice %arg8[%add3A_22, %dma_start3A] : memref<10240x128xf32, #tpu.memory_space<vmem_shared>> -> memref<128x128xf32, #tpu.memory_space<vmem_shared>>
      %dma_start3A_35 = arith.constant 0 : i32
      %dma_start3A_36 = tpu.memref_slice %arg8[%add3A_22, %dma_start3A_35] : memref<10240x128xf32, #tpu.memory_space<vmem_shared>> -> memref<128x128xf32, #tpu.memory_space<vmem_shared>>
      tpu.enqueue_dma source(%arg6 : memref<128x128xf32, #tpu.memory_space<vmem>>) target(%dma_start3A_36 : memref<128x128xf32, #tpu.memory_space<vmem_shared>>) target_semaphore(%run_scoped3A : memref<!tpu.dma_semaphore, #tpu.memory_space<semaphore_mem>>)
      %dma_wait3A = arith.constant 0 : i32
      %dma_wait3A_37 = tpu.memref_slice %arg8[%add3A_22, %dma_wait3A] : memref<10240x128xf32, #tpu.memory_space<vmem_shared>> -> memref<128x128xf32, #tpu.memory_space<vmem_shared>>
      %dma_wait3A_38 = arith.constant 0 : i32
      %dma_wait3A_39 = tpu.memref_slice %arg8[%add3A_22, %dma_wait3A_38] : memref<10240x128xf32, #tpu.memory_space<vmem_shared>> -> memref<128x128xf32, #tpu.memory_space<vmem_shared>>
      tpu.wait_dma2 semaphore(%run_scoped3A : memref<!tpu.dma_semaphore, #tpu.memory_space<semaphore_mem>>) src(%arg6 : memref<128x128xf32, #tpu.memory_space<vmem>>) dst(%dma_wait3A_39 : memref<128x128xf32, #tpu.memory_space<vmem_shared>>)
      tpu.yield
    }) : () -> ()
    %barrier3A = arith.constant 0 : index
    tpu.barrier barrier_id(%barrier3A)
    %eq3A = arith.constant 0 : i32
    %eq3A_23 = arith.cmpi eq, %arg0, %eq3A : i32
    %convert_element_type3A = arith.extui %eq3A_23 : i1 to i32
    %cond3A = arith.constant 0 : i32
    %cond3A_24 = arith.cmpi ne, %convert_element_type3A, %cond3A : i32
    scf.if %cond3A_24 {
      %mul3A_34 = arith.constant 150 : i32
      %mul3A_35 = arith.muli %arg1, %mul3A_34 : i32
      %add3A_36 = arith.constant 0 : i32
      %add3A_37 = arith.addi %mul3A_35, %add3A_36 : i32
      "tpu.region"() ({
        %run_scoped3A_162 = tpu.sem_alloc : memref<!tpu.dma_semaphore, #tpu.memory_space<semaphore_mem>>
        %dma_start3A_163 = arith.constant 0 : i32
        %dma_start3A_164 = arith.constant 0 : i32
        %dma_start3A_165 = arith.constant 0 : i32
        %dma_start3A_166 = tpu.memref_slice %arg5[%dma_start3A_163, %dma_start3A_164, %dma_start3A_165] : memref<60x2x128xi32, #tpu.memory_space<vmem>> -> memref<60x2x128xi32, #tpu.memory_space<vmem>>
        %dma_start3A_167 = arith.constant 0 : i32
        %dma_start3A_168 = arith.constant 0 : i32
        %dma_start3A_169 = tpu.memref_slice %arg3[%add3A_37, %dma_start3A_167, %dma_start3A_168] : memref<2528x2x128xi32, #tpu.memory_space<hbm>> -> memref<60x2x128xi32, #tpu.memory_space<hbm>>
        %dma_start3A_170 = arith.constant 0 : i32
        %dma_start3A_171 = arith.constant 0 : i32
        %dma_start3A_172 = arith.constant 0 : i32
        %dma_start3A_173 = tpu.memref_slice %arg5[%dma_start3A_170, %dma_start3A_171, %dma_start3A_172] : memref<60x2x128xi32, #tpu.memory_space<vmem>> -> memref<60x2x128xi32, #tpu.memory_space<vmem>>
        %dma_start3A_174 = arith.constant 0 : i32
        %dma_start3A_175 = arith.constant 0 : i32
        %dma_start3A_176 = tpu.memref_slice %arg3[%add3A_37, %dma_start3A_174, %dma_start3A_175] : memref<2528x2x128xi32, #tpu.memory_space<hbm>> -> memref<60x2x128xi32, #tpu.memory_space<hbm>>
        tpu.enqueue_dma source(%dma_start3A_176 : memref<60x2x128xi32, #tpu.memory_space<hbm>>) target(%dma_start3A_173 : memref<60x2x128xi32, #tpu.memory_space<vmem>>) target_semaphore(%run_scoped3A_162 : memref<!tpu.dma_semaphore, #tpu.memory_space<semaphore_mem>>)
        %dma_wait3A_177 = arith.constant 0 : i32
        %dma_wait3A_178 = arith.constant 0 : i32
        %dma_wait3A_179 = arith.constant 0 : i32
        %dma_wait3A_180 = tpu.memref_slice %arg5[%dma_wait3A_177, %dma_wait3A_178, %dma_wait3A_179] : memref<60x2x128xi32, #tpu.memory_space<vmem>> -> memref<60x2x128xi32, #tpu.memory_space<vmem>>
        %dma_wait3A_181 = arith.constant 0 : i32
        %dma_wait3A_182 = arith.constant 0 : i32
        %dma_wait3A_183 = tpu.memref_slice %arg3[%add3A_37, %dma_wait3A_181, %dma_wait3A_182] : memref<2528x2x128xi32, #tpu.memory_space<hbm>> -> memref<60x2x128xi32, #tpu.memory_space<hbm>>
        %dma_wait3A_184 = arith.constant 0 : i32
        %dma_wait3A_185 = arith.constant 0 : i32
        %dma_wait3A_186 = arith.constant 0 : i32
        %dma_wait3A_187 = tpu.memref_slice %arg5[%dma_wait3A_184, %dma_wait3A_185, %dma_wait3A_186] : memref<60x2x128xi32, #tpu.memory_space<vmem>> -> memref<60x2x128xi32, #tpu.memory_space<vmem>>
        %dma_wait3A_188 = arith.constant 0 : i32
        %dma_wait3A_189 = arith.constant 0 : i32
        %dma_wait3A_190 = tpu.memref_slice %arg3[%add3A_37, %dma_wait3A_188, %dma_wait3A_189] : memref<2528x2x128xi32, #tpu.memory_space<hbm>> -> memref<60x2x128xi32, #tpu.memory_space<hbm>>
        tpu.wait_dma2 semaphore(%run_scoped3A_162 : memref<!tpu.dma_semaphore, #tpu.memory_space<semaphore_mem>>) src(%dma_wait3A_190 : memref<60x2x128xi32, #tpu.memory_space<hbm>>) dst(%dma_wait3A_187 : memref<60x2x128xi32, #tpu.memory_space<vmem>>)
        tpu.yield
      }) : () -> ()
      %dma_start3A = arith.constant 0 : i32
      %dma_start3A_38 = arith.constant 0 : i32
      %dma_start3A_39 = arith.constant 0 : i32
      %dma_start3A_40 = tpu.memref_slice %arg5[%dma_start3A, %dma_start3A_38, %dma_start3A_39] : memref<60x2x128xi32, #tpu.memory_space<vmem>> -> memref<1x1x128xi32, #tpu.memory_space<vmem>>
      %dma_start3A_41 = tpu.memref_squeeze %dma_start3A_40 : memref<1x1x128xi32, #tpu.memory_space<vmem>> -> memref<128xi32, #tpu.memory_space<vmem>>
      %dma_start3A_42 = arith.constant 0 : i32
      %dma_start3A_43 = arith.constant 0 : i32
      %dma_start3A_44 = tpu.memref_slice %arg2[%dma_start3A_42, %dma_start3A_43] : memref<10240x128xf32, #tpu.memory_space<hbm>> -> memref<10240x128xf32, #tpu.memory_space<hbm>>
      tpu.enqueue_indirect_dma source(%dma_start3A_44 : memref<10240x128xf32, #tpu.memory_space<hbm>>) target(%arg6 : memref<128x128xf32, #tpu.memory_space<vmem>>) offsets(%dma_start3A_41 : memref<128xi32, #tpu.memory_space<vmem>>) semaphore(%arg9 : memref<!tpu.dma_semaphore, #tpu.memory_space<semaphore_mem>>)
      %scan3A_45 = arith.constant 0 : i32
      %scan3A_46 = arith.constant 29 : i32
      %scan3A_47 = arith.addi %scan3A_45, %scan3A_46 : i32
      %scan3A_48 = arith.constant 1 : i32
      scf.for %scan3A_162 = %scan3A_45 to %scan3A_47 step %scan3A_48  : i32 {
        %mul3A_163 = arith.constant 1 : i32
        %mul3A_164 = arith.muli %scan3A_162, %mul3A_163 : i32
        %add3A_165 = arith.constant 0 : i32
        %add3A_166 = arith.addi %add3A_165, %mul3A_164 : i32
        %mul3A_167 = arith.constant 2 : i32
        %mul3A_168 = arith.muli %mul3A_167, %add3A_166 : i32
        %add3A_169 = arith.constant 1 : i32
        %add3A_170 = arith.addi %mul3A_168, %add3A_169 : i32
        %dma_start3A_171 = arith.constant 0 : i32
        %dma_start3A_172 = arith.constant 0 : i32
        %dma_start3A_173 = tpu.memref_slice %arg5[%add3A_170, %dma_start3A_171, %dma_start3A_172] : memref<60x2x128xi32, #tpu.memory_space<vmem>> -> memref<1x1x128xi32, #tpu.memory_space<vmem>>
        %dma_start3A_174 = tpu.memref_squeeze %dma_start3A_173 : memref<1x1x128xi32, #tpu.memory_space<vmem>> -> memref<128xi32, #tpu.memory_space<vmem>>
        %dma_start3A_175 = arith.constant 0 : i32
        %dma_start3A_176 = arith.constant 0 : i32
        %dma_start3A_177 = tpu.memref_slice %arg2[%dma_start3A_175, %dma_start3A_176] : memref<10240x128xf32, #tpu.memory_space<hbm>> -> memref<10240x128xf32, #tpu.memory_space<hbm>>
        tpu.enqueue_indirect_dma source(%dma_start3A_177 : memref<10240x128xf32, #tpu.memory_space<hbm>>) target(%arg7 : memref<128x128xf32, #tpu.memory_space<vmem>>) offsets(%dma_start3A_174 : memref<128xi32, #tpu.memory_space<vmem>>) semaphore(%arg10 : memref<!tpu.dma_semaphore, #tpu.memory_space<semaphore_mem>>)
        %dma_wait3A_178 = arith.constant 0 : i32
        %dma_wait3A_179 = arith.constant 0 : i32
        %dma_wait3A_180 = tpu.memref_slice %arg5[%mul3A_168, %dma_wait3A_178, %dma_wait3A_179] : memref<60x2x128xi32, #tpu.memory_space<vmem>> -> memref<1x1x128xi32, #tpu.memory_space<vmem>>
        %dma_wait3A_181 = tpu.memref_squeeze %dma_wait3A_180 : memref<1x1x128xi32, #tpu.memory_space<vmem>> -> memref<128xi32, #tpu.memory_space<vmem>>
        %dma_wait3A_182 = arith.constant 0 : i32
        %dma_wait3A_183 = arith.constant 0 : i32
        %dma_wait3A_184 = tpu.memref_slice %arg2[%dma_wait3A_182, %dma_wait3A_183] : memref<10240x128xf32, #tpu.memory_space<hbm>> -> memref<10240x128xf32, #tpu.memory_space<hbm>>
        tpu.wait_indirect_dma semaphore(%arg9 : memref<!tpu.dma_semaphore, #tpu.memory_space<semaphore_mem>>) src(%dma_wait3A_184 : memref<10240x128xf32, #tpu.memory_space<hbm>>) dst(%arg6 : memref<128x128xf32, #tpu.memory_space<vmem>>)
        %run_scoped3A_185 = arith.constant 1 : i32
        "tpu.region"() ({
          %run_scoped3A_207 = tpu.sem_alloc : memref<!tpu.dma_semaphore, #tpu.memory_space<semaphore_mem>>
          %dma_start3A_208 = arith.constant 0 : i32
          %dma_start3A_209 = tpu.memref_slice %arg5[%mul3A_168, %run_scoped3A_185, %dma_start3A_208] : memref<60x2x128xi32, #tpu.memory_space<vmem>> -> memref<1x1x128xi32, #tpu.memory_space<vmem>>
          %dma_start3A_210 = tpu.memref_squeeze %dma_start3A_209 : memref<1x1x128xi32, #tpu.memory_space<vmem>> -> memref<128xi32, #tpu.memory_space<vmem>>
          %dma_start3A_211 = arith.constant 0 : i32
          %dma_start3A_212 = arith.constant 0 : i32
          %dma_start3A_213 = tpu.memref_slice %arg8[%dma_start3A_211, %dma_start3A_212] : memref<10240x128xf32, #tpu.memory_space<vmem_shared>> -> memref<10240x128xf32, #tpu.memory_space<vmem_shared>>
          tpu.enqueue_indirect_dma source(%arg6 : memref<128x128xf32, #tpu.memory_space<vmem>>) target(%dma_start3A_213 : memref<10240x128xf32, #tpu.memory_space<vmem_shared>>) offsets(%dma_start3A_210 : memref<128xi32, #tpu.memory_space<vmem>>) semaphore(%run_scoped3A_207 : memref<!tpu.dma_semaphore, #tpu.memory_space<semaphore_mem>>) {add = true}
          %dma_wait3A_214 = arith.constant 0 : i32
          %dma_wait3A_215 = tpu.memref_slice %arg5[%mul3A_168, %run_scoped3A_185, %dma_wait3A_214] : memref<60x2x128xi32, #tpu.memory_space<vmem>> -> memref<1x1x128xi32, #tpu.memory_space<vmem>>
          %dma_wait3A_216 = tpu.memref_squeeze %dma_wait3A_215 : memref<1x1x128xi32, #tpu.memory_space<vmem>> -> memref<128xi32, #tpu.memory_space<vmem>>
          %dma_wait3A_217 = arith.constant 0 : i32
          %dma_wait3A_218 = arith.constant 0 : i32
          %dma_wait3A_219 = tpu.memref_slice %arg8[%dma_wait3A_217, %dma_wait3A_218] : memref<10240x128xf32, #tpu.memory_space<vmem_shared>> -> memref<10240x128xf32, #tpu.memory_space<vmem_shared>>
          tpu.wait_indirect_dma semaphore(%run_scoped3A_207 : memref<!tpu.dma_semaphore, #tpu.memory_space<semaphore_mem>>) src(%arg6 : memref<128x128xf32, #tpu.memory_space<vmem>>) dst(%dma_wait3A_219 : memref<10240x128xf32, #tpu.memory_space<vmem_shared>>)
          tpu.yield
        }) : () -> ()
        %add3A_186 = arith.constant 2 : i32
        %add3A_187 = arith.addi %mul3A_168, %add3A_186 : i32
        %dma_start3A_188 = arith.constant 0 : i32
        %dma_start3A_189 = arith.constant 0 : i32
        %dma_start3A_190 = tpu.memref_slice %arg5[%add3A_187, %dma_start3A_188, %dma_start3A_189] : memref<60x2x128xi32, #tpu.memory_space<vmem>> -> memref<1x1x128xi32, #tpu.memory_space<vmem>>
        %dma_start3A_191 = tpu.memref_squeeze %dma_start3A_190 : memref<1x1x128xi32, #tpu.memory_space<vmem>> -> memref<128xi32, #tpu.memory_space<vmem>>
        %dma_start3A_192 = arith.constant 0 : i32
        %dma_start3A_193 = arith.constant 0 : i32
        %dma_start3A_194 = tpu.memref_slice %arg2[%dma_start3A_192, %dma_start3A_193] : memref<10240x128xf32, #tpu.memory_space<hbm>> -> memref<10240x128xf32, #tpu.memory_space<hbm>>
        tpu.enqueue_indirect_dma source(%dma_start3A_194 : memref<10240x128xf32, #tpu.memory_space<hbm>>) target(%arg6 : memref<128x128xf32, #tpu.memory_space<vmem>>) offsets(%dma_start3A_191 : memref<128xi32, #tpu.memory_space<vmem>>) semaphore(%arg9 : memref<!tpu.dma_semaphore, #tpu.memory_space<semaphore_mem>>)
        %add3A_195 = arith.constant 1 : i32
        %add3A_196 = arith.addi %mul3A_168, %add3A_195 : i32
        %dma_wait3A_197 = arith.constant 0 : i32
        %dma_wait3A_198 = arith.constant 0 : i32
        %dma_wait3A_199 = tpu.memref_slice %arg5[%add3A_196, %dma_wait3A_197, %dma_wait3A_198] : memref<60x2x128xi32, #tpu.memory_space<vmem>> -> memref<1x1x128xi32, #tpu.memory_space<vmem>>
        %dma_wait3A_200 = tpu.memref_squeeze %dma_wait3A_199 : memref<1x1x128xi32, #tpu.memory_space<vmem>> -> memref<128xi32, #tpu.memory_space<vmem>>
        %dma_wait3A_201 = arith.constant 0 : i32
        %dma_wait3A_202 = arith.constant 0 : i32
        %dma_wait3A_203 = tpu.memref_slice %arg2[%dma_wait3A_201, %dma_wait3A_202] : memref<10240x128xf32, #tpu.memory_space<hbm>> -> memref<10240x128xf32, #tpu.memory_space<hbm>>
        tpu.wait_indirect_dma semaphore(%arg10 : memref<!tpu.dma_semaphore, #tpu.memory_space<semaphore_mem>>) src(%dma_wait3A_203 : memref<10240x128xf32, #tpu.memory_space<hbm>>) dst(%arg7 : memref<128x128xf32, #tpu.memory_space<vmem>>)
        %add3A_204 = arith.constant 1 : i32
        %add3A_205 = arith.addi %mul3A_168, %add3A_204 : i32
        %run_scoped3A_206 = arith.constant 1 : i32
        "tpu.region"() ({
          %run_scoped3A_207 = tpu.sem_alloc : memref<!tpu.dma_semaphore, #tpu.memory_space<semaphore_mem>>
          %dma_start3A_208 = arith.constant 0 : i32
          %dma_start3A_209 = tpu.memref_slice %arg5[%add3A_205, %run_scoped3A_206, %dma_start3A_208] : memref<60x2x128xi32, #tpu.memory_space<vmem>> -> memref<1x1x128xi32, #tpu.memory_space<vmem>>
          %dma_start3A_210 = tpu.memref_squeeze %dma_start3A_209 : memref<1x1x128xi32, #tpu.memory_space<vmem>> -> memref<128xi32, #tpu.memory_space<vmem>>
          %dma_start3A_211 = arith.constant 0 : i32
          %dma_start3A_212 = arith.constant 0 : i32
          %dma_start3A_213 = tpu.memref_slice %arg8[%dma_start3A_211, %dma_start3A_212] : memref<10240x128xf32, #tpu.memory_space<vmem_shared>> -> memref<10240x128xf32, #tpu.memory_space<vmem_shared>>
          tpu.enqueue_indirect_dma source(%arg7 : memref<128x128xf32, #tpu.memory_space<vmem>>) target(%dma_start3A_213 : memref<10240x128xf32, #tpu.memory_space<vmem_shared>>) offsets(%dma_start3A_210 : memref<128xi32, #tpu.memory_space<vmem>>) semaphore(%run_scoped3A_207 : memref<!tpu.dma_semaphore, #tpu.memory_space<semaphore_mem>>) {add = true}
          %dma_wait3A_214 = arith.constant 0 : i32
          %dma_wait3A_215 = tpu.memref_slice %arg5[%add3A_205, %run_scoped3A_206, %dma_wait3A_214] : memref<60x2x128xi32, #tpu.memory_space<vmem>> -> memref<1x1x128xi32, #tpu.memory_space<vmem>>
          %dma_wait3A_216 = tpu.memref_squeeze %dma_wait3A_215 : memref<1x1x128xi32, #tpu.memory_space<vmem>> -> memref<128xi32, #tpu.memory_space<vmem>>
          %dma_wait3A_217 = arith.constant 0 : i32
          %dma_wait3A_218 = arith.constant 0 : i32
          %dma_wait3A_219 = tpu.memref_slice %arg8[%dma_wait3A_217, %dma_wait3A_218] : memref<10240x128xf32, #tpu.memory_space<vmem_shared>> -> memref<10240x128xf32, #tpu.memory_space<vmem_shared>>
          tpu.wait_indirect_dma semaphore(%run_scoped3A_207 : memref<!tpu.dma_semaphore, #tpu.memory_space<semaphore_mem>>) src(%arg7 : memref<128x128xf32, #tpu.memory_space<vmem>>) dst(%dma_wait3A_219 : memref<10240x128xf32, #tpu.memory_space<vmem_shared>>)
          tpu.yield
        }) : () -> ()
      }
      %scan3A_49 = arith.constant 29 : i32
      %dma_start3A_50 = arith.constant 59 : i32
      %dma_start3A_51 = arith.constant 0 : i32
      %dma_start3A_52 = arith.constant 0 : i32
      %dma_start3A_53 = tpu.memref_slice %arg5[%dma_start3A_50, %dma_start3A_51, %dma_start3A_52] : memref<60x2x128xi32, #tpu.memory_space<vmem>> -> memref<1x1x128xi32, #tpu.memory_space<vmem>>
      %dma_start3A_54 = tpu.memref_squeeze %dma_start3A_53 : memref<1x1x128xi32, #tpu.memory_space<vmem>> -> memref<128xi32, #tpu.memory_space<vmem>>
      %dma_start3A_55 = arith.constant 0 : i32
      %dma_start3A_56 = arith.constant 0 : i32
      %dma_start3A_57 = tpu.memref_slice %arg2[%dma_start3A_55, %dma_start3A_56] : memref<10240x128xf32, #tpu.memory_space<hbm>> -> memref<10240x128xf32, #tpu.memory_space<hbm>>
      tpu.enqueue_indirect_dma source(%dma_start3A_57 : memref<10240x128xf32, #tpu.memory_space<hbm>>) target(%arg7 : memref<128x128xf32, #tpu.memory_space<vmem>>) offsets(%dma_start3A_54 : memref<128xi32, #tpu.memory_space<vmem>>) semaphore(%arg10 : memref<!tpu.dma_semaphore, #tpu.memory_space<semaphore_mem>>)
      %dma_wait3A = arith.constant 58 : i32
      %dma_wait3A_58 = arith.constant 0 : i32
      %dma_wait3A_59 = arith.constant 0 : i32
      %dma_wait3A_60 = tpu.memref_slice %arg5[%dma_wait3A, %dma_wait3A_58, %dma_wait3A_59] : memref<60x2x128xi32, #tpu.memory_space<vmem>> -> memref<1x1x128xi32, #tpu.memory_space<vmem>>
      %dma_wait3A_61 = tpu.memref_squeeze %dma_wait3A_60 : memref<1x1x128xi32, #tpu.memory_space<vmem>> -> memref<128xi32, #tpu.memory_space<vmem>>
      %dma_wait3A_62 = arith.constant 0 : i32
      %dma_wait3A_63 = arith.constant 0 : i32
      %dma_wait3A_64 = tpu.memref_slice %arg2[%dma_wait3A_62, %dma_wait3A_63] : memref<10240x128xf32, #tpu.memory_space<hbm>> -> memref<10240x128xf32, #tpu.memory_space<hbm>>
      tpu.wait_indirect_dma semaphore(%arg9 : memref<!tpu.dma_semaphore, #tpu.memory_space<semaphore_mem>>) src(%dma_wait3A_64 : memref<10240x128xf32, #tpu.memory_space<hbm>>) dst(%arg6 : memref<128x128xf32, #tpu.memory_space<vmem>>)
      %run_scoped3A = arith.constant 58 : i32
      %run_scoped3A_65 = arith.constant 1 : i32
      "tpu.region"() ({
        %run_scoped3A_162 = tpu.sem_alloc : memref<!tpu.dma_semaphore, #tpu.memory_space<semaphore_mem>>
        %dma_start3A_163 = arith.constant 0 : i32
        %dma_start3A_164 = tpu.memref_slice %arg5[%run_scoped3A, %run_scoped3A_65, %dma_start3A_163] : memref<60x2x128xi32, #tpu.memory_space<vmem>> -> memref<1x1x128xi32, #tpu.memory_space<vmem>>
        %dma_start3A_165 = tpu.memref_squeeze %dma_start3A_164 : memref<1x1x128xi32, #tpu.memory_space<vmem>> -> memref<128xi32, #tpu.memory_space<vmem>>
        %dma_start3A_166 = arith.constant 0 : i32
        %dma_start3A_167 = arith.constant 0 : i32
        %dma_start3A_168 = tpu.memref_slice %arg8[%dma_start3A_166, %dma_start3A_167] : memref<10240x128xf32, #tpu.memory_space<vmem_shared>> -> memref<10240x128xf32, #tpu.memory_space<vmem_shared>>
        tpu.enqueue_indirect_dma source(%arg6 : memref<128x128xf32, #tpu.memory_space<vmem>>) target(%dma_start3A_168 : memref<10240x128xf32, #tpu.memory_space<vmem_shared>>) offsets(%dma_start3A_165 : memref<128xi32, #tpu.memory_space<vmem>>) semaphore(%run_scoped3A_162 : memref<!tpu.dma_semaphore, #tpu.memory_space<semaphore_mem>>) {add = true}
        %dma_wait3A_169 = arith.constant 0 : i32
        %dma_wait3A_170 = tpu.memref_slice %arg5[%run_scoped3A, %run_scoped3A_65, %dma_wait3A_169] : memref<60x2x128xi32, #tpu.memory_space<vmem>> -> memref<1x1x128xi32, #tpu.memory_space<vmem>>
        %dma_wait3A_171 = tpu.memref_squeeze %dma_wait3A_170 : memref<1x1x128xi32, #tpu.memory_space<vmem>> -> memref<128xi32, #tpu.memory_space<vmem>>
        %dma_wait3A_172 = arith.constant 0 : i32
        %dma_wait3A_173 = arith.constant 0 : i32
        %dma_wait3A_174 = tpu.memref_slice %arg8[%dma_wait3A_172, %dma_wait3A_173] : memref<10240x128xf32, #tpu.memory_space<vmem_shared>> -> memref<10240x128xf32, #tpu.memory_space<vmem_shared>>
        tpu.wait_indirect_dma semaphore(%run_scoped3A_162 : memref<!tpu.dma_semaphore, #tpu.memory_space<semaphore_mem>>) src(%arg6 : memref<128x128xf32, #tpu.memory_space<vmem>>) dst(%dma_wait3A_174 : memref<10240x128xf32, #tpu.memory_space<vmem_shared>>)
        tpu.yield
      }) : () -> ()
      %dma_wait3A_66 = arith.constant 59 : i32
      %dma_wait3A_67 = arith.constant 0 : i32
      %dma_wait3A_68 = arith.constant 0 : i32
      %dma_wait3A_69 = tpu.memref_slice %arg5[%dma_wait3A_66, %dma_wait3A_67, %dma_wait3A_68] : memref<60x2x128xi32, #tpu.memory_space<vmem>> -> memref<1x1x128xi32, #tpu.memory_space<vmem>>
      %dma_wait3A_70 = tpu.memref_squeeze %dma_wait3A_69 : memref<1x1x128xi32, #tpu.memory_space<vmem>> -> memref<128xi32, #tpu.memory_space<vmem>>
      %dma_wait3A_71 = arith.constant 0 : i32
      %dma_wait3A_72 = arith.constant 0 : i32
      %dma_wait3A_73 = tpu.memref_slice %arg2[%dma_wait3A_71, %dma_wait3A_72] : memref<10240x128xf32, #tpu.memory_space<hbm>> -> memref<10240x128xf32, #tpu.memory_space<hbm>>
      tpu.wait_indirect_dma semaphore(%arg10 : memref<!tpu.dma_semaphore, #tpu.memory_space<semaphore_mem>>) src(%dma_wait3A_73 : memref<10240x128xf32, #tpu.memory_space<hbm>>) dst(%arg7 : memref<128x128xf32, #tpu.memory_space<vmem>>)
      %run_scoped3A_74 = arith.constant 59 : i32
      %run_scoped3A_75 = arith.constant 1 : i32
      "tpu.region"() ({
        %run_scoped3A_162 = tpu.sem_alloc : memref<!tpu.dma_semaphore, #tpu.memory_space<semaphore_mem>>
        %dma_start3A_163 = arith.constant 0 : i32
        %dma_start3A_164 = tpu.memref_slice %arg5[%run_scoped3A_74, %run_scoped3A_75, %dma_start3A_163] : memref<60x2x128xi32, #tpu.memory_space<vmem>> -> memref<1x1x128xi32, #tpu.memory_space<vmem>>
        %dma_start3A_165 = tpu.memref_squeeze %dma_start3A_164 : memref<1x1x128xi32, #tpu.memory_space<vmem>> -> memref<128xi32, #tpu.memory_space<vmem>>
        %dma_start3A_166 = arith.constant 0 : i32
        %dma_start3A_167 = arith.constant 0 : i32
        %dma_start3A_168 = tpu.memref_slice %arg8[%dma_start3A_166, %dma_start3A_167] : memref<10240x128xf32, #tpu.memory_space<vmem_shared>> -> memref<10240x128xf32, #tpu.memory_space<vmem_shared>>
        tpu.enqueue_indirect_dma source(%arg7 : memref<128x128xf32, #tpu.memory_space<vmem>>) target(%dma_start3A_168 : memref<10240x128xf32, #tpu.memory_space<vmem_shared>>) offsets(%dma_start3A_165 : memref<128xi32, #tpu.memory_space<vmem>>) semaphore(%run_scoped3A_162 : memref<!tpu.dma_semaphore, #tpu.memory_space<semaphore_mem>>) {add = true}
        %dma_wait3A_169 = arith.constant 0 : i32
        %dma_wait3A_170 = tpu.memref_slice %arg5[%run_scoped3A_74, %run_scoped3A_75, %dma_wait3A_169] : memref<60x2x128xi32, #tpu.memory_space<vmem>> -> memref<1x1x128xi32, #tpu.memory_space<vmem>>
        %dma_wait3A_171 = tpu.memref_squeeze %dma_wait3A_170 : memref<1x1x128xi32, #tpu.memory_space<vmem>> -> memref<128xi32, #tpu.memory_space<vmem>>
        %dma_wait3A_172 = arith.constant 0 : i32
        %dma_wait3A_173 = arith.constant 0 : i32
        %dma_wait3A_174 = tpu.memref_slice %arg8[%dma_wait3A_172, %dma_wait3A_173] : memref<10240x128xf32, #tpu.memory_space<vmem_shared>> -> memref<10240x128xf32, #tpu.memory_space<vmem_shared>>
        tpu.wait_indirect_dma semaphore(%run_scoped3A_162 : memref<!tpu.dma_semaphore, #tpu.memory_space<semaphore_mem>>) src(%arg7 : memref<128x128xf32, #tpu.memory_space<vmem>>) dst(%dma_wait3A_174 : memref<10240x128xf32, #tpu.memory_space<vmem_shared>>)
        tpu.yield
      }) : () -> ()
      %add3A_76 = arith.constant 60 : i32
      %add3A_77 = arith.addi %mul3A_35, %add3A_76 : i32
      "tpu.region"() ({
        %run_scoped3A_162 = tpu.sem_alloc : memref<!tpu.dma_semaphore, #tpu.memory_space<semaphore_mem>>
        %dma_start3A_163 = arith.constant 0 : i32
        %dma_start3A_164 = arith.constant 0 : i32
        %dma_start3A_165 = arith.constant 0 : i32
        %dma_start3A_166 = tpu.memref_slice %arg5[%dma_start3A_163, %dma_start3A_164, %dma_start3A_165] : memref<60x2x128xi32, #tpu.memory_space<vmem>> -> memref<60x2x128xi32, #tpu.memory_space<vmem>>
        %dma_start3A_167 = arith.constant 0 : i32
        %dma_start3A_168 = arith.constant 0 : i32
        %dma_start3A_169 = tpu.memref_slice %arg3[%add3A_77, %dma_start3A_167, %dma_start3A_168] : memref<2528x2x128xi32, #tpu.memory_space<hbm>> -> memref<60x2x128xi32, #tpu.memory_space<hbm>>
        %dma_start3A_170 = arith.constant 0 : i32
        %dma_start3A_171 = arith.constant 0 : i32
        %dma_start3A_172 = arith.constant 0 : i32
        %dma_start3A_173 = tpu.memref_slice %arg5[%dma_start3A_170, %dma_start3A_171, %dma_start3A_172] : memref<60x2x128xi32, #tpu.memory_space<vmem>> -> memref<60x2x128xi32, #tpu.memory_space<vmem>>
        %dma_start3A_174 = arith.constant 0 : i32
        %dma_start3A_175 = arith.constant 0 : i32
        %dma_start3A_176 = tpu.memref_slice %arg3[%add3A_77, %dma_start3A_174, %dma_start3A_175] : memref<2528x2x128xi32, #tpu.memory_space<hbm>> -> memref<60x2x128xi32, #tpu.memory_space<hbm>>
        tpu.enqueue_dma source(%dma_start3A_176 : memref<60x2x128xi32, #tpu.memory_space<hbm>>) target(%dma_start3A_173 : memref<60x2x128xi32, #tpu.memory_space<vmem>>) target_semaphore(%run_scoped3A_162 : memref<!tpu.dma_semaphore, #tpu.memory_space<semaphore_mem>>)
        %dma_wait3A_177 = arith.constant 0 : i32
        %dma_wait3A_178 = arith.constant 0 : i32
        %dma_wait3A_179 = arith.constant 0 : i32
        %dma_wait3A_180 = tpu.memref_slice %arg5[%dma_wait3A_177, %dma_wait3A_178, %dma_wait3A_179] : memref<60x2x128xi32, #tpu.memory_space<vmem>> -> memref<60x2x128xi32, #tpu.memory_space<vmem>>
        %dma_wait3A_181 = arith.constant 0 : i32
        %dma_wait3A_182 = arith.constant 0 : i32
        %dma_wait3A_183 = tpu.memref_slice %arg3[%add3A_77, %dma_wait3A_181, %dma_wait3A_182] : memref<2528x2x128xi32, #tpu.memory_space<hbm>> -> memref<60x2x128xi32, #tpu.memory_space<hbm>>
        %dma_wait3A_184 = arith.constant 0 : i32
        %dma_wait3A_185 = arith.constant 0 : i32
        %dma_wait3A_186 = arith.constant 0 : i32
        %dma_wait3A_187 = tpu.memref_slice %arg5[%dma_wait3A_184, %dma_wait3A_185, %dma_wait3A_186] : memref<60x2x128xi32, #tpu.memory_space<vmem>> -> memref<60x2x128xi32, #tpu.memory_space<vmem>>
        %dma_wait3A_188 = arith.constant 0 : i32
        %dma_wait3A_189 = arith.constant 0 : i32
        %dma_wait3A_190 = tpu.memref_slice %arg3[%add3A_77, %dma_wait3A_188, %dma_wait3A_189] : memref<2528x2x128xi32, #tpu.memory_space<hbm>> -> memref<60x2x128xi32, #tpu.memory_space<hbm>>
        tpu.wait_dma2 semaphore(%run_scoped3A_162 : memref<!tpu.dma_semaphore, #tpu.memory_space<semaphore_mem>>) src(%dma_wait3A_190 : memref<60x2x128xi32, #tpu.memory_space<hbm>>) dst(%dma_wait3A_187 : memref<60x2x128xi32, #tpu.memory_space<vmem>>)
        tpu.yield
      }) : () -> ()
      %dma_start3A_78 = arith.constant 0 : i32
      %dma_start3A_79 = arith.constant 0 : i32
      %dma_start3A_80 = arith.constant 0 : i32
      %dma_start3A_81 = tpu.memref_slice %arg5[%dma_start3A_78, %dma_start3A_79, %dma_start3A_80] : memref<60x2x128xi32, #tpu.memory_space<vmem>> -> memref<1x1x128xi32, #tpu.memory_space<vmem>>
      %dma_start3A_82 = tpu.memref_squeeze %dma_start3A_81 : memref<1x1x128xi32, #tpu.memory_space<vmem>> -> memref<128xi32, #tpu.memory_space<vmem>>
      %dma_start3A_83 = arith.constant 0 : i32
      %dma_start3A_84 = arith.constant 0 : i32
      %dma_start3A_85 = tpu.memref_slice %arg2[%dma_start3A_83, %dma_start3A_84] : memref<10240x128xf32, #tpu.memory_space<hbm>> -> memref<10240x128xf32, #tpu.memory_space<hbm>>
      tpu.enqueue_indirect_dma source(%dma_start3A_85 : memref<10240x128xf32, #tpu.memory_space<hbm>>) target(%arg6 : memref<128x128xf32, #tpu.memory_space<vmem>>) offsets(%dma_start3A_82 : memref<128xi32, #tpu.memory_space<vmem>>) semaphore(%arg9 : memref<!tpu.dma_semaphore, #tpu.memory_space<semaphore_mem>>)
      %scan3A_86 = arith.constant 0 : i32
      %scan3A_87 = arith.constant 29 : i32
      %scan3A_88 = arith.addi %scan3A_86, %scan3A_87 : i32
      %scan3A_89 = arith.constant 1 : i32
      scf.for %scan3A_162 = %scan3A_86 to %scan3A_88 step %scan3A_89  : i32 {
        %mul3A_163 = arith.constant 1 : i32
        %mul3A_164 = arith.muli %scan3A_162, %mul3A_163 : i32
        %add3A_165 = arith.constant 0 : i32
        %add3A_166 = arith.addi %add3A_165, %mul3A_164 : i32
        %mul3A_167 = arith.constant 2 : i32
        %mul3A_168 = arith.muli %mul3A_167, %add3A_166 : i32
        %add3A_169 = arith.constant 1 : i32
        %add3A_170 = arith.addi %mul3A_168, %add3A_169 : i32
        %dma_start3A_171 = arith.constant 0 : i32
        %dma_start3A_172 = arith.constant 0 : i32
        %dma_start3A_173 = tpu.memref_slice %arg5[%add3A_170, %dma_start3A_171, %dma_start3A_172] : memref<60x2x128xi32, #tpu.memory_space<vmem>> -> memref<1x1x128xi32, #tpu.memory_space<vmem>>
        %dma_start3A_174 = tpu.memref_squeeze %dma_start3A_173 : memref<1x1x128xi32, #tpu.memory_space<vmem>> -> memref<128xi32, #tpu.memory_space<vmem>>
        %dma_start3A_175 = arith.constant 0 : i32
        %dma_start3A_176 = arith.constant 0 : i32
        %dma_start3A_177 = tpu.memref_slice %arg2[%dma_start3A_175, %dma_start3A_176] : memref<10240x128xf32, #tpu.memory_space<hbm>> -> memref<10240x128xf32, #tpu.memory_space<hbm>>
        tpu.enqueue_indirect_dma source(%dma_start3A_177 : memref<10240x128xf32, #tpu.memory_space<hbm>>) target(%arg7 : memref<128x128xf32, #tpu.memory_space<vmem>>) offsets(%dma_start3A_174 : memref<128xi32, #tpu.memory_space<vmem>>) semaphore(%arg10 : memref<!tpu.dma_semaphore, #tpu.memory_space<semaphore_mem>>)
        %dma_wait3A_178 = arith.constant 0 : i32
        %dma_wait3A_179 = arith.constant 0 : i32
        %dma_wait3A_180 = tpu.memref_slice %arg5[%mul3A_168, %dma_wait3A_178, %dma_wait3A_179] : memref<60x2x128xi32, #tpu.memory_space<vmem>> -> memref<1x1x128xi32, #tpu.memory_space<vmem>>
        %dma_wait3A_181 = tpu.memref_squeeze %dma_wait3A_180 : memref<1x1x128xi32, #tpu.memory_space<vmem>> -> memref<128xi32, #tpu.memory_space<vmem>>
        %dma_wait3A_182 = arith.constant 0 : i32
        %dma_wait3A_183 = arith.constant 0 : i32
        %dma_wait3A_184 = tpu.memref_slice %arg2[%dma_wait3A_182, %dma_wait3A_183] : memref<10240x128xf32, #tpu.memory_space<hbm>> -> memref<10240x128xf32, #tpu.memory_space<hbm>>
        tpu.wait_indirect_dma semaphore(%arg9 : memref<!tpu.dma_semaphore, #tpu.memory_space<semaphore_mem>>) src(%dma_wait3A_184 : memref<10240x128xf32, #tpu.memory_space<hbm>>) dst(%arg6 : memref<128x128xf32, #tpu.memory_space<vmem>>)
        %run_scoped3A_185 = arith.constant 1 : i32
        "tpu.region"() ({
          %run_scoped3A_207 = tpu.sem_alloc : memref<!tpu.dma_semaphore, #tpu.memory_space<semaphore_mem>>
          %dma_start3A_208 = arith.constant 0 : i32
          %dma_start3A_209 = tpu.memref_slice %arg5[%mul3A_168, %run_scoped3A_185, %dma_start3A_208] : memref<60x2x128xi32, #tpu.memory_space<vmem>> -> memref<1x1x128xi32, #tpu.memory_space<vmem>>
          %dma_start3A_210 = tpu.memref_squeeze %dma_start3A_209 : memref<1x1x128xi32, #tpu.memory_space<vmem>> -> memref<128xi32, #tpu.memory_space<vmem>>
          %dma_start3A_211 = arith.constant 0 : i32
          %dma_start3A_212 = arith.constant 0 : i32
          %dma_start3A_213 = tpu.memref_slice %arg8[%dma_start3A_211, %dma_start3A_212] : memref<10240x128xf32, #tpu.memory_space<vmem_shared>> -> memref<10240x128xf32, #tpu.memory_space<vmem_shared>>
          tpu.enqueue_indirect_dma source(%arg6 : memref<128x128xf32, #tpu.memory_space<vmem>>) target(%dma_start3A_213 : memref<10240x128xf32, #tpu.memory_space<vmem_shared>>) offsets(%dma_start3A_210 : memref<128xi32, #tpu.memory_space<vmem>>) semaphore(%run_scoped3A_207 : memref<!tpu.dma_semaphore, #tpu.memory_space<semaphore_mem>>) {add = true}
          %dma_wait3A_214 = arith.constant 0 : i32
          %dma_wait3A_215 = tpu.memref_slice %arg5[%mul3A_168, %run_scoped3A_185, %dma_wait3A_214] : memref<60x2x128xi32, #tpu.memory_space<vmem>> -> memref<1x1x128xi32, #tpu.memory_space<vmem>>
          %dma_wait3A_216 = tpu.memref_squeeze %dma_wait3A_215 : memref<1x1x128xi32, #tpu.memory_space<vmem>> -> memref<128xi32, #tpu.memory_space<vmem>>
          %dma_wait3A_217 = arith.constant 0 : i32
          %dma_wait3A_218 = arith.constant 0 : i32
          %dma_wait3A_219 = tpu.memref_slice %arg8[%dma_wait3A_217, %dma_wait3A_218] : memref<10240x128xf32, #tpu.memory_space<vmem_shared>> -> memref<10240x128xf32, #tpu.memory_space<vmem_shared>>
          tpu.wait_indirect_dma semaphore(%run_scoped3A_207 : memref<!tpu.dma_semaphore, #tpu.memory_space<semaphore_mem>>) src(%arg6 : memref<128x128xf32, #tpu.memory_space<vmem>>) dst(%dma_wait3A_219 : memref<10240x128xf32, #tpu.memory_space<vmem_shared>>)
          tpu.yield
        }) : () -> ()
        %add3A_186 = arith.constant 2 : i32
        %add3A_187 = arith.addi %mul3A_168, %add3A_186 : i32
        %dma_start3A_188 = arith.constant 0 : i32
        %dma_start3A_189 = arith.constant 0 : i32
        %dma_start3A_190 = tpu.memref_slice %arg5[%add3A_187, %dma_start3A_188, %dma_start3A_189] : memref<60x2x128xi32, #tpu.memory_space<vmem>> -> memref<1x1x128xi32, #tpu.memory_space<vmem>>
        %dma_start3A_191 = tpu.memref_squeeze %dma_start3A_190 : memref<1x1x128xi32, #tpu.memory_space<vmem>> -> memref<128xi32, #tpu.memory_space<vmem>>
        %dma_start3A_192 = arith.constant 0 : i32
        %dma_start3A_193 = arith.constant 0 : i32
        %dma_start3A_194 = tpu.memref_slice %arg2[%dma_start3A_192, %dma_start3A_193] : memref<10240x128xf32, #tpu.memory_space<hbm>> -> memref<10240x128xf32, #tpu.memory_space<hbm>>
        tpu.enqueue_indirect_dma source(%dma_start3A_194 : memref<10240x128xf32, #tpu.memory_space<hbm>>) target(%arg6 : memref<128x128xf32, #tpu.memory_space<vmem>>) offsets(%dma_start3A_191 : memref<128xi32, #tpu.memory_space<vmem>>) semaphore(%arg9 : memref<!tpu.dma_semaphore, #tpu.memory_space<semaphore_mem>>)
        %add3A_195 = arith.constant 1 : i32
        %add3A_196 = arith.addi %mul3A_168, %add3A_195 : i32
        %dma_wait3A_197 = arith.constant 0 : i32
        %dma_wait3A_198 = arith.constant 0 : i32
        %dma_wait3A_199 = tpu.memref_slice %arg5[%add3A_196, %dma_wait3A_197, %dma_wait3A_198] : memref<60x2x128xi32, #tpu.memory_space<vmem>> -> memref<1x1x128xi32, #tpu.memory_space<vmem>>
        %dma_wait3A_200 = tpu.memref_squeeze %dma_wait3A_199 : memref<1x1x128xi32, #tpu.memory_space<vmem>> -> memref<128xi32, #tpu.memory_space<vmem>>
        %dma_wait3A_201 = arith.constant 0 : i32
        %dma_wait3A_202 = arith.constant 0 : i32
        %dma_wait3A_203 = tpu.memref_slice %arg2[%dma_wait3A_201, %dma_wait3A_202] : memref<10240x128xf32, #tpu.memory_space<hbm>> -> memref<10240x128xf32, #tpu.memory_space<hbm>>
        tpu.wait_indirect_dma semaphore(%arg10 : memref<!tpu.dma_semaphore, #tpu.memory_space<semaphore_mem>>) src(%dma_wait3A_203 : memref<10240x128xf32, #tpu.memory_space<hbm>>) dst(%arg7 : memref<128x128xf32, #tpu.memory_space<vmem>>)
        %add3A_204 = arith.constant 1 : i32
        %add3A_205 = arith.addi %mul3A_168, %add3A_204 : i32
        %run_scoped3A_206 = arith.constant 1 : i32
        "tpu.region"() ({
          %run_scoped3A_207 = tpu.sem_alloc : memref<!tpu.dma_semaphore, #tpu.memory_space<semaphore_mem>>
          %dma_start3A_208 = arith.constant 0 : i32
          %dma_start3A_209 = tpu.memref_slice %arg5[%add3A_205, %run_scoped3A_206, %dma_start3A_208] : memref<60x2x128xi32, #tpu.memory_space<vmem>> -> memref<1x1x128xi32, #tpu.memory_space<vmem>>
          %dma_start3A_210 = tpu.memref_squeeze %dma_start3A_209 : memref<1x1x128xi32, #tpu.memory_space<vmem>> -> memref<128xi32, #tpu.memory_space<vmem>>
          %dma_start3A_211 = arith.constant 0 : i32
          %dma_start3A_212 = arith.constant 0 : i32
          %dma_start3A_213 = tpu.memref_slice %arg8[%dma_start3A_211, %dma_start3A_212] : memref<10240x128xf32, #tpu.memory_space<vmem_shared>> -> memref<10240x128xf32, #tpu.memory_space<vmem_shared>>
          tpu.enqueue_indirect_dma source(%arg7 : memref<128x128xf32, #tpu.memory_space<vmem>>) target(%dma_start3A_213 : memref<10240x128xf32, #tpu.memory_space<vmem_shared>>) offsets(%dma_start3A_210 : memref<128xi32, #tpu.memory_space<vmem>>) semaphore(%run_scoped3A_207 : memref<!tpu.dma_semaphore, #tpu.memory_space<semaphore_mem>>) {add = true}
          %dma_wait3A_214 = arith.constant 0 : i32
          %dma_wait3A_215 = tpu.memref_slice %arg5[%add3A_205, %run_scoped3A_206, %dma_wait3A_214] : memref<60x2x128xi32, #tpu.memory_space<vmem>> -> memref<1x1x128xi32, #tpu.memory_space<vmem>>
          %dma_wait3A_216 = tpu.memref_squeeze %dma_wait3A_215 : memref<1x1x128xi32, #tpu.memory_space<vmem>> -> memref<128xi32, #tpu.memory_space<vmem>>
          %dma_wait3A_217 = arith.constant 0 : i32
          %dma_wait3A_218 = arith.constant 0 : i32
          %dma_wait3A_219 = tpu.memref_slice %arg8[%dma_wait3A_217, %dma_wait3A_218] : memref<10240x128xf32, #tpu.memory_space<vmem_shared>> -> memref<10240x128xf32, #tpu.memory_space<vmem_shared>>
          tpu.wait_indirect_dma semaphore(%run_scoped3A_207 : memref<!tpu.dma_semaphore, #tpu.memory_space<semaphore_mem>>) src(%arg7 : memref<128x128xf32, #tpu.memory_space<vmem>>) dst(%dma_wait3A_219 : memref<10240x128xf32, #tpu.memory_space<vmem_shared>>)
          tpu.yield
        }) : () -> ()
      }
      %scan3A_90 = arith.constant 29 : i32
      %dma_start3A_91 = arith.constant 59 : i32
      %dma_start3A_92 = arith.constant 0 : i32
      %dma_start3A_93 = arith.constant 0 : i32
      %dma_start3A_94 = tpu.memref_slice %arg5[%dma_start3A_91, %dma_start3A_92, %dma_start3A_93] : memref<60x2x128xi32, #tpu.memory_space<vmem>> -> memref<1x1x128xi32, #tpu.memory_space<vmem>>
      %dma_start3A_95 = tpu.memref_squeeze %dma_start3A_94 : memref<1x1x128xi32, #tpu.memory_space<vmem>> -> memref<128xi32, #tpu.memory_space<vmem>>
      %dma_start3A_96 = arith.constant 0 : i32
      %dma_start3A_97 = arith.constant 0 : i32
      %dma_start3A_98 = tpu.memref_slice %arg2[%dma_start3A_96, %dma_start3A_97] : memref<10240x128xf32, #tpu.memory_space<hbm>> -> memref<10240x128xf32, #tpu.memory_space<hbm>>
      tpu.enqueue_indirect_dma source(%dma_start3A_98 : memref<10240x128xf32, #tpu.memory_space<hbm>>) target(%arg7 : memref<128x128xf32, #tpu.memory_space<vmem>>) offsets(%dma_start3A_95 : memref<128xi32, #tpu.memory_space<vmem>>) semaphore(%arg10 : memref<!tpu.dma_semaphore, #tpu.memory_space<semaphore_mem>>)
      %dma_wait3A_99 = arith.constant 58 : i32
      %dma_wait3A_100 = arith.constant 0 : i32
      %dma_wait3A_101 = arith.constant 0 : i32
      %dma_wait3A_102 = tpu.memref_slice %arg5[%dma_wait3A_99, %dma_wait3A_100, %dma_wait3A_101] : memref<60x2x128xi32, #tpu.memory_space<vmem>> -> memref<1x1x128xi32, #tpu.memory_space<vmem>>
      %dma_wait3A_103 = tpu.memref_squeeze %dma_wait3A_102 : memref<1x1x128xi32, #tpu.memory_space<vmem>> -> memref<128xi32, #tpu.memory_space<vmem>>
      %dma_wait3A_104 = arith.constant 0 : i32
      %dma_wait3A_105 = arith.constant 0 : i32
      %dma_wait3A_106 = tpu.memref_slice %arg2[%dma_wait3A_104, %dma_wait3A_105] : memref<10240x128xf32, #tpu.memory_space<hbm>> -> memref<10240x128xf32, #tpu.memory_space<hbm>>
      tpu.wait_indirect_dma semaphore(%arg9 : memref<!tpu.dma_semaphore, #tpu.memory_space<semaphore_mem>>) src(%dma_wait3A_106 : memref<10240x128xf32, #tpu.memory_space<hbm>>) dst(%arg6 : memref<128x128xf32, #tpu.memory_space<vmem>>)
      %run_scoped3A_107 = arith.constant 58 : i32
      %run_scoped3A_108 = arith.constant 1 : i32
      "tpu.region"() ({
        %run_scoped3A_162 = tpu.sem_alloc : memref<!tpu.dma_semaphore, #tpu.memory_space<semaphore_mem>>
        %dma_start3A_163 = arith.constant 0 : i32
        %dma_start3A_164 = tpu.memref_slice %arg5[%run_scoped3A_107, %run_scoped3A_108, %dma_start3A_163] : memref<60x2x128xi32, #tpu.memory_space<vmem>> -> memref<1x1x128xi32, #tpu.memory_space<vmem>>
        %dma_start3A_165 = tpu.memref_squeeze %dma_start3A_164 : memref<1x1x128xi32, #tpu.memory_space<vmem>> -> memref<128xi32, #tpu.memory_space<vmem>>
        %dma_start3A_166 = arith.constant 0 : i32
        %dma_start3A_167 = arith.constant 0 : i32
        %dma_start3A_168 = tpu.memref_slice %arg8[%dma_start3A_166, %dma_start3A_167] : memref<10240x128xf32, #tpu.memory_space<vmem_shared>> -> memref<10240x128xf32, #tpu.memory_space<vmem_shared>>
        tpu.enqueue_indirect_dma source(%arg6 : memref<128x128xf32, #tpu.memory_space<vmem>>) target(%dma_start3A_168 : memref<10240x128xf32, #tpu.memory_space<vmem_shared>>) offsets(%dma_start3A_165 : memref<128xi32, #tpu.memory_space<vmem>>) semaphore(%run_scoped3A_162 : memref<!tpu.dma_semaphore, #tpu.memory_space<semaphore_mem>>) {add = true}
        %dma_wait3A_169 = arith.constant 0 : i32
        %dma_wait3A_170 = tpu.memref_slice %arg5[%run_scoped3A_107, %run_scoped3A_108, %dma_wait3A_169] : memref<60x2x128xi32, #tpu.memory_space<vmem>> -> memref<1x1x128xi32, #tpu.memory_space<vmem>>
        %dma_wait3A_171 = tpu.memref_squeeze %dma_wait3A_170 : memref<1x1x128xi32, #tpu.memory_space<vmem>> -> memref<128xi32, #tpu.memory_space<vmem>>
        %dma_wait3A_172 = arith.constant 0 : i32
        %dma_wait3A_173 = arith.constant 0 : i32
        %dma_wait3A_174 = tpu.memref_slice %arg8[%dma_wait3A_172, %dma_wait3A_173] : memref<10240x128xf32, #tpu.memory_space<vmem_shared>> -> memref<10240x128xf32, #tpu.memory_space<vmem_shared>>
        tpu.wait_indirect_dma semaphore(%run_scoped3A_162 : memref<!tpu.dma_semaphore, #tpu.memory_space<semaphore_mem>>) src(%arg6 : memref<128x128xf32, #tpu.memory_space<vmem>>) dst(%dma_wait3A_174 : memref<10240x128xf32, #tpu.memory_space<vmem_shared>>)
        tpu.yield
      }) : () -> ()
      %dma_wait3A_109 = arith.constant 59 : i32
      %dma_wait3A_110 = arith.constant 0 : i32
      %dma_wait3A_111 = arith.constant 0 : i32
      %dma_wait3A_112 = tpu.memref_slice %arg5[%dma_wait3A_109, %dma_wait3A_110, %dma_wait3A_111] : memref<60x2x128xi32, #tpu.memory_space<vmem>> -> memref<1x1x128xi32, #tpu.memory_space<vmem>>
      %dma_wait3A_113 = tpu.memref_squeeze %dma_wait3A_112 : memref<1x1x128xi32, #tpu.memory_space<vmem>> -> memref<128xi32, #tpu.memory_space<vmem>>
      %dma_wait3A_114 = arith.constant 0 : i32
      %dma_wait3A_115 = arith.constant 0 : i32
      %dma_wait3A_116 = tpu.memref_slice %arg2[%dma_wait3A_114, %dma_wait3A_115] : memref<10240x128xf32, #tpu.memory_space<hbm>> -> memref<10240x128xf32, #tpu.memory_space<hbm>>
      tpu.wait_indirect_dma semaphore(%arg10 : memref<!tpu.dma_semaphore, #tpu.memory_space<semaphore_mem>>) src(%dma_wait3A_116 : memref<10240x128xf32, #tpu.memory_space<hbm>>) dst(%arg7 : memref<128x128xf32, #tpu.memory_space<vmem>>)
      %run_scoped3A_117 = arith.constant 59 : i32
      %run_scoped3A_118 = arith.constant 1 : i32
      "tpu.region"() ({
        %run_scoped3A_162 = tpu.sem_alloc : memref<!tpu.dma_semaphore, #tpu.memory_space<semaphore_mem>>
        %dma_start3A_163 = arith.constant 0 : i32
        %dma_start3A_164 = tpu.memref_slice %arg5[%run_scoped3A_117, %run_scoped3A_118, %dma_start3A_163] : memref<60x2x128xi32, #tpu.memory_space<vmem>> -> memref<1x1x128xi32, #tpu.memory_space<vmem>>
        %dma_start3A_165 = tpu.memref_squeeze %dma_start3A_164 : memref<1x1x128xi32, #tpu.memory_space<vmem>> -> memref<128xi32, #tpu.memory_space<vmem>>
        %dma_start3A_166 = arith.constant 0 : i32
        %dma_start3A_167 = arith.constant 0 : i32
        %dma_start3A_168 = tpu.memref_slice %arg8[%dma_start3A_166, %dma_start3A_167] : memref<10240x128xf32, #tpu.memory_space<vmem_shared>> -> memref<10240x128xf32, #tpu.memory_space<vmem_shared>>
        tpu.enqueue_indirect_dma source(%arg7 : memref<128x128xf32, #tpu.memory_space<vmem>>) target(%dma_start3A_168 : memref<10240x128xf32, #tpu.memory_space<vmem_shared>>) offsets(%dma_start3A_165 : memref<128xi32, #tpu.memory_space<vmem>>) semaphore(%run_scoped3A_162 : memref<!tpu.dma_semaphore, #tpu.memory_space<semaphore_mem>>) {add = true}
        %dma_wait3A_169 = arith.constant 0 : i32
        %dma_wait3A_170 = tpu.memref_slice %arg5[%run_scoped3A_117, %run_scoped3A_118, %dma_wait3A_169] : memref<60x2x128xi32, #tpu.memory_space<vmem>> -> memref<1x1x128xi32, #tpu.memory_space<vmem>>
        %dma_wait3A_171 = tpu.memref_squeeze %dma_wait3A_170 : memref<1x1x128xi32, #tpu.memory_space<vmem>> -> memref<128xi32, #tpu.memory_space<vmem>>
        %dma_wait3A_172 = arith.constant 0 : i32
        %dma_wait3A_173 = arith.constant 0 : i32
        %dma_wait3A_174 = tpu.memref_slice %arg8[%dma_wait3A_172, %dma_wait3A_173] : memref<10240x128xf32, #tpu.memory_space<vmem_shared>> -> memref<10240x128xf32, #tpu.memory_space<vmem_shared>>
        tpu.wait_indirect_dma semaphore(%run_scoped3A_162 : memref<!tpu.dma_semaphore, #tpu.memory_space<semaphore_mem>>) src(%arg7 : memref<128x128xf32, #tpu.memory_space<vmem>>) dst(%dma_wait3A_174 : memref<10240x128xf32, #tpu.memory_space<vmem_shared>>)
        tpu.yield
      }) : () -> ()
      %add3A_119 = arith.constant 120 : i32
      %add3A_120 = arith.addi %mul3A_35, %add3A_119 : i32
      "tpu.region"() ({
        %run_scoped3A_162 = tpu.sem_alloc : memref<!tpu.dma_semaphore, #tpu.memory_space<semaphore_mem>>
        %dma_start3A_163 = arith.constant 0 : i32
        %dma_start3A_164 = arith.constant 0 : i32
        %dma_start3A_165 = arith.constant 0 : i32
        %dma_start3A_166 = tpu.memref_slice %arg5[%dma_start3A_163, %dma_start3A_164, %dma_start3A_165] : memref<60x2x128xi32, #tpu.memory_space<vmem>> -> memref<30x2x128xi32, #tpu.memory_space<vmem>>
        %dma_start3A_167 = arith.constant 0 : i32
        %dma_start3A_168 = arith.constant 0 : i32
        %dma_start3A_169 = tpu.memref_slice %arg3[%add3A_120, %dma_start3A_167, %dma_start3A_168] : memref<2528x2x128xi32, #tpu.memory_space<hbm>> -> memref<30x2x128xi32, #tpu.memory_space<hbm>>
        %dma_start3A_170 = arith.constant 0 : i32
        %dma_start3A_171 = arith.constant 0 : i32
        %dma_start3A_172 = arith.constant 0 : i32
        %dma_start3A_173 = tpu.memref_slice %arg5[%dma_start3A_170, %dma_start3A_171, %dma_start3A_172] : memref<60x2x128xi32, #tpu.memory_space<vmem>> -> memref<30x2x128xi32, #tpu.memory_space<vmem>>
        %dma_start3A_174 = arith.constant 0 : i32
        %dma_start3A_175 = arith.constant 0 : i32
        %dma_start3A_176 = tpu.memref_slice %arg3[%add3A_120, %dma_start3A_174, %dma_start3A_175] : memref<2528x2x128xi32, #tpu.memory_space<hbm>> -> memref<30x2x128xi32, #tpu.memory_space<hbm>>
        tpu.enqueue_dma source(%dma_start3A_176 : memref<30x2x128xi32, #tpu.memory_space<hbm>>) target(%dma_start3A_173 : memref<30x2x128xi32, #tpu.memory_space<vmem>>) target_semaphore(%run_scoped3A_162 : memref<!tpu.dma_semaphore, #tpu.memory_space<semaphore_mem>>)
        %dma_wait3A_177 = arith.constant 0 : i32
        %dma_wait3A_178 = arith.constant 0 : i32
        %dma_wait3A_179 = arith.constant 0 : i32
        %dma_wait3A_180 = tpu.memref_slice %arg5[%dma_wait3A_177, %dma_wait3A_178, %dma_wait3A_179] : memref<60x2x128xi32, #tpu.memory_space<vmem>> -> memref<30x2x128xi32, #tpu.memory_space<vmem>>
        %dma_wait3A_181 = arith.constant 0 : i32
        %dma_wait3A_182 = arith.constant 0 : i32
        %dma_wait3A_183 = tpu.memref_slice %arg3[%add3A_120, %dma_wait3A_181, %dma_wait3A_182] : memref<2528x2x128xi32, #tpu.memory_space<hbm>> -> memref<30x2x128xi32, #tpu.memory_space<hbm>>
        %dma_wait3A_184 = arith.constant 0 : i32
        %dma_wait3A_185 = arith.constant 0 : i32
        %dma_wait3A_186 = arith.constant 0 : i32
        %dma_wait3A_187 = tpu.memref_slice %arg5[%dma_wait3A_184, %dma_wait3A_185, %dma_wait3A_186] : memref<60x2x128xi32, #tpu.memory_space<vmem>> -> memref<30x2x128xi32, #tpu.memory_space<vmem>>
        %dma_wait3A_188 = arith.constant 0 : i32
        %dma_wait3A_189 = arith.constant 0 : i32
        %dma_wait3A_190 = tpu.memref_slice %arg3[%add3A_120, %dma_wait3A_188, %dma_wait3A_189] : memref<2528x2x128xi32, #tpu.memory_space<hbm>> -> memref<30x2x128xi32, #tpu.memory_space<hbm>>
        tpu.wait_dma2 semaphore(%run_scoped3A_162 : memref<!tpu.dma_semaphore, #tpu.memory_space<semaphore_mem>>) src(%dma_wait3A_190 : memref<30x2x128xi32, #tpu.memory_space<hbm>>) dst(%dma_wait3A_187 : memref<30x2x128xi32, #tpu.memory_space<vmem>>)
        tpu.yield
      }) : () -> ()
      %dma_start3A_121 = arith.constant 0 : i32
      %dma_start3A_122 = arith.constant 0 : i32
      %dma_start3A_123 = arith.constant 0 : i32
      %dma_start3A_124 = tpu.memref_slice %arg5[%dma_start3A_121, %dma_start3A_122, %dma_start3A_123] : memref<60x2x128xi32, #tpu.memory_space<vmem>> -> memref<1x1x128xi32, #tpu.memory_space<vmem>>
      %dma_start3A_125 = tpu.memref_squeeze %dma_start3A_124 : memref<1x1x128xi32, #tpu.memory_space<vmem>> -> memref<128xi32, #tpu.memory_space<vmem>>
      %dma_start3A_126 = arith.constant 0 : i32
      %dma_start3A_127 = arith.constant 0 : i32
      %dma_start3A_128 = tpu.memref_slice %arg2[%dma_start3A_126, %dma_start3A_127] : memref<10240x128xf32, #tpu.memory_space<hbm>> -> memref<10240x128xf32, #tpu.memory_space<hbm>>
      tpu.enqueue_indirect_dma source(%dma_start3A_128 : memref<10240x128xf32, #tpu.memory_space<hbm>>) target(%arg6 : memref<128x128xf32, #tpu.memory_space<vmem>>) offsets(%dma_start3A_125 : memref<128xi32, #tpu.memory_space<vmem>>) semaphore(%arg9 : memref<!tpu.dma_semaphore, #tpu.memory_space<semaphore_mem>>)
      %scan3A_129 = arith.constant 0 : i32
      %scan3A_130 = arith.constant 14 : i32
      %scan3A_131 = arith.addi %scan3A_129, %scan3A_130 : i32
      %scan3A_132 = arith.constant 1 : i32
      scf.for %scan3A_162 = %scan3A_129 to %scan3A_131 step %scan3A_132  : i32 {
        %mul3A_163 = arith.constant 1 : i32
        %mul3A_164 = arith.muli %scan3A_162, %mul3A_163 : i32
        %add3A_165 = arith.constant 0 : i32
        %add3A_166 = arith.addi %add3A_165, %mul3A_164 : i32
        %mul3A_167 = arith.constant 2 : i32
        %mul3A_168 = arith.muli %mul3A_167, %add3A_166 : i32
        %add3A_169 = arith.constant 1 : i32
        %add3A_170 = arith.addi %mul3A_168, %add3A_169 : i32
        %dma_start3A_171 = arith.constant 0 : i32
        %dma_start3A_172 = arith.constant 0 : i32
        %dma_start3A_173 = tpu.memref_slice %arg5[%add3A_170, %dma_start3A_171, %dma_start3A_172] : memref<60x2x128xi32, #tpu.memory_space<vmem>> -> memref<1x1x128xi32, #tpu.memory_space<vmem>>
        %dma_start3A_174 = tpu.memref_squeeze %dma_start3A_173 : memref<1x1x128xi32, #tpu.memory_space<vmem>> -> memref<128xi32, #tpu.memory_space<vmem>>
        %dma_start3A_175 = arith.constant 0 : i32
        %dma_start3A_176 = arith.constant 0 : i32
        %dma_start3A_177 = tpu.memref_slice %arg2[%dma_start3A_175, %dma_start3A_176] : memref<10240x128xf32, #tpu.memory_space<hbm>> -> memref<10240x128xf32, #tpu.memory_space<hbm>>
        tpu.enqueue_indirect_dma source(%dma_start3A_177 : memref<10240x128xf32, #tpu.memory_space<hbm>>) target(%arg7 : memref<128x128xf32, #tpu.memory_space<vmem>>) offsets(%dma_start3A_174 : memref<128xi32, #tpu.memory_space<vmem>>) semaphore(%arg10 : memref<!tpu.dma_semaphore, #tpu.memory_space<semaphore_mem>>)
        %dma_wait3A_178 = arith.constant 0 : i32
        %dma_wait3A_179 = arith.constant 0 : i32
        %dma_wait3A_180 = tpu.memref_slice %arg5[%mul3A_168, %dma_wait3A_178, %dma_wait3A_179] : memref<60x2x128xi32, #tpu.memory_space<vmem>> -> memref<1x1x128xi32, #tpu.memory_space<vmem>>
        %dma_wait3A_181 = tpu.memref_squeeze %dma_wait3A_180 : memref<1x1x128xi32, #tpu.memory_space<vmem>> -> memref<128xi32, #tpu.memory_space<vmem>>
        %dma_wait3A_182 = arith.constant 0 : i32
        %dma_wait3A_183 = arith.constant 0 : i32
        %dma_wait3A_184 = tpu.memref_slice %arg2[%dma_wait3A_182, %dma_wait3A_183] : memref<10240x128xf32, #tpu.memory_space<hbm>> -> memref<10240x128xf32, #tpu.memory_space<hbm>>
        tpu.wait_indirect_dma semaphore(%arg9 : memref<!tpu.dma_semaphore, #tpu.memory_space<semaphore_mem>>) src(%dma_wait3A_184 : memref<10240x128xf32, #tpu.memory_space<hbm>>) dst(%arg6 : memref<128x128xf32, #tpu.memory_space<vmem>>)
        %run_scoped3A_185 = arith.constant 1 : i32
        "tpu.region"() ({
          %run_scoped3A_207 = tpu.sem_alloc : memref<!tpu.dma_semaphore, #tpu.memory_space<semaphore_mem>>
          %dma_start3A_208 = arith.constant 0 : i32
          %dma_start3A_209 = tpu.memref_slice %arg5[%mul3A_168, %run_scoped3A_185, %dma_start3A_208] : memref<60x2x128xi32, #tpu.memory_space<vmem>> -> memref<1x1x128xi32, #tpu.memory_space<vmem>>
          %dma_start3A_210 = tpu.memref_squeeze %dma_start3A_209 : memref<1x1x128xi32, #tpu.memory_space<vmem>> -> memref<128xi32, #tpu.memory_space<vmem>>
          %dma_start3A_211 = arith.constant 0 : i32
          %dma_start3A_212 = arith.constant 0 : i32
          %dma_start3A_213 = tpu.memref_slice %arg8[%dma_start3A_211, %dma_start3A_212] : memref<10240x128xf32, #tpu.memory_space<vmem_shared>> -> memref<10240x128xf32, #tpu.memory_space<vmem_shared>>
          tpu.enqueue_indirect_dma source(%arg6 : memref<128x128xf32, #tpu.memory_space<vmem>>) target(%dma_start3A_213 : memref<10240x128xf32, #tpu.memory_space<vmem_shared>>) offsets(%dma_start3A_210 : memref<128xi32, #tpu.memory_space<vmem>>) semaphore(%run_scoped3A_207 : memref<!tpu.dma_semaphore, #tpu.memory_space<semaphore_mem>>) {add = true}
          %dma_wait3A_214 = arith.constant 0 : i32
          %dma_wait3A_215 = tpu.memref_slice %arg5[%mul3A_168, %run_scoped3A_185, %dma_wait3A_214] : memref<60x2x128xi32, #tpu.memory_space<vmem>> -> memref<1x1x128xi32, #tpu.memory_space<vmem>>
          %dma_wait3A_216 = tpu.memref_squeeze %dma_wait3A_215 : memref<1x1x128xi32, #tpu.memory_space<vmem>> -> memref<128xi32, #tpu.memory_space<vmem>>
          %dma_wait3A_217 = arith.constant 0 : i32
          %dma_wait3A_218 = arith.constant 0 : i32
          %dma_wait3A_219 = tpu.memref_slice %arg8[%dma_wait3A_217, %dma_wait3A_218] : memref<10240x128xf32, #tpu.memory_space<vmem_shared>> -> memref<10240x128xf32, #tpu.memory_space<vmem_shared>>
          tpu.wait_indirect_dma semaphore(%run_scoped3A_207 : memref<!tpu.dma_semaphore, #tpu.memory_space<semaphore_mem>>) src(%arg6 : memref<128x128xf32, #tpu.memory_space<vmem>>) dst(%dma_wait3A_219 : memref<10240x128xf32, #tpu.memory_space<vmem_shared>>)
          tpu.yield
        }) : () -> ()
        %add3A_186 = arith.constant 2 : i32
        %add3A_187 = arith.addi %mul3A_168, %add3A_186 : i32
        %dma_start3A_188 = arith.constant 0 : i32
        %dma_start3A_189 = arith.constant 0 : i32
        %dma_start3A_190 = tpu.memref_slice %arg5[%add3A_187, %dma_start3A_188, %dma_start3A_189] : memref<60x2x128xi32, #tpu.memory_space<vmem>> -> memref<1x1x128xi32, #tpu.memory_space<vmem>>
        %dma_start3A_191 = tpu.memref_squeeze %dma_start3A_190 : memref<1x1x128xi32, #tpu.memory_space<vmem>> -> memref<128xi32, #tpu.memory_space<vmem>>
        %dma_start3A_192 = arith.constant 0 : i32
        %dma_start3A_193 = arith.constant 0 : i32
        %dma_start3A_194 = tpu.memref_slice %arg2[%dma_start3A_192, %dma_start3A_193] : memref<10240x128xf32, #tpu.memory_space<hbm>> -> memref<10240x128xf32, #tpu.memory_space<hbm>>
        tpu.enqueue_indirect_dma source(%dma_start3A_194 : memref<10240x128xf32, #tpu.memory_space<hbm>>) target(%arg6 : memref<128x128xf32, #tpu.memory_space<vmem>>) offsets(%dma_start3A_191 : memref<128xi32, #tpu.memory_space<vmem>>) semaphore(%arg9 : memref<!tpu.dma_semaphore, #tpu.memory_space<semaphore_mem>>)
        %add3A_195 = arith.constant 1 : i32
        %add3A_196 = arith.addi %mul3A_168, %add3A_195 : i32
        %dma_wait3A_197 = arith.constant 0 : i32
        %dma_wait3A_198 = arith.constant 0 : i32
        %dma_wait3A_199 = tpu.memref_slice %arg5[%add3A_196, %dma_wait3A_197, %dma_wait3A_198] : memref<60x2x128xi32, #tpu.memory_space<vmem>> -> memref<1x1x128xi32, #tpu.memory_space<vmem>>
        %dma_wait3A_200 = tpu.memref_squeeze %dma_wait3A_199 : memref<1x1x128xi32, #tpu.memory_space<vmem>> -> memref<128xi32, #tpu.memory_space<vmem>>
        %dma_wait3A_201 = arith.constant 0 : i32
        %dma_wait3A_202 = arith.constant 0 : i32
        %dma_wait3A_203 = tpu.memref_slice %arg2[%dma_wait3A_201, %dma_wait3A_202] : memref<10240x128xf32, #tpu.memory_space<hbm>> -> memref<10240x128xf32, #tpu.memory_space<hbm>>
        tpu.wait_indirect_dma semaphore(%arg10 : memref<!tpu.dma_semaphore, #tpu.memory_space<semaphore_mem>>) src(%dma_wait3A_203 : memref<10240x128xf32, #tpu.memory_space<hbm>>) dst(%arg7 : memref<128x128xf32, #tpu.memory_space<vmem>>)
        %add3A_204 = arith.constant 1 : i32
        %add3A_205 = arith.addi %mul3A_168, %add3A_204 : i32
        %run_scoped3A_206 = arith.constant 1 : i32
        "tpu.region"() ({
          %run_scoped3A_207 = tpu.sem_alloc : memref<!tpu.dma_semaphore, #tpu.memory_space<semaphore_mem>>
          %dma_start3A_208 = arith.constant 0 : i32
          %dma_start3A_209 = tpu.memref_slice %arg5[%add3A_205, %run_scoped3A_206, %dma_start3A_208] : memref<60x2x128xi32, #tpu.memory_space<vmem>> -> memref<1x1x128xi32, #tpu.memory_space<vmem>>
          %dma_start3A_210 = tpu.memref_squeeze %dma_start3A_209 : memref<1x1x128xi32, #tpu.memory_space<vmem>> -> memref<128xi32, #tpu.memory_space<vmem>>
          %dma_start3A_211 = arith.constant 0 : i32
          %dma_start3A_212 = arith.constant 0 : i32
          %dma_start3A_213 = tpu.memref_slice %arg8[%dma_start3A_211, %dma_start3A_212] : memref<10240x128xf32, #tpu.memory_space<vmem_shared>> -> memref<10240x128xf32, #tpu.memory_space<vmem_shared>>
          tpu.enqueue_indirect_dma source(%arg7 : memref<128x128xf32, #tpu.memory_space<vmem>>) target(%dma_start3A_213 : memref<10240x128xf32, #tpu.memory_space<vmem_shared>>) offsets(%dma_start3A_210 : memref<128xi32, #tpu.memory_space<vmem>>) semaphore(%run_scoped3A_207 : memref<!tpu.dma_semaphore, #tpu.memory_space<semaphore_mem>>) {add = true}
          %dma_wait3A_214 = arith.constant 0 : i32
          %dma_wait3A_215 = tpu.memref_slice %arg5[%add3A_205, %run_scoped3A_206, %dma_wait3A_214] : memref<60x2x128xi32, #tpu.memory_space<vmem>> -> memref<1x1x128xi32, #tpu.memory_space<vmem>>
          %dma_wait3A_216 = tpu.memref_squeeze %dma_wait3A_215 : memref<1x1x128xi32, #tpu.memory_space<vmem>> -> memref<128xi32, #tpu.memory_space<vmem>>
          %dma_wait3A_217 = arith.constant 0 : i32
          %dma_wait3A_218 = arith.constant 0 : i32
          %dma_wait3A_219 = tpu.memref_slice %arg8[%dma_wait3A_217, %dma_wait3A_218] : memref<10240x128xf32, #tpu.memory_space<vmem_shared>> -> memref<10240x128xf32, #tpu.memory_space<vmem_shared>>
          tpu.wait_indirect_dma semaphore(%run_scoped3A_207 : memref<!tpu.dma_semaphore, #tpu.memory_space<semaphore_mem>>) src(%arg7 : memref<128x128xf32, #tpu.memory_space<vmem>>) dst(%dma_wait3A_219 : memref<10240x128xf32, #tpu.memory_space<vmem_shared>>)
          tpu.yield
        }) : () -> ()
      }
      %scan3A_133 = arith.constant 14 : i32
      %dma_start3A_134 = arith.constant 29 : i32
      %dma_start3A_135 = arith.constant 0 : i32
      %dma_start3A_136 = arith.constant 0 : i32
      %dma_start3A_137 = tpu.memref_slice %arg5[%dma_start3A_134, %dma_start3A_135, %dma_start3A_136] : memref<60x2x128xi32, #tpu.memory_space<vmem>> -> memref<1x1x128xi32, #tpu.memory_space<vmem>>
      %dma_start3A_138 = tpu.memref_squeeze %dma_start3A_137 : memref<1x1x128xi32, #tpu.memory_space<vmem>> -> memref<128xi32, #tpu.memory_space<vmem>>
      %dma_start3A_139 = arith.constant 0 : i32
      %dma_start3A_140 = arith.constant 0 : i32
      %dma_start3A_141 = tpu.memref_slice %arg2[%dma_start3A_139, %dma_start3A_140] : memref<10240x128xf32, #tpu.memory_space<hbm>> -> memref<10240x128xf32, #tpu.memory_space<hbm>>
      tpu.enqueue_indirect_dma source(%dma_start3A_141 : memref<10240x128xf32, #tpu.memory_space<hbm>>) target(%arg7 : memref<128x128xf32, #tpu.memory_space<vmem>>) offsets(%dma_start3A_138 : memref<128xi32, #tpu.memory_space<vmem>>) semaphore(%arg10 : memref<!tpu.dma_semaphore, #tpu.memory_space<semaphore_mem>>)
      %dma_wait3A_142 = arith.constant 28 : i32
      %dma_wait3A_143 = arith.constant 0 : i32
      %dma_wait3A_144 = arith.constant 0 : i32
      %dma_wait3A_145 = tpu.memref_slice %arg5[%dma_wait3A_142, %dma_wait3A_143, %dma_wait3A_144] : memref<60x2x128xi32, #tpu.memory_space<vmem>> -> memref<1x1x128xi32, #tpu.memory_space<vmem>>
      %dma_wait3A_146 = tpu.memref_squeeze %dma_wait3A_145 : memref<1x1x128xi32, #tpu.memory_space<vmem>> -> memref<128xi32, #tpu.memory_space<vmem>>
      %dma_wait3A_147 = arith.constant 0 : i32
      %dma_wait3A_148 = arith.constant 0 : i32
      %dma_wait3A_149 = tpu.memref_slice %arg2[%dma_wait3A_147, %dma_wait3A_148] : memref<10240x128xf32, #tpu.memory_space<hbm>> -> memref<10240x128xf32, #tpu.memory_space<hbm>>
      tpu.wait_indirect_dma semaphore(%arg9 : memref<!tpu.dma_semaphore, #tpu.memory_space<semaphore_mem>>) src(%dma_wait3A_149 : memref<10240x128xf32, #tpu.memory_space<hbm>>) dst(%arg6 : memref<128x128xf32, #tpu.memory_space<vmem>>)
      %run_scoped3A_150 = arith.constant 28 : i32
      %run_scoped3A_151 = arith.constant 1 : i32
      "tpu.region"() ({
        %run_scoped3A_162 = tpu.sem_alloc : memref<!tpu.dma_semaphore, #tpu.memory_space<semaphore_mem>>
        %dma_start3A_163 = arith.constant 0 : i32
        %dma_start3A_164 = tpu.memref_slice %arg5[%run_scoped3A_150, %run_scoped3A_151, %dma_start3A_163] : memref<60x2x128xi32, #tpu.memory_space<vmem>> -> memref<1x1x128xi32, #tpu.memory_space<vmem>>
        %dma_start3A_165 = tpu.memref_squeeze %dma_start3A_164 : memref<1x1x128xi32, #tpu.memory_space<vmem>> -> memref<128xi32, #tpu.memory_space<vmem>>
        %dma_start3A_166 = arith.constant 0 : i32
        %dma_start3A_167 = arith.constant 0 : i32
        %dma_start3A_168 = tpu.memref_slice %arg8[%dma_start3A_166, %dma_start3A_167] : memref<10240x128xf32, #tpu.memory_space<vmem_shared>> -> memref<10240x128xf32, #tpu.memory_space<vmem_shared>>
        tpu.enqueue_indirect_dma source(%arg6 : memref<128x128xf32, #tpu.memory_space<vmem>>) target(%dma_start3A_168 : memref<10240x128xf32, #tpu.memory_space<vmem_shared>>) offsets(%dma_start3A_165 : memref<128xi32, #tpu.memory_space<vmem>>) semaphore(%run_scoped3A_162 : memref<!tpu.dma_semaphore, #tpu.memory_space<semaphore_mem>>) {add = true}
        %dma_wait3A_169 = arith.constant 0 : i32
        %dma_wait3A_170 = tpu.memref_slice %arg5[%run_scoped3A_150, %run_scoped3A_151, %dma_wait3A_169] : memref<60x2x128xi32, #tpu.memory_space<vmem>> -> memref<1x1x128xi32, #tpu.memory_space<vmem>>
        %dma_wait3A_171 = tpu.memref_squeeze %dma_wait3A_170 : memref<1x1x128xi32, #tpu.memory_space<vmem>> -> memref<128xi32, #tpu.memory_space<vmem>>
        %dma_wait3A_172 = arith.constant 0 : i32
        %dma_wait3A_173 = arith.constant 0 : i32
        %dma_wait3A_174 = tpu.memref_slice %arg8[%dma_wait3A_172, %dma_wait3A_173] : memref<10240x128xf32, #tpu.memory_space<vmem_shared>> -> memref<10240x128xf32, #tpu.memory_space<vmem_shared>>
        tpu.wait_indirect_dma semaphore(%run_scoped3A_162 : memref<!tpu.dma_semaphore, #tpu.memory_space<semaphore_mem>>) src(%arg6 : memref<128x128xf32, #tpu.memory_space<vmem>>) dst(%dma_wait3A_174 : memref<10240x128xf32, #tpu.memory_space<vmem_shared>>)
        tpu.yield
      }) : () -> ()
      %dma_wait3A_152 = arith.constant 29 : i32
      %dma_wait3A_153 = arith.constant 0 : i32
      %dma_wait3A_154 = arith.constant 0 : i32
      %dma_wait3A_155 = tpu.memref_slice %arg5[%dma_wait3A_152, %dma_wait3A_153, %dma_wait3A_154] : memref<60x2x128xi32, #tpu.memory_space<vmem>> -> memref<1x1x128xi32, #tpu.memory_space<vmem>>
      %dma_wait3A_156 = tpu.memref_squeeze %dma_wait3A_155 : memref<1x1x128xi32, #tpu.memory_space<vmem>> -> memref<128xi32, #tpu.memory_space<vmem>>
      %dma_wait3A_157 = arith.constant 0 : i32
      %dma_wait3A_158 = arith.constant 0 : i32
      %dma_wait3A_159 = tpu.memref_slice %arg2[%dma_wait3A_157, %dma_wait3A_158] : memref<10240x128xf32, #tpu.memory_space<hbm>> -> memref<10240x128xf32, #tpu.memory_space<hbm>>
      tpu.wait_indirect_dma semaphore(%arg10 : memref<!tpu.dma_semaphore, #tpu.memory_space<semaphore_mem>>) src(%dma_wait3A_159 : memref<10240x128xf32, #tpu.memory_space<hbm>>) dst(%arg7 : memref<128x128xf32, #tpu.memory_space<vmem>>)
      %run_scoped3A_160 = arith.constant 29 : i32
      %run_scoped3A_161 = arith.constant 1 : i32
      "tpu.region"() ({
        %run_scoped3A_162 = tpu.sem_alloc : memref<!tpu.dma_semaphore, #tpu.memory_space<semaphore_mem>>
        %dma_start3A_163 = arith.constant 0 : i32
        %dma_start3A_164 = tpu.memref_slice %arg5[%run_scoped3A_160, %run_scoped3A_161, %dma_start3A_163] : memref<60x2x128xi32, #tpu.memory_space<vmem>> -> memref<1x1x128xi32, #tpu.memory_space<vmem>>
        %dma_start3A_165 = tpu.memref_squeeze %dma_start3A_164 : memref<1x1x128xi32, #tpu.memory_space<vmem>> -> memref<128xi32, #tpu.memory_space<vmem>>
        %dma_start3A_166 = arith.constant 0 : i32
        %dma_start3A_167 = arith.constant 0 : i32
        %dma_start3A_168 = tpu.memref_slice %arg8[%dma_start3A_166, %dma_start3A_167] : memref<10240x128xf32, #tpu.memory_space<vmem_shared>> -> memref<10240x128xf32, #tpu.memory_space<vmem_shared>>
        tpu.enqueue_indirect_dma source(%arg7 : memref<128x128xf32, #tpu.memory_space<vmem>>) target(%dma_start3A_168 : memref<10240x128xf32, #tpu.memory_space<vmem_shared>>) offsets(%dma_start3A_165 : memref<128xi32, #tpu.memory_space<vmem>>) semaphore(%run_scoped3A_162 : memref<!tpu.dma_semaphore, #tpu.memory_space<semaphore_mem>>) {add = true}
        %dma_wait3A_169 = arith.constant 0 : i32
        %dma_wait3A_170 = tpu.memref_slice %arg5[%run_scoped3A_160, %run_scoped3A_161, %dma_wait3A_169] : memref<60x2x128xi32, #tpu.memory_space<vmem>> -> memref<1x1x128xi32, #tpu.memory_space<vmem>>
        %dma_wait3A_171 = tpu.memref_squeeze %dma_wait3A_170 : memref<1x1x128xi32, #tpu.memory_space<vmem>> -> memref<128xi32, #tpu.memory_space<vmem>>
        %dma_wait3A_172 = arith.constant 0 : i32
        %dma_wait3A_173 = arith.constant 0 : i32
        %dma_wait3A_174 = tpu.memref_slice %arg8[%dma_wait3A_172, %dma_wait3A_173] : memref<10240x128xf32, #tpu.memory_space<vmem_shared>> -> memref<10240x128xf32, #tpu.memory_space<vmem_shared>>
        tpu.wait_indirect_dma semaphore(%run_scoped3A_162 : memref<!tpu.dma_semaphore, #tpu.memory_space<semaphore_mem>>) src(%arg7 : memref<128x128xf32, #tpu.memory_space<vmem>>) dst(%dma_wait3A_174 : memref<10240x128xf32, #tpu.memory_space<vmem_shared>>)
        tpu.yield
      }) : () -> ()
    } else {
    }
    %ne3A = arith.constant 0 : i32
    %ne3A_25 = arith.cmpi ne, %arg0, %ne3A : i32
    %convert_element_type3A_26 = arith.extui %ne3A_25 : i1 to i32
    %cond3A_27 = arith.constant 0 : i32
    %cond3A_28 = arith.cmpi ne, %convert_element_type3A_26, %cond3A_27 : i32
    scf.if %cond3A_28 {
      %mul3A_34 = arith.constant 8 : i32
      %mul3A_35 = arith.muli %arg1, %mul3A_34 : i32
      %add3A_36 = arith.constant 2400 : i32
      %add3A_37 = arith.addi %add3A_36, %mul3A_35 : i32
      %add3A_38 = arith.constant 0 : i32
      %add3A_39 = arith.addi %add3A_37, %add3A_38 : i32
      "tpu.region"() ({
        %run_scoped3A_78 = tpu.sem_alloc : memref<!tpu.dma_semaphore, #tpu.memory_space<semaphore_mem>>
        %dma_start3A_79 = arith.constant 0 : i32
        %dma_start3A_80 = arith.constant 0 : i32
        %dma_start3A_81 = arith.constant 0 : i32
        %dma_start3A_82 = tpu.memref_slice %arg5[%dma_start3A_79, %dma_start3A_80, %dma_start3A_81] : memref<60x2x128xi32, #tpu.memory_space<vmem>> -> memref<8x2x128xi32, #tpu.memory_space<vmem>>
        %dma_start3A_83 = arith.constant 0 : i32
        %dma_start3A_84 = arith.constant 0 : i32
        %dma_start3A_85 = tpu.memref_slice %arg3[%add3A_39, %dma_start3A_83, %dma_start3A_84] : memref<2528x2x128xi32, #tpu.memory_space<hbm>> -> memref<8x2x128xi32, #tpu.memory_space<hbm>>
        %dma_start3A_86 = arith.constant 0 : i32
        %dma_start3A_87 = arith.constant 0 : i32
        %dma_start3A_88 = arith.constant 0 : i32
        %dma_start3A_89 = tpu.memref_slice %arg5[%dma_start3A_86, %dma_start3A_87, %dma_start3A_88] : memref<60x2x128xi32, #tpu.memory_space<vmem>> -> memref<8x2x128xi32, #tpu.memory_space<vmem>>
        %dma_start3A_90 = arith.constant 0 : i32
        %dma_start3A_91 = arith.constant 0 : i32
        %dma_start3A_92 = tpu.memref_slice %arg3[%add3A_39, %dma_start3A_90, %dma_start3A_91] : memref<2528x2x128xi32, #tpu.memory_space<hbm>> -> memref<8x2x128xi32, #tpu.memory_space<hbm>>
        tpu.enqueue_dma source(%dma_start3A_92 : memref<8x2x128xi32, #tpu.memory_space<hbm>>) target(%dma_start3A_89 : memref<8x2x128xi32, #tpu.memory_space<vmem>>) target_semaphore(%run_scoped3A_78 : memref<!tpu.dma_semaphore, #tpu.memory_space<semaphore_mem>>)
        %dma_wait3A_93 = arith.constant 0 : i32
        %dma_wait3A_94 = arith.constant 0 : i32
        %dma_wait3A_95 = arith.constant 0 : i32
        %dma_wait3A_96 = tpu.memref_slice %arg5[%dma_wait3A_93, %dma_wait3A_94, %dma_wait3A_95] : memref<60x2x128xi32, #tpu.memory_space<vmem>> -> memref<8x2x128xi32, #tpu.memory_space<vmem>>
        %dma_wait3A_97 = arith.constant 0 : i32
        %dma_wait3A_98 = arith.constant 0 : i32
        %dma_wait3A_99 = tpu.memref_slice %arg3[%add3A_39, %dma_wait3A_97, %dma_wait3A_98] : memref<2528x2x128xi32, #tpu.memory_space<hbm>> -> memref<8x2x128xi32, #tpu.memory_space<hbm>>
        %dma_wait3A_100 = arith.constant 0 : i32
        %dma_wait3A_101 = arith.constant 0 : i32
        %dma_wait3A_102 = arith.constant 0 : i32
        %dma_wait3A_103 = tpu.memref_slice %arg5[%dma_wait3A_100, %dma_wait3A_101, %dma_wait3A_102] : memref<60x2x128xi32, #tpu.memory_space<vmem>> -> memref<8x2x128xi32, #tpu.memory_space<vmem>>
        %dma_wait3A_104 = arith.constant 0 : i32
        %dma_wait3A_105 = arith.constant 0 : i32
        %dma_wait3A_106 = tpu.memref_slice %arg3[%add3A_39, %dma_wait3A_104, %dma_wait3A_105] : memref<2528x2x128xi32, #tpu.memory_space<hbm>> -> memref<8x2x128xi32, #tpu.memory_space<hbm>>
        tpu.wait_dma2 semaphore(%run_scoped3A_78 : memref<!tpu.dma_semaphore, #tpu.memory_space<semaphore_mem>>) src(%dma_wait3A_106 : memref<8x2x128xi32, #tpu.memory_space<hbm>>) dst(%dma_wait3A_103 : memref<8x2x128xi32, #tpu.memory_space<vmem>>)
        tpu.yield
      }) : () -> ()
      %dma_start3A = arith.constant 0 : i32
      %dma_start3A_40 = arith.constant 0 : i32
      %dma_start3A_41 = arith.constant 0 : i32
      %dma_start3A_42 = tpu.memref_slice %arg5[%dma_start3A, %dma_start3A_40, %dma_start3A_41] : memref<60x2x128xi32, #tpu.memory_space<vmem>> -> memref<1x1x128xi32, #tpu.memory_space<vmem>>
      %dma_start3A_43 = tpu.memref_squeeze %dma_start3A_42 : memref<1x1x128xi32, #tpu.memory_space<vmem>> -> memref<128xi32, #tpu.memory_space<vmem>>
      %dma_start3A_44 = arith.constant 0 : i32
      %dma_start3A_45 = arith.constant 0 : i32
      %dma_start3A_46 = tpu.memref_slice %arg2[%dma_start3A_44, %dma_start3A_45] : memref<10240x128xf32, #tpu.memory_space<hbm>> -> memref<10240x128xf32, #tpu.memory_space<hbm>>
      tpu.enqueue_indirect_dma source(%dma_start3A_46 : memref<10240x128xf32, #tpu.memory_space<hbm>>) target(%arg6 : memref<128x128xf32, #tpu.memory_space<vmem>>) offsets(%dma_start3A_43 : memref<128xi32, #tpu.memory_space<vmem>>) semaphore(%arg9 : memref<!tpu.dma_semaphore, #tpu.memory_space<semaphore_mem>>)
      %scan3A_47 = arith.constant 0 : i32
      %scan3A_48 = arith.constant 3 : i32
      %scan3A_49 = arith.addi %scan3A_47, %scan3A_48 : i32
      %scan3A_50 = arith.constant 1 : i32
      scf.for %scan3A_78 = %scan3A_47 to %scan3A_49 step %scan3A_50  : i32 {
        %mul3A_79 = arith.constant 1 : i32
        %mul3A_80 = arith.muli %scan3A_78, %mul3A_79 : i32
        %add3A_81 = arith.constant 0 : i32
        %add3A_82 = arith.addi %add3A_81, %mul3A_80 : i32
        %mul3A_83 = arith.constant 2 : i32
        %mul3A_84 = arith.muli %mul3A_83, %add3A_82 : i32
        %add3A_85 = arith.constant 1 : i32
        %add3A_86 = arith.addi %mul3A_84, %add3A_85 : i32
        %dma_start3A_87 = arith.constant 0 : i32
        %dma_start3A_88 = arith.constant 0 : i32
        %dma_start3A_89 = tpu.memref_slice %arg5[%add3A_86, %dma_start3A_87, %dma_start3A_88] : memref<60x2x128xi32, #tpu.memory_space<vmem>> -> memref<1x1x128xi32, #tpu.memory_space<vmem>>
        %dma_start3A_90 = tpu.memref_squeeze %dma_start3A_89 : memref<1x1x128xi32, #tpu.memory_space<vmem>> -> memref<128xi32, #tpu.memory_space<vmem>>
        %dma_start3A_91 = arith.constant 0 : i32
        %dma_start3A_92 = arith.constant 0 : i32
        %dma_start3A_93 = tpu.memref_slice %arg2[%dma_start3A_91, %dma_start3A_92] : memref<10240x128xf32, #tpu.memory_space<hbm>> -> memref<10240x128xf32, #tpu.memory_space<hbm>>
        tpu.enqueue_indirect_dma source(%dma_start3A_93 : memref<10240x128xf32, #tpu.memory_space<hbm>>) target(%arg7 : memref<128x128xf32, #tpu.memory_space<vmem>>) offsets(%dma_start3A_90 : memref<128xi32, #tpu.memory_space<vmem>>) semaphore(%arg10 : memref<!tpu.dma_semaphore, #tpu.memory_space<semaphore_mem>>)
        %dma_wait3A_94 = arith.constant 0 : i32
        %dma_wait3A_95 = arith.constant 0 : i32
        %dma_wait3A_96 = tpu.memref_slice %arg5[%mul3A_84, %dma_wait3A_94, %dma_wait3A_95] : memref<60x2x128xi32, #tpu.memory_space<vmem>> -> memref<1x1x128xi32, #tpu.memory_space<vmem>>
        %dma_wait3A_97 = tpu.memref_squeeze %dma_wait3A_96 : memref<1x1x128xi32, #tpu.memory_space<vmem>> -> memref<128xi32, #tpu.memory_space<vmem>>
        %dma_wait3A_98 = arith.constant 0 : i32
        %dma_wait3A_99 = arith.constant 0 : i32
        %dma_wait3A_100 = tpu.memref_slice %arg2[%dma_wait3A_98, %dma_wait3A_99] : memref<10240x128xf32, #tpu.memory_space<hbm>> -> memref<10240x128xf32, #tpu.memory_space<hbm>>
        tpu.wait_indirect_dma semaphore(%arg9 : memref<!tpu.dma_semaphore, #tpu.memory_space<semaphore_mem>>) src(%dma_wait3A_100 : memref<10240x128xf32, #tpu.memory_space<hbm>>) dst(%arg6 : memref<128x128xf32, #tpu.memory_space<vmem>>)
        %run_scoped3A_101 = arith.constant 1 : i32
        "tpu.region"() ({
          %run_scoped3A_123 = tpu.sem_alloc : memref<!tpu.dma_semaphore, #tpu.memory_space<semaphore_mem>>
          %dma_start3A_124 = arith.constant 0 : i32
          %dma_start3A_125 = tpu.memref_slice %arg5[%mul3A_84, %run_scoped3A_101, %dma_start3A_124] : memref<60x2x128xi32, #tpu.memory_space<vmem>> -> memref<1x1x128xi32, #tpu.memory_space<vmem>>
          %dma_start3A_126 = tpu.memref_squeeze %dma_start3A_125 : memref<1x1x128xi32, #tpu.memory_space<vmem>> -> memref<128xi32, #tpu.memory_space<vmem>>
          %dma_start3A_127 = arith.constant 0 : i32
          %dma_start3A_128 = arith.constant 0 : i32
          %dma_start3A_129 = tpu.memref_slice %arg8[%dma_start3A_127, %dma_start3A_128] : memref<10240x128xf32, #tpu.memory_space<vmem_shared>> -> memref<10240x128xf32, #tpu.memory_space<vmem_shared>>
          tpu.enqueue_indirect_dma source(%arg6 : memref<128x128xf32, #tpu.memory_space<vmem>>) target(%dma_start3A_129 : memref<10240x128xf32, #tpu.memory_space<vmem_shared>>) offsets(%dma_start3A_126 : memref<128xi32, #tpu.memory_space<vmem>>) semaphore(%run_scoped3A_123 : memref<!tpu.dma_semaphore, #tpu.memory_space<semaphore_mem>>) {add = true}
          %dma_wait3A_130 = arith.constant 0 : i32
          %dma_wait3A_131 = tpu.memref_slice %arg5[%mul3A_84, %run_scoped3A_101, %dma_wait3A_130] : memref<60x2x128xi32, #tpu.memory_space<vmem>> -> memref<1x1x128xi32, #tpu.memory_space<vmem>>
          %dma_wait3A_132 = tpu.memref_squeeze %dma_wait3A_131 : memref<1x1x128xi32, #tpu.memory_space<vmem>> -> memref<128xi32, #tpu.memory_space<vmem>>
          %dma_wait3A_133 = arith.constant 0 : i32
          %dma_wait3A_134 = arith.constant 0 : i32
          %dma_wait3A_135 = tpu.memref_slice %arg8[%dma_wait3A_133, %dma_wait3A_134] : memref<10240x128xf32, #tpu.memory_space<vmem_shared>> -> memref<10240x128xf32, #tpu.memory_space<vmem_shared>>
          tpu.wait_indirect_dma semaphore(%run_scoped3A_123 : memref<!tpu.dma_semaphore, #tpu.memory_space<semaphore_mem>>) src(%arg6 : memref<128x128xf32, #tpu.memory_space<vmem>>) dst(%dma_wait3A_135 : memref<10240x128xf32, #tpu.memory_space<vmem_shared>>)
          tpu.yield
        }) : () -> ()
        %add3A_102 = arith.constant 2 : i32
        %add3A_103 = arith.addi %mul3A_84, %add3A_102 : i32
        %dma_start3A_104 = arith.constant 0 : i32
        %dma_start3A_105 = arith.constant 0 : i32
        %dma_start3A_106 = tpu.memref_slice %arg5[%add3A_103, %dma_start3A_104, %dma_start3A_105] : memref<60x2x128xi32, #tpu.memory_space<vmem>> -> memref<1x1x128xi32, #tpu.memory_space<vmem>>
        %dma_start3A_107 = tpu.memref_squeeze %dma_start3A_106 : memref<1x1x128xi32, #tpu.memory_space<vmem>> -> memref<128xi32, #tpu.memory_space<vmem>>
        %dma_start3A_108 = arith.constant 0 : i32
        %dma_start3A_109 = arith.constant 0 : i32
        %dma_start3A_110 = tpu.memref_slice %arg2[%dma_start3A_108, %dma_start3A_109] : memref<10240x128xf32, #tpu.memory_space<hbm>> -> memref<10240x128xf32, #tpu.memory_space<hbm>>
        tpu.enqueue_indirect_dma source(%dma_start3A_110 : memref<10240x128xf32, #tpu.memory_space<hbm>>) target(%arg6 : memref<128x128xf32, #tpu.memory_space<vmem>>) offsets(%dma_start3A_107 : memref<128xi32, #tpu.memory_space<vmem>>) semaphore(%arg9 : memref<!tpu.dma_semaphore, #tpu.memory_space<semaphore_mem>>)
        %add3A_111 = arith.constant 1 : i32
        %add3A_112 = arith.addi %mul3A_84, %add3A_111 : i32
        %dma_wait3A_113 = arith.constant 0 : i32
        %dma_wait3A_114 = arith.constant 0 : i32
        %dma_wait3A_115 = tpu.memref_slice %arg5[%add3A_112, %dma_wait3A_113, %dma_wait3A_114] : memref<60x2x128xi32, #tpu.memory_space<vmem>> -> memref<1x1x128xi32, #tpu.memory_space<vmem>>
        %dma_wait3A_116 = tpu.memref_squeeze %dma_wait3A_115 : memref<1x1x128xi32, #tpu.memory_space<vmem>> -> memref<128xi32, #tpu.memory_space<vmem>>
        %dma_wait3A_117 = arith.constant 0 : i32
        %dma_wait3A_118 = arith.constant 0 : i32
        %dma_wait3A_119 = tpu.memref_slice %arg2[%dma_wait3A_117, %dma_wait3A_118] : memref<10240x128xf32, #tpu.memory_space<hbm>> -> memref<10240x128xf32, #tpu.memory_space<hbm>>
        tpu.wait_indirect_dma semaphore(%arg10 : memref<!tpu.dma_semaphore, #tpu.memory_space<semaphore_mem>>) src(%dma_wait3A_119 : memref<10240x128xf32, #tpu.memory_space<hbm>>) dst(%arg7 : memref<128x128xf32, #tpu.memory_space<vmem>>)
        %add3A_120 = arith.constant 1 : i32
        %add3A_121 = arith.addi %mul3A_84, %add3A_120 : i32
        %run_scoped3A_122 = arith.constant 1 : i32
        "tpu.region"() ({
          %run_scoped3A_123 = tpu.sem_alloc : memref<!tpu.dma_semaphore, #tpu.memory_space<semaphore_mem>>
          %dma_start3A_124 = arith.constant 0 : i32
          %dma_start3A_125 = tpu.memref_slice %arg5[%add3A_121, %run_scoped3A_122, %dma_start3A_124] : memref<60x2x128xi32, #tpu.memory_space<vmem>> -> memref<1x1x128xi32, #tpu.memory_space<vmem>>
          %dma_start3A_126 = tpu.memref_squeeze %dma_start3A_125 : memref<1x1x128xi32, #tpu.memory_space<vmem>> -> memref<128xi32, #tpu.memory_space<vmem>>
          %dma_start3A_127 = arith.constant 0 : i32
          %dma_start3A_128 = arith.constant 0 : i32
          %dma_start3A_129 = tpu.memref_slice %arg8[%dma_start3A_127, %dma_start3A_128] : memref<10240x128xf32, #tpu.memory_space<vmem_shared>> -> memref<10240x128xf32, #tpu.memory_space<vmem_shared>>
          tpu.enqueue_indirect_dma source(%arg7 : memref<128x128xf32, #tpu.memory_space<vmem>>) target(%dma_start3A_129 : memref<10240x128xf32, #tpu.memory_space<vmem_shared>>) offsets(%dma_start3A_126 : memref<128xi32, #tpu.memory_space<vmem>>) semaphore(%run_scoped3A_123 : memref<!tpu.dma_semaphore, #tpu.memory_space<semaphore_mem>>) {add = true}
          %dma_wait3A_130 = arith.constant 0 : i32
          %dma_wait3A_131 = tpu.memref_slice %arg5[%add3A_121, %run_scoped3A_122, %dma_wait3A_130] : memref<60x2x128xi32, #tpu.memory_space<vmem>> -> memref<1x1x128xi32, #tpu.memory_space<vmem>>
          %dma_wait3A_132 = tpu.memref_squeeze %dma_wait3A_131 : memref<1x1x128xi32, #tpu.memory_space<vmem>> -> memref<128xi32, #tpu.memory_space<vmem>>
          %dma_wait3A_133 = arith.constant 0 : i32
          %dma_wait3A_134 = arith.constant 0 : i32
          %dma_wait3A_135 = tpu.memref_slice %arg8[%dma_wait3A_133, %dma_wait3A_134] : memref<10240x128xf32, #tpu.memory_space<vmem_shared>> -> memref<10240x128xf32, #tpu.memory_space<vmem_shared>>
          tpu.wait_indirect_dma semaphore(%run_scoped3A_123 : memref<!tpu.dma_semaphore, #tpu.memory_space<semaphore_mem>>) src(%arg7 : memref<128x128xf32, #tpu.memory_space<vmem>>) dst(%dma_wait3A_135 : memref<10240x128xf32, #tpu.memory_space<vmem_shared>>)
          tpu.yield
        }) : () -> ()
      }
      %scan3A_51 = arith.constant 3 : i32
      %dma_start3A_52 = arith.constant 7 : i32
      %dma_start3A_53 = arith.constant 0 : i32
      %dma_start3A_54 = arith.constant 0 : i32
      %dma_start3A_55 = tpu.memref_slice %arg5[%dma_start3A_52, %dma_start3A_53, %dma_start3A_54] : memref<60x2x128xi32, #tpu.memory_space<vmem>> -> memref<1x1x128xi32, #tpu.memory_space<vmem>>
      %dma_start3A_56 = tpu.memref_squeeze %dma_start3A_55 : memref<1x1x128xi32, #tpu.memory_space<vmem>> -> memref<128xi32, #tpu.memory_space<vmem>>
      %dma_start3A_57 = arith.constant 0 : i32
      %dma_start3A_58 = arith.constant 0 : i32
      %dma_start3A_59 = tpu.memref_slice %arg2[%dma_start3A_57, %dma_start3A_58] : memref<10240x128xf32, #tpu.memory_space<hbm>> -> memref<10240x128xf32, #tpu.memory_space<hbm>>
      tpu.enqueue_indirect_dma source(%dma_start3A_59 : memref<10240x128xf32, #tpu.memory_space<hbm>>) target(%arg7 : memref<128x128xf32, #tpu.memory_space<vmem>>) offsets(%dma_start3A_56 : memref<128xi32, #tpu.memory_space<vmem>>) semaphore(%arg10 : memref<!tpu.dma_semaphore, #tpu.memory_space<semaphore_mem>>)
      %dma_wait3A = arith.constant 6 : i32
      %dma_wait3A_60 = arith.constant 0 : i32
      %dma_wait3A_61 = arith.constant 0 : i32
      %dma_wait3A_62 = tpu.memref_slice %arg5[%dma_wait3A, %dma_wait3A_60, %dma_wait3A_61] : memref<60x2x128xi32, #tpu.memory_space<vmem>> -> memref<1x1x128xi32, #tpu.memory_space<vmem>>
      %dma_wait3A_63 = tpu.memref_squeeze %dma_wait3A_62 : memref<1x1x128xi32, #tpu.memory_space<vmem>> -> memref<128xi32, #tpu.memory_space<vmem>>
      %dma_wait3A_64 = arith.constant 0 : i32
      %dma_wait3A_65 = arith.constant 0 : i32
      %dma_wait3A_66 = tpu.memref_slice %arg2[%dma_wait3A_64, %dma_wait3A_65] : memref<10240x128xf32, #tpu.memory_space<hbm>> -> memref<10240x128xf32, #tpu.memory_space<hbm>>
      tpu.wait_indirect_dma semaphore(%arg9 : memref<!tpu.dma_semaphore, #tpu.memory_space<semaphore_mem>>) src(%dma_wait3A_66 : memref<10240x128xf32, #tpu.memory_space<hbm>>) dst(%arg6 : memref<128x128xf32, #tpu.memory_space<vmem>>)
      %run_scoped3A = arith.constant 6 : i32
      %run_scoped3A_67 = arith.constant 1 : i32
      "tpu.region"() ({
        %run_scoped3A_78 = tpu.sem_alloc : memref<!tpu.dma_semaphore, #tpu.memory_space<semaphore_mem>>
        %dma_start3A_79 = arith.constant 0 : i32
        %dma_start3A_80 = tpu.memref_slice %arg5[%run_scoped3A, %run_scoped3A_67, %dma_start3A_79] : memref<60x2x128xi32, #tpu.memory_space<vmem>> -> memref<1x1x128xi32, #tpu.memory_space<vmem>>
        %dma_start3A_81 = tpu.memref_squeeze %dma_start3A_80 : memref<1x1x128xi32, #tpu.memory_space<vmem>> -> memref<128xi32, #tpu.memory_space<vmem>>
        %dma_start3A_82 = arith.constant 0 : i32
        %dma_start3A_83 = arith.constant 0 : i32
        %dma_start3A_84 = tpu.memref_slice %arg8[%dma_start3A_82, %dma_start3A_83] : memref<10240x128xf32, #tpu.memory_space<vmem_shared>> -> memref<10240x128xf32, #tpu.memory_space<vmem_shared>>
        tpu.enqueue_indirect_dma source(%arg6 : memref<128x128xf32, #tpu.memory_space<vmem>>) target(%dma_start3A_84 : memref<10240x128xf32, #tpu.memory_space<vmem_shared>>) offsets(%dma_start3A_81 : memref<128xi32, #tpu.memory_space<vmem>>) semaphore(%run_scoped3A_78 : memref<!tpu.dma_semaphore, #tpu.memory_space<semaphore_mem>>) {add = true}
        %dma_wait3A_85 = arith.constant 0 : i32
        %dma_wait3A_86 = tpu.memref_slice %arg5[%run_scoped3A, %run_scoped3A_67, %dma_wait3A_85] : memref<60x2x128xi32, #tpu.memory_space<vmem>> -> memref<1x1x128xi32, #tpu.memory_space<vmem>>
        %dma_wait3A_87 = tpu.memref_squeeze %dma_wait3A_86 : memref<1x1x128xi32, #tpu.memory_space<vmem>> -> memref<128xi32, #tpu.memory_space<vmem>>
        %dma_wait3A_88 = arith.constant 0 : i32
        %dma_wait3A_89 = arith.constant 0 : i32
        %dma_wait3A_90 = tpu.memref_slice %arg8[%dma_wait3A_88, %dma_wait3A_89] : memref<10240x128xf32, #tpu.memory_space<vmem_shared>> -> memref<10240x128xf32, #tpu.memory_space<vmem_shared>>
        tpu.wait_indirect_dma semaphore(%run_scoped3A_78 : memref<!tpu.dma_semaphore, #tpu.memory_space<semaphore_mem>>) src(%arg6 : memref<128x128xf32, #tpu.memory_space<vmem>>) dst(%dma_wait3A_90 : memref<10240x128xf32, #tpu.memory_space<vmem_shared>>)
        tpu.yield
      }) : () -> ()
      %dma_wait3A_68 = arith.constant 7 : i32
      %dma_wait3A_69 = arith.constant 0 : i32
      %dma_wait3A_70 = arith.constant 0 : i32
      %dma_wait3A_71 = tpu.memref_slice %arg5[%dma_wait3A_68, %dma_wait3A_69, %dma_wait3A_70] : memref<60x2x128xi32, #tpu.memory_space<vmem>> -> memref<1x1x128xi32, #tpu.memory_space<vmem>>
      %dma_wait3A_72 = tpu.memref_squeeze %dma_wait3A_71 : memref<1x1x128xi32, #tpu.memory_space<vmem>> -> memref<128xi32, #tpu.memory_space<vmem>>
      %dma_wait3A_73 = arith.constant 0 : i32
      %dma_wait3A_74 = arith.constant 0 : i32
      %dma_wait3A_75 = tpu.memref_slice %arg2[%dma_wait3A_73, %dma_wait3A_74] : memref<10240x128xf32, #tpu.memory_space<hbm>> -> memref<10240x128xf32, #tpu.memory_space<hbm>>
      tpu.wait_indirect_dma semaphore(%arg10 : memref<!tpu.dma_semaphore, #tpu.memory_space<semaphore_mem>>) src(%dma_wait3A_75 : memref<10240x128xf32, #tpu.memory_space<hbm>>) dst(%arg7 : memref<128x128xf32, #tpu.memory_space<vmem>>)
      %run_scoped3A_76 = arith.constant 7 : i32
      %run_scoped3A_77 = arith.constant 1 : i32
      "tpu.region"() ({
        %run_scoped3A_78 = tpu.sem_alloc : memref<!tpu.dma_semaphore, #tpu.memory_space<semaphore_mem>>
        %dma_start3A_79 = arith.constant 0 : i32
        %dma_start3A_80 = tpu.memref_slice %arg5[%run_scoped3A_76, %run_scoped3A_77, %dma_start3A_79] : memref<60x2x128xi32, #tpu.memory_space<vmem>> -> memref<1x1x128xi32, #tpu.memory_space<vmem>>
        %dma_start3A_81 = tpu.memref_squeeze %dma_start3A_80 : memref<1x1x128xi32, #tpu.memory_space<vmem>> -> memref<128xi32, #tpu.memory_space<vmem>>
        %dma_start3A_82 = arith.constant 0 : i32
        %dma_start3A_83 = arith.constant 0 : i32
        %dma_start3A_84 = tpu.memref_slice %arg8[%dma_start3A_82, %dma_start3A_83] : memref<10240x128xf32, #tpu.memory_space<vmem_shared>> -> memref<10240x128xf32, #tpu.memory_space<vmem_shared>>
        tpu.enqueue_indirect_dma source(%arg7 : memref<128x128xf32, #tpu.memory_space<vmem>>) target(%dma_start3A_84 : memref<10240x128xf32, #tpu.memory_space<vmem_shared>>) offsets(%dma_start3A_81 : memref<128xi32, #tpu.memory_space<vmem>>) semaphore(%run_scoped3A_78 : memref<!tpu.dma_semaphore, #tpu.memory_space<semaphore_mem>>) {add = true}
        %dma_wait3A_85 = arith.constant 0 : i32
        %dma_wait3A_86 = tpu.memref_slice %arg5[%run_scoped3A_76, %run_scoped3A_77, %dma_wait3A_85] : memref<60x2x128xi32, #tpu.memory_space<vmem>> -> memref<1x1x128xi32, #tpu.memory_space<vmem>>
        %dma_wait3A_87 = tpu.memref_squeeze %dma_wait3A_86 : memref<1x1x128xi32, #tpu.memory_space<vmem>> -> memref<128xi32, #tpu.memory_space<vmem>>
        %dma_wait3A_88 = arith.constant 0 : i32
        %dma_wait3A_89 = arith.constant 0 : i32
        %dma_wait3A_90 = tpu.memref_slice %arg8[%dma_wait3A_88, %dma_wait3A_89] : memref<10240x128xf32, #tpu.memory_space<vmem_shared>> -> memref<10240x128xf32, #tpu.memory_space<vmem_shared>>
        tpu.wait_indirect_dma semaphore(%run_scoped3A_78 : memref<!tpu.dma_semaphore, #tpu.memory_space<semaphore_mem>>) src(%arg7 : memref<128x128xf32, #tpu.memory_space<vmem>>) dst(%dma_wait3A_90 : memref<10240x128xf32, #tpu.memory_space<vmem_shared>>)
        tpu.yield
      }) : () -> ()
    } else {
    }
    %barrier3A_29 = arith.constant 0 : index
    tpu.barrier barrier_id(%barrier3A_29)
    %mul3A_30 = arith.constant 640 : i32
    %mul3A_31 = arith.muli %arg1, %mul3A_30 : i32
    %mul3A_32 = arith.constant 640 : i32
    %mul3A_33 = arith.muli %arg1, %mul3A_32 : i32
    "tpu.region"() ({
      %run_scoped3A = tpu.sem_alloc : memref<!tpu.dma_semaphore, #tpu.memory_space<semaphore_mem>>
      %dma_start3A = arith.constant 0 : i32
      %dma_start3A_34 = tpu.memref_slice %arg4[%arg0, %mul3A_33, %dma_start3A] : memref<2x10240x128xf32, #tpu.memory_space<hbm>> -> memref<1x640x128xf32, #tpu.memory_space<hbm>>
      %dma_start3A_35 = tpu.memref_squeeze %dma_start3A_34 : memref<1x640x128xf32, #tpu.memory_space<hbm>> -> memref<640x128xf32, #tpu.memory_space<hbm>>
      %dma_start3A_36 = arith.constant 0 : i32
      %dma_start3A_37 = tpu.memref_slice %arg8[%mul3A_31, %dma_start3A_36] : memref<10240x128xf32, #tpu.memory_space<vmem_shared>> -> memref<640x128xf32, #tpu.memory_space<vmem_shared>>
      tpu.enqueue_dma source(%dma_start3A_37 : memref<640x128xf32, #tpu.memory_space<vmem_shared>>) target(%dma_start3A_35 : memref<640x128xf32, #tpu.memory_space<hbm>>) target_semaphore(%run_scoped3A : memref<!tpu.dma_semaphore, #tpu.memory_space<semaphore_mem>>)
      %dma_wait3A = arith.constant 0 : i32
      %dma_wait3A_38 = tpu.memref_slice %arg4[%arg0, %mul3A_33, %dma_wait3A] : memref<2x10240x128xf32, #tpu.memory_space<hbm>> -> memref<1x640x128xf32, #tpu.memory_space<hbm>>
      %dma_wait3A_39 = tpu.memref_squeeze %dma_wait3A_38 : memref<1x640x128xf32, #tpu.memory_space<hbm>> -> memref<640x128xf32, #tpu.memory_space<hbm>>
      %dma_wait3A_40 = arith.constant 0 : i32
      %dma_wait3A_41 = tpu.memref_slice %arg8[%mul3A_31, %dma_wait3A_40] : memref<10240x128xf32, #tpu.memory_space<vmem_shared>> -> memref<640x128xf32, #tpu.memory_space<vmem_shared>>
      tpu.wait_dma2 semaphore(%run_scoped3A : memref<!tpu.dma_semaphore, #tpu.memory_space<semaphore_mem>>) src(%dma_wait3A_41 : memref<640x128xf32, #tpu.memory_space<vmem_shared>>) dst(%dma_wait3A_39 : memref<640x128xf32, #tpu.memory_space<hbm>>)
      tpu.yield
    }) : () -> ()
    return
  }
}

module attributes {stable_mosaic.version = 14 : i64} {
  func.func @_mlp_body(%arg0: i32, %arg1: memref<1024x128xf32, #tpu.memory_space<vmem>>, %arg2: memref<2x1024x128xf32, #tpu.memory_space<vmem>>, %arg3: memref<128x128xf32, #tpu.memory_space<vmem>>, %arg4: memref<1x128xf32, #tpu.memory_space<vmem>>, %arg5: memref<128x128xf32, #tpu.memory_space<vmem>>, %arg6: memref<1x128xf32, #tpu.memory_space<vmem>>, %arg7: memref<1x1xf32, #tpu.memory_space<smem>>, %arg8: memref<1024x128xf32, #tpu.memory_space<vmem>>) attributes {dimension_semantics = [#tpu.dimension_semantics<arbitrary>], iteration_bounds = array<i64: 10>, scalar_prefetch = 0 : i64, scratch_operands = 0 : i64, tpu.core_type = #tpu.core_type<tc>, window_params = [{transform_indices = @transform_0, window_bounds = array<i64: 1024, 128>}, {transform_indices = @transform_1, window_bounds = array<i64: 2, 1024, 128>}, {pipeline_mode = #tpu.pipeline_mode<synchronous>, transform_indices = @transform_2, window_bounds = array<i64: 128, 128>}, {pipeline_mode = #tpu.pipeline_mode<synchronous>, transform_indices = @transform_3, window_bounds = array<i64: 1, 128>}, {pipeline_mode = #tpu.pipeline_mode<synchronous>, transform_indices = @transform_4, window_bounds = array<i64: 128, 128>}, {pipeline_mode = #tpu.pipeline_mode<synchronous>, transform_indices = @transform_5, window_bounds = array<i64: 1, 128>}, {transform_indices = @transform_6, window_bounds = array<i64: 1, 1>}, {transform_indices = @transform_7, window_bounds = array<i64: 1024, 128>}]} {
    %get3A = arith.constant 0 : index
    %get3A_0 = arith.constant 0 : index
    %get3A_1 = memref.load %arg7[%get3A, %get3A_0] : memref<1x1xf32, #tpu.memory_space<smem>>
    %get3A_2 = arith.constant 0 : index
    %get3A_3 = arith.constant 0 : index
    %get3A_4 = vector.load %arg1[%get3A_2, %get3A_3] : memref<1024x128xf32, #tpu.memory_space<vmem>>, vector<1024x128xf32>
    %mul3A = vector.broadcast %get3A_1 : f32 to vector<1024x128xf32>
    %mul3A_5 = arith.mulf %get3A_4, %mul3A : vector<1024x128xf32>
    %get3A_6 = arith.constant 0 : index
    %get3A_7 = arith.constant 0 : index
    %get3A_8 = arith.constant 0 : index
    %get3A_9 = vector.load %arg2[%get3A_6, %get3A_7, %get3A_8] : memref<2x1024x128xf32, #tpu.memory_space<vmem>>, vector<1x1024x128xf32>
    %get3A_10 = vector.shape_cast %get3A_9 : vector<1x1024x128xf32> to vector<1024x128xf32>
    %add3A = arith.addf %mul3A_5, %get3A_10 : vector<1024x128xf32>
    %get3A_11 = arith.constant 1 : index
    %get3A_12 = arith.constant 0 : index
    %get3A_13 = arith.constant 0 : index
    %get3A_14 = vector.load %arg2[%get3A_11, %get3A_12, %get3A_13] : memref<2x1024x128xf32, #tpu.memory_space<vmem>>, vector<1x1024x128xf32>
    %get3A_15 = vector.shape_cast %get3A_14 : vector<1x1024x128xf32> to vector<1024x128xf32>
    %add3A_16 = arith.addf %add3A, %get3A_15 : vector<1024x128xf32>
    %get3A_17 = arith.constant 0 : index
    %get3A_18 = arith.constant 0 : index
    %get3A_19 = vector.load %arg3[%get3A_17, %get3A_18] : memref<128x128xf32, #tpu.memory_space<vmem>>, vector<128x128xf32>
    %dot_general3A = arith.constant dense<0.000000e+00> : vector<1024x128xf32>
    %dot_general3A_20 = tpu.matmul %add3A_16, %get3A_19, %dot_general3A {dimension_numbers = #tpu.dot_dimension_numbers<[1], [0], [0], [1], [0, 0, 1, 1], [], []>, transpose_lhs_hint = false} : vector<1024x128xf32>, vector<128x128xf32>, vector<1024x128xf32> -> vector<1024x128xf32>
    %get3A_21 = arith.constant 0 : index
    %get3A_22 = arith.constant 0 : index
    %get3A_23 = vector.load %arg4[%get3A_21, %get3A_22] : memref<1x128xf32, #tpu.memory_space<vmem>>, vector<1x128xf32>
    %add3A_24 = vector.broadcast %get3A_23 : vector<1x128xf32> to vector<1024x128xf32>
    %add3A_25 = arith.addf %dot_general3A_20, %add3A_24 : vector<1024x128xf32>
    %max3A = arith.constant 0.000000e+00 : f32
    %max3A_26 = vector.broadcast %max3A : f32 to vector<1024x128xf32>
    %max3A_27 = arith.maximumf %add3A_25, %max3A_26 : vector<1024x128xf32>
    %get3A_28 = arith.constant 0 : index
    %get3A_29 = arith.constant 0 : index
    %get3A_30 = vector.load %arg5[%get3A_28, %get3A_29] : memref<128x128xf32, #tpu.memory_space<vmem>>, vector<128x128xf32>
    %dot_general3A_31 = arith.constant dense<0.000000e+00> : vector<1024x128xf32>
    %dot_general3A_32 = tpu.matmul %max3A_27, %get3A_30, %dot_general3A_31 {dimension_numbers = #tpu.dot_dimension_numbers<[1], [0], [0], [1], [0, 0, 1, 1], [], []>, transpose_lhs_hint = false} : vector<1024x128xf32>, vector<128x128xf32>, vector<1024x128xf32> -> vector<1024x128xf32>
    %get3A_33 = arith.constant 0 : index
    %get3A_34 = arith.constant 0 : index
    %get3A_35 = vector.load %arg6[%get3A_33, %get3A_34] : memref<1x128xf32, #tpu.memory_space<vmem>>, vector<1x128xf32>
    %add3A_36 = vector.broadcast %get3A_35 : vector<1x128xf32> to vector<1024x128xf32>
    %add3A_37 = arith.addf %dot_general3A_32, %add3A_36 : vector<1024x128xf32>
    %max3A_38 = arith.constant 0.000000e+00 : f32
    %max3A_39 = vector.broadcast %max3A_38 : f32 to vector<1024x128xf32>
    %max3A_40 = arith.maximumf %add3A_37, %max3A_39 : vector<1024x128xf32>
    %swap3A = arith.constant 0 : index
    %swap3A_41 = arith.constant 0 : index
    %swap3A_42 = vector.load %arg8[%swap3A, %swap3A_41] : memref<1024x128xf32, #tpu.memory_space<vmem>>, vector<1024x128xf32>
    tpu.vector_store %arg8[%swap3A, %swap3A_41], %max3A_40 {strides = array<i32>} : memref<1024x128xf32, #tpu.memory_space<vmem>>, vector<1024x128xf32>,
    return
  }
  func.func @transform_0(%arg0: i32) -> (i32, i32) {
    %c0_i32 = arith.constant 0 : i32
    %c0_i32_0 = arith.constant 0 : i32
    return %arg0, %c0_i32 : i32, i32
  }
  func.func @transform_1(%arg0: i32) -> (i32, i32, i32) {
    %c0_i32 = arith.constant 0 : i32
    %c0_i32_0 = arith.constant 0 : i32
    %c0_i32_1 = arith.constant 0 : i32
    return %c0_i32, %arg0, %c0_i32_0 : i32, i32, i32
  }
  func.func @transform_2(%arg0: i32) -> (i32, i32) {
    %c0_i32 = arith.constant 0 : i32
    %c0_i32_0 = arith.constant 0 : i32
    %c0_i32_1 = arith.constant 0 : i32
    return %c0_i32, %c0_i32_0 : i32, i32
  }
  func.func @transform_3(%arg0: i32) -> (i32, i32) {
    %c0_i32 = arith.constant 0 : i32
    %c0_i32_0 = arith.constant 0 : i32
    %c0_i32_1 = arith.constant 0 : i32
    return %c0_i32, %c0_i32_0 : i32, i32
  }
  func.func @transform_4(%arg0: i32) -> (i32, i32) {
    %c0_i32 = arith.constant 0 : i32
    %c0_i32_0 = arith.constant 0 : i32
    %c0_i32_1 = arith.constant 0 : i32
    return %c0_i32, %c0_i32_0 : i32, i32
  }
  func.func @transform_5(%arg0: i32) -> (i32, i32) {
    %c0_i32 = arith.constant 0 : i32
    %c0_i32_0 = arith.constant 0 : i32
    %c0_i32_1 = arith.constant 0 : i32
    return %c0_i32, %c0_i32_0 : i32, i32
  }
  func.func @transform_6(%arg0: i32) -> (i32, i32) {
    %c0_i32 = arith.constant 0 : i32
    %c0_i32_0 = arith.constant 0 : i32
    %c0_i32_1 = arith.constant 0 : i32
    return %c0_i32, %c0_i32_0 : i32, i32
  }
  func.func @transform_7(%arg0: i32) -> (i32, i32) {
    %c0_i32 = arith.constant 0 : i32
    %c0_i32_0 = arith.constant 0 : i32
    return %arg0, %c0_i32 : i32, i32
  }
}

module attributes {stable_mosaic.version = 14 : i64} {
  func.func @body(%arg0: i32, %arg1: memref<1024x128xf32, #tpu.memory_space<vmem>>, %arg2: memref<2x1024x128xf32, #tpu.memory_space<vmem>>, %arg3: memref<128x128xf32, #tpu.memory_space<vmem>>, %arg4: memref<1x128xf32, #tpu.memory_space<vmem>>, %arg5: memref<128x128xf32, #tpu.memory_space<vmem>>, %arg6: memref<1x128xf32, #tpu.memory_space<vmem>>, %arg7: memref<1x1xf32, #tpu.memory_space<smem>>, %arg8: memref<1x1x1024xi32, #tpu.memory_space<vmem>>, %arg9: memref<128x128xf32, #tpu.memory_space<vmem>>, %arg10: memref<1x128xf32, #tpu.memory_space<vmem>>, %arg11: memref<128x1xf32, #tpu.memory_space<vmem>>, %arg12: memref<1x1xf32, #tpu.memory_space<smem>>, %arg13: memref<64x1xf32, #tpu.memory_space<vmem>>, %arg14: memref<64x128xf32, #tpu.memory_space<vmem>>) attributes {dimension_semantics = [#tpu.dimension_semantics<arbitrary>], iteration_bounds = array<i64: 10>, scalar_prefetch = 0 : i64, scratch_operands = 1 : i64, tpu.core_type = #tpu.core_type<tc>, window_params = [{transform_indices = @transform_0, window_bounds = array<i64: 1024, 128>}, {transform_indices = @transform_1, window_bounds = array<i64: 2, 1024, 128>}, {pipeline_mode = #tpu.pipeline_mode<synchronous>, transform_indices = @transform_2, window_bounds = array<i64: 128, 128>}, {pipeline_mode = #tpu.pipeline_mode<synchronous>, transform_indices = @transform_3, window_bounds = array<i64: 1, 128>}, {pipeline_mode = #tpu.pipeline_mode<synchronous>, transform_indices = @transform_4, window_bounds = array<i64: 128, 128>}, {pipeline_mode = #tpu.pipeline_mode<synchronous>, transform_indices = @transform_5, window_bounds = array<i64: 1, 128>}, {transform_indices = @transform_6, window_bounds = array<i64: 1, 1>}, {transform_indices = @transform_7, window_bounds = array<i64: 1, 1, 1024>}, {pipeline_mode = #tpu.pipeline_mode<synchronous>, transform_indices = @transform_8, window_bounds = array<i64: 128, 128>}, {pipeline_mode = #tpu.pipeline_mode<synchronous>, transform_indices = @transform_9, window_bounds = array<i64: 1, 128>}, {pipeline_mode = #tpu.pipeline_mode<synchronous>, transform_indices = @transform_10, window_bounds = array<i64: 128, 1>}, {transform_indices = @transform_11, window_bounds = array<i64: 1, 1>}, {pipeline_mode = #tpu.pipeline_mode<synchronous>, transform_indices = @transform_12, window_bounds = array<i64: 64, 1>}]} {
    %get3A = arith.constant 0 : index
    %get3A_0 = arith.constant 0 : index
    %get3A_1 = memref.load %arg7[%get3A, %get3A_0] : memref<1x1xf32, #tpu.memory_space<smem>>
    %get3A_2 = arith.constant 0 : index
    %get3A_3 = arith.constant 0 : index
    %get3A_4 = vector.load %arg1[%get3A_2, %get3A_3] : memref<1024x128xf32, #tpu.memory_space<vmem>>, vector<1024x128xf32>
    %mul3A = vector.broadcast %get3A_1 : f32 to vector<1024x128xf32>
    %mul3A_5 = arith.mulf %get3A_4, %mul3A : vector<1024x128xf32>
    %get3A_6 = arith.constant 0 : index
    %get3A_7 = arith.constant 0 : index
    %get3A_8 = arith.constant 0 : index
    %get3A_9 = vector.load %arg2[%get3A_6, %get3A_7, %get3A_8] : memref<2x1024x128xf32, #tpu.memory_space<vmem>>, vector<1x1024x128xf32>
    %get3A_10 = vector.shape_cast %get3A_9 : vector<1x1024x128xf32> to vector<1024x128xf32>
    %add3A = arith.addf %mul3A_5, %get3A_10 : vector<1024x128xf32>
    %get3A_11 = arith.constant 1 : index
    %get3A_12 = arith.constant 0 : index
    %get3A_13 = arith.constant 0 : index
    %get3A_14 = vector.load %arg2[%get3A_11, %get3A_12, %get3A_13] : memref<2x1024x128xf32, #tpu.memory_space<vmem>>, vector<1x1024x128xf32>
    %get3A_15 = vector.shape_cast %get3A_14 : vector<1x1024x128xf32> to vector<1024x128xf32>
    %add3A_16 = arith.addf %add3A, %get3A_15 : vector<1024x128xf32>
    %get3A_17 = arith.constant 0 : index
    %get3A_18 = arith.constant 0 : index
    %get3A_19 = vector.load %arg3[%get3A_17, %get3A_18] : memref<128x128xf32, #tpu.memory_space<vmem>>, vector<128x128xf32>
    %dot_general3A = arith.constant dense<0.000000e+00> : vector<1024x128xf32>
    %dot_general3A_20 = tpu.matmul %add3A_16, %get3A_19, %dot_general3A {dimension_numbers = #tpu.dot_dimension_numbers<[1], [0], [0], [1], [0, 0, 1, 1], [], []>, transpose_lhs_hint = false} : vector<1024x128xf32>, vector<128x128xf32>, vector<1024x128xf32> -> vector<1024x128xf32>
    %get3A_21 = arith.constant 0 : index
    %get3A_22 = arith.constant 0 : index
    %get3A_23 = vector.load %arg4[%get3A_21, %get3A_22] : memref<1x128xf32, #tpu.memory_space<vmem>>, vector<1x128xf32>
    %add3A_24 = vector.broadcast %get3A_23 : vector<1x128xf32> to vector<1024x128xf32>
    %add3A_25 = arith.addf %dot_general3A_20, %add3A_24 : vector<1024x128xf32>
    %max3A = arith.constant 0.000000e+00 : f32
    %max3A_26 = vector.broadcast %max3A : f32 to vector<1024x128xf32>
    %max3A_27 = arith.maximumf %add3A_25, %max3A_26 : vector<1024x128xf32>
    %get3A_28 = arith.constant 0 : index
    %get3A_29 = arith.constant 0 : index
    %get3A_30 = vector.load %arg5[%get3A_28, %get3A_29] : memref<128x128xf32, #tpu.memory_space<vmem>>, vector<128x128xf32>
    %dot_general3A_31 = arith.constant dense<0.000000e+00> : vector<1024x128xf32>
    %dot_general3A_32 = tpu.matmul %max3A_27, %get3A_30, %dot_general3A_31 {dimension_numbers = #tpu.dot_dimension_numbers<[1], [0], [0], [1], [0, 0, 1, 1], [], []>, transpose_lhs_hint = false} : vector<1024x128xf32>, vector<128x128xf32>, vector<1024x128xf32> -> vector<1024x128xf32>
    %get3A_33 = arith.constant 0 : index
    %get3A_34 = arith.constant 0 : index
    %get3A_35 = vector.load %arg6[%get3A_33, %get3A_34] : memref<1x128xf32, #tpu.memory_space<vmem>>, vector<1x128xf32>
    %add3A_36 = vector.broadcast %get3A_35 : vector<1x128xf32> to vector<1024x128xf32>
    %add3A_37 = arith.addf %dot_general3A_32, %add3A_36 : vector<1024x128xf32>
    %max3A_38 = arith.constant 0.000000e+00 : f32
    %max3A_39 = vector.broadcast %max3A_38 : f32 to vector<1024x128xf32>
    %max3A_40 = arith.maximumf %add3A_37, %max3A_39 : vector<1024x128xf32>
    %get3A_41 = arith.constant 0 : index
    %get3A_42 = arith.constant 0 : index
    %get3A_43 = arith.constant 0 : index
    %get3A_44 = vector.load %arg8[%get3A_41, %get3A_42, %get3A_43] : memref<1x1x1024xi32, #tpu.memory_space<vmem>>, vector<1x1x1024xi32>
    %get3A_45 = vector.shape_cast %get3A_44 : vector<1x1x1024xi32> to vector<1024xi32>
    %broadcast_in_dim3A = vector.shape_cast %get3A_45 : vector<1024xi32> to vector<1024x1xi32>
    %iota3A = tpu.iota {dimensions = array<i32: 1>} : vector<1024x64xi32>
    %eq3A = vector.broadcast %broadcast_in_dim3A : vector<1024x1xi32> to vector<1024x64xi32>
    %eq3A_46 = arith.cmpi eq, %eq3A, %iota3A : vector<1024x64xi32>
    %convert_element_type3A = arith.extui %eq3A_46 : vector<1024x64xi1> to vector<1024x64xi32>
    %convert_element_type3A_47 = arith.sitofp %convert_element_type3A : vector<1024x64xi32> to vector<1024x64xf32>
    %dot_general3A_48 = arith.constant dense<0.000000e+00> : vector<64x128xf32>
    %dot_general3A_49 = tpu.matmul %convert_element_type3A_47, %max3A_40, %dot_general3A_48 {dimension_numbers = #tpu.dot_dimension_numbers<[0], [0], [1], [1], [0, 1, 1, 1], [], []>, transpose_lhs_hint = false} : vector<1024x64xf32>, vector<1024x128xf32>, vector<64x128xf32> -> vector<64x128xf32>
    %eq3A_50 = arith.constant 0 : i32
    %eq3A_51 = arith.cmpi eq, %arg0, %eq3A_50 : i32
    %convert_element_type3A_52 = arith.extui %eq3A_51 : i1 to i32
    %cond3A = arith.constant 0 : i32
    %cond3A_53 = arith.cmpi ne, %convert_element_type3A_52, %cond3A : i32
    scf.if %cond3A_53 {
      %broadcast_in_dim3A_65 = arith.constant 0.000000e+00 : f32
      %broadcast_in_dim3A_66 = vector.broadcast %broadcast_in_dim3A_65 : f32 to vector<64x128xf32>
      %swap3A_67 = arith.constant 0 : index
      %swap3A_68 = arith.constant 0 : index
      %swap3A_69 = vector.load %arg14[%swap3A_67, %swap3A_68] : memref<64x128xf32, #tpu.memory_space<vmem>>, vector<64x128xf32>
      tpu.vector_store %arg14[%swap3A_67, %swap3A_68], %broadcast_in_dim3A_66 {strides = array<i32>} : memref<64x128xf32, #tpu.memory_space<vmem>>, vector<64x128xf32>,
    } else {
    }
    %get3A_54 = arith.constant 0 : index
    %get3A_55 = arith.constant 0 : index
    %get3A_56 = vector.load %arg14[%get3A_54, %get3A_55] : memref<64x128xf32, #tpu.memory_space<vmem>>, vector<64x128xf32>
    %add3A_57 = arith.addf %get3A_56, %dot_general3A_49 : vector<64x128xf32>
    %swap3A = arith.constant 0 : index
    %swap3A_58 = arith.constant 0 : index
    %swap3A_59 = vector.load %arg14[%swap3A, %swap3A_58] : memref<64x128xf32, #tpu.memory_space<vmem>>, vector<64x128xf32>
    tpu.vector_store %arg14[%swap3A, %swap3A_58], %add3A_57 {strides = array<i32>} : memref<64x128xf32, #tpu.memory_space<vmem>>, vector<64x128xf32>,
    %eq3A_60 = arith.constant 9 : i32
    %eq3A_61 = arith.cmpi eq, %arg0, %eq3A_60 : i32
    %convert_element_type3A_62 = arith.extui %eq3A_61 : i1 to i32
    %cond3A_63 = arith.constant 0 : i32
    %cond3A_64 = arith.cmpi ne, %convert_element_type3A_62, %cond3A_63 : i32
    scf.if %cond3A_64 {
      %get3A_65 = arith.constant 0 : index
      %get3A_66 = arith.constant 0 : index
      %get3A_67 = vector.load %arg14[%get3A_65, %get3A_66] : memref<64x128xf32, #tpu.memory_space<vmem>>, vector<64x128xf32>
      %get3A_68 = arith.constant 0 : index
      %get3A_69 = arith.constant 0 : index
      %get3A_70 = vector.load %arg9[%get3A_68, %get3A_69] : memref<128x128xf32, #tpu.memory_space<vmem>>, vector<128x128xf32>
      %dot_general3A_71 = arith.constant dense<0.000000e+00> : vector<64x128xf32>
      %dot_general3A_72 = tpu.matmul %get3A_67, %get3A_70, %dot_general3A_71 {dimension_numbers = #tpu.dot_dimension_numbers<[1], [0], [0], [1], [0, 0, 1, 1], [], []>, transpose_lhs_hint = false} : vector<64x128xf32>, vector<128x128xf32>, vector<64x128xf32> -> vector<64x128xf32>
      %get3A_73 = arith.constant 0 : index
      %get3A_74 = arith.constant 0 : index
      %get3A_75 = vector.load %arg10[%get3A_73, %get3A_74] : memref<1x128xf32, #tpu.memory_space<vmem>>, vector<1x128xf32>
      %add3A_76 = vector.broadcast %get3A_75 : vector<1x128xf32> to vector<64x128xf32>
      %add3A_77 = arith.addf %dot_general3A_72, %add3A_76 : vector<64x128xf32>
      %max3A_78 = arith.constant 0.000000e+00 : f32
      %max3A_79 = vector.broadcast %max3A_78 : f32 to vector<64x128xf32>
      %max3A_80 = arith.maximumf %add3A_77, %max3A_79 : vector<64x128xf32>
      %get3A_81 = arith.constant 0 : index
      %get3A_82 = arith.constant 0 : index
      %get3A_83 = vector.load %arg11[%get3A_81, %get3A_82] : memref<128x1xf32, #tpu.memory_space<vmem>>, vector<128x1xf32>
      %dot_general3A_84 = arith.constant dense<0.000000e+00> : vector<64x1xf32>
      %dot_general3A_85 = tpu.matmul %max3A_80, %get3A_83, %dot_general3A_84 {dimension_numbers = #tpu.dot_dimension_numbers<[1], [0], [0], [1], [0, 0, 1, 1], [], []>, transpose_lhs_hint = false} : vector<64x128xf32>, vector<128x1xf32>, vector<64x1xf32> -> vector<64x1xf32>
      %get3A_86 = arith.constant 0 : index
      %get3A_87 = arith.constant 0 : index
      %get3A_88 = memref.load %arg12[%get3A_86, %get3A_87] : memref<1x1xf32, #tpu.memory_space<smem>>
      %add3A_89 = vector.broadcast %get3A_88 : f32 to vector<64x1xf32>
      %add3A_90 = arith.addf %dot_general3A_85, %add3A_89 : vector<64x1xf32>
      %logistic3A = arith.negf %add3A_90 : vector<64x1xf32>
      %logistic3A_91 = math.exp %logistic3A : vector<64x1xf32>
      %logistic3A_92 = arith.constant 1.000000e+00 : f32
      %logistic3A_93 = vector.broadcast %logistic3A_92 : f32 to vector<64x1xf32>
      %logistic3A_94 = arith.addf %logistic3A_93, %logistic3A_91 : vector<64x1xf32>
      %logistic3A_95 = arith.divf %logistic3A_93, %logistic3A_94 : vector<64x1xf32>
      %swap3A_96 = arith.constant 0 : index
      %swap3A_97 = arith.constant 0 : index
      %swap3A_98 = vector.load %arg13[%swap3A_96, %swap3A_97] : memref<64x1xf32, #tpu.memory_space<vmem>>, vector<64x1xf32>
      tpu.vector_store %arg13[%swap3A_96, %swap3A_97], %logistic3A_95 {strides = array<i32>} : memref<64x1xf32, #tpu.memory_space<vmem>>, vector<64x1xf32>,
    } else {
    }
    return
  }
  func.func @transform_0(%arg0: i32) -> (i32, i32) {
    %c0_i32 = arith.constant 0 : i32
    %c0_i32_0 = arith.constant 0 : i32
    return %arg0, %c0_i32 : i32, i32
  }
  func.func @transform_1(%arg0: i32) -> (i32, i32, i32) {
    %c0_i32 = arith.constant 0 : i32
    %c0_i32_0 = arith.constant 0 : i32
    %c0_i32_1 = arith.constant 0 : i32
    return %c0_i32, %arg0, %c0_i32_0 : i32, i32, i32
  }
  func.func @transform_2(%arg0: i32) -> (i32, i32) {
    %c0_i32 = arith.constant 0 : i32
    %c0_i32_0 = arith.constant 0 : i32
    %c0_i32_1 = arith.constant 0 : i32
    return %c0_i32, %c0_i32_0 : i32, i32
  }
  func.func @transform_3(%arg0: i32) -> (i32, i32) {
    %c0_i32 = arith.constant 0 : i32
    %c0_i32_0 = arith.constant 0 : i32
    %c0_i32_1 = arith.constant 0 : i32
    return %c0_i32, %c0_i32_0 : i32, i32
  }
  func.func @transform_4(%arg0: i32) -> (i32, i32) {
    %c0_i32 = arith.constant 0 : i32
    %c0_i32_0 = arith.constant 0 : i32
    %c0_i32_1 = arith.constant 0 : i32
    return %c0_i32, %c0_i32_0 : i32, i32
  }
  func.func @transform_5(%arg0: i32) -> (i32, i32) {
    %c0_i32 = arith.constant 0 : i32
    %c0_i32_0 = arith.constant 0 : i32
    %c0_i32_1 = arith.constant 0 : i32
    return %c0_i32, %c0_i32_0 : i32, i32
  }
  func.func @transform_6(%arg0: i32) -> (i32, i32) {
    %c0_i32 = arith.constant 0 : i32
    %c0_i32_0 = arith.constant 0 : i32
    %c0_i32_1 = arith.constant 0 : i32
    return %c0_i32, %c0_i32_0 : i32, i32
  }
  func.func @transform_7(%arg0: i32) -> (i32, i32, i32) {
    %c0_i32 = arith.constant 0 : i32
    %c0_i32_0 = arith.constant 0 : i32
    %c0_i32_1 = arith.constant 0 : i32
    return %arg0, %c0_i32, %c0_i32_0 : i32, i32, i32
  }
  func.func @transform_8(%arg0: i32) -> (i32, i32) {
    %c0_i32 = arith.constant 0 : i32
    %c0_i32_0 = arith.constant 0 : i32
    %c0_i32_1 = arith.constant 0 : i32
    return %c0_i32, %c0_i32_0 : i32, i32
  }
  func.func @transform_9(%arg0: i32) -> (i32, i32) {
    %c0_i32 = arith.constant 0 : i32
    %c0_i32_0 = arith.constant 0 : i32
    %c0_i32_1 = arith.constant 0 : i32
    return %c0_i32, %c0_i32_0 : i32, i32
  }
  func.func @transform_10(%arg0: i32) -> (i32, i32) {
    %c0_i32 = arith.constant 0 : i32
    %c0_i32_0 = arith.constant 0 : i32
    %c0_i32_1 = arith.constant 0 : i32
    return %c0_i32, %c0_i32_0 : i32, i32
  }
  func.func @transform_11(%arg0: i32) -> (i32, i32) {
    %c0_i32 = arith.constant 0 : i32
    %c0_i32_0 = arith.constant 0 : i32
    %c0_i32_1 = arith.constant 0 : i32
    return %c0_i32, %c0_i32_0 : i32, i32
  }
  func.func @transform_12(%arg0: i32) -> (i32, i32) {
    %c0_i32 = arith.constant 0 : i32
    %c0_i32_0 = arith.constant 0 : i32
    %c0_i32_1 = arith.constant 0 : i32
    return %c0_i32, %c0_i32_0 : i32, i32
  }
}

</mosaic_0001>

<sc_bundles>
// kernel: kernel.12.cloned.1.call-start
scs
__scs_entry_jumppad:
0x0: {  	(pc) =	sbr.rel $0x88, $3  }
0x1: {  	(tag) =	ssettag $0x0;
	lr =	simm.s32 $0x1  }
0x2: {  	[smem:$0x3F94] =	sst lr;
	_ =	strace $0xD0000000  }
0x3: {  	_ = 	snop  }
0x4: {  	_ = 	snop  }
0x5: {  	_ = 	snop  }
0x6: {  	_ = 	snop  }
0x7: {  	_ = 	snop  }
__scs_overlays_trampoline_lowered:
0x8: {  	[smem:$0x3FA3] =	sst s0  }
0x9: {  	[smem:$0x3FA4] =	sst s1  }
0xa: {  	[smem:$0x3FA5] =	sst s2  }
0xb: {  	[smem:$0x3FA6] =	sst s3  }
0xc: {  	[smem:$0x3FA7] =	sst s4  }
0xd: {  	[smem:$0x3FA8] =	sst s5  }
0xe: {  	[smem:$0x3FA9] =	sst s6  }
0xf: {  	[smem:$0x3FAA] =	sst s7  }
0x10: {  	[smem:$0x3FAB] =	sst s8  }
0x11: {  	[smem:$0x3FAC] =	sst s9;
	s0 =	simm.s32 @!p0 $0x0  }
0x12: {  	s1 =	sld [smem:$0x3F92];
	s0 =	simm.s32 @p0 $0x1  }
0x13: {  	[smem:$0x3FAD] =	sst s0;
	s0 =	simm.s32 @!p1 $0x0  }
0x14: {  	s2 =	sld [smem:$0x3F91];
	s0 =	simm.s32 @p1 $0x1  }
0x15: {  	[smem:$0x3FAE] =	sst s0;
	s0 =	simm.s32 @!p2 $0x0  }
0x16: {  	s3 =	sld [smem:$0x3FDB];
	s0 =	simm.s32 @p2 $0x1  }
0x17: {  	s4 =	simm.s32 $0x1BF5;
	[smem:$0x3FB0] =	sst s0  }
0x18: {  	s0 =	sld [smem:$0x3F93];
	_ =	swait.ge [sflag:s4], $0x0  }
0x19: {  	s7 =	sld [smem:$0x3F94]  }
0x1a: {  	s8 =	sadd.s32 $0xFFFFE003, lr  }
0x1b: {  	s9 =	sadd.s32 $0xFFFFFEF7, lr;
	s5 =	simm.s32 $0xFFFFFFFF;
	p2 =	slt.u32 s8, $0xFFFFF086  }
0x1c: {  	p1 =	slt.u32 s9, $0xF7A;
	s5 =	simm.s32 @!p2 $0x0  }
0x1d: {  	s5 =	simm.s32 @p1 $0x1;
	p0 =	seq.s32 s7, s2  }
0x1e: {  	s7 =	smul.u32 @!p0 $0xF7A, s2;
	p2 =	seq.s32 @!p0 s5, $0x0  }
0x1f: {  	s9 =	smul.u32 $0xF7A, s1;
	s8 =	simm.s32 @!p0 $0x1BF5;
	p2 =	por !p2, p0  }
0x20: {  	[sflag:s8] =	ssyncset.s32 @!p0 $0xFFFFF086;
	s6 =	sadd.s32 @!p0 s3, s7;
	s7 =	simm.s32 @!p0 $0x108  }
0x21: {  	s3 =	sadd.s32 s3, s9;
	s6 =	sadd.s32 @!p0 $0x88, s6;
	s7 =	simm.s32 @p2 $0x1082  }
0x22: {  	[simem:s7], [sflag:s8] =	dma.local @!p0 [hbm:s6], $0xF7A  }
0x23: {  	s9 =	sor.u32 $0xD0000000, s2;
	s6 =	simm.s32 $0x108;
	_ =	swait.ge @!p0 [sflag:s8], $0x0  }
0x24: {  	s3 =	sadd.s32 $0x88, s3;
	s6 =	simm.s32 @!p1 $0x1082;
	[sflag:s4] =	ssyncset.s32 $0xFFFFF086  }
0x25: {  	[simem:s6], [sflag:s4] =	dma.local [hbm:s3], $0xF7A  }
0x26: {  	[smem:$0x3F94] =	sst s1;
	(tag) =	ssettag s2;
	_ =	strace s9  }
0x27: {  	s1 =	sld [smem:$0x3FA4]  }
0x28: {  	s2 =	sld [smem:$0x3FA5]  }
0x29: {  	s4 =	sld [smem:$0x3FA7]  }
0x2a: {  	p0 =	seq.s32 s5, $0x0;
	s5 =	sld [smem:$0x3FA8]  }
0x2b: {  	s6 =	sld [smem:$0x3FA9]  }
0x2c: {  	s7 =	sld [smem:$0x3FAA]  }
0x2d: {  	s3 =	simm.s32 $0x108;
	s8 =	sld [smem:$0x3FAB]  }
0x2e: {  	s3 =	simm.s32 @!p0 $0x1082;
	s9 =	sld [smem:$0x3FAC]  }
0x2f: {  	lr =	sadd.s32 s0, s3;
	s0 =	sld [smem:$0x3FA3]  }
0x30: {  	s3 =	sld [smem:$0x3FA6]  }
0x31: {  	[smem:$0x3FAF] =	sst s10  }
0x32: {  	s10 =	sld [smem:$0x3FAD];
	_ =	sdelay $0x3  }
0x33: {  	p0 =	seq.s32 s10, $0x1;
	s10 =	sld [smem:$0x3FAF];
	_ =	sdelay $0x3  }
0x34: {  	[smem:$0x3FAF] =	sst s10  }
0x35: {  	s10 =	sld [smem:$0x3FAE];
	_ =	sdelay $0x3  }
0x36: {  	p1 =	seq.s32 s10, $0x1;
	s10 =	sld [smem:$0x3FAF];
	_ =	sdelay $0x3  }
0x37: {  	[smem:$0x3FAF] =	sst s10  }
0x38: {  	s10 =	sld [smem:$0x3FB0]  }
0x39: {  	_ = 	snop;
	(pc) =	sbr.ind lr, $3  }
0x3a: {  	_ = 	snop  }
0x3b: {  	_ = 	snop  }
0x3c: {  	p2 =	seq.s32 s10, $0x1;
	s10 =	sld [smem:$0x3FAF]  }
0x3d: {  	_ =	shalt  }
0x3e: {  	_ =	shalt  }
0x3f: {  	_ =	shalt  }
0x40: {  	_ =	shalt  }
0x41: {  	_ =	shalt  }
0x42: {  	_ =	shalt  }
0x43: {  	_ =	shalt  }
0x44: {  	_ =	shalt  }
0x45: {  	_ =	shalt  }
0x46: {  	_ =	shalt  }
0x47: {  	_ =	shalt  }
0x48: {  	_ =	shalt  }
0x49: {  	_ =	shalt  }
0x4a: {  	_ =	shalt  }
0x4b: {  	_ =	shalt  }
0x4c: {  	_ =	shalt  }
0x4d: {  	_ =	shalt  }
0x4e: {  	_ =	shalt  }
0x4f: {  	_ =	shalt  }
0x50: {  	_ =	shalt  }
0x51: {  	_ =	shalt  }
0x52: {  	_ =	shalt  }
0x53: {  	_ =	shalt  }
0x54: {  	_ =	shalt  }
0x55: {  	_ =	shalt  }
0x56: {  	_ =	shalt  }
0x57: {  	_ =	shalt  }
0x58: {  	_ =	shalt  }
0x59: {  	_ =	shalt  }
0x5a: {  	_ =	shalt  }
0x5b: {  	_ =	shalt  }
0x5c: {  	_ =	shalt  }
0x5d: {  	_ =	shalt  }
0x5e: {  	_ =	shalt  }
0x5f: {  	_ =	shalt  }
0x60: {  	_ =	shalt  }
0x61: {  	_ =	shalt  }
0x62: {  	_ =	shalt  }
0x63: {  	_ =	shalt  }
0x64: {  	_ =	shalt  }
0x65: {  	_ =	shalt  }
0x66: {  	_ =	shalt  }
0x67: {  	_ =	shalt  }
0x68: {  	_ =	shalt  }
0x69: {  	_ =	shalt  }
0x6a: {  	_ =	shalt  }
0x6b: {  	_ =	shalt  }
0x6c: {  	_ =	shalt  }
0x6d: {  	_ =	shalt  }
0x6e: {  	_ =	shalt  }
0x6f: {  	_ =	shalt  }
0x70: {  	_ =	shalt  }
0x71: {  	_ =	shalt  }
0x72: {  	_ =	shalt  }
0x73: {  	_ =	shalt  }
0x74: {  	_ =	shalt  }
0x75: {  	_ =	shalt  }
0x76: {  	_ =	shalt  }
0x77: {  	_ =	shalt  }
0x78: {  	_ =	shalt  }
0x79: {  	_ =	shalt  }
0x7a: {  	_ =	shalt  }
0x7b: {  	_ =	shalt  }
0x7c: {  	_ =	shalt  }
0x7d: {  	_ =	shalt  }
0x7e: {  	_ =	shalt  }
0x7f: {  	_ =	shalt  }
0x80: {  	_ =	shalt  }
0x81: {  	_ =	shalt  }
0x82: {  	_ =	shalt  }
0x83: {  	_ =	shalt  }
0x84: {  	_ =	shalt  }
0x85: {  	_ =	shalt  }
0x86: {  	_ =	shalt  }
0x87: {  	_ =	shalt  }
.Lfunc_end0:
.L_simem_size_0:
called_computation.1_lowered:
.L_overlay_start_0:
0x88: {  	s2 =	sld [smem:$0x3FD9]  }
0x89: {  	s3 =	sld [smem:$0x3FFE];
	_ =	sdelay $0x1  }
0x8a: {  	s1 =	srdreg.scid  }
0x8b: {  	s0 =	sand.u32 $0x1, s1  }
0x8c: {  	s16 =	sshll.u32 s0, $0xA;
	s2 =	sadd.s32 s3, s2  }
0x8d: {  	s2 =	sadd.s32 s2, s16  }
0x8e: {  	[smem:$0x3FBB] =	sst s2  }
0x8f: {  	_ = 	snop  }
0x90: {  	(tm) =	ssettm $0x1  }
0x91: {  	s17 =	sld [smem:$0x3FFB];
	_ =	sdelay $0x3  }
0x92: {  	_ =	strace s17  }
0x93: {  	s2 =	sld [smem:$0x3FFC];
	_ =	sdelay $0x3  }
0x94: {  	_ =	strace s2  }
0x95: {  	s2 =	sld [smem:$0x3FFD];
	_ =	sdelay $0x3  }
0x96: {  	_ =	strace s2  }
0x97: {  	_ =	strace $0x8FFFFFFF  }
0x98: {  	s18 =	sld [smem:$0x3FDB];
	_ =	sdelay $0x1  }
0x99: {  	s19 =	simm.s32 $_scs_section_size  }
0x9a: {  	s4 =	simm.s32 $_size__tile_overlayer_lowered;
	s5 =	simm.s32 $_tile_overlayer_lowered  }
0x9b: {  	s22 =	simm.s32 $0x1BFF;
	s21 =	sshll.u32 s5, $0x1;
	s2 =	sadd.s32 s19, s18  }
0x9c: {  	s6 =	simm.s32 $0x0;
	s20 =	sshll.u32 s4, $0x1;
	s4 =	sadd.s32 s21, s2  }
0x9d: {  	[timem:s6], [sflag:s22] =	dma.local [hbm:s4], s20  }
0x9e: {  	_ =	swait.ge [sflag:s22], s20  }
0x9f: {  	s3 =	ssub.s32 $0x0, s20;
	[sflag:s22] =	ssyncset.done $0x0  }
0xa0: {  	[sflag:s22] =	ssyncadd.s32 s3;
	_ =	sdelay $0x1  }
0xa1: {  	s23 =	simm.s32 $0x1B8B  }
0xa2: {  	_ =	swait.ge [sflag:s23], $0x1  }
0xa3: {  	[sflag:s23] =	ssyncset.done $0x0  }
0xa4: {  	s25 =	simm.s32 $0x1B8E;
	s24 =	sld [smem:$0x3FFE];
	[sflag:s23] =	ssyncadd.s32 $0xFFFFFFFF  }
0xa5: {  	s26 =	simm.s32 $execute0_lowered;
	[smem:$0x3FD2] =	sst s25  }
0xa6: {  	s4 =	sshll.u32 s26, $0x1;
	_ =	strace $0x80000049;
	[dreg:$0x1] =	wrdreg $0xFFFFFFFF  }
0xa7: {  	s28 =	simm.s32 $_size_execute0_lowered;
	s2 =	sadd.s32 s2, s4;
	[dreg:$0x0] =	wrdreg $0x0  }
0xa8: {  	s4 =	sshll.u32 s28, $0x1;
	[dreg:$0x2] =	wrdreg s2  }
0xa9: {  	[dreg:$0x3] =	wrdreg s4  }
0xaa: {  	[dreg:$0x4] =	wrdreg $0xC0  }
0xab: {  	_ =	task [dreg:s6], $0x5FFFF  }
0xac: {  	[dreg:$0x1] =	wrdreg $0xFFFFFFFF  }
0xad: {  	[dreg:$0x0] =	wrdreg $0x60  }
0xae: {  	[dreg:$0x2] =	wrdreg s24  }
0xaf: {  	[dreg:$0x3] =	wrdreg $0xBC000  }
0xb0: {  	[dreg:$0x4] =	wrdreg $0x9  }
0xb1: {  	_ =	task.clear_ibuf [dreg:s6], $0x5FFFF;
	_ =	strace $0x90000049  }
0xb2: {  	s29 =	simm.s32 $0x9;
	_ =	strace $0x8000004B  }
0xb3: {  	_ =	swait.ge [sflag:s29], $0x1  }
0xb4: {  	[sflag:s29] =	ssyncadd.s32 $0xFFFFFFFF  }
0xb5: {  	_ =	strace $0x9000004B  }
0xb6: {  	_ =	sfence  }
0xb7: {  	s30 =	sld [smem:$0x0];
	_ =	sdelay $0x2  }
0xb8: {  	s31 =	sshll.u32 s1, $0xD;
	s1 =	sshrl.u32 s1, $0x2  }
0xb9: {  	s3 =	sand.u32 $0x4000, s31;
	s1 =	sadd.s32 s1, s30  }
0xba: {  	s0 =	sor.u32 s3, s0;
	s1 =	sshll.u32 s1, $0x11  }
0xbb: {  	s0 =	sor.u32 s1, s0  }
0xbc: {  	s0 =	sadd.s32 $0x8F2B, s0  }
0xbd: {  	[sflag:s0] =	ssyncadd.remote.s32 $0x1  }
0xbe: {  	_ =	sfence.sel $0xFFFF  }
0xbf: {  	[dreg:$0x0] =	wrdreg $0xFFFFFFFF;
	(pc) =	sbr.abs _section_cstart, $3  }
0xc0: {  	[dreg:$0x1] =	wrdreg $0xFFFFFFFF  }
0xc1: {  	_ =	task.clear_ibuf [dreg:s6], $0x2FFFF;
	_ =	strace $0x9FFFFFFF  }
0xc2: {  	(tm) =	ssettm $0x7FFFFFFF  }
0xc3: {  	_ =	shalt  }
tec
execute0_lowered:
.L_overlay_start_1:
0x0: {  	(tag) =	ssettag $0x1  }
0x1: {  	s0 =	rddreg [dreg:$0x0]  }
0x2: {  	s1 =	rddreg [dreg:$0x1]  }
0x3: {  	s2 =	srdreg.scid;
	s3 =	simm.s32 $0x0;
	s17 =	simm.s32 $0x3  }
0x4: {  	s18 =	simm.s32 $0x80;
	s19 =	simm.s32 $0x7C00;
	s20 =	simm.s32 $0x1  }
0x5: {  	s21 =	simm.s32 $0x2;
	s22 =	simm.s32 $0x3B00;
	s23 =	simm.s32 $0x3A80  }
0x6: {  	s24 =	simm.s32 $0x3B80;
	s29 =	simm.s32 $0x580;
	s16 =	sand.u32 $0x1, s2  }
0x7: {  	s30 =	simm.s32 $0x0;
	s2 =	stileid.u32;
	s5 =	smul.u32 $0x140000, s16  }
0x8: {  	[smem:$0x7FF] =	sst s3;
	s4 =	sadd.s32 $0x3600, s0;
	s6 =	smul.u32 $0x14000, s2  }
0x9: {  	s11 =	sadd.s32 $0x2B600, s0;
	_ =	strace $0x8000004A;
	s7 =	smul.u32 $0x50000, s2  }
0xa: {  	s31 =	ssub.s32 $0x2, s16;
	s9 =	smul.u32 $0x9600, s2;
	s10 =	sshll.u32 s2, $0x8  }
0xb: {  	s12 =	smul.u32 $0x12C0, s2;
	p0 =	sne.s32 s16, $0x0;
	s16 =	simm.s32 $0x3C00  }
0xc: {  	s8 =	sshrl.u32 s31, $0x1;
	s10 =	sadd.s32 s10, s11;
	s5 =	sadd.s32 s6, s5  }
0xd: {  	s7 =	sshrl.u32 s7, $0x2;
	s15 =	ssub.s32 s31, s8;
	s13 =	sshrl.u32 s9, $0x3  }
.Ltmp0:
0xe: {  	s10 =	sadd.s32 $0x12C00, s10;
	s5 =	sshrl.u32 s5, $0x3;
	(pc) =	sbr.rel .LBB2_1-.Ltmp0, $4  }
0xf: {  	s13 =	sadd.s32 s11, s13;
	s11 =	sadd.s32 s11, s12;
	s15 =	smax.u32 s15, $0x1  }
0x10: {  	s0 =	sadd.s32 s5, s0;
	s5 =	sadd.s32 s7, s1;
	s12 =	sadd.s32 $0x780, s13  }
0x11: {  	s13 =	sadd.s32 $0xF00, s13;
	s6 =	sadd.s32 $0x4000, s5;
	s7 =	sadd.s32 $0x8000, s5  }
0x12: {  	v0 =	vimm.f32 $0.0e+00;
	s8 =	sadd.s32 $0xC000, s5;
	s9 =	sadd.s32 $0x10000, s5;
	s14 =	sadd.s32 $0x3F200, s0  }
.LBB2_12:
0x13: {  	[tilespmem:s3], [sflag:$0x3] =	stream.linear.gather [hbm4b:s10+s3], $0x800, $0x38;
	[tilespmem:$0x1FC00] =	vst v63  }
0x14: {  	_ =	swait.ge [sflag:s17], $0x800  }
0x15: {  	[sflag:s17] =	ssyncset.done $0x0  }
0x16: {  	[sflag:s17] =	ssyncadd.s32 $0xFFFFF800  }
0x17: {  	[tilespmem:s16], [sflag:$0x1] =	stream.indirect.gather [hbm4b:s4+s18], $0x80, s3, s18, $0xb8;
	[tilespmem:$0x1FC00] =	vst v63  }
0x18: {  	s0 =	simm.s32 $0x100  }
0x19: {  	[tilespmem:s19], [sflag:$0x2] =	stream.indirect.gather [hbm4b:s4+s18], $0x80, s0, s18, $0xb8;
	[tilespmem:$0x1FC00] =	vst v63  }
0x1a: {  	_ =	swait.ge [sflag:s20], $0x4000  }
0x1b: {  	[sflag:s20] =	ssyncset.done $0x0  }
0x1c: {  	[sflag:s20] =	ssyncadd.s32 $0xFFFFC000  }
0x1d: {  	[spmem:s1] =	stream.indirect.scatter.add.f32 [tilespmem:s16], [sflag:$0x3], $0x80, s18, s18, $0xb8;
	[tilespmem:$0x1FC00] =	vst v63  }
0x1e: {  	_ =	swait.ge [sflag:s17], $0x4000  }
0x1f: {  	[sflag:s17] =	ssyncset.done $0x0  }
0x20: {  	s25 =	simm.s32 $0x200;
	[sflag:s17] =	ssyncadd.s32 $0xFFFFC000  }
0x21: {  	[tilespmem:s16], [sflag:$0x1] =	stream.indirect.gather [hbm4b:s4+s18], $0x80, s25, s18, $0xb8;
	[tilespmem:$0x1FC00] =	vst v63  }
0x22: {  	_ =	swait.ge [sflag:s21], $0x4000  }
0x23: {  	[sflag:s21] =	ssyncset.done $0x0  }
0x24: {  	s26 =	simm.s32 $0x180;
	[sflag:s21] =	ssyncadd.s32 $0xFFFFC000  }
0x25: {  	[spmem:s1] =	stream.indirect.scatter.add.f32 [tilespmem:s19], [sflag:$0x3], $0x80, s26, s18, $0xb8;
	[tilespmem:$0x1FC00] =	vst v63  }
0x26: {  	_ =	swait.ge [sflag:s17], $0x4000  }
0x27: {  	[sflag:s17] =	ssyncset.done $0x0  }
0x28: {  	s28 =	simm.s32 $0x300;
	[sflag:s17] =	ssyncadd.s32 $0xFFFFC000  }
0x29: {  	[tilespmem:s19], [sflag:$0x2] =	stream.indirect.gather [hbm4b:s4+s18], $0x80, s28, s18, $0xb8;
	[tilespmem:$0x1FC00] =	vst v63  }
0x2a: {  	_ =	swait.ge [sflag:s20], $0x4000  }
0x2b: {  	[sflag:s20] =	ssyncset.done $0x0  }
0x2c: {  	s25 =	simm.s32 $0x280;
	[sflag:s20] =	ssyncadd.s32 $0xFFFFC000  }
0x2d: {  	[spmem:s1] =	stream.indirect.scatter.add.f32 [tilespmem:s16], [sflag:$0x3], $0x80, s25, s18, $0xb8;
	[tilespmem:$0x1FC00] =	vst v63  }
0x2e: {  	_ =	swait.ge [sflag:s17], $0x4000  }
0x2f: {  	[sflag:s17] =	ssyncset.done $0x0  }
0x30: {  	s26 =	simm.s32 $0x400;
	[sflag:s17] =	ssyncadd.s32 $0xFFFFC000  }
0x31: {  	[tilespmem:s16], [sflag:$0x1] =	stream.indirect.gather [hbm4b:s4+s18], $0x80, s26, s18, $0xb8;
	[tilespmem:$0x1FC00] =	vst v63  }
0x32: {  	_ =	swait.ge [sflag:s21], $0x4000  }
0x33: {  	[sflag:s21] =	ssyncset.done $0x0  }
0x34: {  	s28 =	simm.s32 $0x380;
	[sflag:s21] =	ssyncadd.s32 $0xFFFFC000  }
0x35: {  	[spmem:s1] =	stream.indirect.scatter.add.f32 [tilespmem:s19], [sflag:$0x3], $0x80, s28, s18, $0xb8;
	[tilespmem:$0x1FC00] =	vst v63  }
0x36: {  	_ =	swait.ge [sflag:s17], $0x4000  }
0x37: {  	[sflag:s17] =	ssyncset.done $0x0  }
0x38: {  	s25 =	simm.s32 $0x500;
	[sflag:s17] =	ssyncadd.s32 $0xFFFFC000  }
0x39: {  	[tilespmem:s19], [sflag:$0x2] =	stream.indirect.gather [hbm4b:s4+s18], $0x80, s25, s18, $0xb8;
	[tilespmem:$0x1FC00] =	vst v63  }
0x3a: {  	_ =	swait.ge [sflag:s20], $0x4000  }
0x3b: {  	[sflag:s20] =	ssyncset.done $0x0  }
0x3c: {  	s26 =	simm.s32 $0x480;
	[sflag:s20] =	ssyncadd.s32 $0xFFFFC000  }
0x3d: {  	[spmem:s1] =	stream.indirect.scatter.add.f32 [tilespmem:s16], [sflag:$0x3], $0x80, s26, s18, $0xb8;
	[tilespmem:$0x1FC00] =	vst v63  }
0x3e: {  	_ =	swait.ge [sflag:s17], $0x4000  }
0x3f: {  	[sflag:s17] =	ssyncset.done $0x0  }
0x40: {  	s28 =	simm.s32 $0x600;
	[sflag:s17] =	ssyncadd.s32 $0xFFFFC000  }
0x41: {  	[tilespmem:s16], [sflag:$0x1] =	stream.indirect.gather [hbm4b:s4+s18], $0x80, s28, s18, $0xb8;
	[tilespmem:$0x1FC00] =	vst v63  }
0x42: {  	_ =	swait.ge [sflag:s21], $0x4000  }
0x43: {  	[sflag:s21] =	ssyncset.done $0x0  }
0x44: {  	[sflag:s21] =	ssyncadd.s32 $0xFFFFC000  }
0x45: {  	[spmem:s1] =	stream.indirect.scatter.add.f32 [tilespmem:s19], [sflag:$0x3], $0x80, s29, s18, $0xb8;
	[tilespmem:$0x1FC00] =	vst v63  }
0x46: {  	_ =	swait.ge [sflag:s17], $0x4000  }
0x47: {  	s31 =	simm.s32 $0x680;
	[sflag:s17] =	ssyncset.done $0x0  }
0x48: {  	s0 =	simm.s32 $0x780;
	s25 =	simm.s32 $0x700;
	[sflag:s17] =	ssyncadd.s32 $0xFFFFC000  }
.LBB2_13:
0x49: {  	[tilespmem:s19], [sflag:$0x2] =	stream.indirect.gather [hbm4b:s4+s18], $0x80, s25, s18, $0xb8;
	[tilespmem:$0x1FC00] =	vst v63  }
0x4a: {  	_ =	swait.ge [sflag:s20], $0x4000  }
0x4b: {  	[sflag:s20] =	ssyncset.done $0x0  }
0x4c: {  	[sflag:s20] =	ssyncadd.s32 $0xFFFFC000  }
0x4d: {  	[spmem:s1] =	stream.indirect.scatter.add.f32 [tilespmem:s16], [sflag:$0x3], $0x80, s31, s18, $0xb8;
	[tilespmem:$0x1FC00] =	vst v63  }
0x4e: {  	_ =	swait.ge [sflag:s17], $0x4000  }
0x4f: {  	[sflag:s17] =	ssyncset.done $0x0  }
0x50: {  	[sflag:s17] =	ssyncadd.s32 $0xFFFFC000  }
0x51: {  	_ =	swait.ge [sflag:s21], $0x4000  }
0x52: {  	[sflag:s21] =	ssyncset.done $0x0  }
0x53: {  	[sflag:s21] =	ssyncadd.s32 $0xFFFFC000  }
0x54: {  	[spmem:s1] =	stream.indirect.scatter.add.f32 [tilespmem:s19], [sflag:$0x3], $0x80, s0, s18, $0xb8;
	[tilespmem:$0x1FC00] =	vst v63  }
0x55: {  	_ =	swait.ge [sflag:s17], $0x4000  }
0x56: {  	s28 =	sshll.u32 s2, $0x6;
	s30 =	sadd.s32 $0x1, s30;
	[sflag:s17] =	ssyncset.done $0x0  }
0x57: {  	p1 =	sne.s32 s30, s15;
	s31 =	sshrl.u32 s5, $0x3;
	[sflag:s17] =	ssyncadd.s32 $0xFFFFC000  }
.Ltmp1:
0x58: {  	s0 =	sor.u32 $0x1C03, s28;
	[bflag:$0x0] =	sbarrier.arrive $0xFFFF;
	(pc) =	sbr.rel @!p1 .LBB2_14-.Ltmp1, $4  }
0x59: {  	[hbm:s14], [sflag:s0] =	dma.local [spmem:s31], $0x2800  }
0x5a: {  	_ =	swait.ge [sflag:s17], $0x2800  }
0x5b: {  	[sflag:s17] =	ssyncset.done $0x0  }
0x5c: {  	[sflag:s17] =	ssyncadd.s32 $0xFFFFD800  }
.LBB2_1:
0x5d: {  	s31 =	simm.s32 $0x0;
	s0 =	simm.s32 $0x200  }
.LBB2_2:
0x5e: {  	p1 =	sne.s32 s0, $0xFE00;
	[tilespmem:s31+$0x3C70] =	vst v0  }
0x5f: {  	[tilespmem:s31+$0x3C00] =	vst v0  }
0x60: {  	[tilespmem:s31+$0x3C10] =	vst v0  }
.Ltmp2:
0x61: {  	[tilespmem:s31+$0x3C20] =	vst v0;
	(pc) =	sbr.rel @p1 .LBB2_2-.Ltmp2, $4  }
0x62: {  	[tilespmem:s31+$0x3C30] =	vst v0  }
0x63: {  	[tilespmem:s31+$0x3C40] =	vst v0  }
0x64: {  	[tilespmem:s31+$0x3C50] =	vst v0  }
0x65: {  	[tilespmem:s31+$0x3C60] =	vst v0;
	s31 =	sshra.s32 s0, $0x2;
	s0 =	sadd.s32 $0x200, s0  }
0x66: {  	[tilespmem:s31+$0x3C70] =	vst v0  }
0x67: {  	[tilespmem:s31+$0x3C00] =	vst v0  }
0x68: {  	[tilespmem:s31+$0x3C10] =	vst v0  }
0x69: {  	[tilespmem:s31+$0x3C20] =	vst v0  }
0x6a: {  	[tilespmem:s31+$0x3C30] =	vst v0  }
0x6b: {  	[tilespmem:s31+$0x3C40] =	vst v0  }
0x6c: {  	[tilespmem:s31+$0x3C50] =	vst v0  }
0x6d: {  	[tilespmem:s31+$0x3C60] =	vst v0  }
0x6e: {  	[spmem:s5] =	stream.linear.scatter [tilespmem:s16], [sflag:$0x3], $0x4000, $0x38;
	[tilespmem:$0x1FC00] =	vst v63  }
0x6f: {  	_ =	swait.ge [sflag:s17], $0x4000  }
0x70: {  	[sflag:s17] =	ssyncset.done $0x0  }
0x71: {  	[sflag:s17] =	ssyncadd.s32 $0xFFFFC000  }
0x72: {  	[spmem:s6] =	stream.linear.scatter [tilespmem:s16], [sflag:$0x3], $0x4000, $0x38;
	[tilespmem:$0x1FC00] =	vst v63  }
0x73: {  	_ =	swait.ge [sflag:s17], $0x4000  }
0x74: {  	[sflag:s17] =	ssyncset.done $0x0  }
0x75: {  	[sflag:s17] =	ssyncadd.s32 $0xFFFFC000  }
0x76: {  	[spmem:s7] =	stream.linear.scatter [tilespmem:s16], [sflag:$0x3], $0x4000, $0x38;
	[tilespmem:$0x1FC00] =	vst v63  }
0x77: {  	_ =	swait.ge [sflag:s17], $0x4000  }
0x78: {  	[sflag:s17] =	ssyncset.done $0x0  }
0x79: {  	[sflag:s17] =	ssyncadd.s32 $0xFFFFC000  }
0x7a: {  	[spmem:s8] =	stream.linear.scatter [tilespmem:s16], [sflag:$0x3], $0x4000, $0x38;
	[tilespmem:$0x1FC00] =	vst v63  }
0x7b: {  	_ =	swait.ge [sflag:s17], $0x4000  }
0x7c: {  	[sflag:s17] =	ssyncset.done $0x0  }
0x7d: {  	[sflag:s17] =	ssyncadd.s32 $0xFFFFC000  }
0x7e: {  	[spmem:s9] =	stream.linear.scatter [tilespmem:s16], [sflag:$0x3], $0x4000, $0x38;
	[tilespmem:$0x1FC00] =	vst v63  }
.Ltmp3:
0x7f: {  	_ =	swait.ge [sflag:s17], $0x4000;
	(pc) =	sbr.rel @p0 .LBB2_12-.Ltmp3, $3  }
0x80: {  	[sflag:s17] =	ssyncset.done $0x0  }
0x81: {  	[sflag:s17] =	ssyncadd.s32 $0xFFFFC000  }
0x82: {  	[bflag:$0x0] =	sbarrier.arrive $0xFFFF;
	_ =	sdelay $0x1  }
0x83: {  	[tilespmem:s3], [sflag:$0x3] =	stream.linear.gather [hbm4b:s11+s3], $0x3C00, $0x38;
	[tilespmem:$0x1FC00] =	vst v63  }
0x84: {  	_ =	swait.ge [sflag:s17], $0x3C00  }
0x85: {  	[sflag:s17] =	ssyncset.done $0x0  }
0x86: {  	[sflag:s17] =	ssyncadd.s32 $0xFFFFC400  }
0x87: {  	[tilespmem:s16], [sflag:$0x1] =	stream.indirect.gather [hbm4b:s4+s18], $0x80, s3, s18, $0xb8;
	[tilespmem:$0x1FC00] =	vst v63  }
0x88: {  	s0 =	simm.s32 $0x100  }
0x89: {  	[tilespmem:s19], [sflag:$0x2] =	stream.indirect.gather [hbm4b:s4+s18], $0x80, s0, s18, $0xb8;
	[tilespmem:$0x1FC00] =	vst v63  }
0x8a: {  	_ =	swait.ge [sflag:s20], $0x4000  }
0x8b: {  	[sflag:s20] =	ssyncset.done $0x0  }
0x8c: {  	s25 =	simm.s32 $0x80;
	[sflag:s20] =	ssyncadd.s32 $0xFFFFC000  }
0x8d: {  	[spmem:s1] =	stream.indirect.scatter.add.f32 [tilespmem:s16], [sflag:$0x3], $0x80, s25, s18, $0xb8;
	[tilespmem:$0x1FC00] =	vst v63  }
0x8e: {  	_ =	swait.ge [sflag:s17], $0x4000  }
0x8f: {  	[sflag:s17] =	ssyncset.done $0x0  }
0x90: {  	s26 =	simm.s32 $0x200;
	[sflag:s17] =	ssyncadd.s32 $0xFFFFC000  }
0x91: {  	[tilespmem:s16], [sflag:$0x1] =	stream.indirect.gather [hbm4b:s4+s18], $0x80, s26, s18, $0xb8;
	[tilespmem:$0x1FC00] =	vst v63  }
0x92: {  	_ =	swait.ge [sflag:s21], $0x4000  }
0x93: {  	[sflag:s21] =	ssyncset.done $0x0  }
0x94: {  	s28 =	simm.s32 $0x180;
	[sflag:s21] =	ssyncadd.s32 $0xFFFFC000  }
0x95: {  	[spmem:s1] =	stream.indirect.scatter.add.f32 [tilespmem:s19], [sflag:$0x3], $0x80, s28, s18, $0xb8;
	[tilespmem:$0x1FC00] =	vst v63  }
0x96: {  	_ =	swait.ge [sflag:s17], $0x4000  }
0x97: {  	s31 =	simm.s32 $0xFFFFC800;
	s0 =	simm.s32 $0xFFFF2800;
	[sflag:s17] =	ssyncset.done $0x0  }
.LBB2_5:
0x98: {  	s25 =	sadd.s32 $0x3B00, s31  }
0x99: {  	[sflag:s17] =	ssyncadd.s32 $0xFFFFC000;
	s26 =	smov.u32 s0;
	s28 =	sadd.s32 $0x800, s0  }
0x9a: {  	[tilespmem:s19], [sflag:$0x2] =	stream.indirect.gather [hbm4b:s4+s18], $0x80, s25, s18, $0xb8;
	[tilespmem:$0x1FC00] =	vst v63  }
0x9b: {  	p1 =	sne.s32 s0, $0xFFFFF800;
	_ =	swait.ge [sflag:s20], $0x4000  }
0x9c: {  	[sflag:s20] =	ssyncset.done $0x0  }
0x9d: {  	s0 =	sadd.s32 $0x3A80, s31;
	[sflag:s20] =	ssyncadd.s32 $0xFFFFC000  }
0x9e: {  	[spmem:s1] =	stream.indirect.scatter.add.f32 [tilespmem:s16], [sflag:$0x3], $0x80, s0, s18, $0xb8;
	[tilespmem:$0x1FC00] =	vst v63  }
0x9f: {  	_ =	swait.ge [sflag:s17], $0x4000  }
0xa0: {  	[sflag:s17] =	ssyncset.done $0x0  }
0xa1: {  	s0 =	sadd.s32 $0x3C00, s31;
	[sflag:s17] =	ssyncadd.s32 $0xFFFFC000  }
0xa2: {  	[tilespmem:s16], [sflag:$0x1] =	stream.indirect.gather [hbm4b:s4+s18], $0x80, s0, s18, $0xb8;
	[tilespmem:$0x1FC00] =	vst v63  }
0xa3: {  	_ =	swait.ge [sflag:s21], $0x4000  }
.Ltmp4:
0xa4: {  	[sflag:s21] =	ssyncset.done $0x0;
	(pc) =	sbr.rel @p1 .LBB2_5-.Ltmp4, $4  }
0xa5: {  	s0 =	sadd.s32 $0x3B80, s31;
	[sflag:s21] =	ssyncadd.s32 $0xFFFFC000  }
0xa6: {  	[spmem:s1] =	stream.indirect.scatter.add.f32 [tilespmem:s19], [sflag:$0x3], $0x80, s0, s18, $0xb8;
	[tilespmem:$0x1FC00] =	vst v63  }
0xa7: {  	_ =	swait.ge [sflag:s17], $0x4000  }
0xa8: {  	s31 =	sshra.s32 s26, $0x2;
	s0 =	smov.u32 s28;
	[sflag:s17] =	ssyncset.done $0x0  }
0xa9: {  	s0 =	sadd.s32 $0x3B00, s31;
	[sflag:s17] =	ssyncadd.s32 $0xFFFFC000  }
0xaa: {  	[tilespmem:s19], [sflag:$0x2] =	stream.indirect.gather [hbm4b:s4+s18], $0x80, s0, s18, $0xb8;
	[tilespmem:$0x1FC00] =	vst v63  }
0xab: {  	_ =	swait.ge [sflag:s20], $0x4000  }
0xac: {  	[sflag:s20] =	ssyncset.done $0x0  }
0xad: {  	s28 =	sadd.s32 $0x3A80, s31;
	[sflag:s20] =	ssyncadd.s32 $0xFFFFC000  }
0xae: {  	[spmem:s1] =	stream.indirect.scatter.add.f32 [tilespmem:s16], [sflag:$0x3], $0x80, s28, s18, $0xb8;
	[tilespmem:$0x1FC00] =	vst v63  }
0xaf: {  	_ =	swait.ge [sflag:s17], $0x4000  }
0xb0: {  	[sflag:s17] =	ssyncset.done $0x0  }
0xb1: {  	s25 =	sadd.s32 $0x3C00, s31;
	[sflag:s17] =	ssyncadd.s32 $0xFFFFC000  }
0xb2: {  	[tilespmem:s16], [sflag:$0x1] =	stream.indirect.gather [hbm4b:s4+s18], $0x80, s25, s18, $0xb8;
	[tilespmem:$0x1FC00] =	vst v63  }
0xb3: {  	_ =	swait.ge [sflag:s21], $0x4000  }
0xb4: {  	[sflag:s21] =	ssyncset.done $0x0  }
0xb5: {  	s26 =	sadd.s32 $0x3B80, s31;
	[sflag:s21] =	ssyncadd.s32 $0xFFFFC000  }
0xb6: {  	[spmem:s1] =	stream.indirect.scatter.add.f32 [tilespmem:s19], [sflag:$0x3], $0x80, s26, s18, $0xb8;
	[tilespmem:$0x1FC00] =	vst v63  }
0xb7: {  	_ =	swait.ge [sflag:s17], $0x4000  }
0xb8: {  	[sflag:s17] =	ssyncset.done $0x0  }
0xb9: {  	[sflag:s17] =	ssyncadd.s32 $0xFFFFC000  }
0xba: {  	[tilespmem:s19], [sflag:$0x2] =	stream.indirect.gather [hbm4b:s4+s18], $0x80, s22, s18, $0xb8;
	[tilespmem:$0x1FC00] =	vst v63  }
0xbb: {  	_ =	swait.ge [sflag:s20], $0x4000  }
0xbc: {  	[sflag:s20] =	ssyncset.done $0x0  }
0xbd: {  	[sflag:s20] =	ssyncadd.s32 $0xFFFFC000  }
0xbe: {  	[spmem:s1] =	stream.indirect.scatter.add.f32 [tilespmem:s16], [sflag:$0x3], $0x80, s23, s18, $0xb8;
	[tilespmem:$0x1FC00] =	vst v63  }
0xbf: {  	_ =	swait.ge [sflag:s17], $0x4000  }
0xc0: {  	[sflag:s17] =	ssyncset.done $0x0  }
0xc1: {  	[sflag:s17] =	ssyncadd.s32 $0xFFFFC000  }
0xc2: {  	_ =	swait.ge [sflag:s21], $0x4000  }
0xc3: {  	[sflag:s21] =	ssyncset.done $0x0  }
0xc4: {  	[sflag:s21] =	ssyncadd.s32 $0xFFFFC000  }
0xc5: {  	[spmem:s1] =	stream.indirect.scatter.add.f32 [tilespmem:s19], [sflag:$0x3], $0x80, s24, s18, $0xb8;
	[tilespmem:$0x1FC00] =	vst v63  }
0xc6: {  	_ =	swait.ge [sflag:s17], $0x4000  }
0xc7: {  	[sflag:s17] =	ssyncset.done $0x0  }
0xc8: {  	[sflag:s17] =	ssyncadd.s32 $0xFFFFC000  }
0xc9: {  	[tilespmem:s3], [sflag:$0x3] =	stream.linear.gather [hbm4b:s12+s3], $0x3C00, $0x38;
	[tilespmem:$0x1FC00] =	vst v63  }
0xca: {  	_ =	swait.ge [sflag:s17], $0x3C00  }
0xcb: {  	[sflag:s17] =	ssyncset.done $0x0  }
0xcc: {  	[sflag:s17] =	ssyncadd.s32 $0xFFFFC400  }
0xcd: {  	[tilespmem:s16], [sflag:$0x1] =	stream.indirect.gather [hbm4b:s4+s18], $0x80, s3, s18, $0xb8;
	[tilespmem:$0x1FC00] =	vst v63  }
0xce: {  	s28 =	simm.s32 $0x100  }
0xcf: {  	[tilespmem:s19], [sflag:$0x2] =	stream.indirect.gather [hbm4b:s4+s18], $0x80, s28, s18, $0xb8;
	[tilespmem:$0x1FC00] =	vst v63  }
0xd0: {  	_ =	swait.ge [sflag:s20], $0x4000  }
0xd1: {  	[sflag:s20] =	ssyncset.done $0x0  }
0xd2: {  	s25 =	simm.s32 $0x80;
	[sflag:s20] =	ssyncadd.s32 $0xFFFFC000  }
0xd3: {  	[spmem:s1] =	stream.indirect.scatter.add.f32 [tilespmem:s16], [sflag:$0x3], $0x80, s25, s18, $0xb8;
	[tilespmem:$0x1FC00] =	vst v63  }
0xd4: {  	_ =	swait.ge [sflag:s17], $0x4000  }
0xd5: {  	[sflag:s17] =	ssyncset.done $0x0  }
0xd6: {  	s26 =	simm.s32 $0x200;
	[sflag:s17] =	ssyncadd.s32 $0xFFFFC000  }
0xd7: {  	[tilespmem:s16], [sflag:$0x1] =	stream.indirect.gather [hbm4b:s4+s18], $0x80, s26, s18, $0xb8;
	[tilespmem:$0x1FC00] =	vst v63  }
0xd8: {  	_ =	swait.ge [sflag:s21], $0x4000  }
0xd9: {  	[sflag:s21] =	ssyncset.done $0x0  }
0xda: {  	s28 =	simm.s32 $0x180;
	[sflag:s21] =	ssyncadd.s32 $0xFFFFC000  }
0xdb: {  	[spmem:s1] =	stream.indirect.scatter.add.f32 [tilespmem:s19], [sflag:$0x3], $0x80, s28, s18, $0xb8;
	[tilespmem:$0x1FC00] =	vst v63  }
0xdc: {  	_ =	swait.ge [sflag:s17], $0x4000  }
0xdd: {  	s31 =	simm.s32 $0xFFFFC800;
	s0 =	simm.s32 $0xFFFF2800;
	[sflag:s17] =	ssyncset.done $0x0  }
.LBB2_7:
0xde: {  	s25 =	sadd.s32 $0x3B00, s31  }
0xdf: {  	[sflag:s17] =	ssyncadd.s32 $0xFFFFC000;
	s26 =	smov.u32 s0;
	s28 =	sadd.s32 $0x800, s0  }
0xe0: {  	[tilespmem:s19], [sflag:$0x2] =	stream.indirect.gather [hbm4b:s4+s18], $0x80, s25, s18, $0xb8;
	[tilespmem:$0x1FC00] =	vst v63  }
0xe1: {  	p1 =	sne.s32 s0, $0xFFFFF800;
	_ =	swait.ge [sflag:s20], $0x4000  }
0xe2: {  	[sflag:s20] =	ssyncset.done $0x0  }
0xe3: {  	s0 =	sadd.s32 $0x3A80, s31;
	[sflag:s20] =	ssyncadd.s32 $0xFFFFC000  }
0xe4: {  	[spmem:s1] =	stream.indirect.scatter.add.f32 [tilespmem:s16], [sflag:$0x3], $0x80, s0, s18, $0xb8;
	[tilespmem:$0x1FC00] =	vst v63  }
0xe5: {  	_ =	swait.ge [sflag:s17], $0x4000  }
0xe6: {  	[sflag:s17] =	ssyncset.done $0x0  }
0xe7: {  	s0 =	sadd.s32 $0x3C00, s31;
	[sflag:s17] =	ssyncadd.s32 $0xFFFFC000  }
0xe8: {  	[tilespmem:s16], [sflag:$0x1] =	stream.indirect.gather [hbm4b:s4+s18], $0x80, s0, s18, $0xb8;
	[tilespmem:$0x1FC00] =	vst v63  }
0xe9: {  	_ =	swait.ge [sflag:s21], $0x4000  }
.Ltmp5:
0xea: {  	[sflag:s21] =	ssyncset.done $0x0;
	(pc) =	sbr.rel @p1 .LBB2_7-.Ltmp5, $4  }
0xeb: {  	s0 =	sadd.s32 $0x3B80, s31;
	[sflag:s21] =	ssyncadd.s32 $0xFFFFC000  }
0xec: {  	[spmem:s1] =	stream.indirect.scatter.add.f32 [tilespmem:s19], [sflag:$0x3], $0x80, s0, s18, $0xb8;
	[tilespmem:$0x1FC00] =	vst v63  }
0xed: {  	_ =	swait.ge [sflag:s17], $0x4000  }
0xee: {  	s31 =	sshra.s32 s26, $0x2;
	s0 =	smov.u32 s28;
	[sflag:s17] =	ssyncset.done $0x0  }
0xef: {  	s0 =	sadd.s32 $0x3B00, s31;
	[sflag:s17] =	ssyncadd.s32 $0xFFFFC000  }
0xf0: {  	[tilespmem:s19], [sflag:$0x2] =	stream.indirect.gather [hbm4b:s4+s18], $0x80, s0, s18, $0xb8;
	[tilespmem:$0x1FC00] =	vst v63  }
0xf1: {  	_ =	swait.ge [sflag:s20], $0x4000  }
0xf2: {  	[sflag:s20] =	ssyncset.done $0x0  }
0xf3: {  	s25 =	sadd.s32 $0x3A80, s31;
	[sflag:s20] =	ssyncadd.s32 $0xFFFFC000  }
0xf4: {  	[spmem:s1] =	stream.indirect.scatter.add.f32 [tilespmem:s16], [sflag:$0x3], $0x80, s25, s18, $0xb8;
	[tilespmem:$0x1FC00] =	vst v63  }
0xf5: {  	_ =	swait.ge [sflag:s17], $0x4000  }
0xf6: {  	[sflag:s17] =	ssyncset.done $0x0  }
0xf7: {  	s26 =	sadd.s32 $0x3C00, s31;
	[sflag:s17] =	ssyncadd.s32 $0xFFFFC000  }
0xf8: {  	[tilespmem:s16], [sflag:$0x1] =	stream.indirect.gather [hbm4b:s4+s18], $0x80, s26, s18, $0xb8;
	[tilespmem:$0x1FC00] =	vst v63  }
0xf9: {  	_ =	swait.ge [sflag:s21], $0x4000  }
0xfa: {  	[sflag:s21] =	ssyncset.done $0x0  }
0xfb: {  	s28 =	sadd.s32 $0x3B80, s31;
	[sflag:s21] =	ssyncadd.s32 $0xFFFFC000  }
0xfc: {  	[spmem:s1] =	stream.indirect.scatter.add.f32 [tilespmem:s19], [sflag:$0x3], $0x80, s28, s18, $0xb8;
	[tilespmem:$0x1FC00] =	vst v63  }
0xfd: {  	_ =	swait.ge [sflag:s17], $0x4000  }
0xfe: {  	[sflag:s17] =	ssyncset.done $0x0  }
0xff: {  	[sflag:s17] =	ssyncadd.s32 $0xFFFFC000  }
0x100: {  	[tilespmem:s19], [sflag:$0x2] =	stream.indirect.gather [hbm4b:s4+s18], $0x80, s22, s18, $0xb8;
	[tilespmem:$0x1FC00] =	vst v63  }
0x101: {  	_ =	swait.ge [sflag:s20], $0x4000  }
0x102: {  	[sflag:s20] =	ssyncset.done $0x0  }
0x103: {  	[sflag:s20] =	ssyncadd.s32 $0xFFFFC000  }
0x104: {  	[spmem:s1] =	stream.indirect.scatter.add.f32 [tilespmem:s16], [sflag:$0x3], $0x80, s23, s18, $0xb8;
	[tilespmem:$0x1FC00] =	vst v63  }
0x105: {  	_ =	swait.ge [sflag:s17], $0x4000  }
0x106: {  	[sflag:s17] =	ssyncset.done $0x0  }
0x107: {  	[sflag:s17] =	ssyncadd.s32 $0xFFFFC000  }
0x108: {  	_ =	swait.ge [sflag:s21], $0x4000  }
0x109: {  	[sflag:s21] =	ssyncset.done $0x0  }
0x10a: {  	[sflag:s21] =	ssyncadd.s32 $0xFFFFC000  }
0x10b: {  	[spmem:s1] =	stream.indirect.scatter.add.f32 [tilespmem:s19], [sflag:$0x3], $0x80, s24, s18, $0xb8;
	[tilespmem:$0x1FC00] =	vst v63  }
0x10c: {  	_ =	swait.ge [sflag:s17], $0x4000  }
0x10d: {  	[sflag:s17] =	ssyncset.done $0x0  }
0x10e: {  	p2 =	por $0x0, $0x0;
	[sflag:s17] =	ssyncadd.s32 $0xFFFFC000  }
0x10f: {  	[tilespmem:s3], [sflag:$0x3] =	stream.linear.gather [hbm4b:s13+s3], $0x1E00, $0x38;
	[tilespmem:$0x1FC00] =	vst v63  }
.Ltmp6:
0x110: {  	_ = 	snop;
	(pc) =	sbr.rel @p2 .LBB2_11-.Ltmp6, $4  }
0x111: {  	_ =	swait.ge [sflag:s17], $0x1E00  }
0x112: {  	[sflag:s17] =	ssyncset.done $0x0  }
0x113: {  	s31 =	simm.s32 $0xFFFFE400;
	p1 =	por $0x0, $0x0;
	[sflag:s17] =	ssyncadd.s32 $0xFFFFE200  }
0x114: {  	[tilespmem:s16], [sflag:$0x1] =	stream.indirect.gather [hbm4b:s4+s18], $0x80, s3, s18, $0xb8;
	[tilespmem:$0x1FC00] =	vst v63  }
0x115: {  	s0 =	simm.s32 $0x100  }
0x116: {  	[tilespmem:s19], [sflag:$0x2] =	stream.indirect.gather [hbm4b:s4+s18], $0x80, s0, s18, $0xb8;
	[tilespmem:$0x1FC00] =	vst v63  }
0x117: {  	_ =	swait.ge [sflag:s20], $0x4000  }
0x118: {  	[sflag:s20] =	ssyncset.done $0x0  }
0x119: {  	s25 =	simm.s32 $0x80;
	[sflag:s20] =	ssyncadd.s32 $0xFFFFC000  }
0x11a: {  	[spmem:s1] =	stream.indirect.scatter.add.f32 [tilespmem:s16], [sflag:$0x3], $0x80, s25, s18, $0xb8;
	[tilespmem:$0x1FC00] =	vst v63  }
0x11b: {  	_ =	swait.ge [sflag:s17], $0x4000  }
0x11c: {  	[sflag:s17] =	ssyncset.done $0x0  }
0x11d: {  	s26 =	simm.s32 $0x200;
	[sflag:s17] =	ssyncadd.s32 $0xFFFFC000  }
0x11e: {  	[tilespmem:s16], [sflag:$0x1] =	stream.indirect.gather [hbm4b:s4+s18], $0x80, s26, s18, $0xb8;
	[tilespmem:$0x1FC00] =	vst v63  }
0x11f: {  	p2 =	por $0x0, $0x0;
	_ =	swait.ge [sflag:s21], $0x4000  }
.Ltmp7:
0x120: {  	[sflag:s21] =	ssyncset.done $0x0;
	(pc) =	sbr.rel @p2 .LBB2_11-.Ltmp7, $4  }
0x121: {  	s28 =	simm.s32 $0x180;
	[sflag:s21] =	ssyncadd.s32 $0xFFFFC000  }
0x122: {  	[spmem:s1] =	stream.indirect.scatter.add.f32 [tilespmem:s19], [sflag:$0x3], $0x80, s28, s18, $0xb8;
	[tilespmem:$0x1FC00] =	vst v63  }
0x123: {  	s31 =	simm.s32 $0xFFFFE600;
	_ =	swait.ge [sflag:s17], $0x4000  }
0x124: {  	p1 =	por $0x1, $0x1;
	s0 =	simm.s32 $0xFFFFA000;
	[sflag:s17] =	ssyncset.done $0x0  }
.LBB2_10:
0x125: {  	s25 =	sadd.s32 $0x1D00, s31  }
0x126: {  	[sflag:s17] =	ssyncadd.s32 $0xFFFFC000;
	s26 =	smov.u32 s0;
	s28 =	sadd.s32 $0x800, s0  }
0x127: {  	[tilespmem:s19], [sflag:$0x2] =	stream.indirect.gather [hbm4b:s4+s18], $0x80, s25, s18, $0xb8;
	[tilespmem:$0x1FC00] =	vst v63  }
0x128: {  	p2 =	seq.s32 s0, $0xFFFFF800;
	_ =	swait.ge [sflag:s20], $0x4000  }
0x129: {  	[sflag:s20] =	ssyncset.done $0x0  }
0x12a: {  	s0 =	sadd.s32 $0x1C80, s31;
	[sflag:s20] =	ssyncadd.s32 $0xFFFFC000  }
0x12b: {  	[spmem:s1] =	stream.indirect.scatter.add.f32 [tilespmem:s16], [sflag:$0x3], $0x80, s0, s18, $0xb8;
	[tilespmem:$0x1FC00] =	vst v63  }
0x12c: {  	_ =	swait.ge [sflag:s17], $0x4000  }
0x12d: {  	[sflag:s17] =	ssyncset.done $0x0  }
0x12e: {  	s0 =	sadd.s32 $0x1E00, s31;
	[sflag:s17] =	ssyncadd.s32 $0xFFFFC000  }
0x12f: {  	[tilespmem:s16], [sflag:$0x1] =	stream.indirect.gather [hbm4b:s4+s18], $0x80, s0, s18, $0xb8;
	[tilespmem:$0x1FC00] =	vst v63  }
0x130: {  	_ =	swait.ge [sflag:s21], $0x4000  }
.Ltmp8:
0x131: {  	[sflag:s21] =	ssyncset.done $0x0;
	(pc) =	sbr.rel @!p2 .LBB2_10-.Ltmp8, $4  }
0x132: {  	s0 =	sadd.s32 $0x1D80, s31;
	[sflag:s21] =	ssyncadd.s32 $0xFFFFC000  }
0x133: {  	[spmem:s1] =	stream.indirect.scatter.add.f32 [tilespmem:s19], [sflag:$0x3], $0x80, s0, s18, $0xb8;
	[tilespmem:$0x1FC00] =	vst v63  }
0x134: {  	_ =	swait.ge [sflag:s17], $0x4000  }
0x135: {  	s31 =	sshra.s32 s26, $0x2;
	s0 =	smov.u32 s28;
	[sflag:s17] =	ssyncset.done $0x0  }
.LBB2_11:
0x136: {  	s0 =	sadd.s32 $0x1D00, s31;
	[sflag:s17] =	ssyncadd.s32 @p1 $0xFFFFC000  }
0x137: {  	[tilespmem:s19], [sflag:$0x2] =	stream.indirect.gather [hbm4b:s4+s18], $0x80, s0, s18, $0xb8;
	[tilespmem:$0x1FC00] =	vst v63  }
0x138: {  	_ =	swait.ge [sflag:s20], $0x4000  }
0x139: {  	[sflag:s20] =	ssyncset.done $0x0  }
0x13a: {  	s25 =	sadd.s32 $0x1C80, s31;
	[sflag:s20] =	ssyncadd.s32 $0xFFFFC000  }
0x13b: {  	[spmem:s1] =	stream.indirect.scatter.add.f32 [tilespmem:s16], [sflag:$0x3], $0x80, s25, s18, $0xb8;
	[tilespmem:$0x1FC00] =	vst v63  }
0x13c: {  	_ =	swait.ge [sflag:s17], $0x4000  }
0x13d: {  	[sflag:s17] =	ssyncset.done $0x0  }
0x13e: {  	s26 =	sadd.s32 $0x1E00, s31;
	[sflag:s17] =	ssyncadd.s32 $0xFFFFC000  }
0x13f: {  	[tilespmem:s16], [sflag:$0x1] =	stream.indirect.gather [hbm4b:s4+s18], $0x80, s26, s18, $0xb8;
	[tilespmem:$0x1FC00] =	vst v63  }
0x140: {  	_ =	swait.ge [sflag:s21], $0x4000  }
0x141: {  	[sflag:s21] =	ssyncset.done $0x0  }
.Ltmp9:
0x142: {  	s28 =	sadd.s32 $0x1D80, s31;
	[sflag:s21] =	ssyncadd.s32 $0xFFFFC000;
	(pc) =	sbr.rel .LBB2_13-.Ltmp9, $4  }
0x143: {  	[spmem:s1] =	stream.indirect.scatter.add.f32 [tilespmem:s19], [sflag:$0x3], $0x80, s28, s18, $0xb8;
	[tilespmem:$0x1FC00] =	vst v63  }
0x144: {  	_ =	swait.ge [sflag:s17], $0x4000  }
0x145: {  	s31 =	simm.s32 $0x1C80;
	[sflag:s17] =	ssyncset.done $0x0  }
0x146: {  	s0 =	simm.s32 $0x1D80;
	s25 =	simm.s32 $0x1D00;
	[sflag:s17] =	ssyncadd.s32 $0xFFFFC000  }
.LBB2_14:
0x147: {  	_ =	sfence.sel $0x180000  }
0x148: {  	[bflag:$0x0] =	sbarrier.arrive $0xFFFF  }
0x149: {  	_ =	strace $0x9000004A  }
0x14a: {  	[bflag:$0x2] =	sbarrier.arrive $0xFFFF  }
0x14b: {  	p0 =	sne.s32 s2, $0x0;
	s0 =	rddreg [dreg:$0x2]  }
0x14c: {  	s0 =	sadd.s32 @!p0 $0x100000, s0  }
0x14d: {  	[sflag:s0] =	ssyncadd.tile.s32 @!p0 $0x1;
	_ =	shalt  }
.Lfunc_end2:
_tile_overlayer_lowered:
.L_overlay_start_2:
0x14e: {  	(tag) =	ssettag $0x2  }
0x14f: {  	s0 =	rddreg [dreg:$0x0];
	s2 =	stileid.u32  }
0x150: {  	s1 =	rddreg [dreg:$0x1];
	p0 =	sne.s32 s2, $0x0  }
0x151: {  	s3 =	rddreg [dreg:$0x2];
	[bflag:$0x3] =	sbarrier.arrive $0xFFFF;
	s2 =	simm.s32 @!p0 $0x1C03  }
0x152: {  	[timem:s3], [sflag:s2] =	dma.local @!p0 [hbm:s0], s1  }
0x153: {  	s0 =	simm.s32 @!p0 $0x3  }
0x154: {  	_ =	swait.ge @!p0 [sflag:s0], s1  }
0x155: {  	s1 =	ssub.s32 @!p0 $0x0, s1;
	[sflag:s0] =	ssyncset.done @!p0 $0x0  }
0x156: {  	[sflag:s0] =	ssyncadd.s32 @!p0 s1  }
0x157: {  	[bflag:$0x3] =	sbarrier.arrive $0xFFFF  }
0x158: {  	_ =	shalt  }

// kernel: kernel.15.cloned.1.call-start
scs
__scs_entry_jumppad:
0x0: {  	(pc) =	sbr.rel $0x88, $3  }
0x1: {  	(tag) =	ssettag $0x0;
	lr =	simm.s32 $0x1  }
0x2: {  	[smem:$0x3F94] =	sst lr;
	_ =	strace $0xD0000000  }
0x3: {  	_ = 	snop  }
0x4: {  	_ = 	snop  }
0x5: {  	_ = 	snop  }
0x6: {  	_ = 	snop  }
0x7: {  	_ = 	snop  }
__scs_overlays_trampoline_lowered:
0x8: {  	[smem:$0x3FA3] =	sst s0  }
0x9: {  	[smem:$0x3FA4] =	sst s1  }
0xa: {  	[smem:$0x3FA5] =	sst s2  }
0xb: {  	[smem:$0x3FA6] =	sst s3  }
0xc: {  	[smem:$0x3FA7] =	sst s4  }
0xd: {  	[smem:$0x3FA8] =	sst s5  }
0xe: {  	[smem:$0x3FA9] =	sst s6  }
0xf: {  	[smem:$0x3FAA] =	sst s7  }
0x10: {  	[smem:$0x3FAB] =	sst s8  }
0x11: {  	[smem:$0x3FAC] =	sst s9;
	s0 =	simm.s32 @!p0 $0x0  }
0x12: {  	s1 =	sld [smem:$0x3F92];
	s0 =	simm.s32 @p0 $0x1  }
0x13: {  	[smem:$0x3FAD] =	sst s0;
	s0 =	simm.s32 @!p1 $0x0  }
0x14: {  	s2 =	sld [smem:$0x3F91];
	s0 =	simm.s32 @p1 $0x1  }
0x15: {  	[smem:$0x3FAE] =	sst s0;
	s0 =	simm.s32 @!p2 $0x0  }
0x16: {  	s3 =	sld [smem:$0x3FDB];
	s0 =	simm.s32 @p2 $0x1  }
0x17: {  	s4 =	simm.s32 $0x1BF5;
	[smem:$0x3FB0] =	sst s0  }
0x18: {  	s0 =	sld [smem:$0x3F93];
	_ =	swait.ge [sflag:s4], $0x0  }
0x19: {  	s7 =	sld [smem:$0x3F94]  }
0x1a: {  	s8 =	sadd.s32 $0xFFFFE003, lr  }
0x1b: {  	s9 =	sadd.s32 $0xFFFFFEF7, lr;
	s5 =	simm.s32 $0xFFFFFFFF;
	p2 =	slt.u32 s8, $0xFFFFF086  }
0x1c: {  	p1 =	slt.u32 s9, $0xF7A;
	s5 =	simm.s32 @!p2 $0x0  }
0x1d: {  	s5 =	simm.s32 @p1 $0x1;
	p0 =	seq.s32 s7, s2  }
0x1e: {  	s7 =	smul.u32 @!p0 $0xF7A, s2;
	p2 =	seq.s32 @!p0 s5, $0x0  }
0x1f: {  	s9 =	smul.u32 $0xF7A, s1;
	s8 =	simm.s32 @!p0 $0x1BF5;
	p2 =	por !p2, p0  }
0x20: {  	[sflag:s8] =	ssyncset.s32 @!p0 $0xFFFFF086;
	s6 =	sadd.s32 @!p0 s3, s7;
	s7 =	simm.s32 @!p0 $0x108  }
0x21: {  	s3 =	sadd.s32 s3, s9;
	s6 =	sadd.s32 @!p0 $0x88, s6;
	s7 =	simm.s32 @p2 $0x1082  }
0x22: {  	[simem:s7], [sflag:s8] =	dma.local @!p0 [hbm:s6], $0xF7A  }
0x23: {  	s9 =	sor.u32 $0xD0000000, s2;
	s6 =	simm.s32 $0x108;
	_ =	swait.ge @!p0 [sflag:s8], $0x0  }
0x24: {  	s3 =	sadd.s32 $0x88, s3;
	s6 =	simm.s32 @!p1 $0x1082;
	[sflag:s4] =	ssyncset.s32 $0xFFFFF086  }
0x25: {  	[simem:s6], [sflag:s4] =	dma.local [hbm:s3], $0xF7A  }
0x26: {  	[smem:$0x3F94] =	sst s1;
	(tag) =	ssettag s2;
	_ =	strace s9  }
0x27: {  	s1 =	sld [smem:$0x3FA4]  }
0x28: {  	s2 =	sld [smem:$0x3FA5]  }
0x29: {  	s4 =	sld [smem:$0x3FA7]  }
0x2a: {  	p0 =	seq.s32 s5, $0x0;
	s5 =	sld [smem:$0x3FA8]  }
0x2b: {  	s6 =	sld [smem:$0x3FA9]  }
0x2c: {  	s7 =	sld [smem:$0x3FAA]  }
0x2d: {  	s3 =	simm.s32 $0x108;
	s8 =	sld [smem:$0x3FAB]  }
0x2e: {  	s3 =	simm.s32 @!p0 $0x1082;
	s9 =	sld [smem:$0x3FAC]  }
0x2f: {  	lr =	sadd.s32 s0, s3;
	s0 =	sld [smem:$0x3FA3]  }
0x30: {  	s3 =	sld [smem:$0x3FA6]  }
0x31: {  	[smem:$0x3FAF] =	sst s10  }
0x32: {  	s10 =	sld [smem:$0x3FAD];
	_ =	sdelay $0x3  }
0x33: {  	p0 =	seq.s32 s10, $0x1;
	s10 =	sld [smem:$0x3FAF];
	_ =	sdelay $0x3  }
0x34: {  	[smem:$0x3FAF] =	sst s10  }
0x35: {  	s10 =	sld [smem:$0x3FAE];
	_ =	sdelay $0x3  }
0x36: {  	p1 =	seq.s32 s10, $0x1;
	s10 =	sld [smem:$0x3FAF];
	_ =	sdelay $0x3  }
0x37: {  	[smem:$0x3FAF] =	sst s10  }
0x38: {  	s10 =	sld [smem:$0x3FB0]  }
0x39: {  	_ = 	snop;
	(pc) =	sbr.ind lr, $3  }
0x3a: {  	_ = 	snop  }
0x3b: {  	_ = 	snop  }
0x3c: {  	p2 =	seq.s32 s10, $0x1;
	s10 =	sld [smem:$0x3FAF]  }
0x3d: {  	_ =	shalt  }
0x3e: {  	_ =	shalt  }
0x3f: {  	_ =	shalt  }
0x40: {  	_ =	shalt  }
0x41: {  	_ =	shalt  }
0x42: {  	_ =	shalt  }
0x43: {  	_ =	shalt  }
0x44: {  	_ =	shalt  }
0x45: {  	_ =	shalt  }
0x46: {  	_ =	shalt  }
0x47: {  	_ =	shalt  }
0x48: {  	_ =	shalt  }
0x49: {  	_ =	shalt  }
0x4a: {  	_ =	shalt  }
0x4b: {  	_ =	shalt  }
0x4c: {  	_ =	shalt  }
0x4d: {  	_ =	shalt  }
0x4e: {  	_ =	shalt  }
0x4f: {  	_ =	shalt  }
0x50: {  	_ =	shalt  }
0x51: {  	_ =	shalt  }
0x52: {  	_ =	shalt  }
0x53: {  	_ =	shalt  }
0x54: {  	_ =	shalt  }
0x55: {  	_ =	shalt  }
0x56: {  	_ =	shalt  }
0x57: {  	_ =	shalt  }
0x58: {  	_ =	shalt  }
0x59: {  	_ =	shalt  }
0x5a: {  	_ =	shalt  }
0x5b: {  	_ =	shalt  }
0x5c: {  	_ =	shalt  }
0x5d: {  	_ =	shalt  }
0x5e: {  	_ =	shalt  }
0x5f: {  	_ =	shalt  }
0x60: {  	_ =	shalt  }
0x61: {  	_ =	shalt  }
0x62: {  	_ =	shalt  }
0x63: {  	_ =	shalt  }
0x64: {  	_ =	shalt  }
0x65: {  	_ =	shalt  }
0x66: {  	_ =	shalt  }
0x67: {  	_ =	shalt  }
0x68: {  	_ =	shalt  }
0x69: {  	_ =	shalt  }
0x6a: {  	_ =	shalt  }
0x6b: {  	_ =	shalt  }
0x6c: {  	_ =	shalt  }
0x6d: {  	_ =	shalt  }
0x6e: {  	_ =	shalt  }
0x6f: {  	_ =	shalt  }
0x70: {  	_ =	shalt  }
0x71: {  	_ =	shalt  }
0x72: {  	_ =	shalt  }
0x73: {  	_ =	shalt  }
0x74: {  	_ =	shalt  }
0x75: {  	_ =	shalt  }
0x76: {  	_ =	shalt  }
0x77: {  	_ =	shalt  }
0x78: {  	_ =	shalt  }
0x79: {  	_ =	shalt  }
0x7a: {  	_ =	shalt  }
0x7b: {  	_ =	shalt  }
0x7c: {  	_ =	shalt  }
0x7d: {  	_ =	shalt  }
0x7e: {  	_ =	shalt  }
0x7f: {  	_ =	shalt  }
0x80: {  	_ =	shalt  }
0x81: {  	_ =	shalt  }
0x82: {  	_ =	shalt  }
0x83: {  	_ =	shalt  }
0x84: {  	_ =	shalt  }
0x85: {  	_ =	shalt  }
0x86: {  	_ =	shalt  }
0x87: {  	_ =	shalt  }
.Lfunc_end0:
.L_simem_size_0:
called_computation.2_lowered:
.L_overlay_start_0:
0x88: {  	s2 =	sld [smem:$0x3FD9]  }
0x89: {  	s3 =	sld [smem:$0x3FFE];
	_ =	sdelay $0x1  }
0x8a: {  	s1 =	srdreg.scid  }
0x8b: {  	s0 =	sand.u32 $0x1, s1  }
0x8c: {  	s16 =	sshll.u32 s0, $0xA;
	s2 =	sadd.s32 s3, s2  }
0x8d: {  	s2 =	sadd.s32 s2, s16  }
0x8e: {  	[smem:$0x3FBB] =	sst s2  }
0x8f: {  	_ = 	snop  }
0x90: {  	(tm) =	ssettm $0x1  }
0x91: {  	s17 =	sld [smem:$0x3FFB];
	_ =	sdelay $0x3  }
0x92: {  	_ =	strace s17  }
0x93: {  	s2 =	sld [smem:$0x3FFC];
	_ =	sdelay $0x3  }
0x94: {  	_ =	strace s2  }
0x95: {  	s2 =	sld [smem:$0x3FFD];
	_ =	sdelay $0x3  }
0x96: {  	_ =	strace s2  }
0x97: {  	_ =	strace $0x8FFFFFFF  }
0x98: {  	s18 =	sld [smem:$0x3FDB];
	_ =	sdelay $0x1  }
0x99: {  	s19 =	simm.s32 $_scs_section_size  }
0x9a: {  	s4 =	simm.s32 $_size__tile_overlayer_lowered;
	s5 =	simm.s32 $_tile_overlayer_lowered  }
0x9b: {  	s22 =	simm.s32 $0x1BFF;
	s21 =	sshll.u32 s5, $0x1;
	s2 =	sadd.s32 s19, s18  }
0x9c: {  	s6 =	simm.s32 $0x0;
	s20 =	sshll.u32 s4, $0x1;
	s4 =	sadd.s32 s21, s2  }
0x9d: {  	[timem:s6], [sflag:s22] =	dma.local [hbm:s4], s20  }
0x9e: {  	_ =	swait.ge [sflag:s22], s20  }
0x9f: {  	s3 =	ssub.s32 $0x0, s20;
	[sflag:s22] =	ssyncset.done $0x0  }
0xa0: {  	[sflag:s22] =	ssyncadd.s32 s3;
	_ =	sdelay $0x1  }
0xa1: {  	s23 =	simm.s32 $0x1B8B  }
0xa2: {  	_ =	swait.ge [sflag:s23], $0x1  }
0xa3: {  	[sflag:s23] =	ssyncset.done $0x0  }
0xa4: {  	s25 =	simm.s32 $0x1B8E;
	s24 =	sld [smem:$0x3FFE];
	[sflag:s23] =	ssyncadd.s32 $0xFFFFFFFF  }
0xa5: {  	s26 =	simm.s32 $execute0_lowered;
	[smem:$0x3FD2] =	sst s25  }
0xa6: {  	s4 =	sshll.u32 s26, $0x1;
	_ =	strace $0x8000004C;
	[dreg:$0x1] =	wrdreg $0xFFFFFFFF  }
0xa7: {  	s28 =	simm.s32 $_size_execute0_lowered;
	s2 =	sadd.s32 s2, s4;
	[dreg:$0x0] =	wrdreg $0x0  }
0xa8: {  	s4 =	sshll.u32 s28, $0x1;
	[dreg:$0x2] =	wrdreg s2  }
0xa9: {  	[dreg:$0x3] =	wrdreg s4  }
0xaa: {  	[dreg:$0x4] =	wrdreg $0xC0  }
0xab: {  	_ =	task [dreg:s6], $0x5FFFF  }
0xac: {  	[dreg:$0x1] =	wrdreg $0xFFFFFFFF  }
0xad: {  	[dreg:$0x0] =	wrdreg $0x60  }
0xae: {  	[dreg:$0x2] =	wrdreg s24  }
0xaf: {  	[dreg:$0x3] =	wrdreg $0xBC000  }
0xb0: {  	[dreg:$0x4] =	wrdreg $0x9  }
0xb1: {  	_ =	task.clear_ibuf [dreg:s6], $0x5FFFF;
	_ =	strace $0x9000004C  }
0xb2: {  	s29 =	simm.s32 $0x9;
	_ =	strace $0x8000004E  }
0xb3: {  	_ =	swait.ge [sflag:s29], $0x1  }
0xb4: {  	[sflag:s29] =	ssyncadd.s32 $0xFFFFFFFF  }
0xb5: {  	_ =	strace $0x9000004E  }
0xb6: {  	_ =	sfence  }
0xb7: {  	s30 =	sld [smem:$0x0];
	_ =	sdelay $0x2  }
0xb8: {  	s31 =	sshll.u32 s1, $0xD;
	s1 =	sshrl.u32 s1, $0x2  }
0xb9: {  	s3 =	sand.u32 $0x4000, s31;
	s1 =	sadd.s32 s1, s30  }
0xba: {  	s0 =	sor.u32 s3, s0;
	s1 =	sshll.u32 s1, $0x11  }
0xbb: {  	s0 =	sor.u32 s1, s0  }
0xbc: {  	s0 =	sadd.s32 $0x8F2B, s0  }
0xbd: {  	[sflag:s0] =	ssyncadd.remote.s32 $0x1  }
0xbe: {  	_ =	sfence.sel $0xFFFF  }
0xbf: {  	[dreg:$0x0] =	wrdreg $0xFFFFFFFF;
	(pc) =	sbr.abs _section_cstart, $3  }
0xc0: {  	[dreg:$0x1] =	wrdreg $0xFFFFFFFF  }
0xc1: {  	_ =	task.clear_ibuf [dreg:s6], $0x2FFFF;
	_ =	strace $0x9FFFFFFF  }
0xc2: {  	(tm) =	ssettm $0x7FFFFFFF  }
0xc3: {  	_ =	shalt  }
tec
execute0_lowered:
.L_overlay_start_1:
0x0: {  	(tag) =	ssettag $0x1  }
0x1: {  	s0 =	rddreg [dreg:$0x0]  }
0x2: {  	s1 =	rddreg [dreg:$0x1]  }
0x3: {  	s2 =	srdreg.scid;
	s3 =	simm.s32 $0x0;
	s17 =	simm.s32 $0x3  }
0x4: {  	s18 =	simm.s32 $0x80;
	s19 =	simm.s32 $0x7C00;
	s20 =	simm.s32 $0x1  }
0x5: {  	s21 =	simm.s32 $0x2;
	s22 =	simm.s32 $0x3B00;
	s23 =	simm.s32 $0x3A80  }
0x6: {  	s24 =	simm.s32 $0x3B80;
	s29 =	simm.s32 $0x580;
	s16 =	sand.u32 $0x1, s2  }
0x7: {  	s30 =	simm.s32 $0x0;
	s2 =	stileid.u32;
	s5 =	smul.u32 $0x140000, s16  }
0x8: {  	[smem:$0x7FF] =	sst s3;
	s4 =	sadd.s32 $0x3400, s0;
	s6 =	smul.u32 $0x14000, s2  }
0x9: {  	s11 =	sadd.s32 $0x2B600, s0;
	_ =	strace $0x8000004D;
	s7 =	smul.u32 $0x50000, s2  }
0xa: {  	s31 =	ssub.s32 $0x2, s16;
	s9 =	smul.u32 $0x9600, s2;
	s10 =	sshll.u32 s2, $0x8  }
0xb: {  	s12 =	smul.u32 $0x12C0, s2;
	p0 =	sne.s32 s16, $0x0;
	s16 =	simm.s32 $0x3C00  }
0xc: {  	s8 =	sshrl.u32 s31, $0x1;
	s10 =	sadd.s32 s10, s11;
	s5 =	sadd.s32 s6, s5  }
0xd: {  	s7 =	sshrl.u32 s7, $0x2;
	s15 =	ssub.s32 s31, s8;
	s13 =	sshrl.u32 s9, $0x3  }
.Ltmp0:
0xe: {  	s10 =	sadd.s32 $0x12C00, s10;
	s5 =	sshrl.u32 s5, $0x3;
	(pc) =	sbr.rel .LBB2_1-.Ltmp0, $4  }
0xf: {  	s13 =	sadd.s32 s11, s13;
	s11 =	sadd.s32 s11, s12;
	s15 =	smax.u32 s15, $0x1  }
0x10: {  	s0 =	sadd.s32 s5, s0;
	s5 =	sadd.s32 s7, s1;
	s12 =	sadd.s32 $0x780, s13  }
0x11: {  	s13 =	sadd.s32 $0xF00, s13;
	s6 =	sadd.s32 $0x4000, s5;
	s7 =	sadd.s32 $0x8000, s5  }
0x12: {  	v0 =	vimm.f32 $0.0e+00;
	s8 =	sadd.s32 $0xC000, s5;
	s9 =	sadd.s32 $0x10000, s5;
	s14 =	sadd.s32 $0x3F200, s0  }
.LBB2_12:
0x13: {  	[tilespmem:s3], [sflag:$0x3] =	stream.linear.gather [hbm4b:s10+s3], $0x800, $0x38;
	[tilespmem:$0x1FC00] =	vst v63  }
0x14: {  	_ =	swait.ge [sflag:s17], $0x800  }
0x15: {  	[sflag:s17] =	ssyncset.done $0x0  }
0x16: {  	[sflag:s17] =	ssyncadd.s32 $0xFFFFF800  }
0x17: {  	[tilespmem:s16], [sflag:$0x1] =	stream.indirect.gather [hbm4b:s4+s18], $0x80, s3, s18, $0xb8;
	[tilespmem:$0x1FC00] =	vst v63  }
0x18: {  	s0 =	simm.s32 $0x100  }
0x19: {  	[tilespmem:s19], [sflag:$0x2] =	stream.indirect.gather [hbm4b:s4+s18], $0x80, s0, s18, $0xb8;
	[tilespmem:$0x1FC00] =	vst v63  }
0x1a: {  	_ =	swait.ge [sflag:s20], $0x4000  }
0x1b: {  	[sflag:s20] =	ssyncset.done $0x0  }
0x1c: {  	[sflag:s20] =	ssyncadd.s32 $0xFFFFC000  }
0x1d: {  	[spmem:s1] =	stream.indirect.scatter.add.f32 [tilespmem:s16], [sflag:$0x3], $0x80, s18, s18, $0xb8;
	[tilespmem:$0x1FC00] =	vst v63  }
0x1e: {  	_ =	swait.ge [sflag:s17], $0x4000  }
0x1f: {  	[sflag:s17] =	ssyncset.done $0x0  }
0x20: {  	s25 =	simm.s32 $0x200;
	[sflag:s17] =	ssyncadd.s32 $0xFFFFC000  }
0x21: {  	[tilespmem:s16], [sflag:$0x1] =	stream.indirect.gather [hbm4b:s4+s18], $0x80, s25, s18, $0xb8;
	[tilespmem:$0x1FC00] =	vst v63  }
0x22: {  	_ =	swait.ge [sflag:s21], $0x4000  }
0x23: {  	[sflag:s21] =	ssyncset.done $0x0  }
0x24: {  	s26 =	simm.s32 $0x180;
	[sflag:s21] =	ssyncadd.s32 $0xFFFFC000  }
0x25: {  	[spmem:s1] =	stream.indirect.scatter.add.f32 [tilespmem:s19], [sflag:$0x3], $0x80, s26, s18, $0xb8;
	[tilespmem:$0x1FC00] =	vst v63  }
0x26: {  	_ =	swait.ge [sflag:s17], $0x4000  }
0x27: {  	[sflag:s17] =	ssyncset.done $0x0  }
0x28: {  	s28 =	simm.s32 $0x300;
	[sflag:s17] =	ssyncadd.s32 $0xFFFFC000  }
0x29: {  	[tilespmem:s19], [sflag:$0x2] =	stream.indirect.gather [hbm4b:s4+s18], $0x80, s28, s18, $0xb8;
	[tilespmem:$0x1FC00] =	vst v63  }
0x2a: {  	_ =	swait.ge [sflag:s20], $0x4000  }
0x2b: {  	[sflag:s20] =	ssyncset.done $0x0  }
0x2c: {  	s25 =	simm.s32 $0x280;
	[sflag:s20] =	ssyncadd.s32 $0xFFFFC000  }
0x2d: {  	[spmem:s1] =	stream.indirect.scatter.add.f32 [tilespmem:s16], [sflag:$0x3], $0x80, s25, s18, $0xb8;
	[tilespmem:$0x1FC00] =	vst v63  }
0x2e: {  	_ =	swait.ge [sflag:s17], $0x4000  }
0x2f: {  	[sflag:s17] =	ssyncset.done $0x0  }
0x30: {  	s26 =	simm.s32 $0x400;
	[sflag:s17] =	ssyncadd.s32 $0xFFFFC000  }
0x31: {  	[tilespmem:s16], [sflag:$0x1] =	stream.indirect.gather [hbm4b:s4+s18], $0x80, s26, s18, $0xb8;
	[tilespmem:$0x1FC00] =	vst v63  }
0x32: {  	_ =	swait.ge [sflag:s21], $0x4000  }
0x33: {  	[sflag:s21] =	ssyncset.done $0x0  }
0x34: {  	s28 =	simm.s32 $0x380;
	[sflag:s21] =	ssyncadd.s32 $0xFFFFC000  }
0x35: {  	[spmem:s1] =	stream.indirect.scatter.add.f32 [tilespmem:s19], [sflag:$0x3], $0x80, s28, s18, $0xb8;
	[tilespmem:$0x1FC00] =	vst v63  }
0x36: {  	_ =	swait.ge [sflag:s17], $0x4000  }
0x37: {  	[sflag:s17] =	ssyncset.done $0x0  }
0x38: {  	s25 =	simm.s32 $0x500;
	[sflag:s17] =	ssyncadd.s32 $0xFFFFC000  }
0x39: {  	[tilespmem:s19], [sflag:$0x2] =	stream.indirect.gather [hbm4b:s4+s18], $0x80, s25, s18, $0xb8;
	[tilespmem:$0x1FC00] =	vst v63  }
0x3a: {  	_ =	swait.ge [sflag:s20], $0x4000  }
0x3b: {  	[sflag:s20] =	ssyncset.done $0x0  }
0x3c: {  	s26 =	simm.s32 $0x480;
	[sflag:s20] =	ssyncadd.s32 $0xFFFFC000  }
0x3d: {  	[spmem:s1] =	stream.indirect.scatter.add.f32 [tilespmem:s16], [sflag:$0x3], $0x80, s26, s18, $0xb8;
	[tilespmem:$0x1FC00] =	vst v63  }
0x3e: {  	_ =	swait.ge [sflag:s17], $0x4000  }
0x3f: {  	[sflag:s17] =	ssyncset.done $0x0  }
0x40: {  	s28 =	simm.s32 $0x600;
	[sflag:s17] =	ssyncadd.s32 $0xFFFFC000  }
0x41: {  	[tilespmem:s16], [sflag:$0x1] =	stream.indirect.gather [hbm4b:s4+s18], $0x80, s28, s18, $0xb8;
	[tilespmem:$0x1FC00] =	vst v63  }
0x42: {  	_ =	swait.ge [sflag:s21], $0x4000  }
0x43: {  	[sflag:s21] =	ssyncset.done $0x0  }
0x44: {  	[sflag:s21] =	ssyncadd.s32 $0xFFFFC000  }
0x45: {  	[spmem:s1] =	stream.indirect.scatter.add.f32 [tilespmem:s19], [sflag:$0x3], $0x80, s29, s18, $0xb8;
	[tilespmem:$0x1FC00] =	vst v63  }
0x46: {  	_ =	swait.ge [sflag:s17], $0x4000  }
0x47: {  	s31 =	simm.s32 $0x680;
	[sflag:s17] =	ssyncset.done $0x0  }
0x48: {  	s0 =	simm.s32 $0x780;
	s25 =	simm.s32 $0x700;
	[sflag:s17] =	ssyncadd.s32 $0xFFFFC000  }
.LBB2_13:
0x49: {  	[tilespmem:s19], [sflag:$0x2] =	stream.indirect.gather [hbm4b:s4+s18], $0x80, s25, s18, $0xb8;
	[tilespmem:$0x1FC00] =	vst v63  }
0x4a: {  	_ =	swait.ge [sflag:s20], $0x4000  }
0x4b: {  	[sflag:s20] =	ssyncset.done $0x0  }
0x4c: {  	[sflag:s20] =	ssyncadd.s32 $0xFFFFC000  }
0x4d: {  	[spmem:s1] =	stream.indirect.scatter.add.f32 [tilespmem:s16], [sflag:$0x3], $0x80, s31, s18, $0xb8;
	[tilespmem:$0x1FC00] =	vst v63  }
0x4e: {  	_ =	swait.ge [sflag:s17], $0x4000  }
0x4f: {  	[sflag:s17] =	ssyncset.done $0x0  }
0x50: {  	[sflag:s17] =	ssyncadd.s32 $0xFFFFC000  }
0x51: {  	_ =	swait.ge [sflag:s21], $0x4000  }
0x52: {  	[sflag:s21] =	ssyncset.done $0x0  }
0x53: {  	[sflag:s21] =	ssyncadd.s32 $0xFFFFC000  }
0x54: {  	[spmem:s1] =	stream.indirect.scatter.add.f32 [tilespmem:s19], [sflag:$0x3], $0x80, s0, s18, $0xb8;
	[tilespmem:$0x1FC00] =	vst v63  }
0x55: {  	_ =	swait.ge [sflag:s17], $0x4000  }
0x56: {  	s28 =	sshll.u32 s2, $0x6;
	s30 =	sadd.s32 $0x1, s30;
	[sflag:s17] =	ssyncset.done $0x0  }
0x57: {  	p1 =	sne.s32 s30, s15;
	s31 =	sshrl.u32 s5, $0x3;
	[sflag:s17] =	ssyncadd.s32 $0xFFFFC000  }
.Ltmp1:
0x58: {  	s0 =	sor.u32 $0x1C03, s28;
	[bflag:$0x0] =	sbarrier.arrive $0xFFFF;
	(pc) =	sbr.rel @!p1 .LBB2_14-.Ltmp1, $4  }
0x59: {  	[hbm:s14], [sflag:s0] =	dma.local [spmem:s31], $0x2800  }
0x5a: {  	_ =	swait.ge [sflag:s17], $0x2800  }
0x5b: {  	[sflag:s17] =	ssyncset.done $0x0  }
0x5c: {  	[sflag:s17] =	ssyncadd.s32 $0xFFFFD800  }
.LBB2_1:
0x5d: {  	s31 =	simm.s32 $0x0;
	s0 =	simm.s32 $0x200  }
.LBB2_2:
0x5e: {  	p1 =	sne.s32 s0, $0xFE00;
	[tilespmem:s31+$0x3C70] =	vst v0  }
0x5f: {  	[tilespmem:s31+$0x3C00] =	vst v0  }
0x60: {  	[tilespmem:s31+$0x3C10] =	vst v0  }
.Ltmp2:
0x61: {  	[tilespmem:s31+$0x3C20] =	vst v0;
	(pc) =	sbr.rel @p1 .LBB2_2-.Ltmp2, $4  }
0x62: {  	[tilespmem:s31+$0x3C30] =	vst v0  }
0x63: {  	[tilespmem:s31+$0x3C40] =	vst v0  }
0x64: {  	[tilespmem:s31+$0x3C50] =	vst v0  }
0x65: {  	[tilespmem:s31+$0x3C60] =	vst v0;
	s31 =	sshra.s32 s0, $0x2;
	s0 =	sadd.s32 $0x200, s0  }
0x66: {  	[tilespmem:s31+$0x3C70] =	vst v0  }
0x67: {  	[tilespmem:s31+$0x3C00] =	vst v0  }
0x68: {  	[tilespmem:s31+$0x3C10] =	vst v0  }
0x69: {  	[tilespmem:s31+$0x3C20] =	vst v0  }
0x6a: {  	[tilespmem:s31+$0x3C30] =	vst v0  }
0x6b: {  	[tilespmem:s31+$0x3C40] =	vst v0  }
0x6c: {  	[tilespmem:s31+$0x3C50] =	vst v0  }
0x6d: {  	[tilespmem:s31+$0x3C60] =	vst v0  }
0x6e: {  	[spmem:s5] =	stream.linear.scatter [tilespmem:s16], [sflag:$0x3], $0x4000, $0x38;
	[tilespmem:$0x1FC00] =	vst v63  }
0x6f: {  	_ =	swait.ge [sflag:s17], $0x4000  }
0x70: {  	[sflag:s17] =	ssyncset.done $0x0  }
0x71: {  	[sflag:s17] =	ssyncadd.s32 $0xFFFFC000  }
0x72: {  	[spmem:s6] =	stream.linear.scatter [tilespmem:s16], [sflag:$0x3], $0x4000, $0x38;
	[tilespmem:$0x1FC00] =	vst v63  }
0x73: {  	_ =	swait.ge [sflag:s17], $0x4000  }
0x74: {  	[sflag:s17] =	ssyncset.done $0x0  }
0x75: {  	[sflag:s17] =	ssyncadd.s32 $0xFFFFC000  }
0x76: {  	[spmem:s7] =	stream.linear.scatter [tilespmem:s16], [sflag:$0x3], $0x4000, $0x38;
	[tilespmem:$0x1FC00] =	vst v63  }
0x77: {  	_ =	swait.ge [sflag:s17], $0x4000  }
0x78: {  	[sflag:s17] =	ssyncset.done $0x0  }
0x79: {  	[sflag:s17] =	ssyncadd.s32 $0xFFFFC000  }
0x7a: {  	[spmem:s8] =	stream.linear.scatter [tilespmem:s16], [sflag:$0x3], $0x4000, $0x38;
	[tilespmem:$0x1FC00] =	vst v63  }
0x7b: {  	_ =	swait.ge [sflag:s17], $0x4000  }
0x7c: {  	[sflag:s17] =	ssyncset.done $0x0  }
0x7d: {  	[sflag:s17] =	ssyncadd.s32 $0xFFFFC000  }
0x7e: {  	[spmem:s9] =	stream.linear.scatter [tilespmem:s16], [sflag:$0x3], $0x4000, $0x38;
	[tilespmem:$0x1FC00] =	vst v63  }
.Ltmp3:
0x7f: {  	_ =	swait.ge [sflag:s17], $0x4000;
	(pc) =	sbr.rel @p0 .LBB2_12-.Ltmp3, $3  }
0x80: {  	[sflag:s17] =	ssyncset.done $0x0  }
0x81: {  	[sflag:s17] =	ssyncadd.s32 $0xFFFFC000  }
0x82: {  	[bflag:$0x0] =	sbarrier.arrive $0xFFFF;
	_ =	sdelay $0x1  }
0x83: {  	[tilespmem:s3], [sflag:$0x3] =	stream.linear.gather [hbm4b:s11+s3], $0x3C00, $0x38;
	[tilespmem:$0x1FC00] =	vst v63  }
0x84: {  	_ =	swait.ge [sflag:s17], $0x3C00  }
0x85: {  	[sflag:s17] =	ssyncset.done $0x0  }
0x86: {  	[sflag:s17] =	ssyncadd.s32 $0xFFFFC400  }
0x87: {  	[tilespmem:s16], [sflag:$0x1] =	stream.indirect.gather [hbm4b:s4+s18], $0x80, s3, s18, $0xb8;
	[tilespmem:$0x1FC00] =	vst v63  }
0x88: {  	s0 =	simm.s32 $0x100  }
0x89: {  	[tilespmem:s19], [sflag:$0x2] =	stream.indirect.gather [hbm4b:s4+s18], $0x80, s0, s18, $0xb8;
	[tilespmem:$0x1FC00] =	vst v63  }
0x8a: {  	_ =	swait.ge [sflag:s20], $0x4000  }
0x8b: {  	[sflag:s20] =	ssyncset.done $0x0  }
0x8c: {  	s25 =	simm.s32 $0x80;
	[sflag:s20] =	ssyncadd.s32 $0xFFFFC000  }
0x8d: {  	[spmem:s1] =	stream.indirect.scatter.add.f32 [tilespmem:s16], [sflag:$0x3], $0x80, s25, s18, $0xb8;
	[tilespmem:$0x1FC00] =	vst v63  }
0x8e: {  	_ =	swait.ge [sflag:s17], $0x4000  }
0x8f: {  	[sflag:s17] =	ssyncset.done $0x0  }
0x90: {  	s26 =	simm.s32 $0x200;
	[sflag:s17] =	ssyncadd.s32 $0xFFFFC000  }
0x91: {  	[tilespmem:s16], [sflag:$0x1] =	stream.indirect.gather [hbm4b:s4+s18], $0x80, s26, s18, $0xb8;
	[tilespmem:$0x1FC00] =	vst v63  }
0x92: {  	_ =	swait.ge [sflag:s21], $0x4000  }
0x93: {  	[sflag:s21] =	ssyncset.done $0x0  }
0x94: {  	s28 =	simm.s32 $0x180;
	[sflag:s21] =	ssyncadd.s32 $0xFFFFC000  }
0x95: {  	[spmem:s1] =	stream.indirect.scatter.add.f32 [tilespmem:s19], [sflag:$0x3], $0x80, s28, s18, $0xb8;
	[tilespmem:$0x1FC00] =	vst v63  }
0x96: {  	_ =	swait.ge [sflag:s17], $0x4000  }
0x97: {  	s31 =	simm.s32 $0xFFFFC800;
	s0 =	simm.s32 $0xFFFF2800;
	[sflag:s17] =	ssyncset.done $0x0  }
.LBB2_5:
0x98: {  	s25 =	sadd.s32 $0x3B00, s31  }
0x99: {  	[sflag:s17] =	ssyncadd.s32 $0xFFFFC000;
	s26 =	smov.u32 s0;
	s28 =	sadd.s32 $0x800, s0  }
0x9a: {  	[tilespmem:s19], [sflag:$0x2] =	stream.indirect.gather [hbm4b:s4+s18], $0x80, s25, s18, $0xb8;
	[tilespmem:$0x1FC00] =	vst v63  }
0x9b: {  	p1 =	sne.s32 s0, $0xFFFFF800;
	_ =	swait.ge [sflag:s20], $0x4000  }
0x9c: {  	[sflag:s20] =	ssyncset.done $0x0  }
0x9d: {  	s0 =	sadd.s32 $0x3A80, s31;
	[sflag:s20] =	ssyncadd.s32 $0xFFFFC000  }
0x9e: {  	[spmem:s1] =	stream.indirect.scatter.add.f32 [tilespmem:s16], [sflag:$0x3], $0x80, s0, s18, $0xb8;
	[tilespmem:$0x1FC00] =	vst v63  }
0x9f: {  	_ =	swait.ge [sflag:s17], $0x4000  }
0xa0: {  	[sflag:s17] =	ssyncset.done $0x0  }
0xa1: {  	s0 =	sadd.s32 $0x3C00, s31;
	[sflag:s17] =	ssyncadd.s32 $0xFFFFC000  }
0xa2: {  	[tilespmem:s16], [sflag:$0x1] =	stream.indirect.gather [hbm4b:s4+s18], $0x80, s0, s18, $0xb8;
	[tilespmem:$0x1FC00] =	vst v63  }
0xa3: {  	_ =	swait.ge [sflag:s21], $0x4000  }
.Ltmp4:
0xa4: {  	[sflag:s21] =	ssyncset.done $0x0;
	(pc) =	sbr.rel @p1 .LBB2_5-.Ltmp4, $4  }
0xa5: {  	s0 =	sadd.s32 $0x3B80, s31;
	[sflag:s21] =	ssyncadd.s32 $0xFFFFC000  }
0xa6: {  	[spmem:s1] =	stream.indirect.scatter.add.f32 [tilespmem:s19], [sflag:$0x3], $0x80, s0, s18, $0xb8;
	[tilespmem:$0x1FC00] =	vst v63  }
0xa7: {  	_ =	swait.ge [sflag:s17], $0x4000  }
0xa8: {  	s31 =	sshra.s32 s26, $0x2;
	s0 =	smov.u32 s28;
	[sflag:s17] =	ssyncset.done $0x0  }
0xa9: {  	s0 =	sadd.s32 $0x3B00, s31;
	[sflag:s17] =	ssyncadd.s32 $0xFFFFC000  }
0xaa: {  	[tilespmem:s19], [sflag:$0x2] =	stream.indirect.gather [hbm4b:s4+s18], $0x80, s0, s18, $0xb8;
	[tilespmem:$0x1FC00] =	vst v63  }
0xab: {  	_ =	swait.ge [sflag:s20], $0x4000  }
0xac: {  	[sflag:s20] =	ssyncset.done $0x0  }
0xad: {  	s28 =	sadd.s32 $0x3A80, s31;
	[sflag:s20] =	ssyncadd.s32 $0xFFFFC000  }
0xae: {  	[spmem:s1] =	stream.indirect.scatter.add.f32 [tilespmem:s16], [sflag:$0x3], $0x80, s28, s18, $0xb8;
	[tilespmem:$0x1FC00] =	vst v63  }
0xaf: {  	_ =	swait.ge [sflag:s17], $0x4000  }
0xb0: {  	[sflag:s17] =	ssyncset.done $0x0  }
0xb1: {  	s25 =	sadd.s32 $0x3C00, s31;
	[sflag:s17] =	ssyncadd.s32 $0xFFFFC000  }
0xb2: {  	[tilespmem:s16], [sflag:$0x1] =	stream.indirect.gather [hbm4b:s4+s18], $0x80, s25, s18, $0xb8;
	[tilespmem:$0x1FC00] =	vst v63  }
0xb3: {  	_ =	swait.ge [sflag:s21], $0x4000  }
0xb4: {  	[sflag:s21] =	ssyncset.done $0x0  }
0xb5: {  	s26 =	sadd.s32 $0x3B80, s31;
	[sflag:s21] =	ssyncadd.s32 $0xFFFFC000  }
0xb6: {  	[spmem:s1] =	stream.indirect.scatter.add.f32 [tilespmem:s19], [sflag:$0x3], $0x80, s26, s18, $0xb8;
	[tilespmem:$0x1FC00] =	vst v63  }
0xb7: {  	_ =	swait.ge [sflag:s17], $0x4000  }
0xb8: {  	[sflag:s17] =	ssyncset.done $0x0  }
0xb9: {  	[sflag:s17] =	ssyncadd.s32 $0xFFFFC000  }
0xba: {  	[tilespmem:s19], [sflag:$0x2] =	stream.indirect.gather [hbm4b:s4+s18], $0x80, s22, s18, $0xb8;
	[tilespmem:$0x1FC00] =	vst v63  }
0xbb: {  	_ =	swait.ge [sflag:s20], $0x4000  }
0xbc: {  	[sflag:s20] =	ssyncset.done $0x0  }
0xbd: {  	[sflag:s20] =	ssyncadd.s32 $0xFFFFC000  }
0xbe: {  	[spmem:s1] =	stream.indirect.scatter.add.f32 [tilespmem:s16], [sflag:$0x3], $0x80, s23, s18, $0xb8;
	[tilespmem:$0x1FC00] =	vst v63  }
0xbf: {  	_ =	swait.ge [sflag:s17], $0x4000  }
0xc0: {  	[sflag:s17] =	ssyncset.done $0x0  }
0xc1: {  	[sflag:s17] =	ssyncadd.s32 $0xFFFFC000  }
0xc2: {  	_ =	swait.ge [sflag:s21], $0x4000  }
0xc3: {  	[sflag:s21] =	ssyncset.done $0x0  }
0xc4: {  	[sflag:s21] =	ssyncadd.s32 $0xFFFFC000  }
0xc5: {  	[spmem:s1] =	stream.indirect.scatter.add.f32 [tilespmem:s19], [sflag:$0x3], $0x80, s24, s18, $0xb8;
	[tilespmem:$0x1FC00] =	vst v63  }
0xc6: {  	_ =	swait.ge [sflag:s17], $0x4000  }
0xc7: {  	[sflag:s17] =	ssyncset.done $0x0  }
0xc8: {  	[sflag:s17] =	ssyncadd.s32 $0xFFFFC000  }
0xc9: {  	[tilespmem:s3], [sflag:$0x3] =	stream.linear.gather [hbm4b:s12+s3], $0x3C00, $0x38;
	[tilespmem:$0x1FC00] =	vst v63  }
0xca: {  	_ =	swait.ge [sflag:s17], $0x3C00  }
0xcb: {  	[sflag:s17] =	ssyncset.done $0x0  }
0xcc: {  	[sflag:s17] =	ssyncadd.s32 $0xFFFFC400  }
0xcd: {  	[tilespmem:s16], [sflag:$0x1] =	stream.indirect.gather [hbm4b:s4+s18], $0x80, s3, s18, $0xb8;
	[tilespmem:$0x1FC00] =	vst v63  }
0xce: {  	s28 =	simm.s32 $0x100  }
0xcf: {  	[tilespmem:s19], [sflag:$0x2] =	stream.indirect.gather [hbm4b:s4+s18], $0x80, s28, s18, $0xb8;
	[tilespmem:$0x1FC00] =	vst v63  }
0xd0: {  	_ =	swait.ge [sflag:s20], $0x4000  }
0xd1: {  	[sflag:s20] =	ssyncset.done $0x0  }
0xd2: {  	s25 =	simm.s32 $0x80;
	[sflag:s20] =	ssyncadd.s32 $0xFFFFC000  }
0xd3: {  	[spmem:s1] =	stream.indirect.scatter.add.f32 [tilespmem:s16], [sflag:$0x3], $0x80, s25, s18, $0xb8;
	[tilespmem:$0x1FC00] =	vst v63  }
0xd4: {  	_ =	swait.ge [sflag:s17], $0x4000  }
0xd5: {  	[sflag:s17] =	ssyncset.done $0x0  }
0xd6: {  	s26 =	simm.s32 $0x200;
	[sflag:s17] =	ssyncadd.s32 $0xFFFFC000  }
0xd7: {  	[tilespmem:s16], [sflag:$0x1] =	stream.indirect.gather [hbm4b:s4+s18], $0x80, s26, s18, $0xb8;
	[tilespmem:$0x1FC00] =	vst v63  }
0xd8: {  	_ =	swait.ge [sflag:s21], $0x4000  }
0xd9: {  	[sflag:s21] =	ssyncset.done $0x0  }
0xda: {  	s28 =	simm.s32 $0x180;
	[sflag:s21] =	ssyncadd.s32 $0xFFFFC000  }
0xdb: {  	[spmem:s1] =	stream.indirect.scatter.add.f32 [tilespmem:s19], [sflag:$0x3], $0x80, s28, s18, $0xb8;
	[tilespmem:$0x1FC00] =	vst v63  }
0xdc: {  	_ =	swait.ge [sflag:s17], $0x4000  }
0xdd: {  	s31 =	simm.s32 $0xFFFFC800;
	s0 =	simm.s32 $0xFFFF2800;
	[sflag:s17] =	ssyncset.done $0x0  }
.LBB2_7:
0xde: {  	s25 =	sadd.s32 $0x3B00, s31  }
0xdf: {  	[sflag:s17] =	ssyncadd.s32 $0xFFFFC000;
	s26 =	smov.u32 s0;
	s28 =	sadd.s32 $0x800, s0  }
0xe0: {  	[tilespmem:s19], [sflag:$0x2] =	stream.indirect.gather [hbm4b:s4+s18], $0x80, s25, s18, $0xb8;
	[tilespmem:$0x1FC00] =	vst v63  }
0xe1: {  	p1 =	sne.s32 s0, $0xFFFFF800;
	_ =	swait.ge [sflag:s20], $0x4000  }
0xe2: {  	[sflag:s20] =	ssyncset.done $0x0  }
0xe3: {  	s0 =	sadd.s32 $0x3A80, s31;
	[sflag:s20] =	ssyncadd.s32 $0xFFFFC000  }
0xe4: {  	[spmem:s1] =	stream.indirect.scatter.add.f32 [tilespmem:s16], [sflag:$0x3], $0x80, s0, s18, $0xb8;
	[tilespmem:$0x1FC00] =	vst v63  }
0xe5: {  	_ =	swait.ge [sflag:s17], $0x4000  }
0xe6: {  	[sflag:s17] =	ssyncset.done $0x0  }
0xe7: {  	s0 =	sadd.s32 $0x3C00, s31;
	[sflag:s17] =	ssyncadd.s32 $0xFFFFC000  }
0xe8: {  	[tilespmem:s16], [sflag:$0x1] =	stream.indirect.gather [hbm4b:s4+s18], $0x80, s0, s18, $0xb8;
	[tilespmem:$0x1FC00] =	vst v63  }
0xe9: {  	_ =	swait.ge [sflag:s21], $0x4000  }
.Ltmp5:
0xea: {  	[sflag:s21] =	ssyncset.done $0x0;
	(pc) =	sbr.rel @p1 .LBB2_7-.Ltmp5, $4  }
0xeb: {  	s0 =	sadd.s32 $0x3B80, s31;
	[sflag:s21] =	ssyncadd.s32 $0xFFFFC000  }
0xec: {  	[spmem:s1] =	stream.indirect.scatter.add.f32 [tilespmem:s19], [sflag:$0x3], $0x80, s0, s18, $0xb8;
	[tilespmem:$0x1FC00] =	vst v63  }
0xed: {  	_ =	swait.ge [sflag:s17], $0x4000  }
0xee: {  	s31 =	sshra.s32 s26, $0x2;
	s0 =	smov.u32 s28;
	[sflag:s17] =	ssyncset.done $0x0  }
0xef: {  	s0 =	sadd.s32 $0x3B00, s31;
	[sflag:s17] =	ssyncadd.s32 $0xFFFFC000  }
0xf0: {  	[tilespmem:s19], [sflag:$0x2] =	stream.indirect.gather [hbm4b:s4+s18], $0x80, s0, s18, $0xb8;
	[tilespmem:$0x1FC00] =	vst v63  }
0xf1: {  	_ =	swait.ge [sflag:s20], $0x4000  }
0xf2: {  	[sflag:s20] =	ssyncset.done $0x0  }
0xf3: {  	s25 =	sadd.s32 $0x3A80, s31;
	[sflag:s20] =	ssyncadd.s32 $0xFFFFC000  }
0xf4: {  	[spmem:s1] =	stream.indirect.scatter.add.f32 [tilespmem:s16], [sflag:$0x3], $0x80, s25, s18, $0xb8;
	[tilespmem:$0x1FC00] =	vst v63  }
0xf5: {  	_ =	swait.ge [sflag:s17], $0x4000  }
0xf6: {  	[sflag:s17] =	ssyncset.done $0x0  }
0xf7: {  	s26 =	sadd.s32 $0x3C00, s31;
	[sflag:s17] =	ssyncadd.s32 $0xFFFFC000  }
0xf8: {  	[tilespmem:s16], [sflag:$0x1] =	stream.indirect.gather [hbm4b:s4+s18], $0x80, s26, s18, $0xb8;
	[tilespmem:$0x1FC00] =	vst v63  }
0xf9: {  	_ =	swait.ge [sflag:s21], $0x4000  }
0xfa: {  	[sflag:s21] =	ssyncset.done $0x0  }
0xfb: {  	s28 =	sadd.s32 $0x3B80, s31;
	[sflag:s21] =	ssyncadd.s32 $0xFFFFC000  }
0xfc: {  	[spmem:s1] =	stream.indirect.scatter.add.f32 [tilespmem:s19], [sflag:$0x3], $0x80, s28, s18, $0xb8;
	[tilespmem:$0x1FC00] =	vst v63  }
0xfd: {  	_ =	swait.ge [sflag:s17], $0x4000  }
0xfe: {  	[sflag:s17] =	ssyncset.done $0x0  }
0xff: {  	[sflag:s17] =	ssyncadd.s32 $0xFFFFC000  }
0x100: {  	[tilespmem:s19], [sflag:$0x2] =	stream.indirect.gather [hbm4b:s4+s18], $0x80, s22, s18, $0xb8;
	[tilespmem:$0x1FC00] =	vst v63  }
0x101: {  	_ =	swait.ge [sflag:s20], $0x4000  }
0x102: {  	[sflag:s20] =	ssyncset.done $0x0  }
0x103: {  	[sflag:s20] =	ssyncadd.s32 $0xFFFFC000  }
0x104: {  	[spmem:s1] =	stream.indirect.scatter.add.f32 [tilespmem:s16], [sflag:$0x3], $0x80, s23, s18, $0xb8;
	[tilespmem:$0x1FC00] =	vst v63  }
0x105: {  	_ =	swait.ge [sflag:s17], $0x4000  }
0x106: {  	[sflag:s17] =	ssyncset.done $0x0  }
0x107: {  	[sflag:s17] =	ssyncadd.s32 $0xFFFFC000  }
0x108: {  	_ =	swait.ge [sflag:s21], $0x4000  }
0x109: {  	[sflag:s21] =	ssyncset.done $0x0  }
0x10a: {  	[sflag:s21] =	ssyncadd.s32 $0xFFFFC000  }
0x10b: {  	[spmem:s1] =	stream.indirect.scatter.add.f32 [tilespmem:s19], [sflag:$0x3], $0x80, s24, s18, $0xb8;
	[tilespmem:$0x1FC00] =	vst v63  }
0x10c: {  	_ =	swait.ge [sflag:s17], $0x4000  }
0x10d: {  	[sflag:s17] =	ssyncset.done $0x0  }
0x10e: {  	p2 =	por $0x0, $0x0;
	[sflag:s17] =	ssyncadd.s32 $0xFFFFC000  }
0x10f: {  	[tilespmem:s3], [sflag:$0x3] =	stream.linear.gather [hbm4b:s13+s3], $0x1E00, $0x38;
	[tilespmem:$0x1FC00] =	vst v63  }
.Ltmp6:
0x110: {  	_ = 	snop;
	(pc) =	sbr.rel @p2 .LBB2_11-.Ltmp6, $4  }
0x111: {  	_ =	swait.ge [sflag:s17], $0x1E00  }
0x112: {  	[sflag:s17] =	ssyncset.done $0x0  }
0x113: {  	s31 =	simm.s32 $0xFFFFE400;
	p1 =	por $0x0, $0x0;
	[sflag:s17] =	ssyncadd.s32 $0xFFFFE200  }
0x114: {  	[tilespmem:s16], [sflag:$0x1] =	stream.indirect.gather [hbm4b:s4+s18], $0x80, s3, s18, $0xb8;
	[tilespmem:$0x1FC00] =	vst v63  }
0x115: {  	s0 =	simm.s32 $0x100  }
0x116: {  	[tilespmem:s19], [sflag:$0x2] =	stream.indirect.gather [hbm4b:s4+s18], $0x80, s0, s18, $0xb8;
	[tilespmem:$0x1FC00] =	vst v63  }
0x117: {  	_ =	swait.ge [sflag:s20], $0x4000  }
0x118: {  	[sflag:s20] =	ssyncset.done $0x0  }
0x119: {  	s25 =	simm.s32 $0x80;
	[sflag:s20] =	ssyncadd.s32 $0xFFFFC000  }
0x11a: {  	[spmem:s1] =	stream.indirect.scatter.add.f32 [tilespmem:s16], [sflag:$0x3], $0x80, s25, s18, $0xb8;
	[tilespmem:$0x1FC00] =	vst v63  }
0x11b: {  	_ =	swait.ge [sflag:s17], $0x4000  }
0x11c: {  	[sflag:s17] =	ssyncset.done $0x0  }
0x11d: {  	s26 =	simm.s32 $0x200;
	[sflag:s17] =	ssyncadd.s32 $0xFFFFC000  }
0x11e: {  	[tilespmem:s16], [sflag:$0x1] =	stream.indirect.gather [hbm4b:s4+s18], $0x80, s26, s18, $0xb8;
	[tilespmem:$0x1FC00] =	vst v63  }
0x11f: {  	p2 =	por $0x0, $0x0;
	_ =	swait.ge [sflag:s21], $0x4000  }
.Ltmp7:
0x120: {  	[sflag:s21] =	ssyncset.done $0x0;
	(pc) =	sbr.rel @p2 .LBB2_11-.Ltmp7, $4  }
0x121: {  	s28 =	simm.s32 $0x180;
	[sflag:s21] =	ssyncadd.s32 $0xFFFFC000  }
0x122: {  	[spmem:s1] =	stream.indirect.scatter.add.f32 [tilespmem:s19], [sflag:$0x3], $0x80, s28, s18, $0xb8;
	[tilespmem:$0x1FC00] =	vst v63  }
0x123: {  	s31 =	simm.s32 $0xFFFFE600;
	_ =	swait.ge [sflag:s17], $0x4000  }
0x124: {  	p1 =	por $0x1, $0x1;
	s0 =	simm.s32 $0xFFFFA000;
	[sflag:s17] =	ssyncset.done $0x0  }
.LBB2_10:
0x125: {  	s25 =	sadd.s32 $0x1D00, s31  }
0x126: {  	[sflag:s17] =	ssyncadd.s32 $0xFFFFC000;
	s26 =	smov.u32 s0;
	s28 =	sadd.s32 $0x800, s0  }
0x127: {  	[tilespmem:s19], [sflag:$0x2] =	stream.indirect.gather [hbm4b:s4+s18], $0x80, s25, s18, $0xb8;
	[tilespmem:$0x1FC00] =	vst v63  }
0x128: {  	p2 =	seq.s32 s0, $0xFFFFF800;
	_ =	swait.ge [sflag:s20], $0x4000  }
0x129: {  	[sflag:s20] =	ssyncset.done $0x0  }
0x12a: {  	s0 =	sadd.s32 $0x1C80, s31;
	[sflag:s20] =	ssyncadd.s32 $0xFFFFC000  }
0x12b: {  	[spmem:s1] =	stream.indirect.scatter.add.f32 [tilespmem:s16], [sflag:$0x3], $0x80, s0, s18, $0xb8;
	[tilespmem:$0x1FC00] =	vst v63  }
0x12c: {  	_ =	swait.ge [sflag:s17], $0x4000  }
0x12d: {  	[sflag:s17] =	ssyncset.done $0x0  }
0x12e: {  	s0 =	sadd.s32 $0x1E00, s31;
	[sflag:s17] =	ssyncadd.s32 $0xFFFFC000  }
0x12f: {  	[tilespmem:s16], [sflag:$0x1] =	stream.indirect.gather [hbm4b:s4+s18], $0x80, s0, s18, $0xb8;
	[tilespmem:$0x1FC00] =	vst v63  }
0x130: {  	_ =	swait.ge [sflag:s21], $0x4000  }
.Ltmp8:
0x131: {  	[sflag:s21] =	ssyncset.done $0x0;
	(pc) =	sbr.rel @!p2 .LBB2_10-.Ltmp8, $4  }
0x132: {  	s0 =	sadd.s32 $0x1D80, s31;
	[sflag:s21] =	ssyncadd.s32 $0xFFFFC000  }
0x133: {  	[spmem:s1] =	stream.indirect.scatter.add.f32 [tilespmem:s19], [sflag:$0x3], $0x80, s0, s18, $0xb8;
	[tilespmem:$0x1FC00] =	vst v63  }
0x134: {  	_ =	swait.ge [sflag:s17], $0x4000  }
0x135: {  	s31 =	sshra.s32 s26, $0x2;
	s0 =	smov.u32 s28;
	[sflag:s17] =	ssyncset.done $0x0  }
.LBB2_11:
0x136: {  	s0 =	sadd.s32 $0x1D00, s31;
	[sflag:s17] =	ssyncadd.s32 @p1 $0xFFFFC000  }
0x137: {  	[tilespmem:s19], [sflag:$0x2] =	stream.indirect.gather [hbm4b:s4+s18], $0x80, s0, s18, $0xb8;
	[tilespmem:$0x1FC00] =	vst v63  }
0x138: {  	_ =	swait.ge [sflag:s20], $0x4000  }
0x139: {  	[sflag:s20] =	ssyncset.done $0x0  }
0x13a: {  	s25 =	sadd.s32 $0x1C80, s31;
	[sflag:s20] =	ssyncadd.s32 $0xFFFFC000  }
0x13b: {  	[spmem:s1] =	stream.indirect.scatter.add.f32 [tilespmem:s16], [sflag:$0x3], $0x80, s25, s18, $0xb8;
	[tilespmem:$0x1FC00] =	vst v63  }
0x13c: {  	_ =	swait.ge [sflag:s17], $0x4000  }
0x13d: {  	[sflag:s17] =	ssyncset.done $0x0  }
0x13e: {  	s26 =	sadd.s32 $0x1E00, s31;
	[sflag:s17] =	ssyncadd.s32 $0xFFFFC000  }
0x13f: {  	[tilespmem:s16], [sflag:$0x1] =	stream.indirect.gather [hbm4b:s4+s18], $0x80, s26, s18, $0xb8;
	[tilespmem:$0x1FC00] =	vst v63  }
0x140: {  	_ =	swait.ge [sflag:s21], $0x4000  }
0x141: {  	[sflag:s21] =	ssyncset.done $0x0  }
.Ltmp9:
0x142: {  	s28 =	sadd.s32 $0x1D80, s31;
	[sflag:s21] =	ssyncadd.s32 $0xFFFFC000;
	(pc) =	sbr.rel .LBB2_13-.Ltmp9, $4  }
0x143: {  	[spmem:s1] =	stream.indirect.scatter.add.f32 [tilespmem:s19], [sflag:$0x3], $0x80, s28, s18, $0xb8;
	[tilespmem:$0x1FC00] =	vst v63  }
0x144: {  	_ =	swait.ge [sflag:s17], $0x4000  }
0x145: {  	s31 =	simm.s32 $0x1C80;
	[sflag:s17] =	ssyncset.done $0x0  }
0x146: {  	s0 =	simm.s32 $0x1D80;
	s25 =	simm.s32 $0x1D00;
	[sflag:s17] =	ssyncadd.s32 $0xFFFFC000  }
.LBB2_14:
0x147: {  	_ =	sfence.sel $0x180000  }
0x148: {  	[bflag:$0x0] =	sbarrier.arrive $0xFFFF  }
0x149: {  	_ =	strace $0x9000004D  }
0x14a: {  	[bflag:$0x2] =	sbarrier.arrive $0xFFFF  }
0x14b: {  	p0 =	sne.s32 s2, $0x0;
	s0 =	rddreg [dreg:$0x2]  }
0x14c: {  	s0 =	sadd.s32 @!p0 $0x100000, s0  }
0x14d: {  	[sflag:s0] =	ssyncadd.tile.s32 @!p0 $0x1;
	_ =	shalt  }
.Lfunc_end2:
_tile_overlayer_lowered:
.L_overlay_start_2:
0x14e: {  	(tag) =	ssettag $0x2  }
0x14f: {  	s0 =	rddreg [dreg:$0x0];
	s2 =	stileid.u32  }
0x150: {  	s1 =	rddreg [dreg:$0x1];
	p0 =	sne.s32 s2, $0x0  }
0x151: {  	s3 =	rddreg [dreg:$0x2];
	[bflag:$0x3] =	sbarrier.arrive $0xFFFF;
	s2 =	simm.s32 @!p0 $0x1C03  }
0x152: {  	[timem:s3], [sflag:s2] =	dma.local @!p0 [hbm:s0], s1  }
0x153: {  	s0 =	simm.s32 @!p0 $0x3  }
0x154: {  	_ =	swait.ge @!p0 [sflag:s0], s1  }
0x155: {  	s1 =	ssub.s32 @!p0 $0x0, s1;
	[sflag:s0] =	ssyncset.done @!p0 $0x0  }
0x156: {  	[sflag:s0] =	ssyncadd.s32 @!p0 s1  }
0x157: {  	[bflag:$0x3] =	sbarrier.arrive $0xFFFF  }
0x158: {  	_ =	shalt  }

// kernel: kernel.18.cloned.1.call-start
scs
__scs_entry_jumppad:
0x0: {  	(pc) =	sbr.rel $0x88, $3  }
0x1: {  	(tag) =	ssettag $0x0;
	lr =	simm.s32 $0x1  }
0x2: {  	[smem:$0x3F94] =	sst lr;
	_ =	strace $0xD0000000  }
0x3: {  	_ = 	snop  }
0x4: {  	_ = 	snop  }
0x5: {  	_ = 	snop  }
0x6: {  	_ = 	snop  }
0x7: {  	_ = 	snop  }
__scs_overlays_trampoline_lowered:
0x8: {  	[smem:$0x3FA3] =	sst s0  }
0x9: {  	[smem:$0x3FA4] =	sst s1  }
0xa: {  	[smem:$0x3FA5] =	sst s2  }
0xb: {  	[smem:$0x3FA6] =	sst s3  }
0xc: {  	[smem:$0x3FA7] =	sst s4  }
0xd: {  	[smem:$0x3FA8] =	sst s5  }
0xe: {  	[smem:$0x3FA9] =	sst s6  }
0xf: {  	[smem:$0x3FAA] =	sst s7  }
0x10: {  	[smem:$0x3FAB] =	sst s8  }
0x11: {  	[smem:$0x3FAC] =	sst s9;
	s0 =	simm.s32 @!p0 $0x0  }
0x12: {  	s1 =	sld [smem:$0x3F92];
	s0 =	simm.s32 @p0 $0x1  }
0x13: {  	[smem:$0x3FAD] =	sst s0;
	s0 =	simm.s32 @!p1 $0x0  }
0x14: {  	s2 =	sld [smem:$0x3F91];
	s0 =	simm.s32 @p1 $0x1  }
0x15: {  	[smem:$0x3FAE] =	sst s0;
	s0 =	simm.s32 @!p2 $0x0  }
0x16: {  	s3 =	sld [smem:$0x3FDB];
	s0 =	simm.s32 @p2 $0x1  }
0x17: {  	s4 =	simm.s32 $0x1BF5;
	[smem:$0x3FB0] =	sst s0  }
0x18: {  	s0 =	sld [smem:$0x3F93];
	_ =	swait.ge [sflag:s4], $0x0  }
0x19: {  	s7 =	sld [smem:$0x3F94]  }
0x1a: {  	s8 =	sadd.s32 $0xFFFFE003, lr  }
0x1b: {  	s9 =	sadd.s32 $0xFFFFFEF7, lr;
	s5 =	simm.s32 $0xFFFFFFFF;
	p2 =	slt.u32 s8, $0xFFFFF086  }
0x1c: {  	p1 =	slt.u32 s9, $0xF7A;
	s5 =	simm.s32 @!p2 $0x0  }
0x1d: {  	s5 =	simm.s32 @p1 $0x1;
	p0 =	seq.s32 s7, s2  }
0x1e: {  	s7 =	smul.u32 @!p0 $0xF7A, s2;
	p2 =	seq.s32 @!p0 s5, $0x0  }
0x1f: {  	s9 =	smul.u32 $0xF7A, s1;
	s8 =	simm.s32 @!p0 $0x1BF5;
	p2 =	por !p2, p0  }
0x20: {  	[sflag:s8] =	ssyncset.s32 @!p0 $0xFFFFF086;
	s6 =	sadd.s32 @!p0 s3, s7;
	s7 =	simm.s32 @!p0 $0x108  }
0x21: {  	s3 =	sadd.s32 s3, s9;
	s6 =	sadd.s32 @!p0 $0x88, s6;
	s7 =	simm.s32 @p2 $0x1082  }
0x22: {  	[simem:s7], [sflag:s8] =	dma.local @!p0 [hbm:s6], $0xF7A  }
0x23: {  	s9 =	sor.u32 $0xD0000000, s2;
	s6 =	simm.s32 $0x108;
	_ =	swait.ge @!p0 [sflag:s8], $0x0  }
0x24: {  	s3 =	sadd.s32 $0x88, s3;
	s6 =	simm.s32 @!p1 $0x1082;
	[sflag:s4] =	ssyncset.s32 $0xFFFFF086  }
0x25: {  	[simem:s6], [sflag:s4] =	dma.local [hbm:s3], $0xF7A  }
0x26: {  	[smem:$0x3F94] =	sst s1;
	(tag) =	ssettag s2;
	_ =	strace s9  }
0x27: {  	s1 =	sld [smem:$0x3FA4]  }
0x28: {  	s2 =	sld [smem:$0x3FA5]  }
0x29: {  	s4 =	sld [smem:$0x3FA7]  }
0x2a: {  	p0 =	seq.s32 s5, $0x0;
	s5 =	sld [smem:$0x3FA8]  }
0x2b: {  	s6 =	sld [smem:$0x3FA9]  }
0x2c: {  	s7 =	sld [smem:$0x3FAA]  }
0x2d: {  	s3 =	simm.s32 $0x108;
	s8 =	sld [smem:$0x3FAB]  }
0x2e: {  	s3 =	simm.s32 @!p0 $0x1082;
	s9 =	sld [smem:$0x3FAC]  }
0x2f: {  	lr =	sadd.s32 s0, s3;
	s0 =	sld [smem:$0x3FA3]  }
0x30: {  	s3 =	sld [smem:$0x3FA6]  }
0x31: {  	[smem:$0x3FAF] =	sst s10  }
0x32: {  	s10 =	sld [smem:$0x3FAD];
	_ =	sdelay $0x3  }
0x33: {  	p0 =	seq.s32 s10, $0x1;
	s10 =	sld [smem:$0x3FAF];
	_ =	sdelay $0x3  }
0x34: {  	[smem:$0x3FAF] =	sst s10  }
0x35: {  	s10 =	sld [smem:$0x3FAE];
	_ =	sdelay $0x3  }
0x36: {  	p1 =	seq.s32 s10, $0x1;
	s10 =	sld [smem:$0x3FAF];
	_ =	sdelay $0x3  }
0x37: {  	[smem:$0x3FAF] =	sst s10  }
0x38: {  	s10 =	sld [smem:$0x3FB0]  }
0x39: {  	_ = 	snop;
	(pc) =	sbr.ind lr, $3  }
0x3a: {  	_ = 	snop  }
0x3b: {  	_ = 	snop  }
0x3c: {  	p2 =	seq.s32 s10, $0x1;
	s10 =	sld [smem:$0x3FAF]  }
0x3d: {  	_ =	shalt  }
0x3e: {  	_ =	shalt  }
0x3f: {  	_ =	shalt  }
0x40: {  	_ =	shalt  }
0x41: {  	_ =	shalt  }
0x42: {  	_ =	shalt  }
0x43: {  	_ =	shalt  }
0x44: {  	_ =	shalt  }
0x45: {  	_ =	shalt  }
0x46: {  	_ =	shalt  }
0x47: {  	_ =	shalt  }
0x48: {  	_ =	shalt  }
0x49: {  	_ =	shalt  }
0x4a: {  	_ =	shalt  }
0x4b: {  	_ =	shalt  }
0x4c: {  	_ =	shalt  }
0x4d: {  	_ =	shalt  }
0x4e: {  	_ =	shalt  }
0x4f: {  	_ =	shalt  }
0x50: {  	_ =	shalt  }
0x51: {  	_ =	shalt  }
0x52: {  	_ =	shalt  }
0x53: {  	_ =	shalt  }
0x54: {  	_ =	shalt  }
0x55: {  	_ =	shalt  }
0x56: {  	_ =	shalt  }
0x57: {  	_ =	shalt  }
0x58: {  	_ =	shalt  }
0x59: {  	_ =	shalt  }
0x5a: {  	_ =	shalt  }
0x5b: {  	_ =	shalt  }
0x5c: {  	_ =	shalt  }
0x5d: {  	_ =	shalt  }
0x5e: {  	_ =	shalt  }
0x5f: {  	_ =	shalt  }
0x60: {  	_ =	shalt  }
0x61: {  	_ =	shalt  }
0x62: {  	_ =	shalt  }
0x63: {  	_ =	shalt  }
0x64: {  	_ =	shalt  }
0x65: {  	_ =	shalt  }
0x66: {  	_ =	shalt  }
0x67: {  	_ =	shalt  }
0x68: {  	_ =	shalt  }
0x69: {  	_ =	shalt  }
0x6a: {  	_ =	shalt  }
0x6b: {  	_ =	shalt  }
0x6c: {  	_ =	shalt  }
0x6d: {  	_ =	shalt  }
0x6e: {  	_ =	shalt  }
0x6f: {  	_ =	shalt  }
0x70: {  	_ =	shalt  }
0x71: {  	_ =	shalt  }
0x72: {  	_ =	shalt  }
0x73: {  	_ =	shalt  }
0x74: {  	_ =	shalt  }
0x75: {  	_ =	shalt  }
0x76: {  	_ =	shalt  }
0x77: {  	_ =	shalt  }
0x78: {  	_ =	shalt  }
0x79: {  	_ =	shalt  }
0x7a: {  	_ =	shalt  }
0x7b: {  	_ =	shalt  }
0x7c: {  	_ =	shalt  }
0x7d: {  	_ =	shalt  }
0x7e: {  	_ =	shalt  }
0x7f: {  	_ =	shalt  }
0x80: {  	_ =	shalt  }
0x81: {  	_ =	shalt  }
0x82: {  	_ =	shalt  }
0x83: {  	_ =	shalt  }
0x84: {  	_ =	shalt  }
0x85: {  	_ =	shalt  }
0x86: {  	_ =	shalt  }
0x87: {  	_ =	shalt  }
.Lfunc_end0:
.L_simem_size_0:
called_computation.3_lowered:
.L_overlay_start_0:
0x88: {  	s2 =	sld [smem:$0x3FD9]  }
0x89: {  	s3 =	sld [smem:$0x3FFE];
	_ =	sdelay $0x1  }
0x8a: {  	s1 =	srdreg.scid  }
0x8b: {  	s0 =	sand.u32 $0x1, s1  }
0x8c: {  	s16 =	sshll.u32 s0, $0xA;
	s2 =	sadd.s32 s3, s2  }
0x8d: {  	s2 =	sadd.s32 s2, s16  }
0x8e: {  	[smem:$0x3FBB] =	sst s2  }
0x8f: {  	_ = 	snop  }
0x90: {  	(tm) =	ssettm $0x1  }
0x91: {  	s17 =	sld [smem:$0x3FFB];
	_ =	sdelay $0x3  }
0x92: {  	_ =	strace s17  }
0x93: {  	s2 =	sld [smem:$0x3FFC];
	_ =	sdelay $0x3  }
0x94: {  	_ =	strace s2  }
0x95: {  	s2 =	sld [smem:$0x3FFD];
	_ =	sdelay $0x3  }
0x96: {  	_ =	strace s2  }
0x97: {  	_ =	strace $0x8FFFFFFF  }
0x98: {  	s18 =	sld [smem:$0x3FDB];
	_ =	sdelay $0x1  }
0x99: {  	s19 =	simm.s32 $_scs_section_size  }
0x9a: {  	s4 =	simm.s32 $_size__tile_overlayer_lowered;
	s5 =	simm.s32 $_tile_overlayer_lowered  }
0x9b: {  	s22 =	simm.s32 $0x1BFF;
	s21 =	sshll.u32 s5, $0x1;
	s2 =	sadd.s32 s19, s18  }
0x9c: {  	s6 =	simm.s32 $0x0;
	s20 =	sshll.u32 s4, $0x1;
	s4 =	sadd.s32 s21, s2  }
0x9d: {  	[timem:s6], [sflag:s22] =	dma.local [hbm:s4], s20  }
0x9e: {  	_ =	swait.ge [sflag:s22], s20  }
0x9f: {  	s3 =	ssub.s32 $0x0, s20;
	[sflag:s22] =	ssyncset.done $0x0  }
0xa0: {  	[sflag:s22] =	ssyncadd.s32 s3;
	_ =	sdelay $0x1  }
0xa1: {  	s23 =	simm.s32 $0x1B8B  }
0xa2: {  	_ =	swait.ge [sflag:s23], $0x1  }
0xa3: {  	[sflag:s23] =	ssyncset.done $0x0  }
0xa4: {  	s25 =	simm.s32 $0x1B8E;
	s24 =	sld [smem:$0x3FFE];
	[sflag:s23] =	ssyncadd.s32 $0xFFFFFFFF  }
0xa5: {  	s26 =	simm.s32 $execute0_lowered;
	[smem:$0x3FD2] =	sst s25  }
0xa6: {  	s4 =	sshll.u32 s26, $0x1;
	_ =	strace $0x8000004F;
	[dreg:$0x1] =	wrdreg $0xFFFFFFFF  }
0xa7: {  	s28 =	simm.s32 $_size_execute0_lowered;
	s2 =	sadd.s32 s2, s4;
	[dreg:$0x0] =	wrdreg $0x0  }
0xa8: {  	s4 =	sshll.u32 s28, $0x1;
	[dreg:$0x2] =	wrdreg s2  }
0xa9: {  	[dreg:$0x3] =	wrdreg s4  }
0xaa: {  	[dreg:$0x4] =	wrdreg $0xC0  }
0xab: {  	_ =	task [dreg:s6], $0x5FFFF  }
0xac: {  	[dreg:$0x1] =	wrdreg $0xFFFFFFFF  }
0xad: {  	[dreg:$0x0] =	wrdreg $0x60  }
0xae: {  	[dreg:$0x2] =	wrdreg s24  }
0xaf: {  	[dreg:$0x3] =	wrdreg $0xBC000  }
0xb0: {  	[dreg:$0x4] =	wrdreg $0x9  }
0xb1: {  	_ =	task.clear_ibuf [dreg:s6], $0x5FFFF;
	_ =	strace $0x9000004F  }
0xb2: {  	s29 =	simm.s32 $0x9;
	_ =	strace $0x80000051  }
0xb3: {  	_ =	swait.ge [sflag:s29], $0x1  }
0xb4: {  	[sflag:s29] =	ssyncadd.s32 $0xFFFFFFFF  }
0xb5: {  	_ =	strace $0x90000051  }
0xb6: {  	_ =	sfence  }
0xb7: {  	s30 =	sld [smem:$0x0];
	_ =	sdelay $0x2  }
0xb8: {  	s31 =	sshll.u32 s1, $0xD;
	s1 =	sshrl.u32 s1, $0x2  }
0xb9: {  	s3 =	sand.u32 $0x4000, s31;
	s1 =	sadd.s32 s1, s30  }
0xba: {  	s0 =	sor.u32 s3, s0;
	s1 =	sshll.u32 s1, $0x11  }
0xbb: {  	s0 =	sor.u32 s1, s0  }
0xbc: {  	s0 =	sadd.s32 $0x8F2B, s0  }
0xbd: {  	[sflag:s0] =	ssyncadd.remote.s32 $0x1  }
0xbe: {  	_ =	sfence.sel $0xFFFF  }
0xbf: {  	[dreg:$0x0] =	wrdreg $0xFFFFFFFF;
	(pc) =	sbr.abs _section_cstart, $3  }
0xc0: {  	[dreg:$0x1] =	wrdreg $0xFFFFFFFF  }
0xc1: {  	_ =	task.clear_ibuf [dreg:s6], $0x2FFFF;
	_ =	strace $0x9FFFFFFF  }
0xc2: {  	(tm) =	ssettm $0x7FFFFFFF  }
0xc3: {  	_ =	shalt  }
tec
execute0_lowered:
.L_overlay_start_1:
0x0: {  	(tag) =	ssettag $0x1  }
0x1: {  	s0 =	rddreg [dreg:$0x0]  }
0x2: {  	s1 =	rddreg [dreg:$0x1]  }
0x3: {  	s2 =	srdreg.scid;
	s3 =	simm.s32 $0x0;
	s17 =	simm.s32 $0x3  }
0x4: {  	s18 =	simm.s32 $0x80;
	s19 =	simm.s32 $0x7C00;
	s20 =	simm.s32 $0x1  }
0x5: {  	s21 =	simm.s32 $0x2;
	s22 =	simm.s32 $0x3B00;
	s23 =	simm.s32 $0x3A80  }
0x6: {  	s24 =	simm.s32 $0x3B80;
	s29 =	simm.s32 $0x580;
	s16 =	sand.u32 $0x1, s2  }
0x7: {  	s30 =	simm.s32 $0x0;
	s2 =	stileid.u32;
	s5 =	smul.u32 $0x140000, s16  }
0x8: {  	[smem:$0x7FF] =	sst s3;
	s4 =	sadd.s32 $0x3000, s0;
	s6 =	smul.u32 $0x14000, s2  }
0x9: {  	s11 =	sadd.s32 $0x2B600, s0;
	_ =	strace $0x80000050;
	s7 =	smul.u32 $0x50000, s2  }
0xa: {  	s31 =	ssub.s32 $0x2, s16;
	s9 =	smul.u32 $0x9600, s2;
	s10 =	sshll.u32 s2, $0x8  }
0xb: {  	s12 =	smul.u32 $0x12C0, s2;
	p0 =	sne.s32 s16, $0x0;
	s16 =	simm.s32 $0x3C00  }
0xc: {  	s8 =	sshrl.u32 s31, $0x1;
	s10 =	sadd.s32 s10, s11;
	s5 =	sadd.s32 s6, s5  }
0xd: {  	s7 =	sshrl.u32 s7, $0x2;
	s15 =	ssub.s32 s31, s8;
	s13 =	sshrl.u32 s9, $0x3  }
.Ltmp0:
0xe: {  	s10 =	sadd.s32 $0x12C00, s10;
	s5 =	sshrl.u32 s5, $0x3;
	(pc) =	sbr.rel .LBB2_1-.Ltmp0, $4  }
0xf: {  	s13 =	sadd.s32 s11, s13;
	s11 =	sadd.s32 s11, s12;
	s15 =	smax.u32 s15, $0x1  }
0x10: {  	s0 =	sadd.s32 s5, s0;
	s5 =	sadd.s32 s7, s1;
	s12 =	sadd.s32 $0x780, s13  }
0x11: {  	s13 =	sadd.s32 $0xF00, s13;
	s6 =	sadd.s32 $0x4000, s5;
	s7 =	sadd.s32 $0x8000, s5  }
0x12: {  	v0 =	vimm.f32 $0.0e+00;
	s8 =	sadd.s32 $0xC000, s5;
	s9 =	sadd.s32 $0x10000, s5;
	s14 =	sadd.s32 $0x3F200, s0  }
.LBB2_12:
0x13: {  	[tilespmem:s3], [sflag:$0x3] =	stream.linear.gather [hbm4b:s10+s3], $0x800, $0x38;
	[tilespmem:$0x1FC00] =	vst v63  }
0x14: {  	_ =	swait.ge [sflag:s17], $0x800  }
0x15: {  	[sflag:s17] =	ssyncset.done $0x0  }
0x16: {  	[sflag:s17] =	ssyncadd.s32 $0xFFFFF800  }
0x17: {  	[tilespmem:s16], [sflag:$0x1] =	stream.indirect.gather [hbm4b:s4+s18], $0x80, s3, s18, $0xb8;
	[tilespmem:$0x1FC00] =	vst v63  }
0x18: {  	s0 =	simm.s32 $0x100  }
0x19: {  	[tilespmem:s19], [sflag:$0x2] =	stream.indirect.gather [hbm4b:s4+s18], $0x80, s0, s18, $0xb8;
	[tilespmem:$0x1FC00] =	vst v63  }
0x1a: {  	_ =	swait.ge [sflag:s20], $0x4000  }
0x1b: {  	[sflag:s20] =	ssyncset.done $0x0  }
0x1c: {  	[sflag:s20] =	ssyncadd.s32 $0xFFFFC000  }
0x1d: {  	[spmem:s1] =	stream.indirect.scatter.add.f32 [tilespmem:s16], [sflag:$0x3], $0x80, s18, s18, $0xb8;
	[tilespmem:$0x1FC00] =	vst v63  }
0x1e: {  	_ =	swait.ge [sflag:s17], $0x4000  }
0x1f: {  	[sflag:s17] =	ssyncset.done $0x0  }
0x20: {  	s25 =	simm.s32 $0x200;
	[sflag:s17] =	ssyncadd.s32 $0xFFFFC000  }
0x21: {  	[tilespmem:s16], [sflag:$0x1] =	stream.indirect.gather [hbm4b:s4+s18], $0x80, s25, s18, $0xb8;
	[tilespmem:$0x1FC00] =	vst v63  }
0x22: {  	_ =	swait.ge [sflag:s21], $0x4000  }
0x23: {  	[sflag:s21] =	ssyncset.done $0x0  }
0x24: {  	s26 =	simm.s32 $0x180;
	[sflag:s21] =	ssyncadd.s32 $0xFFFFC000  }
0x25: {  	[spmem:s1] =	stream.indirect.scatter.add.f32 [tilespmem:s19], [sflag:$0x3], $0x80, s26, s18, $0xb8;
	[tilespmem:$0x1FC00] =	vst v63  }
0x26: {  	_ =	swait.ge [sflag:s17], $0x4000  }
0x27: {  	[sflag:s17] =	ssyncset.done $0x0  }
0x28: {  	s28 =	simm.s32 $0x300;
	[sflag:s17] =	ssyncadd.s32 $0xFFFFC000  }
0x29: {  	[tilespmem:s19], [sflag:$0x2] =	stream.indirect.gather [hbm4b:s4+s18], $0x80, s28, s18, $0xb8;
	[tilespmem:$0x1FC00] =	vst v63  }
0x2a: {  	_ =	swait.ge [sflag:s20], $0x4000  }
0x2b: {  	[sflag:s20] =	ssyncset.done $0x0  }
0x2c: {  	s25 =	simm.s32 $0x280;
	[sflag:s20] =	ssyncadd.s32 $0xFFFFC000  }
0x2d: {  	[spmem:s1] =	stream.indirect.scatter.add.f32 [tilespmem:s16], [sflag:$0x3], $0x80, s25, s18, $0xb8;
	[tilespmem:$0x1FC00] =	vst v63  }
0x2e: {  	_ =	swait.ge [sflag:s17], $0x4000  }
0x2f: {  	[sflag:s17] =	ssyncset.done $0x0  }
0x30: {  	s26 =	simm.s32 $0x400;
	[sflag:s17] =	ssyncadd.s32 $0xFFFFC000  }
0x31: {  	[tilespmem:s16], [sflag:$0x1] =	stream.indirect.gather [hbm4b:s4+s18], $0x80, s26, s18, $0xb8;
	[tilespmem:$0x1FC00] =	vst v63  }
0x32: {  	_ =	swait.ge [sflag:s21], $0x4000  }
0x33: {  	[sflag:s21] =	ssyncset.done $0x0  }
0x34: {  	s28 =	simm.s32 $0x380;
	[sflag:s21] =	ssyncadd.s32 $0xFFFFC000  }
0x35: {  	[spmem:s1] =	stream.indirect.scatter.add.f32 [tilespmem:s19], [sflag:$0x3], $0x80, s28, s18, $0xb8;
	[tilespmem:$0x1FC00] =	vst v63  }
0x36: {  	_ =	swait.ge [sflag:s17], $0x4000  }
0x37: {  	[sflag:s17] =	ssyncset.done $0x0  }
0x38: {  	s25 =	simm.s32 $0x500;
	[sflag:s17] =	ssyncadd.s32 $0xFFFFC000  }
0x39: {  	[tilespmem:s19], [sflag:$0x2] =	stream.indirect.gather [hbm4b:s4+s18], $0x80, s25, s18, $0xb8;
	[tilespmem:$0x1FC00] =	vst v63  }
0x3a: {  	_ =	swait.ge [sflag:s20], $0x4000  }
0x3b: {  	[sflag:s20] =	ssyncset.done $0x0  }
0x3c: {  	s26 =	simm.s32 $0x480;
	[sflag:s20] =	ssyncadd.s32 $0xFFFFC000  }
0x3d: {  	[spmem:s1] =	stream.indirect.scatter.add.f32 [tilespmem:s16], [sflag:$0x3], $0x80, s26, s18, $0xb8;
	[tilespmem:$0x1FC00] =	vst v63  }
0x3e: {  	_ =	swait.ge [sflag:s17], $0x4000  }
0x3f: {  	[sflag:s17] =	ssyncset.done $0x0  }
0x40: {  	s28 =	simm.s32 $0x600;
	[sflag:s17] =	ssyncadd.s32 $0xFFFFC000  }
0x41: {  	[tilespmem:s16], [sflag:$0x1] =	stream.indirect.gather [hbm4b:s4+s18], $0x80, s28, s18, $0xb8;
	[tilespmem:$0x1FC00] =	vst v63  }
0x42: {  	_ =	swait.ge [sflag:s21], $0x4000  }
0x43: {  	[sflag:s21] =	ssyncset.done $0x0  }
0x44: {  	[sflag:s21] =	ssyncadd.s32 $0xFFFFC000  }
0x45: {  	[spmem:s1] =	stream.indirect.scatter.add.f32 [tilespmem:s19], [sflag:$0x3], $0x80, s29, s18, $0xb8;
	[tilespmem:$0x1FC00] =	vst v63  }
0x46: {  	_ =	swait.ge [sflag:s17], $0x4000  }
0x47: {  	s31 =	simm.s32 $0x680;
	[sflag:s17] =	ssyncset.done $0x0  }
0x48: {  	s0 =	simm.s32 $0x780;
	s25 =	simm.s32 $0x700;
	[sflag:s17] =	ssyncadd.s32 $0xFFFFC000  }
.LBB2_13:
0x49: {  	[tilespmem:s19], [sflag:$0x2] =	stream.indirect.gather [hbm4b:s4+s18], $0x80, s25, s18, $0xb8;
	[tilespmem:$0x1FC00] =	vst v63  }
0x4a: {  	_ =	swait.ge [sflag:s20], $0x4000  }
0x4b: {  	[sflag:s20] =	ssyncset.done $0x0  }
0x4c: {  	[sflag:s20] =	ssyncadd.s32 $0xFFFFC000  }
0x4d: {  	[spmem:s1] =	stream.indirect.scatter.add.f32 [tilespmem:s16], [sflag:$0x3], $0x80, s31, s18, $0xb8;
	[tilespmem:$0x1FC00] =	vst v63  }
0x4e: {  	_ =	swait.ge [sflag:s17], $0x4000  }
0x4f: {  	[sflag:s17] =	ssyncset.done $0x0  }
0x50: {  	[sflag:s17] =	ssyncadd.s32 $0xFFFFC000  }
0x51: {  	_ =	swait.ge [sflag:s21], $0x4000  }
0x52: {  	[sflag:s21] =	ssyncset.done $0x0  }
0x53: {  	[sflag:s21] =	ssyncadd.s32 $0xFFFFC000  }
0x54: {  	[spmem:s1] =	stream.indirect.scatter.add.f32 [tilespmem:s19], [sflag:$0x3], $0x80, s0, s18, $0xb8;
	[tilespmem:$0x1FC00] =	vst v63  }
0x55: {  	_ =	swait.ge [sflag:s17], $0x4000  }
0x56: {  	s28 =	sshll.u32 s2, $0x6;
	s30 =	sadd.s32 $0x1, s30;
	[sflag:s17] =	ssyncset.done $0x0  }
0x57: {  	p1 =	sne.s32 s30, s15;
	s31 =	sshrl.u32 s5, $0x3;
	[sflag:s17] =	ssyncadd.s32 $0xFFFFC000  }
.Ltmp1:
0x58: {  	s0 =	sor.u32 $0x1C03, s28;
	[bflag:$0x0] =	sbarrier.arrive $0xFFFF;
	(pc) =	sbr.rel @!p1 .LBB2_14-.Ltmp1, $4  }
0x59: {  	[hbm:s14], [sflag:s0] =	dma.local [spmem:s31], $0x2800  }
0x5a: {  	_ =	swait.ge [sflag:s17], $0x2800  }
0x5b: {  	[sflag:s17] =	ssyncset.done $0x0  }
0x5c: {  	[sflag:s17] =	ssyncadd.s32 $0xFFFFD800  }
.LBB2_1:
0x5d: {  	s31 =	simm.s32 $0x0;
	s0 =	simm.s32 $0x200  }
.LBB2_2:
0x5e: {  	p1 =	sne.s32 s0, $0xFE00;
	[tilespmem:s31+$0x3C70] =	vst v0  }
0x5f: {  	[tilespmem:s31+$0x3C00] =	vst v0  }
0x60: {  	[tilespmem:s31+$0x3C10] =	vst v0  }
.Ltmp2:
0x61: {  	[tilespmem:s31+$0x3C20] =	vst v0;
	(pc) =	sbr.rel @p1 .LBB2_2-.Ltmp2, $4  }
0x62: {  	[tilespmem:s31+$0x3C30] =	vst v0  }
0x63: {  	[tilespmem:s31+$0x3C40] =	vst v0  }
0x64: {  	[tilespmem:s31+$0x3C50] =	vst v0  }
0x65: {  	[tilespmem:s31+$0x3C60] =	vst v0;
	s31 =	sshra.s32 s0, $0x2;
	s0 =	sadd.s32 $0x200, s0  }
0x66: {  	[tilespmem:s31+$0x3C70] =	vst v0  }
0x67: {  	[tilespmem:s31+$0x3C00] =	vst v0  }
0x68: {  	[tilespmem:s31+$0x3C10] =	vst v0  }
0x69: {  	[tilespmem:s31+$0x3C20] =	vst v0  }
0x6a: {  	[tilespmem:s31+$0x3C30] =	vst v0  }
0x6b: {  	[tilespmem:s31+$0x3C40] =	vst v0  }
0x6c: {  	[tilespmem:s31+$0x3C50] =	vst v0  }
0x6d: {  	[tilespmem:s31+$0x3C60] =	vst v0  }
0x6e: {  	[spmem:s5] =	stream.linear.scatter [tilespmem:s16], [sflag:$0x3], $0x4000, $0x38;
	[tilespmem:$0x1FC00] =	vst v63  }
0x6f: {  	_ =	swait.ge [sflag:s17], $0x4000  }
0x70: {  	[sflag:s17] =	ssyncset.done $0x0  }
0x71: {  	[sflag:s17] =	ssyncadd.s32 $0xFFFFC000  }
0x72: {  	[spmem:s6] =	stream.linear.scatter [tilespmem:s16], [sflag:$0x3], $0x4000, $0x38;
	[tilespmem:$0x1FC00] =	vst v63  }
0x73: {  	_ =	swait.ge [sflag:s17], $0x4000  }
0x74: {  	[sflag:s17] =	ssyncset.done $0x0  }
0x75: {  	[sflag:s17] =	ssyncadd.s32 $0xFFFFC000  }
0x76: {  	[spmem:s7] =	stream.linear.scatter [tilespmem:s16], [sflag:$0x3], $0x4000, $0x38;
	[tilespmem:$0x1FC00] =	vst v63  }
0x77: {  	_ =	swait.ge [sflag:s17], $0x4000  }
0x78: {  	[sflag:s17] =	ssyncset.done $0x0  }
0x79: {  	[sflag:s17] =	ssyncadd.s32 $0xFFFFC000  }
0x7a: {  	[spmem:s8] =	stream.linear.scatter [tilespmem:s16], [sflag:$0x3], $0x4000, $0x38;
	[tilespmem:$0x1FC00] =	vst v63  }
0x7b: {  	_ =	swait.ge [sflag:s17], $0x4000  }
0x7c: {  	[sflag:s17] =	ssyncset.done $0x0  }
0x7d: {  	[sflag:s17] =	ssyncadd.s32 $0xFFFFC000  }
0x7e: {  	[spmem:s9] =	stream.linear.scatter [tilespmem:s16], [sflag:$0x3], $0x4000, $0x38;
	[tilespmem:$0x1FC00] =	vst v63  }
.Ltmp3:
0x7f: {  	_ =	swait.ge [sflag:s17], $0x4000;
	(pc) =	sbr.rel @p0 .LBB2_12-.Ltmp3, $3  }
0x80: {  	[sflag:s17] =	ssyncset.done $0x0  }
0x81: {  	[sflag:s17] =	ssyncadd.s32 $0xFFFFC000  }
0x82: {  	[bflag:$0x0] =	sbarrier.arrive $0xFFFF;
	_ =	sdelay $0x1  }
0x83: {  	[tilespmem:s3], [sflag:$0x3] =	stream.linear.gather [hbm4b:s11+s3], $0x3C00, $0x38;
	[tilespmem:$0x1FC00] =	vst v63  }
0x84: {  	_ =	swait.ge [sflag:s17], $0x3C00  }
0x85: {  	[sflag:s17] =	ssyncset.done $0x0  }
0x86: {  	[sflag:s17] =	ssyncadd.s32 $0xFFFFC400  }
0x87: {  	[tilespmem:s16], [sflag:$0x1] =	stream.indirect.gather [hbm4b:s4+s18], $0x80, s3, s18, $0xb8;
	[tilespmem:$0x1FC00] =	vst v63  }
0x88: {  	s0 =	simm.s32 $0x100  }
0x89: {  	[tilespmem:s19], [sflag:$0x2] =	stream.indirect.gather [hbm4b:s4+s18], $0x80, s0, s18, $0xb8;
	[tilespmem:$0x1FC00] =	vst v63  }
0x8a: {  	_ =	swait.ge [sflag:s20], $0x4000  }
0x8b: {  	[sflag:s20] =	ssyncset.done $0x0  }
0x8c: {  	s25 =	simm.s32 $0x80;
	[sflag:s20] =	ssyncadd.s32 $0xFFFFC000  }
0x8d: {  	[spmem:s1] =	stream.indirect.scatter.add.f32 [tilespmem:s16], [sflag:$0x3], $0x80, s25, s18, $0xb8;
	[tilespmem:$0x1FC00] =	vst v63  }
0x8e: {  	_ =	swait.ge [sflag:s17], $0x4000  }
0x8f: {  	[sflag:s17] =	ssyncset.done $0x0  }
0x90: {  	s26 =	simm.s32 $0x200;
	[sflag:s17] =	ssyncadd.s32 $0xFFFFC000  }
0x91: {  	[tilespmem:s16], [sflag:$0x1] =	stream.indirect.gather [hbm4b:s4+s18], $0x80, s26, s18, $0xb8;
	[tilespmem:$0x1FC00] =	vst v63  }
0x92: {  	_ =	swait.ge [sflag:s21], $0x4000  }
0x93: {  	[sflag:s21] =	ssyncset.done $0x0  }
0x94: {  	s28 =	simm.s32 $0x180;
	[sflag:s21] =	ssyncadd.s32 $0xFFFFC000  }
0x95: {  	[spmem:s1] =	stream.indirect.scatter.add.f32 [tilespmem:s19], [sflag:$0x3], $0x80, s28, s18, $0xb8;
	[tilespmem:$0x1FC00] =	vst v63  }
0x96: {  	_ =	swait.ge [sflag:s17], $0x4000  }
0x97: {  	s31 =	simm.s32 $0xFFFFC800;
	s0 =	simm.s32 $0xFFFF2800;
	[sflag:s17] =	ssyncset.done $0x0  }
.LBB2_5:
0x98: {  	s25 =	sadd.s32 $0x3B00, s31  }
0x99: {  	[sflag:s17] =	ssyncadd.s32 $0xFFFFC000;
	s26 =	smov.u32 s0;
	s28 =	sadd.s32 $0x800, s0  }
0x9a: {  	[tilespmem:s19], [sflag:$0x2] =	stream.indirect.gather [hbm4b:s4+s18], $0x80, s25, s18, $0xb8;
	[tilespmem:$0x1FC00] =	vst v63  }
0x9b: {  	p1 =	sne.s32 s0, $0xFFFFF800;
	_ =	swait.ge [sflag:s20], $0x4000  }
0x9c: {  	[sflag:s20] =	ssyncset.done $0x0  }
0x9d: {  	s0 =	sadd.s32 $0x3A80, s31;
	[sflag:s20] =	ssyncadd.s32 $0xFFFFC000  }
0x9e: {  	[spmem:s1] =	stream.indirect.scatter.add.f32 [tilespmem:s16], [sflag:$0x3], $0x80, s0, s18, $0xb8;
	[tilespmem:$0x1FC00] =	vst v63  }
0x9f: {  	_ =	swait.ge [sflag:s17], $0x4000  }
0xa0: {  	[sflag:s17] =	ssyncset.done $0x0  }
0xa1: {  	s0 =	sadd.s32 $0x3C00, s31;
	[sflag:s17] =	ssyncadd.s32 $0xFFFFC000  }
0xa2: {  	[tilespmem:s16], [sflag:$0x1] =	stream.indirect.gather [hbm4b:s4+s18], $0x80, s0, s18, $0xb8;
	[tilespmem:$0x1FC00] =	vst v63  }
0xa3: {  	_ =	swait.ge [sflag:s21], $0x4000  }
.Ltmp4:
0xa4: {  	[sflag:s21] =	ssyncset.done $0x0;
	(pc) =	sbr.rel @p1 .LBB2_5-.Ltmp4, $4  }
0xa5: {  	s0 =	sadd.s32 $0x3B80, s31;
	[sflag:s21] =	ssyncadd.s32 $0xFFFFC000  }
0xa6: {  	[spmem:s1] =	stream.indirect.scatter.add.f32 [tilespmem:s19], [sflag:$0x3], $0x80, s0, s18, $0xb8;
	[tilespmem:$0x1FC00] =	vst v63  }
0xa7: {  	_ =	swait.ge [sflag:s17], $0x4000  }
0xa8: {  	s31 =	sshra.s32 s26, $0x2;
	s0 =	smov.u32 s28;
	[sflag:s17] =	ssyncset.done $0x0  }
0xa9: {  	s0 =	sadd.s32 $0x3B00, s31;
	[sflag:s17] =	ssyncadd.s32 $0xFFFFC000  }
0xaa: {  	[tilespmem:s19], [sflag:$0x2] =	stream.indirect.gather [hbm4b:s4+s18], $0x80, s0, s18, $0xb8;
	[tilespmem:$0x1FC00] =	vst v63  }
0xab: {  	_ =	swait.ge [sflag:s20], $0x4000  }
0xac: {  	[sflag:s20] =	ssyncset.done $0x0  }
0xad: {  	s28 =	sadd.s32 $0x3A80, s31;
	[sflag:s20] =	ssyncadd.s32 $0xFFFFC000  }
0xae: {  	[spmem:s1] =	stream.indirect.scatter.add.f32 [tilespmem:s16], [sflag:$0x3], $0x80, s28, s18, $0xb8;
	[tilespmem:$0x1FC00] =	vst v63  }
0xaf: {  	_ =	swait.ge [sflag:s17], $0x4000  }
0xb0: {  	[sflag:s17] =	ssyncset.done $0x0  }
0xb1: {  	s25 =	sadd.s32 $0x3C00, s31;
	[sflag:s17] =	ssyncadd.s32 $0xFFFFC000  }
0xb2: {  	[tilespmem:s16], [sflag:$0x1] =	stream.indirect.gather [hbm4b:s4+s18], $0x80, s25, s18, $0xb8;
	[tilespmem:$0x1FC00] =	vst v63  }
0xb3: {  	_ =	swait.ge [sflag:s21], $0x4000  }
0xb4: {  	[sflag:s21] =	ssyncset.done $0x0  }
0xb5: {  	s26 =	sadd.s32 $0x3B80, s31;
	[sflag:s21] =	ssyncadd.s32 $0xFFFFC000  }
0xb6: {  	[spmem:s1] =	stream.indirect.scatter.add.f32 [tilespmem:s19], [sflag:$0x3], $0x80, s26, s18, $0xb8;
	[tilespmem:$0x1FC00] =	vst v63  }
0xb7: {  	_ =	swait.ge [sflag:s17], $0x4000  }
0xb8: {  	[sflag:s17] =	ssyncset.done $0x0  }
0xb9: {  	[sflag:s17] =	ssyncadd.s32 $0xFFFFC000  }
0xba: {  	[tilespmem:s19], [sflag:$0x2] =	stream.indirect.gather [hbm4b:s4+s18], $0x80, s22, s18, $0xb8;
	[tilespmem:$0x1FC00] =	vst v63  }
0xbb: {  	_ =	swait.ge [sflag:s20], $0x4000  }
0xbc: {  	[sflag:s20] =	ssyncset.done $0x0  }
0xbd: {  	[sflag:s20] =	ssyncadd.s32 $0xFFFFC000  }
0xbe: {  	[spmem:s1] =	stream.indirect.scatter.add.f32 [tilespmem:s16], [sflag:$0x3], $0x80, s23, s18, $0xb8;
	[tilespmem:$0x1FC00] =	vst v63  }
0xbf: {  	_ =	swait.ge [sflag:s17], $0x4000  }
0xc0: {  	[sflag:s17] =	ssyncset.done $0x0  }
0xc1: {  	[sflag:s17] =	ssyncadd.s32 $0xFFFFC000  }
0xc2: {  	_ =	swait.ge [sflag:s21], $0x4000  }
0xc3: {  	[sflag:s21] =	ssyncset.done $0x0  }
0xc4: {  	[sflag:s21] =	ssyncadd.s32 $0xFFFFC000  }
0xc5: {  	[spmem:s1] =	stream.indirect.scatter.add.f32 [tilespmem:s19], [sflag:$0x3], $0x80, s24, s18, $0xb8;
	[tilespmem:$0x1FC00] =	vst v63  }
0xc6: {  	_ =	swait.ge [sflag:s17], $0x4000  }
0xc7: {  	[sflag:s17] =	ssyncset.done $0x0  }
0xc8: {  	[sflag:s17] =	ssyncadd.s32 $0xFFFFC000  }
0xc9: {  	[tilespmem:s3], [sflag:$0x3] =	stream.linear.gather [hbm4b:s12+s3], $0x3C00, $0x38;
	[tilespmem:$0x1FC00] =	vst v63  }
0xca: {  	_ =	swait.ge [sflag:s17], $0x3C00  }
0xcb: {  	[sflag:s17] =	ssyncset.done $0x0  }
0xcc: {  	[sflag:s17] =	ssyncadd.s32 $0xFFFFC400  }
0xcd: {  	[tilespmem:s16], [sflag:$0x1] =	stream.indirect.gather [hbm4b:s4+s18], $0x80, s3, s18, $0xb8;
	[tilespmem:$0x1FC00] =	vst v63  }
0xce: {  	s28 =	simm.s32 $0x100  }
0xcf: {  	[tilespmem:s19], [sflag:$0x2] =	stream.indirect.gather [hbm4b:s4+s18], $0x80, s28, s18, $0xb8;
	[tilespmem:$0x1FC00] =	vst v63  }
0xd0: {  	_ =	swait.ge [sflag:s20], $0x4000  }
0xd1: {  	[sflag:s20] =	ssyncset.done $0x0  }
0xd2: {  	s25 =	simm.s32 $0x80;
	[sflag:s20] =	ssyncadd.s32 $0xFFFFC000  }
0xd3: {  	[spmem:s1] =	stream.indirect.scatter.add.f32 [tilespmem:s16], [sflag:$0x3], $0x80, s25, s18, $0xb8;
	[tilespmem:$0x1FC00] =	vst v63  }
0xd4: {  	_ =	swait.ge [sflag:s17], $0x4000  }
0xd5: {  	[sflag:s17] =	ssyncset.done $0x0  }
0xd6: {  	s26 =	simm.s32 $0x200;
	[sflag:s17] =	ssyncadd.s32 $0xFFFFC000  }
0xd7: {  	[tilespmem:s16], [sflag:$0x1] =	stream.indirect.gather [hbm4b:s4+s18], $0x80, s26, s18, $0xb8;
	[tilespmem:$0x1FC00] =	vst v63  }
0xd8: {  	_ =	swait.ge [sflag:s21], $0x4000  }
0xd9: {  	[sflag:s21] =	ssyncset.done $0x0  }
0xda: {  	s28 =	simm.s32 $0x180;
	[sflag:s21] =	ssyncadd.s32 $0xFFFFC000  }
0xdb: {  	[spmem:s1] =	stream.indirect.scatter.add.f32 [tilespmem:s19], [sflag:$0x3], $0x80, s28, s18, $0xb8;
	[tilespmem:$0x1FC00] =	vst v63  }
0xdc: {  	_ =	swait.ge [sflag:s17], $0x4000  }
0xdd: {  	s31 =	simm.s32 $0xFFFFC800;
	s0 =	simm.s32 $0xFFFF2800;
	[sflag:s17] =	ssyncset.done $0x0  }
.LBB2_7:
0xde: {  	s25 =	sadd.s32 $0x3B00, s31  }
0xdf: {  	[sflag:s17] =	ssyncadd.s32 $0xFFFFC000;
	s26 =	smov.u32 s0;
	s28 =	sadd.s32 $0x800, s0  }
0xe0: {  	[tilespmem:s19], [sflag:$0x2] =	stream.indirect.gather [hbm4b:s4+s18], $0x80, s25, s18, $0xb8;
	[tilespmem:$0x1FC00] =	vst v63  }
0xe1: {  	p1 =	sne.s32 s0, $0xFFFFF800;
	_ =	swait.ge [sflag:s20], $0x4000  }
0xe2: {  	[sflag:s20] =	ssyncset.done $0x0  }
0xe3: {  	s0 =	sadd.s32 $0x3A80, s31;
	[sflag:s20] =	ssyncadd.s32 $0xFFFFC000  }
0xe4: {  	[spmem:s1] =	stream.indirect.scatter.add.f32 [tilespmem:s16], [sflag:$0x3], $0x80, s0, s18, $0xb8;
	[tilespmem:$0x1FC00] =	vst v63  }
0xe5: {  	_ =	swait.ge [sflag:s17], $0x4000  }
0xe6: {  	[sflag:s17] =	ssyncset.done $0x0  }
0xe7: {  	s0 =	sadd.s32 $0x3C00, s31;
	[sflag:s17] =	ssyncadd.s32 $0xFFFFC000  }
0xe8: {  	[tilespmem:s16], [sflag:$0x1] =	stream.indirect.gather [hbm4b:s4+s18], $0x80, s0, s18, $0xb8;
	[tilespmem:$0x1FC00] =	vst v63  }
0xe9: {  	_ =	swait.ge [sflag:s21], $0x4000  }
.Ltmp5:
0xea: {  	[sflag:s21] =	ssyncset.done $0x0;
	(pc) =	sbr.rel @p1 .LBB2_7-.Ltmp5, $4  }
0xeb: {  	s0 =	sadd.s32 $0x3B80, s31;
	[sflag:s21] =	ssyncadd.s32 $0xFFFFC000  }
0xec: {  	[spmem:s1] =	stream.indirect.scatter.add.f32 [tilespmem:s19], [sflag:$0x3], $0x80, s0, s18, $0xb8;
	[tilespmem:$0x1FC00] =	vst v63  }
0xed: {  	_ =	swait.ge [sflag:s17], $0x4000  }
0xee: {  	s31 =	sshra.s32 s26, $0x2;
	s0 =	smov.u32 s28;
	[sflag:s17] =	ssyncset.done $0x0  }
0xef: {  	s0 =	sadd.s32 $0x3B00, s31;
	[sflag:s17] =	ssyncadd.s32 $0xFFFFC000  }
0xf0: {  	[tilespmem:s19], [sflag:$0x2] =	stream.indirect.gather [hbm4b:s4+s18], $0x80, s0, s18, $0xb8;
	[tilespmem:$0x1FC00] =	vst v63  }
0xf1: {  	_ =	swait.ge [sflag:s20], $0x4000  }
0xf2: {  	[sflag:s20] =	ssyncset.done $0x0  }
0xf3: {  	s25 =	sadd.s32 $0x3A80, s31;
	[sflag:s20] =	ssyncadd.s32 $0xFFFFC000  }
0xf4: {  	[spmem:s1] =	stream.indirect.scatter.add.f32 [tilespmem:s16], [sflag:$0x3], $0x80, s25, s18, $0xb8;
	[tilespmem:$0x1FC00] =	vst v63  }
0xf5: {  	_ =	swait.ge [sflag:s17], $0x4000  }
0xf6: {  	[sflag:s17] =	ssyncset.done $0x0  }
0xf7: {  	s26 =	sadd.s32 $0x3C00, s31;
	[sflag:s17] =	ssyncadd.s32 $0xFFFFC000  }
0xf8: {  	[tilespmem:s16], [sflag:$0x1] =	stream.indirect.gather [hbm4b:s4+s18], $0x80, s26, s18, $0xb8;
	[tilespmem:$0x1FC00] =	vst v63  }
0xf9: {  	_ =	swait.ge [sflag:s21], $0x4000  }
0xfa: {  	[sflag:s21] =	ssyncset.done $0x0  }
0xfb: {  	s28 =	sadd.s32 $0x3B80, s31;
	[sflag:s21] =	ssyncadd.s32 $0xFFFFC000  }
0xfc: {  	[spmem:s1] =	stream.indirect.scatter.add.f32 [tilespmem:s19], [sflag:$0x3], $0x80, s28, s18, $0xb8;
	[tilespmem:$0x1FC00] =	vst v63  }
0xfd: {  	_ =	swait.ge [sflag:s17], $0x4000  }
0xfe: {  	[sflag:s17] =	ssyncset.done $0x0  }
0xff: {  	[sflag:s17] =	ssyncadd.s32 $0xFFFFC000  }
0x100: {  	[tilespmem:s19], [sflag:$0x2] =	stream.indirect.gather [hbm4b:s4+s18], $0x80, s22, s18, $0xb8;
	[tilespmem:$0x1FC00] =	vst v63  }
0x101: {  	_ =	swait.ge [sflag:s20], $0x4000  }
0x102: {  	[sflag:s20] =	ssyncset.done $0x0  }
0x103: {  	[sflag:s20] =	ssyncadd.s32 $0xFFFFC000  }
0x104: {  	[spmem:s1] =	stream.indirect.scatter.add.f32 [tilespmem:s16], [sflag:$0x3], $0x80, s23, s18, $0xb8;
	[tilespmem:$0x1FC00] =	vst v63  }
0x105: {  	_ =	swait.ge [sflag:s17], $0x4000  }
0x106: {  	[sflag:s17] =	ssyncset.done $0x0  }
0x107: {  	[sflag:s17] =	ssyncadd.s32 $0xFFFFC000  }
0x108: {  	_ =	swait.ge [sflag:s21], $0x4000  }
0x109: {  	[sflag:s21] =	ssyncset.done $0x0  }
0x10a: {  	[sflag:s21] =	ssyncadd.s32 $0xFFFFC000  }
0x10b: {  	[spmem:s1] =	stream.indirect.scatter.add.f32 [tilespmem:s19], [sflag:$0x3], $0x80, s24, s18, $0xb8;
	[tilespmem:$0x1FC00] =	vst v63  }
0x10c: {  	_ =	swait.ge [sflag:s17], $0x4000  }
0x10d: {  	[sflag:s17] =	ssyncset.done $0x0  }
0x10e: {  	p2 =	por $0x0, $0x0;
	[sflag:s17] =	ssyncadd.s32 $0xFFFFC000  }
0x10f: {  	[tilespmem:s3], [sflag:$0x3] =	stream.linear.gather [hbm4b:s13+s3], $0x1E00, $0x38;
	[tilespmem:$0x1FC00] =	vst v63  }
.Ltmp6:
0x110: {  	_ = 	snop;
	(pc) =	sbr.rel @p2 .LBB2_11-.Ltmp6, $4  }
0x111: {  	_ =	swait.ge [sflag:s17], $0x1E00  }
0x112: {  	[sflag:s17] =	ssyncset.done $0x0  }
0x113: {  	s31 =	simm.s32 $0xFFFFE400;
	p1 =	por $0x0, $0x0;
	[sflag:s17] =	ssyncadd.s32 $0xFFFFE200  }
0x114: {  	[tilespmem:s16], [sflag:$0x1] =	stream.indirect.gather [hbm4b:s4+s18], $0x80, s3, s18, $0xb8;
	[tilespmem:$0x1FC00] =	vst v63  }
0x115: {  	s0 =	simm.s32 $0x100  }
0x116: {  	[tilespmem:s19], [sflag:$0x2] =	stream.indirect.gather [hbm4b:s4+s18], $0x80, s0, s18, $0xb8;
	[tilespmem:$0x1FC00] =	vst v63  }
0x117: {  	_ =	swait.ge [sflag:s20], $0x4000  }
0x118: {  	[sflag:s20] =	ssyncset.done $0x0  }
0x119: {  	s25 =	simm.s32 $0x80;
	[sflag:s20] =	ssyncadd.s32 $0xFFFFC000  }
0x11a: {  	[spmem:s1] =	stream.indirect.scatter.add.f32 [tilespmem:s16], [sflag:$0x3], $0x80, s25, s18, $0xb8;
	[tilespmem:$0x1FC00] =	vst v63  }
0x11b: {  	_ =	swait.ge [sflag:s17], $0x4000  }
0x11c: {  	[sflag:s17] =	ssyncset.done $0x0  }
0x11d: {  	s26 =	simm.s32 $0x200;
	[sflag:s17] =	ssyncadd.s32 $0xFFFFC000  }
0x11e: {  	[tilespmem:s16], [sflag:$0x1] =	stream.indirect.gather [hbm4b:s4+s18], $0x80, s26, s18, $0xb8;
	[tilespmem:$0x1FC00] =	vst v63  }
0x11f: {  	p2 =	por $0x0, $0x0;
	_ =	swait.ge [sflag:s21], $0x4000  }
.Ltmp7:
0x120: {  	[sflag:s21] =	ssyncset.done $0x0;
	(pc) =	sbr.rel @p2 .LBB2_11-.Ltmp7, $4  }
0x121: {  	s28 =	simm.s32 $0x180;
	[sflag:s21] =	ssyncadd.s32 $0xFFFFC000  }
0x122: {  	[spmem:s1] =	stream.indirect.scatter.add.f32 [tilespmem:s19], [sflag:$0x3], $0x80, s28, s18, $0xb8;
	[tilespmem:$0x1FC00] =	vst v63  }
0x123: {  	s31 =	simm.s32 $0xFFFFE600;
	_ =	swait.ge [sflag:s17], $0x4000  }
0x124: {  	p1 =	por $0x1, $0x1;
	s0 =	simm.s32 $0xFFFFA000;
	[sflag:s17] =	ssyncset.done $0x0  }
.LBB2_10:
0x125: {  	s25 =	sadd.s32 $0x1D00, s31  }
0x126: {  	[sflag:s17] =	ssyncadd.s32 $0xFFFFC000;
	s26 =	smov.u32 s0;
	s28 =	sadd.s32 $0x800, s0  }
0x127: {  	[tilespmem:s19], [sflag:$0x2] =	stream.indirect.gather [hbm4b:s4+s18], $0x80, s25, s18, $0xb8;
	[tilespmem:$0x1FC00] =	vst v63  }
0x128: {  	p2 =	seq.s32 s0, $0xFFFFF800;
	_ =	swait.ge [sflag:s20], $0x4000  }
0x129: {  	[sflag:s20] =	ssyncset.done $0x0  }
0x12a: {  	s0 =	sadd.s32 $0x1C80, s31;
	[sflag:s20] =	ssyncadd.s32 $0xFFFFC000  }
0x12b: {  	[spmem:s1] =	stream.indirect.scatter.add.f32 [tilespmem:s16], [sflag:$0x3], $0x80, s0, s18, $0xb8;
	[tilespmem:$0x1FC00] =	vst v63  }
0x12c: {  	_ =	swait.ge [sflag:s17], $0x4000  }
0x12d: {  	[sflag:s17] =	ssyncset.done $0x0  }
0x12e: {  	s0 =	sadd.s32 $0x1E00, s31;
	[sflag:s17] =	ssyncadd.s32 $0xFFFFC000  }
0x12f: {  	[tilespmem:s16], [sflag:$0x1] =	stream.indirect.gather [hbm4b:s4+s18], $0x80, s0, s18, $0xb8;
	[tilespmem:$0x1FC00] =	vst v63  }
0x130: {  	_ =	swait.ge [sflag:s21], $0x4000  }
.Ltmp8:
0x131: {  	[sflag:s21] =	ssyncset.done $0x0;
	(pc) =	sbr.rel @!p2 .LBB2_10-.Ltmp8, $4  }
0x132: {  	s0 =	sadd.s32 $0x1D80, s31;
	[sflag:s21] =	ssyncadd.s32 $0xFFFFC000  }
0x133: {  	[spmem:s1] =	stream.indirect.scatter.add.f32 [tilespmem:s19], [sflag:$0x3], $0x80, s0, s18, $0xb8;
	[tilespmem:$0x1FC00] =	vst v63  }
0x134: {  	_ =	swait.ge [sflag:s17], $0x4000  }
0x135: {  	s31 =	sshra.s32 s26, $0x2;
	s0 =	smov.u32 s28;
	[sflag:s17] =	ssyncset.done $0x0  }
.LBB2_11:
0x136: {  	s0 =	sadd.s32 $0x1D00, s31;
	[sflag:s17] =	ssyncadd.s32 @p1 $0xFFFFC000  }
0x137: {  	[tilespmem:s19], [sflag:$0x2] =	stream.indirect.gather [hbm4b:s4+s18], $0x80, s0, s18, $0xb8;
	[tilespmem:$0x1FC00] =	vst v63  }
0x138: {  	_ =	swait.ge [sflag:s20], $0x4000  }
0x139: {  	[sflag:s20] =	ssyncset.done $0x0  }
0x13a: {  	s25 =	sadd.s32 $0x1C80, s31;
	[sflag:s20] =	ssyncadd.s32 $0xFFFFC000  }
0x13b: {  	[spmem:s1] =	stream.indirect.scatter.add.f32 [tilespmem:s16], [sflag:$0x3], $0x80, s25, s18, $0xb8;
	[tilespmem:$0x1FC00] =	vst v63  }
0x13c: {  	_ =	swait.ge [sflag:s17], $0x4000  }
0x13d: {  	[sflag:s17] =	ssyncset.done $0x0  }
0x13e: {  	s26 =	sadd.s32 $0x1E00, s31;
	[sflag:s17] =	ssyncadd.s32 $0xFFFFC000  }
0x13f: {  	[tilespmem:s16], [sflag:$0x1] =	stream.indirect.gather [hbm4b:s4+s18], $0x80, s26, s18, $0xb8;
	[tilespmem:$0x1FC00] =	vst v63  }
0x140: {  	_ =	swait.ge [sflag:s21], $0x4000  }
0x141: {  	[sflag:s21] =	ssyncset.done $0x0  }
.Ltmp9:
0x142: {  	s28 =	sadd.s32 $0x1D80, s31;
	[sflag:s21] =	ssyncadd.s32 $0xFFFFC000;
	(pc) =	sbr.rel .LBB2_13-.Ltmp9, $4  }
0x143: {  	[spmem:s1] =	stream.indirect.scatter.add.f32 [tilespmem:s19], [sflag:$0x3], $0x80, s28, s18, $0xb8;
	[tilespmem:$0x1FC00] =	vst v63  }
0x144: {  	_ =	swait.ge [sflag:s17], $0x4000  }
0x145: {  	s31 =	simm.s32 $0x1C80;
	[sflag:s17] =	ssyncset.done $0x0  }
0x146: {  	s0 =	simm.s32 $0x1D80;
	s25 =	simm.s32 $0x1D00;
	[sflag:s17] =	ssyncadd.s32 $0xFFFFC000  }
.LBB2_14:
0x147: {  	_ =	sfence.sel $0x180000  }
0x148: {  	[bflag:$0x0] =	sbarrier.arrive $0xFFFF  }
0x149: {  	_ =	strace $0x90000050  }
0x14a: {  	[bflag:$0x2] =	sbarrier.arrive $0xFFFF  }
0x14b: {  	p0 =	sne.s32 s2, $0x0;
	s0 =	rddreg [dreg:$0x2]  }
0x14c: {  	s0 =	sadd.s32 @!p0 $0x100000, s0  }
0x14d: {  	[sflag:s0] =	ssyncadd.tile.s32 @!p0 $0x1;
	_ =	shalt  }
.Lfunc_end2:
_tile_overlayer_lowered:
.L_overlay_start_2:
0x14e: {  	(tag) =	ssettag $0x2  }
0x14f: {  	s0 =	rddreg [dreg:$0x0];
	s2 =	stileid.u32  }
0x150: {  	s1 =	rddreg [dreg:$0x1];
	p0 =	sne.s32 s2, $0x0  }
0x151: {  	s3 =	rddreg [dreg:$0x2];
	[bflag:$0x3] =	sbarrier.arrive $0xFFFF;
	s2 =	simm.s32 @!p0 $0x1C03  }
0x152: {  	[timem:s3], [sflag:s2] =	dma.local @!p0 [hbm:s0], s1  }
0x153: {  	s0 =	simm.s32 @!p0 $0x3  }
0x154: {  	_ =	swait.ge @!p0 [sflag:s0], s1  }
0x155: {  	s1 =	ssub.s32 @!p0 $0x0, s1;
	[sflag:s0] =	ssyncset.done @!p0 $0x0  }
0x156: {  	[sflag:s0] =	ssyncadd.s32 @!p0 s1  }
0x157: {  	[bflag:$0x3] =	sbarrier.arrive $0xFFFF  }
0x158: {  	_ =	shalt  }

// kernel: kernel.9.cloned.1.call-start
scs
__scs_entry_jumppad:
0x0: {  	(pc) =	sbr.rel $0x88, $3  }
0x1: {  	(tag) =	ssettag $0x0;
	lr =	simm.s32 $0x1  }
0x2: {  	[smem:$0x3F94] =	sst lr;
	_ =	strace $0xD0000000  }
0x3: {  	_ = 	snop  }
0x4: {  	_ = 	snop  }
0x5: {  	_ = 	snop  }
0x6: {  	_ = 	snop  }
0x7: {  	_ = 	snop  }
__scs_overlays_trampoline_lowered:
0x8: {  	[smem:$0x3FA3] =	sst s0  }
0x9: {  	[smem:$0x3FA4] =	sst s1  }
0xa: {  	[smem:$0x3FA5] =	sst s2  }
0xb: {  	[smem:$0x3FA6] =	sst s3  }
0xc: {  	[smem:$0x3FA7] =	sst s4  }
0xd: {  	[smem:$0x3FA8] =	sst s5  }
0xe: {  	[smem:$0x3FA9] =	sst s6  }
0xf: {  	[smem:$0x3FAA] =	sst s7  }
0x10: {  	[smem:$0x3FAB] =	sst s8  }
0x11: {  	[smem:$0x3FAC] =	sst s9;
	s0 =	simm.s32 @!p0 $0x0  }
0x12: {  	s1 =	sld [smem:$0x3F92];
	s0 =	simm.s32 @p0 $0x1  }
0x13: {  	[smem:$0x3FAD] =	sst s0;
	s0 =	simm.s32 @!p1 $0x0  }
0x14: {  	s2 =	sld [smem:$0x3F91];
	s0 =	simm.s32 @p1 $0x1  }
0x15: {  	[smem:$0x3FAE] =	sst s0;
	s0 =	simm.s32 @!p2 $0x0  }
0x16: {  	s3 =	sld [smem:$0x3FDB];
	s0 =	simm.s32 @p2 $0x1  }
0x17: {  	s4 =	simm.s32 $0x1BF5;
	[smem:$0x3FB0] =	sst s0  }
0x18: {  	s0 =	sld [smem:$0x3F93];
	_ =	swait.ge [sflag:s4], $0x0  }
0x19: {  	s7 =	sld [smem:$0x3F94]  }
0x1a: {  	s8 =	sadd.s32 $0xFFFFE003, lr  }
0x1b: {  	s9 =	sadd.s32 $0xFFFFFEF7, lr;
	s5 =	simm.s32 $0xFFFFFFFF;
	p2 =	slt.u32 s8, $0xFFFFF086  }
0x1c: {  	p1 =	slt.u32 s9, $0xF7A;
	s5 =	simm.s32 @!p2 $0x0  }
0x1d: {  	s5 =	simm.s32 @p1 $0x1;
	p0 =	seq.s32 s7, s2  }
0x1e: {  	s7 =	smul.u32 @!p0 $0xF7A, s2;
	p2 =	seq.s32 @!p0 s5, $0x0  }
0x1f: {  	s9 =	smul.u32 $0xF7A, s1;
	s8 =	simm.s32 @!p0 $0x1BF5;
	p2 =	por !p2, p0  }
0x20: {  	[sflag:s8] =	ssyncset.s32 @!p0 $0xFFFFF086;
	s6 =	sadd.s32 @!p0 s3, s7;
	s7 =	simm.s32 @!p0 $0x108  }
0x21: {  	s3 =	sadd.s32 s3, s9;
	s6 =	sadd.s32 @!p0 $0x88, s6;
	s7 =	simm.s32 @p2 $0x1082  }
0x22: {  	[simem:s7], [sflag:s8] =	dma.local @!p0 [hbm:s6], $0xF7A  }
0x23: {  	s9 =	sor.u32 $0xD0000000, s2;
	s6 =	simm.s32 $0x108;
	_ =	swait.ge @!p0 [sflag:s8], $0x0  }
0x24: {  	s3 =	sadd.s32 $0x88, s3;
	s6 =	simm.s32 @!p1 $0x1082;
	[sflag:s4] =	ssyncset.s32 $0xFFFFF086  }
0x25: {  	[simem:s6], [sflag:s4] =	dma.local [hbm:s3], $0xF7A  }
0x26: {  	[smem:$0x3F94] =	sst s1;
	(tag) =	ssettag s2;
	_ =	strace s9  }
0x27: {  	s1 =	sld [smem:$0x3FA4]  }
0x28: {  	s2 =	sld [smem:$0x3FA5]  }
0x29: {  	s4 =	sld [smem:$0x3FA7]  }
0x2a: {  	p0 =	seq.s32 s5, $0x0;
	s5 =	sld [smem:$0x3FA8]  }
0x2b: {  	s6 =	sld [smem:$0x3FA9]  }
0x2c: {  	s7 =	sld [smem:$0x3FAA]  }
0x2d: {  	s3 =	simm.s32 $0x108;
	s8 =	sld [smem:$0x3FAB]  }
0x2e: {  	s3 =	simm.s32 @!p0 $0x1082;
	s9 =	sld [smem:$0x3FAC]  }
0x2f: {  	lr =	sadd.s32 s0, s3;
	s0 =	sld [smem:$0x3FA3]  }
0x30: {  	s3 =	sld [smem:$0x3FA6]  }
0x31: {  	[smem:$0x3FAF] =	sst s10  }
0x32: {  	s10 =	sld [smem:$0x3FAD];
	_ =	sdelay $0x3  }
0x33: {  	p0 =	seq.s32 s10, $0x1;
	s10 =	sld [smem:$0x3FAF];
	_ =	sdelay $0x3  }
0x34: {  	[smem:$0x3FAF] =	sst s10  }
0x35: {  	s10 =	sld [smem:$0x3FAE];
	_ =	sdelay $0x3  }
0x36: {  	p1 =	seq.s32 s10, $0x1;
	s10 =	sld [smem:$0x3FAF];
	_ =	sdelay $0x3  }
0x37: {  	[smem:$0x3FAF] =	sst s10  }
0x38: {  	s10 =	sld [smem:$0x3FB0]  }
0x39: {  	_ = 	snop;
	(pc) =	sbr.ind lr, $3  }
0x3a: {  	_ = 	snop  }
0x3b: {  	_ = 	snop  }
0x3c: {  	p2 =	seq.s32 s10, $0x1;
	s10 =	sld [smem:$0x3FAF]  }
0x3d: {  	_ =	shalt  }
0x3e: {  	_ =	shalt  }
0x3f: {  	_ =	shalt  }
0x40: {  	_ =	shalt  }
0x41: {  	_ =	shalt  }
0x42: {  	_ =	shalt  }
0x43: {  	_ =	shalt  }
0x44: {  	_ =	shalt  }
0x45: {  	_ =	shalt  }
0x46: {  	_ =	shalt  }
0x47: {  	_ =	shalt  }
0x48: {  	_ =	shalt  }
0x49: {  	_ =	shalt  }
0x4a: {  	_ =	shalt  }
0x4b: {  	_ =	shalt  }
0x4c: {  	_ =	shalt  }
0x4d: {  	_ =	shalt  }
0x4e: {  	_ =	shalt  }
0x4f: {  	_ =	shalt  }
0x50: {  	_ =	shalt  }
0x51: {  	_ =	shalt  }
0x52: {  	_ =	shalt  }
0x53: {  	_ =	shalt  }
0x54: {  	_ =	shalt  }
0x55: {  	_ =	shalt  }
0x56: {  	_ =	shalt  }
0x57: {  	_ =	shalt  }
0x58: {  	_ =	shalt  }
0x59: {  	_ =	shalt  }
0x5a: {  	_ =	shalt  }
0x5b: {  	_ =	shalt  }
0x5c: {  	_ =	shalt  }
0x5d: {  	_ =	shalt  }
0x5e: {  	_ =	shalt  }
0x5f: {  	_ =	shalt  }
0x60: {  	_ =	shalt  }
0x61: {  	_ =	shalt  }
0x62: {  	_ =	shalt  }
0x63: {  	_ =	shalt  }
0x64: {  	_ =	shalt  }
0x65: {  	_ =	shalt  }
0x66: {  	_ =	shalt  }
0x67: {  	_ =	shalt  }
0x68: {  	_ =	shalt  }
0x69: {  	_ =	shalt  }
0x6a: {  	_ =	shalt  }
0x6b: {  	_ =	shalt  }
0x6c: {  	_ =	shalt  }
0x6d: {  	_ =	shalt  }
0x6e: {  	_ =	shalt  }
0x6f: {  	_ =	shalt  }
0x70: {  	_ =	shalt  }
0x71: {  	_ =	shalt  }
0x72: {  	_ =	shalt  }
0x73: {  	_ =	shalt  }
0x74: {  	_ =	shalt  }
0x75: {  	_ =	shalt  }
0x76: {  	_ =	shalt  }
0x77: {  	_ =	shalt  }
0x78: {  	_ =	shalt  }
0x79: {  	_ =	shalt  }
0x7a: {  	_ =	shalt  }
0x7b: {  	_ =	shalt  }
0x7c: {  	_ =	shalt  }
0x7d: {  	_ =	shalt  }
0x7e: {  	_ =	shalt  }
0x7f: {  	_ =	shalt  }
0x80: {  	_ =	shalt  }
0x81: {  	_ =	shalt  }
0x82: {  	_ =	shalt  }
0x83: {  	_ =	shalt  }
0x84: {  	_ =	shalt  }
0x85: {  	_ =	shalt  }
0x86: {  	_ =	shalt  }
0x87: {  	_ =	shalt  }
.Lfunc_end0:
.L_simem_size_0:
called_computation_lowered:
.L_overlay_start_0:
0x88: {  	s2 =	sld [smem:$0x3FD9]  }
0x89: {  	s3 =	sld [smem:$0x3FFE];
	_ =	sdelay $0x1  }
0x8a: {  	s1 =	srdreg.scid  }
0x8b: {  	s0 =	sand.u32 $0x1, s1  }
0x8c: {  	s17 =	sshll.u32 s0, $0xA;
	s2 =	sadd.s32 s3, s2  }
0x8d: {  	s2 =	sadd.s32 s2, s17  }
0x8e: {  	[smem:$0x3FBB] =	sst s2  }
0x8f: {  	_ = 	snop  }
0x90: {  	s2 =	sld [smem:$0x3FC6];
	(tm) =	ssettm $0x1  }
0x91: {  	s18 =	sld [smem:$0x3FFB];
	_ =	sdelay $0x3  }
0x92: {  	_ =	strace s18  }
0x93: {  	s3 =	sld [smem:$0x3FFC];
	_ =	sdelay $0x3  }
0x94: {  	_ =	strace s3  }
0x95: {  	s3 =	sld [smem:$0x3FFD];
	_ =	sdelay $0x3  }
0x96: {  	_ =	strace s3  }
0x97: {  	_ =	strace $0x8FFFFFFF  }
0x98: {  	s19 =	sld [smem:$0x3FDB];
	_ =	sdelay $0x1  }
0x99: {  	s4 =	simm.s32 $_scs_section_size  }
0x9a: {  	s5 =	simm.s32 $_size__tile_overlayer_lowered;
	s6 =	simm.s32 $_tile_overlayer_lowered  }
0x9b: {  	s22 =	simm.s32 $0x1BFF;
	s21 =	sshll.u32 s6, $0x1;
	s3 =	sadd.s32 s4, s19  }
0x9c: {  	s7 =	simm.s32 $0x0;
	s20 =	sshll.u32 s5, $0x1;
	s5 =	sadd.s32 s21, s3  }
0x9d: {  	[timem:s7], [sflag:s22] =	dma.local [hbm:s5], s20  }
0x9e: {  	_ =	swait.ge [sflag:s22], s20  }
0x9f: {  	s4 =	ssub.s32 $0x0, s20;
	[sflag:s22] =	ssyncset.done $0x0  }
0xa0: {  	[sflag:s22] =	ssyncadd.s32 s4;
	_ =	sdelay $0x1  }
0xa1: {  	s23 =	simm.s32 $0x1B8B  }
0xa2: {  	_ =	swait.ge [sflag:s23], $0x1  }
0xa3: {  	[sflag:s23] =	ssyncset.done $0x0  }
0xa4: {  	s25 =	simm.s32 $0x1B8E;
	s24 =	sld [smem:$0x3FFE];
	[sflag:s23] =	ssyncadd.s32 $0xFFFFFFFF  }
0xa5: {  	s26 =	simm.s32 $execute0_lowered;
	[smem:$0x3FD2] =	sst s25  }
0xa6: {  	s5 =	sshll.u32 s26, $0x1;
	_ =	strace $0x80000046;
	[dreg:$0x1] =	wrdreg $0xFFFFFFFF  }
0xa7: {  	s28 =	simm.s32 $_size_execute0_lowered;
	s3 =	sadd.s32 s3, s5;
	[dreg:$0x0] =	wrdreg $0x0  }
0xa8: {  	s5 =	sshll.u32 s28, $0x1;
	[dreg:$0x2] =	wrdreg s3  }
0xa9: {  	[dreg:$0x3] =	wrdreg s5  }
0xaa: {  	[dreg:$0x4] =	wrdreg $0xC0  }
0xab: {  	_ =	task [dreg:s7], $0x5FFFF  }
0xac: {  	[dreg:$0x1] =	wrdreg $0xFFFFFFFF  }
0xad: {  	[dreg:$0x0] =	wrdreg $0x60  }
0xae: {  	[dreg:$0x2] =	wrdreg s2  }
0xaf: {  	[dreg:$0x3] =	wrdreg s24  }
0xb0: {  	[dreg:$0x4] =	wrdreg $0x9  }
0xb1: {  	_ =	task.clear_ibuf [dreg:s7], $0x5FFFF;
	_ =	strace $0x90000046  }
0xb2: {  	s29 =	simm.s32 $0x9;
	_ =	strace $0x80000048  }
0xb3: {  	_ =	swait.ge [sflag:s29], $0x1  }
0xb4: {  	[sflag:s29] =	ssyncadd.s32 $0xFFFFFFFF  }
0xb5: {  	_ =	strace $0x90000048  }
0xb6: {  	_ =	sfence  }
0xb7: {  	s30 =	sld [smem:$0x0];
	_ =	sdelay $0x2  }
0xb8: {  	s31 =	sshll.u32 s1, $0xD;
	s1 =	sshrl.u32 s1, $0x2  }
0xb9: {  	s3 =	sand.u32 $0x4000, s31;
	s1 =	sadd.s32 s1, s30  }
0xba: {  	s0 =	sor.u32 s3, s0;
	s1 =	sshll.u32 s1, $0x11  }
0xbb: {  	s0 =	sor.u32 s1, s0  }
0xbc: {  	s0 =	sadd.s32 $0x8F2B, s0  }
0xbd: {  	[sflag:s0] =	ssyncadd.remote.s32 $0x1  }
0xbe: {  	_ =	sfence.sel $0xFFFF  }
0xbf: {  	[dreg:$0x0] =	wrdreg $0xFFFFFFFF;
	(pc) =	sbr.abs _section_cstart, $3  }
0xc0: {  	[dreg:$0x1] =	wrdreg $0xFFFFFFFF  }
0xc1: {  	_ =	task.clear_ibuf [dreg:s7], $0x2FFFF;
	_ =	strace $0x9FFFFFFF  }
0xc2: {  	(tm) =	ssettm $0x7FFFFFFF  }
0xc3: {  	_ =	shalt  }
tec
execute0_lowered:
.L_overlay_start_1:
0x0: {  	(tag) =	ssettag $0x1  }
0x1: {  	s3 =	rddreg [dreg:$0x0]  }
0x2: {  	s4 =	rddreg [dreg:$0x1]  }
0x3: {  	s0 =	rddreg [dreg:$0x2];
	s2 =	simm.s32 $0x0  }
0x4: {  	s5 =	srdreg.scid;
	s1 =	stileid.u32;
	p1 =	por $0x0, $0x0  }
0x5: {  	[smem:$0x7FF] =	sst s2;
	s5 =	sand.u32 $0x1, s5;
	s8 =	smul.u32 $0xA0, s1  }
0x6: {  	s7 =	sadd.s32 $0x3000, s4;
	s10 =	sadd.s32 $0x3600, s4;
	s13 =	smul.u32 $0x1E0, s1  }
0x7: {  	s9 =	smul.u32 $0x1E00, s1;
	_ =	strace $0x80000047;
	s6 =	ssub.s32 $0x2, s5  }
0x8: {  	p0 =	sne.s32 s5, $0x0;
	s19 =	sshrl.u32 s6, $0x1;
	s11 =	sshrl.u32 s13, $0x3  }
0x9: {  	s12 =	sadd.s32 $0x50, s13;
	s17 =	sadd.s32 s10, s9;
	s22 =	sadd.s32 $0xA0, s13  }
0xa: {  	s5 =	sadd.s32 $0x140, s13;
	s4 =	ssub.s32 s6, s19;
	s6 =	sadd.s32 $0x1E00, s8  }
0xb: {  	s8 =	sadd.s32 $0x1E50, s8;
	s18 =	sadd.s32 s7, s11;
	s20 =	sshrl.u32 s12, $0x3  }
0xc: {  	s21 =	sshll.u32 s12, $0x4;
	s23 =	sshrl.u32 s22, $0x3;
	s19 =	sadd.s32 $0xF0, s13  }
0xd: {  	s24 =	sshll.u32 s22, $0x4;
	s16 =	sadd.s32 s7, s20;
	s15 =	sadd.s32 s10, s21  }
0xe: {  	s14 =	sadd.s32 s7, s23;
	s25 =	sshrl.u32 s19, $0x3;
	s28 =	smax.u32 s4, $0x1  }
0xf: {  	s12 =	sadd.s32 s10, s24;
	s26 =	sshll.u32 s19, $0x4;
	s23 =	sadd.s32 $0xFFFFFFFF, s28  }
0x10: {  	s19 =	sadd.s32 $0x190, s13;
	s5 =	smov.u32 @p0 s6;
	p2 =	sne.s32 s23, $0x0  }
.Ltmp0:
0x11: {  	s11 =	sadd.s32 s7, s25;
	s9 =	sadd.s32 s10, s26;
	(pc) =	sbr.rel @!p2 .LBB2_3-.Ltmp0, $4  }
0x12: {  	s19 =	smov.u32 @p0 s8;
	s31 =	sshll.u32 s5, $0x4;
	s5 =	sshrl.u32 s5, $0x3  }
0x13: {  	s8 =	simm.s32 $0x50;
	s29 =	sshll.u32 s19, $0x4;
	s30 =	sshrl.u32 s19, $0x3  }
0x14: {  	s13 =	sadd.s32 s7, s5;
	s5 =	simm.s32 $0x1;
	s4 =	sadd.s32 s10, s29  }
0x15: {  	s6 =	sadd.s32 s7, s30;
	s10 =	sadd.s32 s10, s31;
	s7 =	simm.s32 $0x80  }
0x16: {  	s19 =	simm.s32 @!p0 $0x0;
	s20 =	simm.s32 @!p0 $0x1  }
0x17: {  	[tilespmem:s19], [sflag:$0x1] =	stream.linear.gather @!p0 [hbm4b:s18+s19], $0x50, $0x38;
	[tilespmem:$0x2880] =	vst v63  }
0x18: {  	_ =	swait.ge @!p0 [sflag:s20], $0x50  }
0x19: {  	[sflag:s20] =	ssyncset.done @!p0 $0x0  }
0x1a: {  	s21 =	simm.s32 @!p0 $0x50;
	s22 =	simm.s32 @!p0 $0x80;
	[sflag:s20] =	ssyncadd.s32 @!p0 $0xFFFFFFB0  }
0x1b: {  	[tilespmem:s22], [sflag:$0x1] =	stream.indirect.gather @!p0 [hbm4b:s3+s21], $0x80, s19, s21, $0xb8;
	[tilespmem:$0x2880] =	vst v63  }
0x1c: {  	_ =	swait.ge @!p0 [sflag:s20], $0x2800  }
0x1d: {  	[sflag:s20] =	ssyncset.done @!p0 $0x0  }
0x1e: {  	[sflag:s20] =	ssyncadd.s32 @!p0 $0xFFFFD800  }
0x1f: {  	[hbm4b:s17+s19] =	stream.linear.scatter @!p0 [tilespmem:s22], [sflag:$0x1], $0x2800, $0x38;
	[tilespmem:$0x2880] =	vst v63  }
0x20: {  	_ =	swait.ge @!p0 [sflag:s20], $0x2800  }
0x21: {  	[sflag:s20] =	ssyncset.done @!p0 $0x0  }
0x22: {  	[sflag:s20] =	ssyncadd.s32 @!p0 $0xFFFFD800  }
0x23: {  	[tilespmem:s19], [sflag:$0x1] =	stream.linear.gather @!p0 [hbm4b:s16+s19], $0x50, $0x38;
	[tilespmem:$0x2880] =	vst v63  }
0x24: {  	_ =	swait.ge @!p0 [sflag:s20], $0x50  }
0x25: {  	[sflag:s20] =	ssyncset.done @!p0 $0x0  }
0x26: {  	[sflag:s20] =	ssyncadd.s32 @!p0 $0xFFFFFFB0  }
0x27: {  	[tilespmem:s22], [sflag:$0x1] =	stream.indirect.gather @!p0 [hbm4b:s3+s21], $0x80, s19, s21, $0xb8;
	[tilespmem:$0x2880] =	vst v63  }
0x28: {  	_ =	swait.ge @!p0 [sflag:s20], $0x2800  }
0x29: {  	[sflag:s20] =	ssyncset.done @!p0 $0x0  }
0x2a: {  	[sflag:s20] =	ssyncadd.s32 @!p0 $0xFFFFD800  }
0x2b: {  	[hbm4b:s15+s19] =	stream.linear.scatter @!p0 [tilespmem:s22], [sflag:$0x1], $0x2800, $0x38;
	[tilespmem:$0x2880] =	vst v63  }
0x2c: {  	_ =	swait.ge @!p0 [sflag:s20], $0x2800  }
0x2d: {  	[sflag:s20] =	ssyncset.done @!p0 $0x0  }
0x2e: {  	[sflag:s20] =	ssyncadd.s32 @!p0 $0xFFFFD800  }
0x2f: {  	[tilespmem:s19], [sflag:$0x1] =	stream.linear.gather @!p0 [hbm4b:s14+s19], $0x50, $0x38;
	[tilespmem:$0x2880] =	vst v63  }
0x30: {  	_ =	swait.ge @!p0 [sflag:s20], $0x50  }
0x31: {  	[sflag:s20] =	ssyncset.done @!p0 $0x0  }
0x32: {  	[sflag:s20] =	ssyncadd.s32 @!p0 $0xFFFFFFB0  }
0x33: {  	[tilespmem:s22], [sflag:$0x1] =	stream.indirect.gather @!p0 [hbm4b:s3+s21], $0x80, s19, s21, $0xb8;
	[tilespmem:$0x2880] =	vst v63  }
0x34: {  	_ =	swait.ge @!p0 [sflag:s20], $0x2800  }
0x35: {  	[sflag:s20] =	ssyncset.done @!p0 $0x0  }
0x36: {  	[sflag:s20] =	ssyncadd.s32 @!p0 $0xFFFFD800  }
0x37: {  	[hbm4b:s12+s19] =	stream.linear.scatter @!p0 [tilespmem:s22], [sflag:$0x1], $0x2800, $0x38;
	[tilespmem:$0x2880] =	vst v63  }
0x38: {  	_ =	swait.ge @!p0 [sflag:s20], $0x2800  }
0x39: {  	[sflag:s20] =	ssyncset.done @!p0 $0x0  }
0x3a: {  	[sflag:s20] =	ssyncadd.s32 @!p0 $0xFFFFD800  }
0x3b: {  	[tilespmem:s19], [sflag:$0x1] =	stream.linear.gather @!p0 [hbm4b:s11+s19], $0x50, $0x38;
	[tilespmem:$0x2880] =	vst v63  }
0x3c: {  	_ =	swait.ge @!p0 [sflag:s20], $0x50  }
0x3d: {  	[sflag:s20] =	ssyncset.done @!p0 $0x0  }
0x3e: {  	[sflag:s20] =	ssyncadd.s32 @!p0 $0xFFFFFFB0  }
0x3f: {  	[tilespmem:s22], [sflag:$0x1] =	stream.indirect.gather @!p0 [hbm4b:s3+s21], $0x80, s19, s21, $0xb8;
	[tilespmem:$0x2880] =	vst v63  }
0x40: {  	_ =	swait.ge @!p0 [sflag:s20], $0x2800  }
0x41: {  	[sflag:s20] =	ssyncset.done @!p0 $0x0  }
0x42: {  	[sflag:s20] =	ssyncadd.s32 @!p0 $0xFFFFD800  }
0x43: {  	[hbm4b:s9+s19] =	stream.linear.scatter @!p0 [tilespmem:s22], [sflag:$0x1], $0x2800, $0x38;
	[tilespmem:$0x2880] =	vst v63  }
0x44: {  	_ =	swait.ge @!p0 [sflag:s20], $0x2800  }
0x45: {  	[sflag:s20] =	ssyncset.done @!p0 $0x0  }
0x46: {  	[sflag:s20] =	ssyncadd.s32 @!p0 $0xFFFFD800  }
0x47: {  	[tilespmem:s2], [sflag:$0x1] =	stream.linear.gather [hbm4b:s13+s2], $0x50, $0x38;
	[tilespmem:$0x2880] =	vst v63  }
0x48: {  	_ =	swait.ge [sflag:s5], $0x50  }
0x49: {  	[sflag:s5] =	ssyncset.done $0x0  }
0x4a: {  	[sflag:s5] =	ssyncadd.s32 $0xFFFFFFB0  }
0x4b: {  	[tilespmem:s7], [sflag:$0x1] =	stream.indirect.gather [hbm4b:s3+s8], $0x80, s2, s8, $0xb8;
	[tilespmem:$0x2880] =	vst v63  }
0x4c: {  	_ =	swait.ge [sflag:s5], $0x2800  }
0x4d: {  	[sflag:s5] =	ssyncset.done $0x0  }
0x4e: {  	[sflag:s5] =	ssyncadd.s32 $0xFFFFD800  }
0x4f: {  	[hbm4b:s10+s2] =	stream.linear.scatter [tilespmem:s7], [sflag:$0x1], $0x2800, $0x38;
	[tilespmem:$0x2880] =	vst v63  }
0x50: {  	_ =	swait.ge [sflag:s5], $0x2800  }
0x51: {  	[sflag:s5] =	ssyncset.done $0x0  }
0x52: {  	[sflag:s5] =	ssyncadd.s32 $0xFFFFD800  }
0x53: {  	[tilespmem:s2], [sflag:$0x1] =	stream.linear.gather [hbm4b:s6+s2], $0x50, $0x38;
	[tilespmem:$0x2880] =	vst v63  }
0x54: {  	_ =	swait.ge [sflag:s5], $0x50  }
0x55: {  	[sflag:s5] =	ssyncset.done $0x0  }
0x56: {  	s23 =	sadd.s32 $0xFFFFFFFF, s23;
	[sflag:s5] =	ssyncadd.s32 $0xFFFFFFB0  }
0x57: {  	[tilespmem:s7], [sflag:$0x1] =	stream.indirect.gather [hbm4b:s3+s8], $0x80, s2, s8, $0xb8;
	[tilespmem:$0x2880] =	vst v63  }
0x58: {  	p2 =	sne.s32 s23, $0x0;
	_ =	swait.ge [sflag:s5], $0x2800  }
.Ltmp1:
0x59: {  	[sflag:s5] =	ssyncset.done $0x0;
	(pc) =	sbr.rel @!p2 .LBB2_3-.Ltmp1, $4  }
0x5a: {  	[sflag:s5] =	ssyncadd.s32 $0xFFFFD800  }
0x5b: {  	[hbm4b:s4+s2] =	stream.linear.scatter [tilespmem:s7], [sflag:$0x1], $0x2800, $0x38;
	[tilespmem:$0x2880] =	vst v63  }
0x5c: {  	_ =	swait.ge [sflag:s5], $0x2800  }
0x5d: {  	p1 =	por $0x1, $0x1;
	[sflag:s5] =	ssyncset.done $0x0  }
.LBB2_2:
0x5e: {  	[sflag:s5] =	ssyncadd.s32 $0xFFFFD800  }
0x5f: {  	[tilespmem:s19], [sflag:$0x1] =	stream.linear.gather @!p0 [hbm4b:s18+s19], $0x50, $0x38;
	[tilespmem:$0x2880] =	vst v63  }
0x60: {  	s23 =	sadd.s32 $0xFFFFFFFF, s23;
	_ =	swait.ge @!p0 [sflag:s20], $0x50  }
0x61: {  	p2 =	sne.s32 s23, $0x0;
	[sflag:s20] =	ssyncset.done @!p0 $0x0  }
0x62: {  	[sflag:s20] =	ssyncadd.s32 @!p0 $0xFFFFFFB0  }
0x63: {  	[tilespmem:s22], [sflag:$0x1] =	stream.indirect.gather @!p0 [hbm4b:s3+s21], $0x80, s19, s21, $0xb8;
	[tilespmem:$0x2880] =	vst v63  }
0x64: {  	_ =	swait.ge @!p0 [sflag:s20], $0x2800  }
0x65: {  	[sflag:s20] =	ssyncset.done @!p0 $0x0  }
0x66: {  	[sflag:s20] =	ssyncadd.s32 @!p0 $0xFFFFD800  }
0x67: {  	[hbm4b:s17+s19] =	stream.linear.scatter @!p0 [tilespmem:s22], [sflag:$0x1], $0x2800, $0x38;
	[tilespmem:$0x2880] =	vst v63  }
0x68: {  	_ =	swait.ge @!p0 [sflag:s20], $0x2800  }
0x69: {  	[sflag:s20] =	ssyncset.done @!p0 $0x0  }
0x6a: {  	[sflag:s20] =	ssyncadd.s32 @!p0 $0xFFFFD800  }
0x6b: {  	[tilespmem:s19], [sflag:$0x1] =	stream.linear.gather @!p0 [hbm4b:s16+s19], $0x50, $0x38;
	[tilespmem:$0x2880] =	vst v63  }
0x6c: {  	_ =	swait.ge @!p0 [sflag:s20], $0x50  }
0x6d: {  	[sflag:s20] =	ssyncset.done @!p0 $0x0  }
0x6e: {  	[sflag:s20] =	ssyncadd.s32 @!p0 $0xFFFFFFB0  }
0x6f: {  	[tilespmem:s22], [sflag:$0x1] =	stream.indirect.gather @!p0 [hbm4b:s3+s21], $0x80, s19, s21, $0xb8;
	[tilespmem:$0x2880] =	vst v63  }
0x70: {  	_ =	swait.ge @!p0 [sflag:s20], $0x2800  }
0x71: {  	[sflag:s20] =	ssyncset.done @!p0 $0x0  }
0x72: {  	[sflag:s20] =	ssyncadd.s32 @!p0 $0xFFFFD800  }
0x73: {  	[hbm4b:s15+s19] =	stream.linear.scatter @!p0 [tilespmem:s22], [sflag:$0x1], $0x2800, $0x38;
	[tilespmem:$0x2880] =	vst v63  }
0x74: {  	_ =	swait.ge @!p0 [sflag:s20], $0x2800  }
0x75: {  	[sflag:s20] =	ssyncset.done @!p0 $0x0  }
0x76: {  	[sflag:s20] =	ssyncadd.s32 @!p0 $0xFFFFD800  }
0x77: {  	[tilespmem:s19], [sflag:$0x1] =	stream.linear.gather @!p0 [hbm4b:s14+s19], $0x50, $0x38;
	[tilespmem:$0x2880] =	vst v63  }
0x78: {  	_ =	swait.ge @!p0 [sflag:s20], $0x50  }
0x79: {  	[sflag:s20] =	ssyncset.done @!p0 $0x0  }
0x7a: {  	[sflag:s20] =	ssyncadd.s32 @!p0 $0xFFFFFFB0  }
0x7b: {  	[tilespmem:s22], [sflag:$0x1] =	stream.indirect.gather @!p0 [hbm4b:s3+s21], $0x80, s19, s21, $0xb8;
	[tilespmem:$0x2880] =	vst v63  }
0x7c: {  	_ =	swait.ge @!p0 [sflag:s20], $0x2800  }
0x7d: {  	[sflag:s20] =	ssyncset.done @!p0 $0x0  }
0x7e: {  	[sflag:s20] =	ssyncadd.s32 @!p0 $0xFFFFD800  }
0x7f: {  	[hbm4b:s12+s19] =	stream.linear.scatter @!p0 [tilespmem:s22], [sflag:$0x1], $0x2800, $0x38;
	[tilespmem:$0x2880] =	vst v63  }
0x80: {  	_ =	swait.ge @!p0 [sflag:s20], $0x2800  }
0x81: {  	[sflag:s20] =	ssyncset.done @!p0 $0x0  }
0x82: {  	[sflag:s20] =	ssyncadd.s32 @!p0 $0xFFFFD800  }
0x83: {  	[tilespmem:s19], [sflag:$0x1] =	stream.linear.gather @!p0 [hbm4b:s11+s19], $0x50, $0x38;
	[tilespmem:$0x2880] =	vst v63  }
0x84: {  	_ =	swait.ge @!p0 [sflag:s20], $0x50  }
0x85: {  	[sflag:s20] =	ssyncset.done @!p0 $0x0  }
0x86: {  	[sflag:s20] =	ssyncadd.s32 @!p0 $0xFFFFFFB0  }
0x87: {  	[tilespmem:s22], [sflag:$0x1] =	stream.indirect.gather @!p0 [hbm4b:s3+s21], $0x80, s19, s21, $0xb8;
	[tilespmem:$0x2880] =	vst v63  }
0x88: {  	_ =	swait.ge @!p0 [sflag:s20], $0x2800  }
0x89: {  	[sflag:s20] =	ssyncset.done @!p0 $0x0  }
0x8a: {  	[sflag:s20] =	ssyncadd.s32 @!p0 $0xFFFFD800  }
0x8b: {  	[hbm4b:s9+s19] =	stream.linear.scatter @!p0 [tilespmem:s22], [sflag:$0x1], $0x2800, $0x38;
	[tilespmem:$0x2880] =	vst v63  }
0x8c: {  	_ =	swait.ge @!p0 [sflag:s20], $0x2800  }
0x8d: {  	[sflag:s20] =	ssyncset.done @!p0 $0x0  }
0x8e: {  	[sflag:s20] =	ssyncadd.s32 @!p0 $0xFFFFD800  }
0x8f: {  	[tilespmem:s2], [sflag:$0x1] =	stream.linear.gather [hbm4b:s13+s2], $0x50, $0x38;
	[tilespmem:$0x2880] =	vst v63  }
0x90: {  	_ =	swait.ge [sflag:s5], $0x50  }
0x91: {  	[sflag:s5] =	ssyncset.done $0x0  }
0x92: {  	[sflag:s5] =	ssyncadd.s32 $0xFFFFFFB0  }
0x93: {  	[tilespmem:s7], [sflag:$0x1] =	stream.indirect.gather [hbm4b:s3+s8], $0x80, s2, s8, $0xb8;
	[tilespmem:$0x2880] =	vst v63  }
0x94: {  	_ =	swait.ge [sflag:s5], $0x2800  }
0x95: {  	[sflag:s5] =	ssyncset.done $0x0  }
0x96: {  	[sflag:s5] =	ssyncadd.s32 $0xFFFFD800  }
0x97: {  	[hbm4b:s10+s2] =	stream.linear.scatter [tilespmem:s7], [sflag:$0x1], $0x2800, $0x38;
	[tilespmem:$0x2880] =	vst v63  }
0x98: {  	_ =	swait.ge [sflag:s5], $0x2800  }
0x99: {  	[sflag:s5] =	ssyncset.done $0x0  }
0x9a: {  	[sflag:s5] =	ssyncadd.s32 $0xFFFFD800  }
0x9b: {  	[tilespmem:s2], [sflag:$0x1] =	stream.linear.gather [hbm4b:s6+s2], $0x50, $0x38;
	[tilespmem:$0x2880] =	vst v63  }
0x9c: {  	_ =	swait.ge [sflag:s5], $0x50  }
0x9d: {  	[sflag:s5] =	ssyncset.done $0x0  }
0x9e: {  	[sflag:s5] =	ssyncadd.s32 $0xFFFFFFB0  }
0x9f: {  	[tilespmem:s7], [sflag:$0x1] =	stream.indirect.gather [hbm4b:s3+s8], $0x80, s2, s8, $0xb8;
	[tilespmem:$0x2880] =	vst v63  }
0xa0: {  	_ =	swait.ge [sflag:s5], $0x2800  }
.Ltmp2:
0xa1: {  	[sflag:s5] =	ssyncset.done $0x0;
	(pc) =	sbr.rel @p2 .LBB2_2-.Ltmp2, $4  }
0xa2: {  	[sflag:s5] =	ssyncadd.s32 $0xFFFFD800  }
0xa3: {  	[hbm4b:s4+s2] =	stream.linear.scatter [tilespmem:s7], [sflag:$0x1], $0x2800, $0x38;
	[tilespmem:$0x2880] =	vst v63  }
0xa4: {  	_ =	swait.ge [sflag:s5], $0x2800  }
0xa5: {  	[sflag:s5] =	ssyncset.done $0x0  }
.LBB2_3:
0xa6: {  	s19 =	simm.s32 @!p0 $0x0;
	s20 =	simm.s32 @!p0 $0x1;
	[sflag:s5] =	ssyncadd.s32 @p1 $0xFFFFD800  }
0xa7: {  	[tilespmem:s19], [sflag:$0x1] =	stream.linear.gather @!p0 [hbm4b:s18+s19], $0x50, $0x38;
	[tilespmem:$0x2880] =	vst v63  }
0xa8: {  	_ =	swait.ge @!p0 [sflag:s20], $0x50  }
0xa9: {  	[sflag:s20] =	ssyncset.done @!p0 $0x0  }
0xaa: {  	s21 =	simm.s32 @!p0 $0x80;
	s18 =	simm.s32 @!p0 $0x50;
	[sflag:s20] =	ssyncadd.s32 @!p0 $0xFFFFFFB0  }
0xab: {  	[tilespmem:s21], [sflag:$0x1] =	stream.indirect.gather @!p0 [hbm4b:s3+s18], $0x80, s19, s18, $0xb8;
	[tilespmem:$0x2880] =	vst v63  }
0xac: {  	_ =	swait.ge @!p0 [sflag:s20], $0x2800  }
0xad: {  	[sflag:s20] =	ssyncset.done @!p0 $0x0  }
0xae: {  	[sflag:s20] =	ssyncadd.s32 @!p0 $0xFFFFD800  }
0xaf: {  	[hbm4b:s17+s19] =	stream.linear.scatter @!p0 [tilespmem:s21], [sflag:$0x1], $0x2800, $0x38;
	[tilespmem:$0x2880] =	vst v63  }
0xb0: {  	_ =	swait.ge @!p0 [sflag:s20], $0x2800  }
0xb1: {  	[sflag:s20] =	ssyncset.done @!p0 $0x0  }
0xb2: {  	[sflag:s20] =	ssyncadd.s32 @!p0 $0xFFFFD800  }
0xb3: {  	[tilespmem:s19], [sflag:$0x1] =	stream.linear.gather @!p0 [hbm4b:s16+s19], $0x50, $0x38;
	[tilespmem:$0x2880] =	vst v63  }
0xb4: {  	_ =	swait.ge @!p0 [sflag:s20], $0x50  }
0xb5: {  	[sflag:s20] =	ssyncset.done @!p0 $0x0  }
0xb6: {  	[sflag:s20] =	ssyncadd.s32 @!p0 $0xFFFFFFB0  }
0xb7: {  	[tilespmem:s21], [sflag:$0x1] =	stream.indirect.gather @!p0 [hbm4b:s3+s18], $0x80, s19, s18, $0xb8;
	[tilespmem:$0x2880] =	vst v63  }
0xb8: {  	_ =	swait.ge @!p0 [sflag:s20], $0x2800  }
0xb9: {  	[sflag:s20] =	ssyncset.done @!p0 $0x0  }
0xba: {  	[sflag:s20] =	ssyncadd.s32 @!p0 $0xFFFFD800  }
0xbb: {  	[hbm4b:s15+s19] =	stream.linear.scatter @!p0 [tilespmem:s21], [sflag:$0x1], $0x2800, $0x38;
	[tilespmem:$0x2880] =	vst v63  }
0xbc: {  	_ =	swait.ge @!p0 [sflag:s20], $0x2800  }
0xbd: {  	[sflag:s20] =	ssyncset.done @!p0 $0x0  }
0xbe: {  	[sflag:s20] =	ssyncadd.s32 @!p0 $0xFFFFD800  }
0xbf: {  	[tilespmem:s19], [sflag:$0x1] =	stream.linear.gather @!p0 [hbm4b:s14+s19], $0x50, $0x38;
	[tilespmem:$0x2880] =	vst v63  }
0xc0: {  	_ =	swait.ge @!p0 [sflag:s20], $0x50  }
0xc1: {  	[sflag:s20] =	ssyncset.done @!p0 $0x0  }
0xc2: {  	[sflag:s20] =	ssyncadd.s32 @!p0 $0xFFFFFFB0  }
0xc3: {  	[tilespmem:s21], [sflag:$0x1] =	stream.indirect.gather @!p0 [hbm4b:s3+s18], $0x80, s19, s18, $0xb8;
	[tilespmem:$0x2880] =	vst v63  }
0xc4: {  	_ =	swait.ge @!p0 [sflag:s20], $0x2800  }
0xc5: {  	[sflag:s20] =	ssyncset.done @!p0 $0x0  }
0xc6: {  	[sflag:s20] =	ssyncadd.s32 @!p0 $0xFFFFD800  }
0xc7: {  	[hbm4b:s12+s19] =	stream.linear.scatter @!p0 [tilespmem:s21], [sflag:$0x1], $0x2800, $0x38;
	[tilespmem:$0x2880] =	vst v63  }
0xc8: {  	_ =	swait.ge @!p0 [sflag:s20], $0x2800  }
0xc9: {  	[sflag:s20] =	ssyncset.done @!p0 $0x0  }
0xca: {  	[sflag:s20] =	ssyncadd.s32 @!p0 $0xFFFFD800  }
0xcb: {  	[tilespmem:s19], [sflag:$0x1] =	stream.linear.gather @!p0 [hbm4b:s11+s19], $0x50, $0x38;
	[tilespmem:$0x2880] =	vst v63  }
0xcc: {  	_ =	swait.ge @!p0 [sflag:s20], $0x50  }
0xcd: {  	[sflag:s20] =	ssyncset.done @!p0 $0x0  }
0xce: {  	[sflag:s20] =	ssyncadd.s32 @!p0 $0xFFFFFFB0  }
0xcf: {  	[tilespmem:s21], [sflag:$0x1] =	stream.indirect.gather @!p0 [hbm4b:s3+s18], $0x80, s19, s18, $0xb8;
	[tilespmem:$0x2880] =	vst v63  }
0xd0: {  	_ =	swait.ge @!p0 [sflag:s20], $0x2800  }
0xd1: {  	[sflag:s20] =	ssyncset.done @!p0 $0x0  }
0xd2: {  	[sflag:s20] =	ssyncadd.s32 @!p0 $0xFFFFD800  }
0xd3: {  	[hbm4b:s9+s19] =	stream.linear.scatter @!p0 [tilespmem:s21], [sflag:$0x1], $0x2800, $0x38;
	[tilespmem:$0x2880] =	vst v63  }
0xd4: {  	_ =	swait.ge @!p0 [sflag:s20], $0x2800  }
0xd5: {  	[sflag:s20] =	ssyncset.done @!p0 $0x0  }
0xd6: {  	[sflag:s20] =	ssyncadd.s32 @!p0 $0xFFFFD800  }
0xd7: {  	[tilespmem:s2], [sflag:$0x1] =	stream.linear.gather [hbm4b:s13+s2], $0x50, $0x38;
	[tilespmem:$0x2880] =	vst v63  }
0xd8: {  	_ =	swait.ge [sflag:s5], $0x50  }
0xd9: {  	[sflag:s5] =	ssyncset.done $0x0  }
0xda: {  	[sflag:s5] =	ssyncadd.s32 $0xFFFFFFB0  }
0xdb: {  	[tilespmem:s7], [sflag:$0x1] =	stream.indirect.gather [hbm4b:s3+s8], $0x80, s2, s8, $0xb8;
	[tilespmem:$0x2880] =	vst v63  }
0xdc: {  	_ =	swait.ge [sflag:s5], $0x2800  }
0xdd: {  	[sflag:s5] =	ssyncset.done $0x0  }
0xde: {  	[sflag:s5] =	ssyncadd.s32 $0xFFFFD800  }
0xdf: {  	[hbm4b:s10+s2] =	stream.linear.scatter [tilespmem:s7], [sflag:$0x1], $0x2800, $0x38;
	[tilespmem:$0x2880] =	vst v63  }
0xe0: {  	_ =	swait.ge [sflag:s5], $0x2800  }
0xe1: {  	[sflag:s5] =	ssyncset.done $0x0  }
0xe2: {  	[sflag:s5] =	ssyncadd.s32 $0xFFFFD800  }
0xe3: {  	[tilespmem:s2], [sflag:$0x1] =	stream.linear.gather [hbm4b:s6+s2], $0x50, $0x38;
	[tilespmem:$0x2880] =	vst v63  }
0xe4: {  	_ =	swait.ge [sflag:s5], $0x50  }
0xe5: {  	[sflag:s5] =	ssyncset.done $0x0  }
0xe6: {  	[sflag:s5] =	ssyncadd.s32 $0xFFFFFFB0  }
0xe7: {  	[tilespmem:s7], [sflag:$0x1] =	stream.indirect.gather [hbm4b:s3+s8], $0x80, s2, s8, $0xb8;
	[tilespmem:$0x2880] =	vst v63  }
0xe8: {  	_ =	swait.ge [sflag:s5], $0x2800  }
0xe9: {  	[sflag:s5] =	ssyncset.done $0x0  }
0xea: {  	[sflag:s5] =	ssyncadd.s32 $0xFFFFD800  }
0xeb: {  	[hbm4b:s4+s2] =	stream.linear.scatter [tilespmem:s7], [sflag:$0x1], $0x2800, $0x38;
	[tilespmem:$0x2880] =	vst v63  }
0xec: {  	_ =	swait.ge [sflag:s5], $0x2800  }
0xed: {  	[sflag:s5] =	ssyncset.done $0x0  }
0xee: {  	[sflag:s5] =	ssyncadd.s32 $0xFFFFD800  }
0xef: {  	_ =	sfence.sel $0x180000  }
0xf0: {  	[bflag:$0x0] =	sbarrier.arrive $0xFFFF  }
0xf1: {  	p0 =	sne.s32 s1, $0x0;
	_ =	strace $0x90000047  }
0xf2: {  	s0 =	sadd.s32 @!p0 $0x100000, s0;
	[bflag:$0x2] =	sbarrier.arrive $0xFFFF  }
0xf3: {  	[sflag:s0] =	ssyncadd.tile.s32 @!p0 $0x1;
	_ =	shalt  }
.Lfunc_end2:
_tile_overlayer_lowered:
.L_overlay_start_2:
0xf4: {  	(tag) =	ssettag $0x2  }
0xf5: {  	s0 =	rddreg [dreg:$0x0];
	s2 =	stileid.u32  }
0xf6: {  	s1 =	rddreg [dreg:$0x1];
	p0 =	sne.s32 s2, $0x0  }
0xf7: {  	s3 =	rddreg [dreg:$0x2];
	[bflag:$0x3] =	sbarrier.arrive $0xFFFF;
	s2 =	simm.s32 @!p0 $0x1C01  }
0xf8: {  	[timem:s3], [sflag:s2] =	dma.local @!p0 [hbm:s0], s1  }
0xf9: {  	s0 =	simm.s32 @!p0 $0x1  }
0xfa: {  	_ =	swait.ge @!p0 [sflag:s0], s1  }
0xfb: {  	s1 =	ssub.s32 @!p0 $0x0, s1;
	[sflag:s0] =	ssyncset.done @!p0 $0x0  }
0xfc: {  	[sflag:s0] =	ssyncadd.s32 @!p0 s1  }
0xfd: {  	[bflag:$0x3] =	sbarrier.arrive $0xFFFF  }
0xfe: {  	_ =	shalt  }

</sc_bundles>
